<compile_context>
chip_gen: v7x
topology: tpu7x:2x2x1
jax: 0.10.2.dev20260603
libtpu: 0.0.44.dev20260713+nightly
codegen_flags: <defaults>
</compile_context>

<pallas_src>
import functools

import numpy as np
import jax
import jax.numpy as jnp
from jax import lax
from jax.experimental import pallas as pl
from jax.experimental.pallas import tpu as pltpu
from jax.experimental.pallas import tpu_sc as plsc

B, N, M = 8, 4096, 4
C = 27
GRID = 32
CELL = 0.05
DIL = 0.05
K = 32
NSDF = 4

PAD = GRID + 2
PG2 = PAD * PAD
PG3 = PAD * PG2
TBL_WORDS = (NSDF * PG3) // 2
GUARD = 1e30
LIN_BIAS = -31 * (PG2 + PAD + 1)

NCORES, NSUB, L = 2, 16, 16
NW = NCORES * NSUB
PTS_W = (B * N) // NW
W_PER_B = N // PTS_W
NG = PTS_W // L
NPF = 14
PF_WORDS = NPF * B * M

_r = 1
_ax = [-DIL, 0.0, DIL]


def _prep_body(idxs_ref, poses_ref, scales_ref, pf_ref, pi_ref):
    poses = poses_ref[...]
    scales = scales_ref[...]
    idxs = idxs_ref[...]
    qw, qx, qy, qz = (poses[:, :, 3], poses[:, :, 4],
                      poses[:, :, 5], poses[:, :, 6])
    s2 = qw * qw + qx * qx + qy * qy + qz * qz
    r0 = lax.rsqrt(s2)
    r0 = r0 * (1.5 - 0.5 * s2 * r0 * r0)
    r0 = r0 * (1.5 - 0.5 * s2 * r0 * r0)
    nrm = s2 * r0 + 1e-8
    inv = 1.0 / nrm
    inv = inv * (2.0 - nrm * inv)
    inv = inv * (2.0 - nrm * inv)
    w, x, y, z = qw * inv, qx * inv, qy * inv, qz * inv
    rm = [
        [1 - 2 * (y * y + z * z), 2 * (x * y - w * z), 2 * (x * z + w * y)],
        [2 * (x * y + w * z), 1 - 2 * (x * x + z * z), 2 * (y * z - w * x)],
        [2 * (x * z - w * y), 2 * (y * z + w * x), 1 - 2 * (x * x + y * y)],
    ]
    for i in range(3):
        for j in range(3):
            pf_ref[3 * i + j] = rm[i][j].astype(jnp.bfloat16).astype(
                jnp.float32)
    for i in range(3):
        pf_ref[9 + i] = poses[:, :, i]
    sc_cell = scales * CELL
    isc = 1.0 / sc_cell
    isc = isc * (2.0 - sc_cell * isc)
    isc = isc * (2.0 - sc_cell * isc)
    pf_ref[12] = isc
    pf_ref[13] = scales
    pi_ref[0] = jnp.bitwise_and(idxs, 1) * PG3 + LIN_BIAS
    pi_ref[1] = lax.shift_right_logical(idxs, 1) * 16


_prep = pl.pallas_call(
    _prep_body,
    out_shape=(jax.ShapeDtypeStruct((NPF, B, M), jnp.float32),
               jax.ShapeDtypeStruct((2, B, M), jnp.int32)),
)


_mesh = plsc.VectorSubcoreMesh(core_axis_name="c", subcore_axis_name="s")


def _bf16r(v):
    bits = lax.bitcast_convert_type(v, jnp.int32)
    lsb = jnp.bitwise_and(lax.shift_right_logical(bits, 16), 1)
    bits = jnp.bitwise_and(bits + 0x7FFF + lsb, jnp.int32(-65536))
    return lax.bitcast_convert_type(bits, jnp.float32)


@functools.partial(
    pl.kernel,
    out_type=jax.ShapeDtypeStruct((B * C * N,), jnp.float32),
    mesh=_mesh,
    scratch_types=[
        pltpu.VMEM((TBL_WORDS,), jnp.int32),
        pltpu.VMEM((PF_WORDS,), jnp.float32),
        pltpu.VMEM((2 * B * M,), jnp.int32),
        pltpu.VMEM((3 * PTS_W,), jnp.float32),
        pltpu.VMEM((C * PTS_W,), jnp.float32),
        pltpu.VMEM((3 * C,), jnp.float32),
        pltpu.SemaphoreType.DMA,
    ],
    compiler_params=pltpu.CompilerParams(needs_layout_passes=False),
)
def _sc_main(tbl_hbm, pf_hbm, pi_hbm, locs_hbm, offs_hbm, d_hbm,
             tbl_v, pf_v, pi_v, locs_v, d_v, offs_v, sem):
    cid = lax.axis_index("c")
    sid = lax.axis_index("s")
    wid = sid * NCORES + cid
    b = wid // W_PER_B
    n0 = (wid % W_PER_B) * PTS_W

    tcp = pltpu.async_copy(tbl_hbm, tbl_v, sem)
    pltpu.sync_copy(pf_hbm, pf_v)
    pltpu.sync_copy(pi_hbm, pi_v)
    pltpu.sync_copy(offs_hbm, offs_v)
    b4 = b * M
    for j in range(3):
        pltpu.sync_copy(locs_hbm.at[pl.ds((b * 3 + j) * N + n0, PTS_W)],
                        locs_v.at[pl.ds(j * PTS_W, PTS_W)])

    def splatf(addr):
        return plsc.load_gather(pf_v, [jnp.full((L,), addr, jnp.int32)])

    def splati(addr):
        return plsc.load_gather(pi_v, [jnp.full((L,), addr, jnp.int32)])

    def splato(addr):
        return plsc.load_gather(offs_v, [jnp.full((L,), addr, jnp.int32)])

    tcp.wait()

    for m in range(M):
        rb = [splatf(k * (B * M) + b4 + m) for k in range(9)]
        tv = [splatf((9 + i) * (B * M) + b4 + m) for i in range(3)]
        iscv = splatf(12 * (B * M) + b4 + m)
        scv = splatf(13 * (B * M) + b4 + m)
        basev = splati(b4 + m)
        shv = splati(B * M + b4 + m)

        def cbody(c, carry, m=m, rb=rb, tv=tv, iscv=iscv, scv=scv,
                  basev=basev, shv=shv):
            offc = [splato(i * C + c) for i in range(3)]

            def gbody(g, m=m, rb=rb, tv=tv, iscv=iscv, scv=scv,
                      basev=basev, shv=shv, offc=offc, c=c):
                s0 = g * L
                rel = []
                for i in range(3):
                    p = locs_v[pl.ds(i * PTS_W + s0, L)]
                    rel.append(_bf16r((p + offc[i]) - tv[i]))
                u0 = rb[0] * rel[0] + rb[3] * rel[1] + rb[6] * rel[2]
                u1 = rb[1] * rel[0] + rb[4] * rel[1] + rb[7] * rel[2]
                u2 = rb[2] * rel[0] + rb[5] * rel[1] + rb[8] * rel[2]
                a0 = u0 * iscv + 32.0
                a1 = u1 * iscv + 32.0
                a2 = u2 * iscv + 32.0
                a0 = jnp.minimum(jnp.maximum(a0, 31.5), 64.0)
                a1 = jnp.minimum(jnp.maximum(a1, 31.5), 64.0)
                a2 = jnp.minimum(jnp.maximum(a2, 31.5), 64.0)
                t0 = a0.astype(jnp.int32)
                t1 = a1.astype(jnp.int32)
                t2 = a2.astype(jnp.int32)
                lin = t0 * PG2 + t1 * PAD + t2 + basev
                wv = plsc.load_gather(tbl_v, [lin])
                bits = lax.shift_left(lax.shift_right_logical(wv, shv), 16)
                val = lax.bitcast_convert_type(bits, jnp.float32) * scv
                daddr = pl.ds(c * PTS_W + s0, L)
                if m == 0:
                    d_v[daddr] = val
                else:
                    acc = jnp.minimum(d_v[daddr], val)
                    if m == M - 1:
                        acc = jnp.minimum(acc, 1.0)
                    d_v[daddr] = acc

            plsc.parallel_loop(0, NG, unroll=4)(gbody)
            return carry

        lax.fori_loop(0, C, cbody, None)

    for c in range(C):
        pltpu.sync_copy(d_v.at[pl.ds(c * PTS_W, PTS_W)],
                        d_hbm.at[pl.ds((b * C + c) * N + n0, PTS_W)])


BLKN = 1024


def _mm_body(d_ref, w_ref, b_ref, o_ref):
    dblk = d_ref[0].astype(jnp.bfloat16)
    wmat = w_ref[...].astype(jnp.bfloat16)
    acc = lax.dot_general(wmat, dblk, (((1,), (0,)), ((), ())),
                          preferred_element_type=jnp.float32)
    o_ref[0] = acc + b_ref[...]


_mm = pl.pallas_call(
    _mm_body,
    grid=(B, N // BLKN),
    in_specs=[
        pl.BlockSpec((1, C, BLKN), lambda i, j: (i, 0, j)),
        pl.BlockSpec((K, C), lambda i, j: (0, 0)),
        pl.BlockSpec((K, 1), lambda i, j: (0, 0)),
    ],
    out_specs=pl.BlockSpec((1, K, BLKN), lambda i, j: (i, 0, j)),
    out_shape=jax.ShapeDtypeStruct((B, K, N), jnp.float32),
)


def kernel(locs, idxs, poses, scales, weight, bias, sdfs):
    padded = jnp.pad(sdfs, ((0, 0), (1, 1), (1, 1), (1, 1)),
                     constant_values=GUARD)
    bf = padded.reshape(-1).astype(jnp.bfloat16)
    u16 = lax.bitcast_convert_type(bf, jnp.uint16)
    lo = u16[:TBL_WORDS].astype(jnp.uint32)
    hi = u16[TBL_WORDS:].astype(jnp.uint32)
    table = lax.bitcast_convert_type(lo | (hi << 16), jnp.int32)
    locs_t = locs.transpose(0, 2, 1).reshape(-1)
    pf, pi = _prep(idxs, poses, scales)
    offs = np.empty((3, C), np.float32)
    for c in range(C):
        offs[0, c], offs[1, c], offs[2, c] = (
            _ax[c // 9], _ax[(c // 3) % 3], _ax[c % 3])
    dmin = _sc_main(table, pf.reshape(-1), pi.reshape(-1), locs_t,
                    jnp.asarray(offs.reshape(-1)))
    out_t = _mm(dmin.reshape(B, C, N), weight, bias.reshape(K, 1))
    return out_t.transpose(0, 2, 1)

# --- scband reference (transcript-rebuilt; emitter-appended) ---
"""Pipeline reference for scband-conv-sdf-62191126446547 (READ-ONLY COPY).

The authoritative reference and input builder live on the scoring server;
editing this copy changes nothing except your own understanding.
"""

import jax, jax.numpy as jnp
import numpy as np

B, N, M = 8, 4096, 4
NDIM = 3
KERNEL_SIZE = 3
DILATION = 0.05
MAX_DISTANCE = 1.0
GRID = 32
NSDF = 4
CELL_SIZE = 0.05
OUT_CHANNELS = 32
NCELLS = KERNEL_SIZE ** NDIM


def setup_inputs(seed: int = 0) -> dict:
    key = jax.random.key(seed)
    ks = jax.random.split(key, 7)
    locs = jax.random.uniform(ks[0], (B, N, NDIM), jnp.float32, 0.0, 1.6)
    idxs = jax.random.randint(ks[1], (B, M), 0, NSDF).astype(jnp.int32)
    trans = jax.random.uniform(ks[2], (B, M, NDIM), jnp.float32, 0.0, 1.0)
    quat = jax.random.normal(ks[3], (B, M, 4), jnp.float32)
    poses = jnp.concatenate([trans, quat], axis=-1)
    scales = jax.random.uniform(ks[4], (B, M), jnp.float32, 0.5, 1.5)
    weight = jax.random.normal(ks[5], (OUT_CHANNELS, NCELLS), jnp.float32) * 0.1
    bias = jnp.zeros((OUT_CHANNELS,), jnp.float32)
    sdfs = jax.random.normal(ks[6], (NSDF, GRID, GRID, GRID), jnp.float32)
    return {"locs": locs, "idxs": idxs, "poses": poses, "scales": scales,
            "weight": weight, "bias": bias, "sdfs": sdfs}


def _quat_to_rotmat(q):
    q = q / (jnp.linalg.norm(q, axis=-1, keepdims=True) + 1e-8)
    w, x, y, z = q[..., 0], q[..., 1], q[..., 2], q[..., 3]
    R = jnp.stack([
        jnp.stack([1 - 2 * (y * y + z * z), 2 * (x * y - w * z), 2 * (x * z + w * y)], -1),
        jnp.stack([2 * (x * y + w * z), 1 - 2 * (x * x + z * z), 2 * (y * z - w * x)], -1),
        jnp.stack([2 * (x * z - w * y), 2 * (y * z + w * x), 1 - 2 * (x * x + y * y)], -1),
    ], -2)
    return R


def _convsdf_fwd(locs, idxs, poses, scales, weight, bias, sdfs):
    # kernel cell offsets around each query location
    r = (KERNEL_SIZE - 1) // 2
    ax = jnp.arange(-r, r + 1, dtype=jnp.float32) * DILATION
    ox, oy, oz = jnp.meshgrid(ax, ax, ax, indexing='ij')
    offsets = jnp.stack([ox.ravel(), oy.ravel(), oz.ravel()], -1)  # [C,3]
    pts = locs[:, :, None, :] + offsets[None, None, :, :]  # [B,N,C,3]
    # transform world points into each object's SDF local frame
    t = poses[:, :, :NDIM]  # [B,M,3]
    R = _quat_to_rotmat(poses[:, :, NDIM:NDIM + 4])  # [B,M,3,3]
    rel = pts[:, :, :, None, :] - t[:, None, None, :, :]  # [B,N,C,M,3]
    local = jnp.einsum('bmij,bncmi->bncmj', R, rel)  # apply R^T (inverse rotation)
    local = local / scales[:, None, None, :, None]
    # nearest SDF grid cell lookup
    cell = jnp.floor(local / CELL_SIZE).astype(jnp.int32)  # [B,N,C,M,3]
    valid = jnp.all((cell >= 0) & (cell < GRID), axis=-1)  # [B,N,C,M]
    cc = jnp.clip(cell, 0, GRID - 1)
    lin = (cc[..., 0] * GRID + cc[..., 1]) * GRID + cc[..., 2]  # [B,N,C,M]
    flat = sdfs.reshape(NSDF, GRID * GRID * GRID)
    per_obj = jnp.take(flat, idxs, axis=0)  # [B,M,G^3]
    vals = jnp.take_along_axis(per_obj[:, None, None, :, :], lin[..., None], axis=-1)[..., 0]
    vals = vals * scales[:, None, None, :]  # scaling object scales distances
    vals = jnp.where(valid, vals, MAX_DISTANCE)
    d = jnp.minimum(jnp.min(vals, axis=-1), MAX_DISTANCE)  # min over objects, capped
    out = jnp.einsum('bnc,kc->bnk', d, weight) + bias[None, None, :]
    return out


def reference(locs, idxs, poses, scales, weight, bias, sdfs):
    return _convsdf_fwd(locs, idxs, poses, scales, weight, bias, sdfs)

if __name__ == "__main__":
    import jax
    _d = setup_inputs()
    print(jax.jit(kernel)(*tuple(_d.values())))

</pallas_src>

<mosaic_0001>
#map = affine_map<(d0, d1) -> (0)>
module attributes {stable_mosaic.version = 14 : i64} {
  func.func @_sc_main(%arg0: i32, %arg1: i32, %arg2: memref<78608xi32, #tpu.memory_space<hbm>>, %arg3: memref<448xf32, #tpu.memory_space<hbm>>, %arg4: memref<64xi32, #tpu.memory_space<hbm>>, %arg5: memref<98304xf32, #tpu.memory_space<hbm>>, %arg6: memref<81xf32, #tpu.memory_space<hbm>>, %arg7: memref<884736xf32, #tpu.memory_space<hbm>>, %arg8: memref<78608xi32, #tpu.memory_space<vmem>>, %arg9: memref<448xf32, #tpu.memory_space<vmem>>, %arg10: memref<64xi32, #tpu.memory_space<vmem>>, %arg11: memref<3072xf32, #tpu.memory_space<vmem>>, %arg12: memref<27648xf32, #tpu.memory_space<vmem>>, %arg13: memref<81xf32, #tpu.memory_space<vmem>>, %arg14: memref<!tpu.dma_semaphore, #tpu.memory_space<semaphore_mem>>) attributes {dimension_semantics = [#tpu.dimension_semantics<core_parallel>, #tpu.dimension_semantics<subcore_parallel>], iteration_bounds = array<i64: 2, 16>, scalar_prefetch = 0 : i64, scratch_operands = 7 : i64, tpu.core_type = #tpu.core_type<sc_vector_subcore>, window_params = [{transform_indices = #map}, {transform_indices = #map}, {transform_indices = #map}, {transform_indices = #map}, {transform_indices = #map}, {transform_indices = #map}]} {
    %mul3A = arith.constant 2 : i32
    %mul3A_0 = arith.muli %arg1, %mul3A : i32
    %add3A = arith.addi %mul3A_0, %arg0 : i32
    %jit3A = arith.constant 4 : i32
    %div3A = arith.divsi %add3A, %jit3A : i32
    %sign3A = arith.constant 0 : i32
    %sign3A_1 = arith.cmpi sgt, %add3A, %sign3A : i32
    %sign3A_2 = arith.extui %sign3A_1 : i1 to i32
    %sign3A_3 = arith.constant 0 : i32
    %sign3A_4 = arith.cmpi slt, %add3A, %sign3A_3 : i32
    %sign3A_5 = arith.extui %sign3A_4 : i1 to i32
    %sign3A_6 = arith.subi %sign3A_2, %sign3A_5 : i32
    %sign3A_7 = arith.constant 0 : i32
    %sign3A_8 = arith.cmpi sgt, %jit3A, %sign3A_7 : i32
    %sign3A_9 = arith.extui %sign3A_8 : i1 to i32
    %sign3A_10 = arith.constant 0 : i32
    %sign3A_11 = arith.cmpi slt, %jit3A, %sign3A_10 : i32
    %sign3A_12 = arith.extui %sign3A_11 : i1 to i32
    %sign3A_13 = arith.subi %sign3A_9, %sign3A_12 : i32
    %ne3A = arith.cmpi ne, %sign3A_6, %sign3A_13 : i32
    %rem3A = arith.remsi %add3A, %jit3A : i32
    %ne3A_14 = arith.constant 0 : i32
    %ne3A_15 = arith.cmpi ne, %rem3A, %ne3A_14 : i32
    %and3A = arith.andi %ne3A, %ne3A_15 : i1
    %sub3A = arith.constant 1 : i32
    %sub3A_16 = arith.subi %div3A, %sub3A : i32
    %select_n3A = arith.select %and3A, %sub3A_16, %div3A : i32
    %jit3A_17 = arith.constant 4 : i32
    %eq3A = arith.constant 0 : i32
    %eq3A_18 = arith.cmpi eq, %jit3A_17, %eq3A : i32
    %jit3A_19 = arith.constant 1 : i32
    %select_n3A_20 = arith.select %eq3A_18, %jit3A_19, %jit3A_17 : i32
    %rem3A_21 = arith.remsi %add3A, %select_n3A_20 : i32
    %ne3A_22 = arith.constant 0 : i32
    %ne3A_23 = arith.cmpi ne, %rem3A_21, %ne3A_22 : i32
    %lt3A = arith.constant 0 : i32
    %lt3A_24 = arith.cmpi slt, %rem3A_21, %lt3A : i32
    %lt3A_25 = arith.constant 0 : i32
    %lt3A_26 = arith.cmpi slt, %select_n3A_20, %lt3A_25 : i32
    %ne3A_27 = arith.xori %lt3A_24, %lt3A_26 : i1
    %and3A_28 = arith.andi %ne3A_27, %ne3A_23 : i1
    %add3A_29 = arith.addi %rem3A_21, %select_n3A_20 : i32
    %select_n3A_30 = arith.select %and3A_28, %add3A_29, %rem3A_21 : i32
    %mul3A_31 = arith.constant 1024 : i32
    %mul3A_32 = arith.muli %select_n3A_30, %mul3A_31 : i32
    tpu.enqueue_dma source(%arg2 : memref<78608xi32, #tpu.memory_space<hbm>>) target(%arg8 : memref<78608xi32, #tpu.memory_space<vmem>>) target_semaphore(%arg14 : memref<!tpu.dma_semaphore, #tpu.memory_space<semaphore_mem>>)
    "tpu.region"() ({
      %run_scoped3A = tpu.sem_alloc : memref<!tpu.dma_semaphore, #tpu.memory_space<semaphore_mem>>
      tpu.enqueue_dma source(%arg3 : memref<448xf32, #tpu.memory_space<hbm>>) target(%arg9 : memref<448xf32, #tpu.memory_space<vmem>>) target_semaphore(%run_scoped3A : memref<!tpu.dma_semaphore, #tpu.memory_space<semaphore_mem>>)
      tpu.wait_dma2 semaphore(%run_scoped3A : memref<!tpu.dma_semaphore, #tpu.memory_space<semaphore_mem>>) src(%arg3 : memref<448xf32, #tpu.memory_space<hbm>>) dst(%arg9 : memref<448xf32, #tpu.memory_space<vmem>>)
      tpu.yield
    }) : () -> ()
    "tpu.region"() ({
      %run_scoped3A = tpu.sem_alloc : memref<!tpu.dma_semaphore, #tpu.memory_space<semaphore_mem>>
      tpu.enqueue_dma source(%arg4 : memref<64xi32, #tpu.memory_space<hbm>>) target(%arg10 : memref<64xi32, #tpu.memory_space<vmem>>) target_semaphore(%run_scoped3A : memref<!tpu.dma_semaphore, #tpu.memory_space<semaphore_mem>>)
      tpu.wait_dma2 semaphore(%run_scoped3A : memref<!tpu.dma_semaphore, #tpu.memory_space<semaphore_mem>>) src(%arg4 : memref<64xi32, #tpu.memory_space<hbm>>) dst(%arg10 : memref<64xi32, #tpu.memory_space<vmem>>)
      tpu.yield
    }) : () -> ()
    "tpu.region"() ({
      %run_scoped3A = tpu.sem_alloc : memref<!tpu.dma_semaphore, #tpu.memory_space<semaphore_mem>>
      tpu.enqueue_dma source(%arg6 : memref<81xf32, #tpu.memory_space<hbm>>) target(%arg13 : memref<81xf32, #tpu.memory_space<vmem>>) target_semaphore(%run_scoped3A : memref<!tpu.dma_semaphore, #tpu.memory_space<semaphore_mem>>)
      tpu.wait_dma2 semaphore(%run_scoped3A : memref<!tpu.dma_semaphore, #tpu.memory_space<semaphore_mem>>) src(%arg6 : memref<81xf32, #tpu.memory_space<hbm>>) dst(%arg13 : memref<81xf32, #tpu.memory_space<vmem>>)
      tpu.yield
    }) : () -> ()
    %mul3A_33 = arith.constant 4 : i32
    %mul3A_34 = arith.muli %select_n3A, %mul3A_33 : i32
    %mul3A_35 = arith.constant 3 : i32
    %mul3A_36 = arith.muli %select_n3A, %mul3A_35 : i32
    %add3A_37 = arith.constant 0 : i32
    %add3A_38 = arith.addi %mul3A_36, %add3A_37 : i32
    %mul3A_39 = arith.constant 4096 : i32
    %mul3A_40 = arith.muli %add3A_38, %mul3A_39 : i32
    %add3A_41 = arith.addi %mul3A_40, %mul3A_32 : i32
    "tpu.region"() ({
      %run_scoped3A = tpu.sem_alloc : memref<!tpu.dma_semaphore, #tpu.memory_space<semaphore_mem>>
      %dma_start3A = arith.constant 0 : i32
      %dma_start3A_638 = tpu.memref_slice %arg11[%dma_start3A] : memref<3072xf32, #tpu.memory_space<vmem>> -> memref<1024xf32, #tpu.memory_space<vmem>>
      %dma_start3A_639 = tpu.memref_slice %arg5[%add3A_41] : memref<98304xf32, #tpu.memory_space<hbm>> -> memref<1024xf32, #tpu.memory_space<hbm>>
      %dma_start3A_640 = arith.constant 0 : i32
      %dma_start3A_641 = tpu.memref_slice %arg11[%dma_start3A_640] : memref<3072xf32, #tpu.memory_space<vmem>> -> memref<1024xf32, #tpu.memory_space<vmem>>
      %dma_start3A_642 = tpu.memref_slice %arg5[%add3A_41] : memref<98304xf32, #tpu.memory_space<hbm>> -> memref<1024xf32, #tpu.memory_space<hbm>>
      tpu.enqueue_dma source(%dma_start3A_642 : memref<1024xf32, #tpu.memory_space<hbm>>) target(%dma_start3A_641 : memref<1024xf32, #tpu.memory_space<vmem>>) target_semaphore(%run_scoped3A : memref<!tpu.dma_semaphore, #tpu.memory_space<semaphore_mem>>)
      %dma_wait3A = arith.constant 0 : i32
      %dma_wait3A_643 = tpu.memref_slice %arg11[%dma_wait3A] : memref<3072xf32, #tpu.memory_space<vmem>> -> memref<1024xf32, #tpu.memory_space<vmem>>
      %dma_wait3A_644 = tpu.memref_slice %arg5[%add3A_41] : memref<98304xf32, #tpu.memory_space<hbm>> -> memref<1024xf32, #tpu.memory_space<hbm>>
      %dma_wait3A_645 = arith.constant 0 : i32
      %dma_wait3A_646 = tpu.memref_slice %arg11[%dma_wait3A_645] : memref<3072xf32, #tpu.memory_space<vmem>> -> memref<1024xf32, #tpu.memory_space<vmem>>
      %dma_wait3A_647 = tpu.memref_slice %arg5[%add3A_41] : memref<98304xf32, #tpu.memory_space<hbm>> -> memref<1024xf32, #tpu.memory_space<hbm>>
      tpu.wait_dma2 semaphore(%run_scoped3A : memref<!tpu.dma_semaphore, #tpu.memory_space<semaphore_mem>>) src(%dma_wait3A_647 : memref<1024xf32, #tpu.memory_space<hbm>>) dst(%dma_wait3A_646 : memref<1024xf32, #tpu.memory_space<vmem>>)
      tpu.yield
    }) : () -> ()
    %mul3A_42 = arith.constant 3 : i32
    %mul3A_43 = arith.muli %select_n3A, %mul3A_42 : i32
    %add3A_44 = arith.constant 1 : i32
    %add3A_45 = arith.addi %mul3A_43, %add3A_44 : i32
    %mul3A_46 = arith.constant 4096 : i32
    %mul3A_47 = arith.muli %add3A_45, %mul3A_46 : i32
    %add3A_48 = arith.addi %mul3A_47, %mul3A_32 : i32
    "tpu.region"() ({
      %run_scoped3A = tpu.sem_alloc : memref<!tpu.dma_semaphore, #tpu.memory_space<semaphore_mem>>
      %dma_start3A = arith.constant 1024 : i32
      %dma_start3A_638 = tpu.memref_slice %arg11[%dma_start3A] : memref<3072xf32, #tpu.memory_space<vmem>> -> memref<1024xf32, #tpu.memory_space<vmem>>
      %dma_start3A_639 = tpu.memref_slice %arg5[%add3A_48] : memref<98304xf32, #tpu.memory_space<hbm>> -> memref<1024xf32, #tpu.memory_space<hbm>>
      %dma_start3A_640 = arith.constant 1024 : i32
      %dma_start3A_641 = tpu.memref_slice %arg11[%dma_start3A_640] : memref<3072xf32, #tpu.memory_space<vmem>> -> memref<1024xf32, #tpu.memory_space<vmem>>
      %dma_start3A_642 = tpu.memref_slice %arg5[%add3A_48] : memref<98304xf32, #tpu.memory_space<hbm>> -> memref<1024xf32, #tpu.memory_space<hbm>>
      tpu.enqueue_dma source(%dma_start3A_642 : memref<1024xf32, #tpu.memory_space<hbm>>) target(%dma_start3A_641 : memref<1024xf32, #tpu.memory_space<vmem>>) target_semaphore(%run_scoped3A : memref<!tpu.dma_semaphore, #tpu.memory_space<semaphore_mem>>)
      %dma_wait3A = arith.constant 1024 : i32
      %dma_wait3A_643 = tpu.memref_slice %arg11[%dma_wait3A] : memref<3072xf32, #tpu.memory_space<vmem>> -> memref<1024xf32, #tpu.memory_space<vmem>>
      %dma_wait3A_644 = tpu.memref_slice %arg5[%add3A_48] : memref<98304xf32, #tpu.memory_space<hbm>> -> memref<1024xf32, #tpu.memory_space<hbm>>
      %dma_wait3A_645 = arith.constant 1024 : i32
      %dma_wait3A_646 = tpu.memref_slice %arg11[%dma_wait3A_645] : memref<3072xf32, #tpu.memory_space<vmem>> -> memref<1024xf32, #tpu.memory_space<vmem>>
      %dma_wait3A_647 = tpu.memref_slice %arg5[%add3A_48] : memref<98304xf32, #tpu.memory_space<hbm>> -> memref<1024xf32, #tpu.memory_space<hbm>>
      tpu.wait_dma2 semaphore(%run_scoped3A : memref<!tpu.dma_semaphore, #tpu.memory_space<semaphore_mem>>) src(%dma_wait3A_647 : memref<1024xf32, #tpu.memory_space<hbm>>) dst(%dma_wait3A_646 : memref<1024xf32, #tpu.memory_space<vmem>>)
      tpu.yield
    }) : () -> ()
    %mul3A_49 = arith.constant 3 : i32
    %mul3A_50 = arith.muli %select_n3A, %mul3A_49 : i32
    %add3A_51 = arith.constant 2 : i32
    %add3A_52 = arith.addi %mul3A_50, %add3A_51 : i32
    %mul3A_53 = arith.constant 4096 : i32
    %mul3A_54 = arith.muli %add3A_52, %mul3A_53 : i32
    %add3A_55 = arith.addi %mul3A_54, %mul3A_32 : i32
    "tpu.region"() ({
      %run_scoped3A = tpu.sem_alloc : memref<!tpu.dma_semaphore, #tpu.memory_space<semaphore_mem>>
      %dma_start3A = arith.constant 2048 : i32
      %dma_start3A_638 = tpu.memref_slice %arg11[%dma_start3A] : memref<3072xf32, #tpu.memory_space<vmem>> -> memref<1024xf32, #tpu.memory_space<vmem>>
      %dma_start3A_639 = tpu.memref_slice %arg5[%add3A_55] : memref<98304xf32, #tpu.memory_space<hbm>> -> memref<1024xf32, #tpu.memory_space<hbm>>
      %dma_start3A_640 = arith.constant 2048 : i32
      %dma_start3A_641 = tpu.memref_slice %arg11[%dma_start3A_640] : memref<3072xf32, #tpu.memory_space<vmem>> -> memref<1024xf32, #tpu.memory_space<vmem>>
      %dma_start3A_642 = tpu.memref_slice %arg5[%add3A_55] : memref<98304xf32, #tpu.memory_space<hbm>> -> memref<1024xf32, #tpu.memory_space<hbm>>
      tpu.enqueue_dma source(%dma_start3A_642 : memref<1024xf32, #tpu.memory_space<hbm>>) target(%dma_start3A_641 : memref<1024xf32, #tpu.memory_space<vmem>>) target_semaphore(%run_scoped3A : memref<!tpu.dma_semaphore, #tpu.memory_space<semaphore_mem>>)
      %dma_wait3A = arith.constant 2048 : i32
      %dma_wait3A_643 = tpu.memref_slice %arg11[%dma_wait3A] : memref<3072xf32, #tpu.memory_space<vmem>> -> memref<1024xf32, #tpu.memory_space<vmem>>
      %dma_wait3A_644 = tpu.memref_slice %arg5[%add3A_55] : memref<98304xf32, #tpu.memory_space<hbm>> -> memref<1024xf32, #tpu.memory_space<hbm>>
      %dma_wait3A_645 = arith.constant 2048 : i32
      %dma_wait3A_646 = tpu.memref_slice %arg11[%dma_wait3A_645] : memref<3072xf32, #tpu.memory_space<vmem>> -> memref<1024xf32, #tpu.memory_space<vmem>>
      %dma_wait3A_647 = tpu.memref_slice %arg5[%add3A_55] : memref<98304xf32, #tpu.memory_space<hbm>> -> memref<1024xf32, #tpu.memory_space<hbm>>
      tpu.wait_dma2 semaphore(%run_scoped3A : memref<!tpu.dma_semaphore, #tpu.memory_space<semaphore_mem>>) src(%dma_wait3A_647 : memref<1024xf32, #tpu.memory_space<hbm>>) dst(%dma_wait3A_646 : memref<1024xf32, #tpu.memory_space<vmem>>)
      tpu.yield
    }) : () -> ()
    tpu.wait_dma2 semaphore(%arg14 : memref<!tpu.dma_semaphore, #tpu.memory_space<semaphore_mem>>) src(%arg2 : memref<78608xi32, #tpu.memory_space<hbm>>) dst(%arg8 : memref<78608xi32, #tpu.memory_space<vmem>>)
    %add3A_56 = arith.constant 0 : i32
    %add3A_57 = arith.addi %add3A_56, %mul3A_34 : i32
    %add3A_58 = arith.constant 0 : i32
    %add3A_59 = arith.addi %add3A_57, %add3A_58 : i32
    %broadcast_in_dim3A = vector.broadcast %add3A_59 : i32 to vector<16xi32>
    %gather3A = tpu.vector_load_idx %arg9[%broadcast_in_dim3A] : memref<448xf32, #tpu.memory_space<vmem>>[vector<16xi32>], vector<16xf32>,
    %add3A_60 = arith.constant 32 : i32
    %add3A_61 = arith.addi %add3A_60, %mul3A_34 : i32
    %add3A_62 = arith.constant 0 : i32
    %add3A_63 = arith.addi %add3A_61, %add3A_62 : i32
    %broadcast_in_dim3A_64 = vector.broadcast %add3A_63 : i32 to vector<16xi32>
    %gather3A_65 = tpu.vector_load_idx %arg9[%broadcast_in_dim3A_64] : memref<448xf32, #tpu.memory_space<vmem>>[vector<16xi32>], vector<16xf32>,
    %add3A_66 = arith.constant 64 : i32
    %add3A_67 = arith.addi %add3A_66, %mul3A_34 : i32
    %add3A_68 = arith.constant 0 : i32
    %add3A_69 = arith.addi %add3A_67, %add3A_68 : i32
    %broadcast_in_dim3A_70 = vector.broadcast %add3A_69 : i32 to vector<16xi32>
    %gather3A_71 = tpu.vector_load_idx %arg9[%broadcast_in_dim3A_70] : memref<448xf32, #tpu.memory_space<vmem>>[vector<16xi32>], vector<16xf32>,
    %add3A_72 = arith.constant 96 : i32
    %add3A_73 = arith.addi %add3A_72, %mul3A_34 : i32
    %add3A_74 = arith.constant 0 : i32
    %add3A_75 = arith.addi %add3A_73, %add3A_74 : i32
    %broadcast_in_dim3A_76 = vector.broadcast %add3A_75 : i32 to vector<16xi32>
    %gather3A_77 = tpu.vector_load_idx %arg9[%broadcast_in_dim3A_76] : memref<448xf32, #tpu.memory_space<vmem>>[vector<16xi32>], vector<16xf32>,
    %add3A_78 = arith.constant 128 : i32
    %add3A_79 = arith.addi %add3A_78, %mul3A_34 : i32
    %add3A_80 = arith.constant 0 : i32
    %add3A_81 = arith.addi %add3A_79, %add3A_80 : i32
    %broadcast_in_dim3A_82 = vector.broadcast %add3A_81 : i32 to vector<16xi32>
    %gather3A_83 = tpu.vector_load_idx %arg9[%broadcast_in_dim3A_82] : memref<448xf32, #tpu.memory_space<vmem>>[vector<16xi32>], vector<16xf32>,
    %add3A_84 = arith.constant 160 : i32
    %add3A_85 = arith.addi %add3A_84, %mul3A_34 : i32
    %add3A_86 = arith.constant 0 : i32
    %add3A_87 = arith.addi %add3A_85, %add3A_86 : i32
    %broadcast_in_dim3A_88 = vector.broadcast %add3A_87 : i32 to vector<16xi32>
    %gather3A_89 = tpu.vector_load_idx %arg9[%broadcast_in_dim3A_88] : memref<448xf32, #tpu.memory_space<vmem>>[vector<16xi32>], vector<16xf32>,
    %add3A_90 = arith.constant 192 : i32
    %add3A_91 = arith.addi %add3A_90, %mul3A_34 : i32
    %add3A_92 = arith.constant 0 : i32
    %add3A_93 = arith.addi %add3A_91, %add3A_92 : i32
    %broadcast_in_dim3A_94 = vector.broadcast %add3A_93 : i32 to vector<16xi32>
    %gather3A_95 = tpu.vector_load_idx %arg9[%broadcast_in_dim3A_94] : memref<448xf32, #tpu.memory_space<vmem>>[vector<16xi32>], vector<16xf32>,
    %add3A_96 = arith.constant 224 : i32
    %add3A_97 = arith.addi %add3A_96, %mul3A_34 : i32
    %add3A_98 = arith.constant 0 : i32
    %add3A_99 = arith.addi %add3A_97, %add3A_98 : i32
    %broadcast_in_dim3A_100 = vector.broadcast %add3A_99 : i32 to vector<16xi32>
    %gather3A_101 = tpu.vector_load_idx %arg9[%broadcast_in_dim3A_100] : memref<448xf32, #tpu.memory_space<vmem>>[vector<16xi32>], vector<16xf32>,
    %add3A_102 = arith.constant 256 : i32
    %add3A_103 = arith.addi %add3A_102, %mul3A_34 : i32
    %add3A_104 = arith.constant 0 : i32
    %add3A_105 = arith.addi %add3A_103, %add3A_104 : i32
    %broadcast_in_dim3A_106 = vector.broadcast %add3A_105 : i32 to vector<16xi32>
    %gather3A_107 = tpu.vector_load_idx %arg9[%broadcast_in_dim3A_106] : memref<448xf32, #tpu.memory_space<vmem>>[vector<16xi32>], vector<16xf32>,
    %add3A_108 = arith.constant 288 : i32
    %add3A_109 = arith.addi %add3A_108, %mul3A_34 : i32
    %add3A_110 = arith.constant 0 : i32
    %add3A_111 = arith.addi %add3A_109, %add3A_110 : i32
    %broadcast_in_dim3A_112 = vector.broadcast %add3A_111 : i32 to vector<16xi32>
    %gather3A_113 = tpu.vector_load_idx %arg9[%broadcast_in_dim3A_112] : memref<448xf32, #tpu.memory_space<vmem>>[vector<16xi32>], vector<16xf32>,
    %add3A_114 = arith.constant 320 : i32
    %add3A_115 = arith.addi %add3A_114, %mul3A_34 : i32
    %add3A_116 = arith.constant 0 : i32
    %add3A_117 = arith.addi %add3A_115, %add3A_116 : i32
    %broadcast_in_dim3A_118 = vector.broadcast %add3A_117 : i32 to vector<16xi32>
    %gather3A_119 = tpu.vector_load_idx %arg9[%broadcast_in_dim3A_118] : memref<448xf32, #tpu.memory_space<vmem>>[vector<16xi32>], vector<16xf32>,
    %add3A_120 = arith.constant 352 : i32
    %add3A_121 = arith.addi %add3A_120, %mul3A_34 : i32
    %add3A_122 = arith.constant 0 : i32
    %add3A_123 = arith.addi %add3A_121, %add3A_122 : i32
    %broadcast_in_dim3A_124 = vector.broadcast %add3A_123 : i32 to vector<16xi32>
    %gather3A_125 = tpu.vector_load_idx %arg9[%broadcast_in_dim3A_124] : memref<448xf32, #tpu.memory_space<vmem>>[vector<16xi32>], vector<16xf32>,
    %add3A_126 = arith.constant 384 : i32
    %add3A_127 = arith.addi %add3A_126, %mul3A_34 : i32
    %add3A_128 = arith.constant 0 : i32
    %add3A_129 = arith.addi %add3A_127, %add3A_128 : i32
    %broadcast_in_dim3A_130 = vector.broadcast %add3A_129 : i32 to vector<16xi32>
    %gather3A_131 = tpu.vector_load_idx %arg9[%broadcast_in_dim3A_130] : memref<448xf32, #tpu.memory_space<vmem>>[vector<16xi32>], vector<16xf32>,
    %add3A_132 = arith.constant 416 : i32
    %add3A_133 = arith.addi %add3A_132, %mul3A_34 : i32
    %add3A_134 = arith.constant 0 : i32
    %add3A_135 = arith.addi %add3A_133, %add3A_134 : i32
    %broadcast_in_dim3A_136 = vector.broadcast %add3A_135 : i32 to vector<16xi32>
    %gather3A_137 = tpu.vector_load_idx %arg9[%broadcast_in_dim3A_136] : memref<448xf32, #tpu.memory_space<vmem>>[vector<16xi32>], vector<16xf32>,
    %add3A_138 = arith.constant 0 : i32
    %add3A_139 = arith.addi %mul3A_34, %add3A_138 : i32
    %broadcast_in_dim3A_140 = vector.broadcast %add3A_139 : i32 to vector<16xi32>
    %gather3A_141 = tpu.vector_load_idx %arg10[%broadcast_in_dim3A_140] : memref<64xi32, #tpu.memory_space<vmem>>[vector<16xi32>], vector<16xi32>,
    %add3A_142 = arith.constant 32 : i32
    %add3A_143 = arith.addi %add3A_142, %mul3A_34 : i32
    %add3A_144 = arith.constant 0 : i32
    %add3A_145 = arith.addi %add3A_143, %add3A_144 : i32
    %broadcast_in_dim3A_146 = vector.broadcast %add3A_145 : i32 to vector<16xi32>
    %gather3A_147 = tpu.vector_load_idx %arg10[%broadcast_in_dim3A_146] : memref<64xi32, #tpu.memory_space<vmem>>[vector<16xi32>], vector<16xi32>,
    %scan3A = arith.constant 0 : i32
    %scan3A_148 = arith.constant 27 : i32
    %scan3A_149 = arith.addi %scan3A, %scan3A_148 : i32
    %scan3A_150 = arith.constant 1 : i32
    scf.for %scan3A_638 = %scan3A to %scan3A_149 step %scan3A_150  : i32 {
      %add3A_639 = arith.constant 0 : i32
      %add3A_640 = arith.addi %add3A_639, %scan3A_638 : i32
      %broadcast_in_dim3A_641 = vector.broadcast %add3A_640 : i32 to vector<16xi32>
      %gather3A_642 = tpu.vector_load_idx %arg13[%broadcast_in_dim3A_641] : memref<81xf32, #tpu.memory_space<vmem>>[vector<16xi32>], vector<16xf32>,
      %add3A_643 = arith.constant 27 : i32
      %add3A_644 = arith.addi %add3A_643, %scan3A_638 : i32
      %broadcast_in_dim3A_645 = vector.broadcast %add3A_644 : i32 to vector<16xi32>
      %gather3A_646 = tpu.vector_load_idx %arg13[%broadcast_in_dim3A_645] : memref<81xf32, #tpu.memory_space<vmem>>[vector<16xi32>], vector<16xf32>,
      %add3A_647 = arith.constant 54 : i32
      %add3A_648 = arith.addi %add3A_647, %scan3A_638 : i32
      %broadcast_in_dim3A_649 = vector.broadcast %add3A_648 : i32 to vector<16xi32>
      %gather3A_650 = tpu.vector_load_idx %arg13[%broadcast_in_dim3A_649] : memref<81xf32, #tpu.memory_space<vmem>>[vector<16xi32>], vector<16xf32>,
      %parallel_loop3A = arith.constant 0 : i32
      %parallel_loop3A_651 = arith.constant 64 : i32
      %parallel_loop3A_652 = arith.constant 1 : i32
      scf.for %parallel_loop3A_653 = %parallel_loop3A to %parallel_loop3A_651 step %parallel_loop3A_652  : i32 {
        %parallel_loop3A_654 = arith.constant 16 : i32
        %parallel_loop3A_655 = arith.muli %parallel_loop3A_653, %parallel_loop3A_654 : i32
        %parallel_loop3A_656 = arith.constant 0 : i32
        %parallel_loop3A_657 = arith.addi %parallel_loop3A_656, %parallel_loop3A_655 : i32
        %parallel_loop3A_658 = arith.index_cast %parallel_loop3A_657 : i32 to index
        %parallel_loop3A_659 = tpu.vector_load %arg11[%parallel_loop3A_658] {strides = array<i32>} : memref<3072xf32, #tpu.memory_space<vmem>>, vector<16xf32>,
        %parallel_loop3A_660 = arith.addf %parallel_loop3A_659, %gather3A_642 : vector<16xf32>
        %parallel_loop3A_661 = arith.subf %parallel_loop3A_660, %gather3A_113 : vector<16xf32>
        %parallel_loop3A_662 = tpu.bitcast %parallel_loop3A_661 : vector<16xf32> -> vector<16xi32>
        %parallel_loop3A_663 = arith.constant 16 : i32
        %parallel_loop3A_664 = vector.broadcast %parallel_loop3A_663 : i32 to vector<16xi32>
        %parallel_loop3A_665 = arith.shrui %parallel_loop3A_662, %parallel_loop3A_664 : vector<16xi32>
        %parallel_loop3A_666 = arith.constant 1 : i32
        %parallel_loop3A_667 = vector.broadcast %parallel_loop3A_666 : i32 to vector<16xi32>
        %parallel_loop3A_668 = arith.andi %parallel_loop3A_665, %parallel_loop3A_667 : vector<16xi32>
        %parallel_loop3A_669 = arith.constant 32767 : i32
        %parallel_loop3A_670 = vector.broadcast %parallel_loop3A_669 : i32 to vector<16xi32>
        %parallel_loop3A_671 = arith.addi %parallel_loop3A_662, %parallel_loop3A_670 : vector<16xi32>
        %parallel_loop3A_672 = arith.addi %parallel_loop3A_671, %parallel_loop3A_668 : vector<16xi32>
        %parallel_loop3A_673 = arith.constant -65536 : i32
        %parallel_loop3A_674 = vector.broadcast %parallel_loop3A_673 : i32 to vector<16xi32>
        %parallel_loop3A_675 = arith.andi %parallel_loop3A_672, %parallel_loop3A_674 : vector<16xi32>
        %parallel_loop3A_676 = tpu.bitcast %parallel_loop3A_675 : vector<16xi32> -> vector<16xf32>
        %parallel_loop3A_677 = arith.constant 1024 : i32
        %parallel_loop3A_678 = arith.addi %parallel_loop3A_677, %parallel_loop3A_655 : i32
        %parallel_loop3A_679 = arith.index_cast %parallel_loop3A_678 : i32 to index
        %parallel_loop3A_680 = tpu.vector_load %arg11[%parallel_loop3A_679] {strides = array<i32>} : memref<3072xf32, #tpu.memory_space<vmem>>, vector<16xf32>,
        %parallel_loop3A_681 = arith.addf %parallel_loop3A_680, %gather3A_646 : vector<16xf32>
        %parallel_loop3A_682 = arith.subf %parallel_loop3A_681, %gather3A_119 : vector<16xf32>
        %parallel_loop3A_683 = tpu.bitcast %parallel_loop3A_682 : vector<16xf32> -> vector<16xi32>
        %parallel_loop3A_684 = arith.constant 16 : i32
        %parallel_loop3A_685 = vector.broadcast %parallel_loop3A_684 : i32 to vector<16xi32>
        %parallel_loop3A_686 = arith.shrui %parallel_loop3A_683, %parallel_loop3A_685 : vector<16xi32>
        %parallel_loop3A_687 = arith.constant 1 : i32
        %parallel_loop3A_688 = vector.broadcast %parallel_loop3A_687 : i32 to vector<16xi32>
        %parallel_loop3A_689 = arith.andi %parallel_loop3A_686, %parallel_loop3A_688 : vector<16xi32>
        %parallel_loop3A_690 = arith.constant 32767 : i32
        %parallel_loop3A_691 = vector.broadcast %parallel_loop3A_690 : i32 to vector<16xi32>
        %parallel_loop3A_692 = arith.addi %parallel_loop3A_683, %parallel_loop3A_691 : vector<16xi32>
        %parallel_loop3A_693 = arith.addi %parallel_loop3A_692, %parallel_loop3A_689 : vector<16xi32>
        %parallel_loop3A_694 = arith.constant -65536 : i32
        %parallel_loop3A_695 = vector.broadcast %parallel_loop3A_694 : i32 to vector<16xi32>
        %parallel_loop3A_696 = arith.andi %parallel_loop3A_693, %parallel_loop3A_695 : vector<16xi32>
        %parallel_loop3A_697 = tpu.bitcast %parallel_loop3A_696 : vector<16xi32> -> vector<16xf32>
        %parallel_loop3A_698 = arith.constant 2048 : i32
        %parallel_loop3A_699 = arith.addi %parallel_loop3A_698, %parallel_loop3A_655 : i32
        %parallel_loop3A_700 = arith.index_cast %parallel_loop3A_699 : i32 to index
        %parallel_loop3A_701 = tpu.vector_load %arg11[%parallel_loop3A_700] {strides = array<i32>} : memref<3072xf32, #tpu.memory_space<vmem>>, vector<16xf32>,
        %parallel_loop3A_702 = arith.addf %parallel_loop3A_701, %gather3A_650 : vector<16xf32>
        %parallel_loop3A_703 = arith.subf %parallel_loop3A_702, %gather3A_125 : vector<16xf32>
        %parallel_loop3A_704 = tpu.bitcast %parallel_loop3A_703 : vector<16xf32> -> vector<16xi32>
        %parallel_loop3A_705 = arith.constant 16 : i32
        %parallel_loop3A_706 = vector.broadcast %parallel_loop3A_705 : i32 to vector<16xi32>
        %parallel_loop3A_707 = arith.shrui %parallel_loop3A_704, %parallel_loop3A_706 : vector<16xi32>
        %parallel_loop3A_708 = arith.constant 1 : i32
        %parallel_loop3A_709 = vector.broadcast %parallel_loop3A_708 : i32 to vector<16xi32>
        %parallel_loop3A_710 = arith.andi %parallel_loop3A_707, %parallel_loop3A_709 : vector<16xi32>
        %parallel_loop3A_711 = arith.constant 32767 : i32
        %parallel_loop3A_712 = vector.broadcast %parallel_loop3A_711 : i32 to vector<16xi32>
        %parallel_loop3A_713 = arith.addi %parallel_loop3A_704, %parallel_loop3A_712 : vector<16xi32>
        %parallel_loop3A_714 = arith.addi %parallel_loop3A_713, %parallel_loop3A_710 : vector<16xi32>
        %parallel_loop3A_715 = arith.constant -65536 : i32
        %parallel_loop3A_716 = vector.broadcast %parallel_loop3A_715 : i32 to vector<16xi32>
        %parallel_loop3A_717 = arith.andi %parallel_loop3A_714, %parallel_loop3A_716 : vector<16xi32>
        %parallel_loop3A_718 = tpu.bitcast %parallel_loop3A_717 : vector<16xi32> -> vector<16xf32>
        %parallel_loop3A_719 = arith.mulf %gather3A, %parallel_loop3A_676 : vector<16xf32>
        %parallel_loop3A_720 = arith.mulf %gather3A_77, %parallel_loop3A_697 : vector<16xf32>
        %parallel_loop3A_721 = arith.addf %parallel_loop3A_719, %parallel_loop3A_720 : vector<16xf32>
        %parallel_loop3A_722 = arith.mulf %gather3A_95, %parallel_loop3A_718 : vector<16xf32>
        %parallel_loop3A_723 = arith.addf %parallel_loop3A_721, %parallel_loop3A_722 : vector<16xf32>
        %parallel_loop3A_724 = arith.mulf %gather3A_65, %parallel_loop3A_676 : vector<16xf32>
        %parallel_loop3A_725 = arith.mulf %gather3A_83, %parallel_loop3A_697 : vector<16xf32>
        %parallel_loop3A_726 = arith.addf %parallel_loop3A_724, %parallel_loop3A_725 : vector<16xf32>
        %parallel_loop3A_727 = arith.mulf %gather3A_101, %parallel_loop3A_718 : vector<16xf32>
        %parallel_loop3A_728 = arith.addf %parallel_loop3A_726, %parallel_loop3A_727 : vector<16xf32>
        %parallel_loop3A_729 = arith.mulf %gather3A_71, %parallel_loop3A_676 : vector<16xf32>
        %parallel_loop3A_730 = arith.mulf %gather3A_89, %parallel_loop3A_697 : vector<16xf32>
        %parallel_loop3A_731 = arith.addf %parallel_loop3A_729, %parallel_loop3A_730 : vector<16xf32>
        %parallel_loop3A_732 = arith.mulf %gather3A_107, %parallel_loop3A_718 : vector<16xf32>
        %parallel_loop3A_733 = arith.addf %parallel_loop3A_731, %parallel_loop3A_732 : vector<16xf32>
        %parallel_loop3A_734 = arith.mulf %parallel_loop3A_723, %gather3A_131 : vector<16xf32>
        %parallel_loop3A_735 = arith.constant 3.200000e+01 : f32
        %parallel_loop3A_736 = vector.broadcast %parallel_loop3A_735 : f32 to vector<16xf32>
        %parallel_loop3A_737 = arith.addf %parallel_loop3A_734, %parallel_loop3A_736 : vector<16xf32>
        %parallel_loop3A_738 = arith.mulf %parallel_loop3A_728, %gather3A_131 : vector<16xf32>
        %parallel_loop3A_739 = arith.constant 3.200000e+01 : f32
        %parallel_loop3A_740 = vector.broadcast %parallel_loop3A_739 : f32 to vector<16xf32>
        %parallel_loop3A_741 = arith.addf %parallel_loop3A_738, %parallel_loop3A_740 : vector<16xf32>
        %parallel_loop3A_742 = arith.mulf %parallel_loop3A_733, %gather3A_131 : vector<16xf32>
        %parallel_loop3A_743 = arith.constant 3.200000e+01 : f32
        %parallel_loop3A_744 = vector.broadcast %parallel_loop3A_743 : f32 to vector<16xf32>
        %parallel_loop3A_745 = arith.addf %parallel_loop3A_742, %parallel_loop3A_744 : vector<16xf32>
        %parallel_loop3A_746 = arith.constant 3.150000e+01 : f32
        %parallel_loop3A_747 = vector.broadcast %parallel_loop3A_746 : f32 to vector<16xf32>
        %parallel_loop3A_748 = arith.maximumf %parallel_loop3A_737, %parallel_loop3A_747 : vector<16xf32>
        %parallel_loop3A_749 = arith.constant 6.400000e+01 : f32
        %parallel_loop3A_750 = vector.broadcast %parallel_loop3A_749 : f32 to vector<16xf32>
        %parallel_loop3A_751 = arith.minimumf %parallel_loop3A_748, %parallel_loop3A_750 : vector<16xf32>
        %parallel_loop3A_752 = arith.constant 3.150000e+01 : f32
        %parallel_loop3A_753 = vector.broadcast %parallel_loop3A_752 : f32 to vector<16xf32>
        %parallel_loop3A_754 = arith.maximumf %parallel_loop3A_741, %parallel_loop3A_753 : vector<16xf32>
        %parallel_loop3A_755 = arith.constant 6.400000e+01 : f32
        %parallel_loop3A_756 = vector.broadcast %parallel_loop3A_755 : f32 to vector<16xf32>
        %parallel_loop3A_757 = arith.minimumf %parallel_loop3A_754, %parallel_loop3A_756 : vector<16xf32>
        %parallel_loop3A_758 = arith.constant 3.150000e+01 : f32
        %parallel_loop3A_759 = vector.broadcast %parallel_loop3A_758 : f32 to vector<16xf32>
        %parallel_loop3A_760 = arith.maximumf %parallel_loop3A_745, %parallel_loop3A_759 : vector<16xf32>
        %parallel_loop3A_761 = arith.constant 6.400000e+01 : f32
        %parallel_loop3A_762 = vector.broadcast %parallel_loop3A_761 : f32 to vector<16xf32>
        %parallel_loop3A_763 = arith.minimumf %parallel_loop3A_760, %parallel_loop3A_762 : vector<16xf32>
        %parallel_loop3A_764 = arith.fptosi %parallel_loop3A_751 : vector<16xf32> to vector<16xi32>
        %parallel_loop3A_765 = arith.fptosi %parallel_loop3A_757 : vector<16xf32> to vector<16xi32>
        %parallel_loop3A_766 = arith.fptosi %parallel_loop3A_763 : vector<16xf32> to vector<16xi32>
        %parallel_loop3A_767 = arith.constant 1156 : i32
        %parallel_loop3A_768 = vector.broadcast %parallel_loop3A_767 : i32 to vector<16xi32>
        %parallel_loop3A_769 = arith.muli %parallel_loop3A_764, %parallel_loop3A_768 : vector<16xi32>
        %parallel_loop3A_770 = arith.constant 34 : i32
        %parallel_loop3A_771 = vector.broadcast %parallel_loop3A_770 : i32 to vector<16xi32>
        %parallel_loop3A_772 = arith.muli %parallel_loop3A_765, %parallel_loop3A_771 : vector<16xi32>
        %parallel_loop3A_773 = arith.addi %parallel_loop3A_769, %parallel_loop3A_772 : vector<16xi32>
        %parallel_loop3A_774 = arith.addi %parallel_loop3A_773, %parallel_loop3A_766 : vector<16xi32>
        %parallel_loop3A_775 = arith.addi %parallel_loop3A_774, %gather3A_141 : vector<16xi32>
        %parallel_loop3A_776 = tpu.vector_load_idx %arg8[%parallel_loop3A_775] : memref<78608xi32, #tpu.memory_space<vmem>>[vector<16xi32>], vector<16xi32>,
        %parallel_loop3A_777 = arith.shrui %parallel_loop3A_776, %gather3A_147 : vector<16xi32>
        %parallel_loop3A_778 = arith.constant 16 : i32
        %parallel_loop3A_779 = vector.broadcast %parallel_loop3A_778 : i32 to vector<16xi32>
        %parallel_loop3A_780 = arith.shli %parallel_loop3A_777, %parallel_loop3A_779 : vector<16xi32>
        %parallel_loop3A_781 = tpu.bitcast %parallel_loop3A_780 : vector<16xi32> -> vector<16xf32>
        %parallel_loop3A_782 = arith.mulf %parallel_loop3A_781, %gather3A_137 : vector<16xf32>
        %parallel_loop3A_783 = arith.constant 1024 : i32
        %parallel_loop3A_784 = arith.muli %scan3A_638, %parallel_loop3A_783 : i32
        %parallel_loop3A_785 = arith.addi %parallel_loop3A_784, %parallel_loop3A_655 : i32
        %parallel_loop3A_786 = arith.index_cast %parallel_loop3A_785 : i32 to index
        %parallel_loop3A_787 = tpu.vector_load %arg12[%parallel_loop3A_786] {strides = array<i32>} : memref<27648xf32, #tpu.memory_space<vmem>>, vector<16xf32>,
        tpu.vector_store %arg12[%parallel_loop3A_786], %parallel_loop3A_782 {strides = array<i32>} : memref<27648xf32, #tpu.memory_space<vmem>>, vector<16xf32>,
      } {sc.loop_unroll_factor = 4 : i64, sc.parallel_access}
    }
    %scan3A_151 = arith.constant 27 : i32
    %add3A_152 = arith.constant 0 : i32
    %add3A_153 = arith.addi %add3A_152, %mul3A_34 : i32
    %add3A_154 = arith.constant 1 : i32
    %add3A_155 = arith.addi %add3A_153, %add3A_154 : i32
    %broadcast_in_dim3A_156 = vector.broadcast %add3A_155 : i32 to vector<16xi32>
    %gather3A_157 = tpu.vector_load_idx %arg9[%broadcast_in_dim3A_156] : memref<448xf32, #tpu.memory_space<vmem>>[vector<16xi32>], vector<16xf32>,
    %add3A_158 = arith.constant 32 : i32
    %add3A_159 = arith.addi %add3A_158, %mul3A_34 : i32
    %add3A_160 = arith.constant 1 : i32
    %add3A_161 = arith.addi %add3A_159, %add3A_160 : i32
    %broadcast_in_dim3A_162 = vector.broadcast %add3A_161 : i32 to vector<16xi32>
    %gather3A_163 = tpu.vector_load_idx %arg9[%broadcast_in_dim3A_162] : memref<448xf32, #tpu.memory_space<vmem>>[vector<16xi32>], vector<16xf32>,
    %add3A_164 = arith.constant 64 : i32
    %add3A_165 = arith.addi %add3A_164, %mul3A_34 : i32
    %add3A_166 = arith.constant 1 : i32
    %add3A_167 = arith.addi %add3A_165, %add3A_166 : i32
    %broadcast_in_dim3A_168 = vector.broadcast %add3A_167 : i32 to vector<16xi32>
    %gather3A_169 = tpu.vector_load_idx %arg9[%broadcast_in_dim3A_168] : memref<448xf32, #tpu.memory_space<vmem>>[vector<16xi32>], vector<16xf32>,
    %add3A_170 = arith.constant 96 : i32
    %add3A_171 = arith.addi %add3A_170, %mul3A_34 : i32
    %add3A_172 = arith.constant 1 : i32
    %add3A_173 = arith.addi %add3A_171, %add3A_172 : i32
    %broadcast_in_dim3A_174 = vector.broadcast %add3A_173 : i32 to vector<16xi32>
    %gather3A_175 = tpu.vector_load_idx %arg9[%broadcast_in_dim3A_174] : memref<448xf32, #tpu.memory_space<vmem>>[vector<16xi32>], vector<16xf32>,
    %add3A_176 = arith.constant 128 : i32
    %add3A_177 = arith.addi %add3A_176, %mul3A_34 : i32
    %add3A_178 = arith.constant 1 : i32
    %add3A_179 = arith.addi %add3A_177, %add3A_178 : i32
    %broadcast_in_dim3A_180 = vector.broadcast %add3A_179 : i32 to vector<16xi32>
    %gather3A_181 = tpu.vector_load_idx %arg9[%broadcast_in_dim3A_180] : memref<448xf32, #tpu.memory_space<vmem>>[vector<16xi32>], vector<16xf32>,
    %add3A_182 = arith.constant 160 : i32
    %add3A_183 = arith.addi %add3A_182, %mul3A_34 : i32
    %add3A_184 = arith.constant 1 : i32
    %add3A_185 = arith.addi %add3A_183, %add3A_184 : i32
    %broadcast_in_dim3A_186 = vector.broadcast %add3A_185 : i32 to vector<16xi32>
    %gather3A_187 = tpu.vector_load_idx %arg9[%broadcast_in_dim3A_186] : memref<448xf32, #tpu.memory_space<vmem>>[vector<16xi32>], vector<16xf32>,
    %add3A_188 = arith.constant 192 : i32
    %add3A_189 = arith.addi %add3A_188, %mul3A_34 : i32
    %add3A_190 = arith.constant 1 : i32
    %add3A_191 = arith.addi %add3A_189, %add3A_190 : i32
    %broadcast_in_dim3A_192 = vector.broadcast %add3A_191 : i32 to vector<16xi32>
    %gather3A_193 = tpu.vector_load_idx %arg9[%broadcast_in_dim3A_192] : memref<448xf32, #tpu.memory_space<vmem>>[vector<16xi32>], vector<16xf32>,
    %add3A_194 = arith.constant 224 : i32
    %add3A_195 = arith.addi %add3A_194, %mul3A_34 : i32
    %add3A_196 = arith.constant 1 : i32
    %add3A_197 = arith.addi %add3A_195, %add3A_196 : i32
    %broadcast_in_dim3A_198 = vector.broadcast %add3A_197 : i32 to vector<16xi32>
    %gather3A_199 = tpu.vector_load_idx %arg9[%broadcast_in_dim3A_198] : memref<448xf32, #tpu.memory_space<vmem>>[vector<16xi32>], vector<16xf32>,
    %add3A_200 = arith.constant 256 : i32
    %add3A_201 = arith.addi %add3A_200, %mul3A_34 : i32
    %add3A_202 = arith.constant 1 : i32
    %add3A_203 = arith.addi %add3A_201, %add3A_202 : i32
    %broadcast_in_dim3A_204 = vector.broadcast %add3A_203 : i32 to vector<16xi32>
    %gather3A_205 = tpu.vector_load_idx %arg9[%broadcast_in_dim3A_204] : memref<448xf32, #tpu.memory_space<vmem>>[vector<16xi32>], vector<16xf32>,
    %add3A_206 = arith.constant 288 : i32
    %add3A_207 = arith.addi %add3A_206, %mul3A_34 : i32
    %add3A_208 = arith.constant 1 : i32
    %add3A_209 = arith.addi %add3A_207, %add3A_208 : i32
    %broadcast_in_dim3A_210 = vector.broadcast %add3A_209 : i32 to vector<16xi32>
    %gather3A_211 = tpu.vector_load_idx %arg9[%broadcast_in_dim3A_210] : memref<448xf32, #tpu.memory_space<vmem>>[vector<16xi32>], vector<16xf32>,
    %add3A_212 = arith.constant 320 : i32
    %add3A_213 = arith.addi %add3A_212, %mul3A_34 : i32
    %add3A_214 = arith.constant 1 : i32
    %add3A_215 = arith.addi %add3A_213, %add3A_214 : i32
    %broadcast_in_dim3A_216 = vector.broadcast %add3A_215 : i32 to vector<16xi32>
    %gather3A_217 = tpu.vector_load_idx %arg9[%broadcast_in_dim3A_216] : memref<448xf32, #tpu.memory_space<vmem>>[vector<16xi32>], vector<16xf32>,
    %add3A_218 = arith.constant 352 : i32
    %add3A_219 = arith.addi %add3A_218, %mul3A_34 : i32
    %add3A_220 = arith.constant 1 : i32
    %add3A_221 = arith.addi %add3A_219, %add3A_220 : i32
    %broadcast_in_dim3A_222 = vector.broadcast %add3A_221 : i32 to vector<16xi32>
    %gather3A_223 = tpu.vector_load_idx %arg9[%broadcast_in_dim3A_222] : memref<448xf32, #tpu.memory_space<vmem>>[vector<16xi32>], vector<16xf32>,
    %add3A_224 = arith.constant 384 : i32
    %add3A_225 = arith.addi %add3A_224, %mul3A_34 : i32
    %add3A_226 = arith.constant 1 : i32
    %add3A_227 = arith.addi %add3A_225, %add3A_226 : i32
    %broadcast_in_dim3A_228 = vector.broadcast %add3A_227 : i32 to vector<16xi32>
    %gather3A_229 = tpu.vector_load_idx %arg9[%broadcast_in_dim3A_228] : memref<448xf32, #tpu.memory_space<vmem>>[vector<16xi32>], vector<16xf32>,
    %add3A_230 = arith.constant 416 : i32
    %add3A_231 = arith.addi %add3A_230, %mul3A_34 : i32
    %add3A_232 = arith.constant 1 : i32
    %add3A_233 = arith.addi %add3A_231, %add3A_232 : i32
    %broadcast_in_dim3A_234 = vector.broadcast %add3A_233 : i32 to vector<16xi32>
    %gather3A_235 = tpu.vector_load_idx %arg9[%broadcast_in_dim3A_234] : memref<448xf32, #tpu.memory_space<vmem>>[vector<16xi32>], vector<16xf32>,
    %add3A_236 = arith.constant 1 : i32
    %add3A_237 = arith.addi %mul3A_34, %add3A_236 : i32
    %broadcast_in_dim3A_238 = vector.broadcast %add3A_237 : i32 to vector<16xi32>
    %gather3A_239 = tpu.vector_load_idx %arg10[%broadcast_in_dim3A_238] : memref<64xi32, #tpu.memory_space<vmem>>[vector<16xi32>], vector<16xi32>,
    %add3A_240 = arith.constant 32 : i32
    %add3A_241 = arith.addi %add3A_240, %mul3A_34 : i32
    %add3A_242 = arith.constant 1 : i32
    %add3A_243 = arith.addi %add3A_241, %add3A_242 : i32
    %broadcast_in_dim3A_244 = vector.broadcast %add3A_243 : i32 to vector<16xi32>
    %gather3A_245 = tpu.vector_load_idx %arg10[%broadcast_in_dim3A_244] : memref<64xi32, #tpu.memory_space<vmem>>[vector<16xi32>], vector<16xi32>,
    %scan3A_246 = arith.constant 0 : i32
    %scan3A_247 = arith.constant 27 : i32
    %scan3A_248 = arith.addi %scan3A_246, %scan3A_247 : i32
    %scan3A_249 = arith.constant 1 : i32
    scf.for %scan3A_638 = %scan3A_246 to %scan3A_248 step %scan3A_249  : i32 {
      %add3A_639 = arith.constant 0 : i32
      %add3A_640 = arith.addi %add3A_639, %scan3A_638 : i32
      %broadcast_in_dim3A_641 = vector.broadcast %add3A_640 : i32 to vector<16xi32>
      %gather3A_642 = tpu.vector_load_idx %arg13[%broadcast_in_dim3A_641] : memref<81xf32, #tpu.memory_space<vmem>>[vector<16xi32>], vector<16xf32>,
      %add3A_643 = arith.constant 27 : i32
      %add3A_644 = arith.addi %add3A_643, %scan3A_638 : i32
      %broadcast_in_dim3A_645 = vector.broadcast %add3A_644 : i32 to vector<16xi32>
      %gather3A_646 = tpu.vector_load_idx %arg13[%broadcast_in_dim3A_645] : memref<81xf32, #tpu.memory_space<vmem>>[vector<16xi32>], vector<16xf32>,
      %add3A_647 = arith.constant 54 : i32
      %add3A_648 = arith.addi %add3A_647, %scan3A_638 : i32
      %broadcast_in_dim3A_649 = vector.broadcast %add3A_648 : i32 to vector<16xi32>
      %gather3A_650 = tpu.vector_load_idx %arg13[%broadcast_in_dim3A_649] : memref<81xf32, #tpu.memory_space<vmem>>[vector<16xi32>], vector<16xf32>,
      %parallel_loop3A = arith.constant 0 : i32
      %parallel_loop3A_651 = arith.constant 64 : i32
      %parallel_loop3A_652 = arith.constant 1 : i32
      scf.for %parallel_loop3A_653 = %parallel_loop3A to %parallel_loop3A_651 step %parallel_loop3A_652  : i32 {
        %parallel_loop3A_654 = arith.constant 16 : i32
        %parallel_loop3A_655 = arith.muli %parallel_loop3A_653, %parallel_loop3A_654 : i32
        %parallel_loop3A_656 = arith.constant 0 : i32
        %parallel_loop3A_657 = arith.addi %parallel_loop3A_656, %parallel_loop3A_655 : i32
        %parallel_loop3A_658 = arith.index_cast %parallel_loop3A_657 : i32 to index
        %parallel_loop3A_659 = tpu.vector_load %arg11[%parallel_loop3A_658] {strides = array<i32>} : memref<3072xf32, #tpu.memory_space<vmem>>, vector<16xf32>,
        %parallel_loop3A_660 = arith.addf %parallel_loop3A_659, %gather3A_642 : vector<16xf32>
        %parallel_loop3A_661 = arith.subf %parallel_loop3A_660, %gather3A_211 : vector<16xf32>
        %parallel_loop3A_662 = tpu.bitcast %parallel_loop3A_661 : vector<16xf32> -> vector<16xi32>
        %parallel_loop3A_663 = arith.constant 16 : i32
        %parallel_loop3A_664 = vector.broadcast %parallel_loop3A_663 : i32 to vector<16xi32>
        %parallel_loop3A_665 = arith.shrui %parallel_loop3A_662, %parallel_loop3A_664 : vector<16xi32>
        %parallel_loop3A_666 = arith.constant 1 : i32
        %parallel_loop3A_667 = vector.broadcast %parallel_loop3A_666 : i32 to vector<16xi32>
        %parallel_loop3A_668 = arith.andi %parallel_loop3A_665, %parallel_loop3A_667 : vector<16xi32>
        %parallel_loop3A_669 = arith.constant 32767 : i32
        %parallel_loop3A_670 = vector.broadcast %parallel_loop3A_669 : i32 to vector<16xi32>
        %parallel_loop3A_671 = arith.addi %parallel_loop3A_662, %parallel_loop3A_670 : vector<16xi32>
        %parallel_loop3A_672 = arith.addi %parallel_loop3A_671, %parallel_loop3A_668 : vector<16xi32>
        %parallel_loop3A_673 = arith.constant -65536 : i32
        %parallel_loop3A_674 = vector.broadcast %parallel_loop3A_673 : i32 to vector<16xi32>
        %parallel_loop3A_675 = arith.andi %parallel_loop3A_672, %parallel_loop3A_674 : vector<16xi32>
        %parallel_loop3A_676 = tpu.bitcast %parallel_loop3A_675 : vector<16xi32> -> vector<16xf32>
        %parallel_loop3A_677 = arith.constant 1024 : i32
        %parallel_loop3A_678 = arith.addi %parallel_loop3A_677, %parallel_loop3A_655 : i32
        %parallel_loop3A_679 = arith.index_cast %parallel_loop3A_678 : i32 to index
        %parallel_loop3A_680 = tpu.vector_load %arg11[%parallel_loop3A_679] {strides = array<i32>} : memref<3072xf32, #tpu.memory_space<vmem>>, vector<16xf32>,
        %parallel_loop3A_681 = arith.addf %parallel_loop3A_680, %gather3A_646 : vector<16xf32>
        %parallel_loop3A_682 = arith.subf %parallel_loop3A_681, %gather3A_217 : vector<16xf32>
        %parallel_loop3A_683 = tpu.bitcast %parallel_loop3A_682 : vector<16xf32> -> vector<16xi32>
        %parallel_loop3A_684 = arith.constant 16 : i32
        %parallel_loop3A_685 = vector.broadcast %parallel_loop3A_684 : i32 to vector<16xi32>
        %parallel_loop3A_686 = arith.shrui %parallel_loop3A_683, %parallel_loop3A_685 : vector<16xi32>
        %parallel_loop3A_687 = arith.constant 1 : i32
        %parallel_loop3A_688 = vector.broadcast %parallel_loop3A_687 : i32 to vector<16xi32>
        %parallel_loop3A_689 = arith.andi %parallel_loop3A_686, %parallel_loop3A_688 : vector<16xi32>
        %parallel_loop3A_690 = arith.constant 32767 : i32
        %parallel_loop3A_691 = vector.broadcast %parallel_loop3A_690 : i32 to vector<16xi32>
        %parallel_loop3A_692 = arith.addi %parallel_loop3A_683, %parallel_loop3A_691 : vector<16xi32>
        %parallel_loop3A_693 = arith.addi %parallel_loop3A_692, %parallel_loop3A_689 : vector<16xi32>
        %parallel_loop3A_694 = arith.constant -65536 : i32
        %parallel_loop3A_695 = vector.broadcast %parallel_loop3A_694 : i32 to vector<16xi32>
        %parallel_loop3A_696 = arith.andi %parallel_loop3A_693, %parallel_loop3A_695 : vector<16xi32>
        %parallel_loop3A_697 = tpu.bitcast %parallel_loop3A_696 : vector<16xi32> -> vector<16xf32>
        %parallel_loop3A_698 = arith.constant 2048 : i32
        %parallel_loop3A_699 = arith.addi %parallel_loop3A_698, %parallel_loop3A_655 : i32
        %parallel_loop3A_700 = arith.index_cast %parallel_loop3A_699 : i32 to index
        %parallel_loop3A_701 = tpu.vector_load %arg11[%parallel_loop3A_700] {strides = array<i32>} : memref<3072xf32, #tpu.memory_space<vmem>>, vector<16xf32>,
        %parallel_loop3A_702 = arith.addf %parallel_loop3A_701, %gather3A_650 : vector<16xf32>
        %parallel_loop3A_703 = arith.subf %parallel_loop3A_702, %gather3A_223 : vector<16xf32>
        %parallel_loop3A_704 = tpu.bitcast %parallel_loop3A_703 : vector<16xf32> -> vector<16xi32>
        %parallel_loop3A_705 = arith.constant 16 : i32
        %parallel_loop3A_706 = vector.broadcast %parallel_loop3A_705 : i32 to vector<16xi32>
        %parallel_loop3A_707 = arith.shrui %parallel_loop3A_704, %parallel_loop3A_706 : vector<16xi32>
        %parallel_loop3A_708 = arith.constant 1 : i32
        %parallel_loop3A_709 = vector.broadcast %parallel_loop3A_708 : i32 to vector<16xi32>
        %parallel_loop3A_710 = arith.andi %parallel_loop3A_707, %parallel_loop3A_709 : vector<16xi32>
        %parallel_loop3A_711 = arith.constant 32767 : i32
        %parallel_loop3A_712 = vector.broadcast %parallel_loop3A_711 : i32 to vector<16xi32>
        %parallel_loop3A_713 = arith.addi %parallel_loop3A_704, %parallel_loop3A_712 : vector<16xi32>
        %parallel_loop3A_714 = arith.addi %parallel_loop3A_713, %parallel_loop3A_710 : vector<16xi32>
        %parallel_loop3A_715 = arith.constant -65536 : i32
        %parallel_loop3A_716 = vector.broadcast %parallel_loop3A_715 : i32 to vector<16xi32>
        %parallel_loop3A_717 = arith.andi %parallel_loop3A_714, %parallel_loop3A_716 : vector<16xi32>
        %parallel_loop3A_718 = tpu.bitcast %parallel_loop3A_717 : vector<16xi32> -> vector<16xf32>
        %parallel_loop3A_719 = arith.mulf %gather3A_157, %parallel_loop3A_676 : vector<16xf32>
        %parallel_loop3A_720 = arith.mulf %gather3A_175, %parallel_loop3A_697 : vector<16xf32>
        %parallel_loop3A_721 = arith.addf %parallel_loop3A_719, %parallel_loop3A_720 : vector<16xf32>
        %parallel_loop3A_722 = arith.mulf %gather3A_193, %parallel_loop3A_718 : vector<16xf32>
        %parallel_loop3A_723 = arith.addf %parallel_loop3A_721, %parallel_loop3A_722 : vector<16xf32>
        %parallel_loop3A_724 = arith.mulf %gather3A_163, %parallel_loop3A_676 : vector<16xf32>
        %parallel_loop3A_725 = arith.mulf %gather3A_181, %parallel_loop3A_697 : vector<16xf32>
        %parallel_loop3A_726 = arith.addf %parallel_loop3A_724, %parallel_loop3A_725 : vector<16xf32>
        %parallel_loop3A_727 = arith.mulf %gather3A_199, %parallel_loop3A_718 : vector<16xf32>
        %parallel_loop3A_728 = arith.addf %parallel_loop3A_726, %parallel_loop3A_727 : vector<16xf32>
        %parallel_loop3A_729 = arith.mulf %gather3A_169, %parallel_loop3A_676 : vector<16xf32>
        %parallel_loop3A_730 = arith.mulf %gather3A_187, %parallel_loop3A_697 : vector<16xf32>
        %parallel_loop3A_731 = arith.addf %parallel_loop3A_729, %parallel_loop3A_730 : vector<16xf32>
        %parallel_loop3A_732 = arith.mulf %gather3A_205, %parallel_loop3A_718 : vector<16xf32>
        %parallel_loop3A_733 = arith.addf %parallel_loop3A_731, %parallel_loop3A_732 : vector<16xf32>
        %parallel_loop3A_734 = arith.mulf %parallel_loop3A_723, %gather3A_229 : vector<16xf32>
        %parallel_loop3A_735 = arith.constant 3.200000e+01 : f32
        %parallel_loop3A_736 = vector.broadcast %parallel_loop3A_735 : f32 to vector<16xf32>
        %parallel_loop3A_737 = arith.addf %parallel_loop3A_734, %parallel_loop3A_736 : vector<16xf32>
        %parallel_loop3A_738 = arith.mulf %parallel_loop3A_728, %gather3A_229 : vector<16xf32>
        %parallel_loop3A_739 = arith.constant 3.200000e+01 : f32
        %parallel_loop3A_740 = vector.broadcast %parallel_loop3A_739 : f32 to vector<16xf32>
        %parallel_loop3A_741 = arith.addf %parallel_loop3A_738, %parallel_loop3A_740 : vector<16xf32>
        %parallel_loop3A_742 = arith.mulf %parallel_loop3A_733, %gather3A_229 : vector<16xf32>
        %parallel_loop3A_743 = arith.constant 3.200000e+01 : f32
        %parallel_loop3A_744 = vector.broadcast %parallel_loop3A_743 : f32 to vector<16xf32>
        %parallel_loop3A_745 = arith.addf %parallel_loop3A_742, %parallel_loop3A_744 : vector<16xf32>
        %parallel_loop3A_746 = arith.constant 3.150000e+01 : f32
        %parallel_loop3A_747 = vector.broadcast %parallel_loop3A_746 : f32 to vector<16xf32>
        %parallel_loop3A_748 = arith.maximumf %parallel_loop3A_737, %parallel_loop3A_747 : vector<16xf32>
        %parallel_loop3A_749 = arith.constant 6.400000e+01 : f32
        %parallel_loop3A_750 = vector.broadcast %parallel_loop3A_749 : f32 to vector<16xf32>
        %parallel_loop3A_751 = arith.minimumf %parallel_loop3A_748, %parallel_loop3A_750 : vector<16xf32>
        %parallel_loop3A_752 = arith.constant 3.150000e+01 : f32
        %parallel_loop3A_753 = vector.broadcast %parallel_loop3A_752 : f32 to vector<16xf32>
        %parallel_loop3A_754 = arith.maximumf %parallel_loop3A_741, %parallel_loop3A_753 : vector<16xf32>
        %parallel_loop3A_755 = arith.constant 6.400000e+01 : f32
        %parallel_loop3A_756 = vector.broadcast %parallel_loop3A_755 : f32 to vector<16xf32>
        %parallel_loop3A_757 = arith.minimumf %parallel_loop3A_754, %parallel_loop3A_756 : vector<16xf32>
        %parallel_loop3A_758 = arith.constant 3.150000e+01 : f32
        %parallel_loop3A_759 = vector.broadcast %parallel_loop3A_758 : f32 to vector<16xf32>
        %parallel_loop3A_760 = arith.maximumf %parallel_loop3A_745, %parallel_loop3A_759 : vector<16xf32>
        %parallel_loop3A_761 = arith.constant 6.400000e+01 : f32
        %parallel_loop3A_762 = vector.broadcast %parallel_loop3A_761 : f32 to vector<16xf32>
        %parallel_loop3A_763 = arith.minimumf %parallel_loop3A_760, %parallel_loop3A_762 : vector<16xf32>
        %parallel_loop3A_764 = arith.fptosi %parallel_loop3A_751 : vector<16xf32> to vector<16xi32>
        %parallel_loop3A_765 = arith.fptosi %parallel_loop3A_757 : vector<16xf32> to vector<16xi32>
        %parallel_loop3A_766 = arith.fptosi %parallel_loop3A_763 : vector<16xf32> to vector<16xi32>
        %parallel_loop3A_767 = arith.constant 1156 : i32
        %parallel_loop3A_768 = vector.broadcast %parallel_loop3A_767 : i32 to vector<16xi32>
        %parallel_loop3A_769 = arith.muli %parallel_loop3A_764, %parallel_loop3A_768 : vector<16xi32>
        %parallel_loop3A_770 = arith.constant 34 : i32
        %parallel_loop3A_771 = vector.broadcast %parallel_loop3A_770 : i32 to vector<16xi32>
        %parallel_loop3A_772 = arith.muli %parallel_loop3A_765, %parallel_loop3A_771 : vector<16xi32>
        %parallel_loop3A_773 = arith.addi %parallel_loop3A_769, %parallel_loop3A_772 : vector<16xi32>
        %parallel_loop3A_774 = arith.addi %parallel_loop3A_773, %parallel_loop3A_766 : vector<16xi32>
        %parallel_loop3A_775 = arith.addi %parallel_loop3A_774, %gather3A_239 : vector<16xi32>
        %parallel_loop3A_776 = tpu.vector_load_idx %arg8[%parallel_loop3A_775] : memref<78608xi32, #tpu.memory_space<vmem>>[vector<16xi32>], vector<16xi32>,
        %parallel_loop3A_777 = arith.shrui %parallel_loop3A_776, %gather3A_245 : vector<16xi32>
        %parallel_loop3A_778 = arith.constant 16 : i32
        %parallel_loop3A_779 = vector.broadcast %parallel_loop3A_778 : i32 to vector<16xi32>
        %parallel_loop3A_780 = arith.shli %parallel_loop3A_777, %parallel_loop3A_779 : vector<16xi32>
        %parallel_loop3A_781 = tpu.bitcast %parallel_loop3A_780 : vector<16xi32> -> vector<16xf32>
        %parallel_loop3A_782 = arith.mulf %parallel_loop3A_781, %gather3A_235 : vector<16xf32>
        %parallel_loop3A_783 = arith.constant 1024 : i32
        %parallel_loop3A_784 = arith.muli %scan3A_638, %parallel_loop3A_783 : i32
        %parallel_loop3A_785 = arith.addi %parallel_loop3A_784, %parallel_loop3A_655 : i32
        %parallel_loop3A_786 = arith.index_cast %parallel_loop3A_785 : i32 to index
        %parallel_loop3A_787 = tpu.vector_load %arg12[%parallel_loop3A_786] {strides = array<i32>} : memref<27648xf32, #tpu.memory_space<vmem>>, vector<16xf32>,
        %parallel_loop3A_788 = arith.minimumf %parallel_loop3A_787, %parallel_loop3A_782 : vector<16xf32>
        %parallel_loop3A_789 = arith.index_cast %parallel_loop3A_785 : i32 to index
        %parallel_loop3A_790 = tpu.vector_load %arg12[%parallel_loop3A_789] {strides = array<i32>} : memref<27648xf32, #tpu.memory_space<vmem>>, vector<16xf32>,
        tpu.vector_store %arg12[%parallel_loop3A_789], %parallel_loop3A_788 {strides = array<i32>} : memref<27648xf32, #tpu.memory_space<vmem>>, vector<16xf32>,
      } {sc.loop_unroll_factor = 4 : i64, sc.parallel_access}
    }
    %scan3A_250 = arith.constant 27 : i32
    %add3A_251 = arith.constant 0 : i32
    %add3A_252 = arith.addi %add3A_251, %mul3A_34 : i32
    %add3A_253 = arith.constant 2 : i32
    %add3A_254 = arith.addi %add3A_252, %add3A_253 : i32
    %broadcast_in_dim3A_255 = vector.broadcast %add3A_254 : i32 to vector<16xi32>
    %gather3A_256 = tpu.vector_load_idx %arg9[%broadcast_in_dim3A_255] : memref<448xf32, #tpu.memory_space<vmem>>[vector<16xi32>], vector<16xf32>,
    %add3A_257 = arith.constant 32 : i32
    %add3A_258 = arith.addi %add3A_257, %mul3A_34 : i32
    %add3A_259 = arith.constant 2 : i32
    %add3A_260 = arith.addi %add3A_258, %add3A_259 : i32
    %broadcast_in_dim3A_261 = vector.broadcast %add3A_260 : i32 to vector<16xi32>
    %gather3A_262 = tpu.vector_load_idx %arg9[%broadcast_in_dim3A_261] : memref<448xf32, #tpu.memory_space<vmem>>[vector<16xi32>], vector<16xf32>,
    %add3A_263 = arith.constant 64 : i32
    %add3A_264 = arith.addi %add3A_263, %mul3A_34 : i32
    %add3A_265 = arith.constant 2 : i32
    %add3A_266 = arith.addi %add3A_264, %add3A_265 : i32
    %broadcast_in_dim3A_267 = vector.broadcast %add3A_266 : i32 to vector<16xi32>
    %gather3A_268 = tpu.vector_load_idx %arg9[%broadcast_in_dim3A_267] : memref<448xf32, #tpu.memory_space<vmem>>[vector<16xi32>], vector<16xf32>,
    %add3A_269 = arith.constant 96 : i32
    %add3A_270 = arith.addi %add3A_269, %mul3A_34 : i32
    %add3A_271 = arith.constant 2 : i32
    %add3A_272 = arith.addi %add3A_270, %add3A_271 : i32
    %broadcast_in_dim3A_273 = vector.broadcast %add3A_272 : i32 to vector<16xi32>
    %gather3A_274 = tpu.vector_load_idx %arg9[%broadcast_in_dim3A_273] : memref<448xf32, #tpu.memory_space<vmem>>[vector<16xi32>], vector<16xf32>,
    %add3A_275 = arith.constant 128 : i32
    %add3A_276 = arith.addi %add3A_275, %mul3A_34 : i32
    %add3A_277 = arith.constant 2 : i32
    %add3A_278 = arith.addi %add3A_276, %add3A_277 : i32
    %broadcast_in_dim3A_279 = vector.broadcast %add3A_278 : i32 to vector<16xi32>
    %gather3A_280 = tpu.vector_load_idx %arg9[%broadcast_in_dim3A_279] : memref<448xf32, #tpu.memory_space<vmem>>[vector<16xi32>], vector<16xf32>,
    %add3A_281 = arith.constant 160 : i32
    %add3A_282 = arith.addi %add3A_281, %mul3A_34 : i32
    %add3A_283 = arith.constant 2 : i32
    %add3A_284 = arith.addi %add3A_282, %add3A_283 : i32
    %broadcast_in_dim3A_285 = vector.broadcast %add3A_284 : i32 to vector<16xi32>
    %gather3A_286 = tpu.vector_load_idx %arg9[%broadcast_in_dim3A_285] : memref<448xf32, #tpu.memory_space<vmem>>[vector<16xi32>], vector<16xf32>,
    %add3A_287 = arith.constant 192 : i32
    %add3A_288 = arith.addi %add3A_287, %mul3A_34 : i32
    %add3A_289 = arith.constant 2 : i32
    %add3A_290 = arith.addi %add3A_288, %add3A_289 : i32
    %broadcast_in_dim3A_291 = vector.broadcast %add3A_290 : i32 to vector<16xi32>
    %gather3A_292 = tpu.vector_load_idx %arg9[%broadcast_in_dim3A_291] : memref<448xf32, #tpu.memory_space<vmem>>[vector<16xi32>], vector<16xf32>,
    %add3A_293 = arith.constant 224 : i32
    %add3A_294 = arith.addi %add3A_293, %mul3A_34 : i32
    %add3A_295 = arith.constant 2 : i32
    %add3A_296 = arith.addi %add3A_294, %add3A_295 : i32
    %broadcast_in_dim3A_297 = vector.broadcast %add3A_296 : i32 to vector<16xi32>
    %gather3A_298 = tpu.vector_load_idx %arg9[%broadcast_in_dim3A_297] : memref<448xf32, #tpu.memory_space<vmem>>[vector<16xi32>], vector<16xf32>,
    %add3A_299 = arith.constant 256 : i32
    %add3A_300 = arith.addi %add3A_299, %mul3A_34 : i32
    %add3A_301 = arith.constant 2 : i32
    %add3A_302 = arith.addi %add3A_300, %add3A_301 : i32
    %broadcast_in_dim3A_303 = vector.broadcast %add3A_302 : i32 to vector<16xi32>
    %gather3A_304 = tpu.vector_load_idx %arg9[%broadcast_in_dim3A_303] : memref<448xf32, #tpu.memory_space<vmem>>[vector<16xi32>], vector<16xf32>,
    %add3A_305 = arith.constant 288 : i32
    %add3A_306 = arith.addi %add3A_305, %mul3A_34 : i32
    %add3A_307 = arith.constant 2 : i32
    %add3A_308 = arith.addi %add3A_306, %add3A_307 : i32
    %broadcast_in_dim3A_309 = vector.broadcast %add3A_308 : i32 to vector<16xi32>
    %gather3A_310 = tpu.vector_load_idx %arg9[%broadcast_in_dim3A_309] : memref<448xf32, #tpu.memory_space<vmem>>[vector<16xi32>], vector<16xf32>,
    %add3A_311 = arith.constant 320 : i32
    %add3A_312 = arith.addi %add3A_311, %mul3A_34 : i32
    %add3A_313 = arith.constant 2 : i32
    %add3A_314 = arith.addi %add3A_312, %add3A_313 : i32
    %broadcast_in_dim3A_315 = vector.broadcast %add3A_314 : i32 to vector<16xi32>
    %gather3A_316 = tpu.vector_load_idx %arg9[%broadcast_in_dim3A_315] : memref<448xf32, #tpu.memory_space<vmem>>[vector<16xi32>], vector<16xf32>,
    %add3A_317 = arith.constant 352 : i32
    %add3A_318 = arith.addi %add3A_317, %mul3A_34 : i32
    %add3A_319 = arith.constant 2 : i32
    %add3A_320 = arith.addi %add3A_318, %add3A_319 : i32
    %broadcast_in_dim3A_321 = vector.broadcast %add3A_320 : i32 to vector<16xi32>
    %gather3A_322 = tpu.vector_load_idx %arg9[%broadcast_in_dim3A_321] : memref<448xf32, #tpu.memory_space<vmem>>[vector<16xi32>], vector<16xf32>,
    %add3A_323 = arith.constant 384 : i32
    %add3A_324 = arith.addi %add3A_323, %mul3A_34 : i32
    %add3A_325 = arith.constant 2 : i32
    %add3A_326 = arith.addi %add3A_324, %add3A_325 : i32
    %broadcast_in_dim3A_327 = vector.broadcast %add3A_326 : i32 to vector<16xi32>
    %gather3A_328 = tpu.vector_load_idx %arg9[%broadcast_in_dim3A_327] : memref<448xf32, #tpu.memory_space<vmem>>[vector<16xi32>], vector<16xf32>,
    %add3A_329 = arith.constant 416 : i32
    %add3A_330 = arith.addi %add3A_329, %mul3A_34 : i32
    %add3A_331 = arith.constant 2 : i32
    %add3A_332 = arith.addi %add3A_330, %add3A_331 : i32
    %broadcast_in_dim3A_333 = vector.broadcast %add3A_332 : i32 to vector<16xi32>
    %gather3A_334 = tpu.vector_load_idx %arg9[%broadcast_in_dim3A_333] : memref<448xf32, #tpu.memory_space<vmem>>[vector<16xi32>], vector<16xf32>,
    %add3A_335 = arith.constant 2 : i32
    %add3A_336 = arith.addi %mul3A_34, %add3A_335 : i32
    %broadcast_in_dim3A_337 = vector.broadcast %add3A_336 : i32 to vector<16xi32>
    %gather3A_338 = tpu.vector_load_idx %arg10[%broadcast_in_dim3A_337] : memref<64xi32, #tpu.memory_space<vmem>>[vector<16xi32>], vector<16xi32>,
    %add3A_339 = arith.constant 32 : i32
    %add3A_340 = arith.addi %add3A_339, %mul3A_34 : i32
    %add3A_341 = arith.constant 2 : i32
    %add3A_342 = arith.addi %add3A_340, %add3A_341 : i32
    %broadcast_in_dim3A_343 = vector.broadcast %add3A_342 : i32 to vector<16xi32>
    %gather3A_344 = tpu.vector_load_idx %arg10[%broadcast_in_dim3A_343] : memref<64xi32, #tpu.memory_space<vmem>>[vector<16xi32>], vector<16xi32>,
    %scan3A_345 = arith.constant 0 : i32
    %scan3A_346 = arith.constant 27 : i32
    %scan3A_347 = arith.addi %scan3A_345, %scan3A_346 : i32
    %scan3A_348 = arith.constant 1 : i32
    scf.for %scan3A_638 = %scan3A_345 to %scan3A_347 step %scan3A_348  : i32 {
      %add3A_639 = arith.constant 0 : i32
      %add3A_640 = arith.addi %add3A_639, %scan3A_638 : i32
      %broadcast_in_dim3A_641 = vector.broadcast %add3A_640 : i32 to vector<16xi32>
      %gather3A_642 = tpu.vector_load_idx %arg13[%broadcast_in_dim3A_641] : memref<81xf32, #tpu.memory_space<vmem>>[vector<16xi32>], vector<16xf32>,
      %add3A_643 = arith.constant 27 : i32
      %add3A_644 = arith.addi %add3A_643, %scan3A_638 : i32
      %broadcast_in_dim3A_645 = vector.broadcast %add3A_644 : i32 to vector<16xi32>
      %gather3A_646 = tpu.vector_load_idx %arg13[%broadcast_in_dim3A_645] : memref<81xf32, #tpu.memory_space<vmem>>[vector<16xi32>], vector<16xf32>,
      %add3A_647 = arith.constant 54 : i32
      %add3A_648 = arith.addi %add3A_647, %scan3A_638 : i32
      %broadcast_in_dim3A_649 = vector.broadcast %add3A_648 : i32 to vector<16xi32>
      %gather3A_650 = tpu.vector_load_idx %arg13[%broadcast_in_dim3A_649] : memref<81xf32, #tpu.memory_space<vmem>>[vector<16xi32>], vector<16xf32>,
      %parallel_loop3A = arith.constant 0 : i32
      %parallel_loop3A_651 = arith.constant 64 : i32
      %parallel_loop3A_652 = arith.constant 1 : i32
      scf.for %parallel_loop3A_653 = %parallel_loop3A to %parallel_loop3A_651 step %parallel_loop3A_652  : i32 {
        %parallel_loop3A_654 = arith.constant 16 : i32
        %parallel_loop3A_655 = arith.muli %parallel_loop3A_653, %parallel_loop3A_654 : i32
        %parallel_loop3A_656 = arith.constant 0 : i32
        %parallel_loop3A_657 = arith.addi %parallel_loop3A_656, %parallel_loop3A_655 : i32
        %parallel_loop3A_658 = arith.index_cast %parallel_loop3A_657 : i32 to index
        %parallel_loop3A_659 = tpu.vector_load %arg11[%parallel_loop3A_658] {strides = array<i32>} : memref<3072xf32, #tpu.memory_space<vmem>>, vector<16xf32>,
        %parallel_loop3A_660 = arith.addf %parallel_loop3A_659, %gather3A_642 : vector<16xf32>
        %parallel_loop3A_661 = arith.subf %parallel_loop3A_660, %gather3A_310 : vector<16xf32>
        %parallel_loop3A_662 = tpu.bitcast %parallel_loop3A_661 : vector<16xf32> -> vector<16xi32>
        %parallel_loop3A_663 = arith.constant 16 : i32
        %parallel_loop3A_664 = vector.broadcast %parallel_loop3A_663 : i32 to vector<16xi32>
        %parallel_loop3A_665 = arith.shrui %parallel_loop3A_662, %parallel_loop3A_664 : vector<16xi32>
        %parallel_loop3A_666 = arith.constant 1 : i32
        %parallel_loop3A_667 = vector.broadcast %parallel_loop3A_666 : i32 to vector<16xi32>
        %parallel_loop3A_668 = arith.andi %parallel_loop3A_665, %parallel_loop3A_667 : vector<16xi32>
        %parallel_loop3A_669 = arith.constant 32767 : i32
        %parallel_loop3A_670 = vector.broadcast %parallel_loop3A_669 : i32 to vector<16xi32>
        %parallel_loop3A_671 = arith.addi %parallel_loop3A_662, %parallel_loop3A_670 : vector<16xi32>
        %parallel_loop3A_672 = arith.addi %parallel_loop3A_671, %parallel_loop3A_668 : vector<16xi32>
        %parallel_loop3A_673 = arith.constant -65536 : i32
        %parallel_loop3A_674 = vector.broadcast %parallel_loop3A_673 : i32 to vector<16xi32>
        %parallel_loop3A_675 = arith.andi %parallel_loop3A_672, %parallel_loop3A_674 : vector<16xi32>
        %parallel_loop3A_676 = tpu.bitcast %parallel_loop3A_675 : vector<16xi32> -> vector<16xf32>
        %parallel_loop3A_677 = arith.constant 1024 : i32
        %parallel_loop3A_678 = arith.addi %parallel_loop3A_677, %parallel_loop3A_655 : i32
        %parallel_loop3A_679 = arith.index_cast %parallel_loop3A_678 : i32 to index
        %parallel_loop3A_680 = tpu.vector_load %arg11[%parallel_loop3A_679] {strides = array<i32>} : memref<3072xf32, #tpu.memory_space<vmem>>, vector<16xf32>,
        %parallel_loop3A_681 = arith.addf %parallel_loop3A_680, %gather3A_646 : vector<16xf32>
        %parallel_loop3A_682 = arith.subf %parallel_loop3A_681, %gather3A_316 : vector<16xf32>
        %parallel_loop3A_683 = tpu.bitcast %parallel_loop3A_682 : vector<16xf32> -> vector<16xi32>
        %parallel_loop3A_684 = arith.constant 16 : i32
        %parallel_loop3A_685 = vector.broadcast %parallel_loop3A_684 : i32 to vector<16xi32>
        %parallel_loop3A_686 = arith.shrui %parallel_loop3A_683, %parallel_loop3A_685 : vector<16xi32>
        %parallel_loop3A_687 = arith.constant 1 : i32
        %parallel_loop3A_688 = vector.broadcast %parallel_loop3A_687 : i32 to vector<16xi32>
        %parallel_loop3A_689 = arith.andi %parallel_loop3A_686, %parallel_loop3A_688 : vector<16xi32>
        %parallel_loop3A_690 = arith.constant 32767 : i32
        %parallel_loop3A_691 = vector.broadcast %parallel_loop3A_690 : i32 to vector<16xi32>
        %parallel_loop3A_692 = arith.addi %parallel_loop3A_683, %parallel_loop3A_691 : vector<16xi32>
        %parallel_loop3A_693 = arith.addi %parallel_loop3A_692, %parallel_loop3A_689 : vector<16xi32>
        %parallel_loop3A_694 = arith.constant -65536 : i32
        %parallel_loop3A_695 = vector.broadcast %parallel_loop3A_694 : i32 to vector<16xi32>
        %parallel_loop3A_696 = arith.andi %parallel_loop3A_693, %parallel_loop3A_695 : vector<16xi32>
        %parallel_loop3A_697 = tpu.bitcast %parallel_loop3A_696 : vector<16xi32> -> vector<16xf32>
        %parallel_loop3A_698 = arith.constant 2048 : i32
        %parallel_loop3A_699 = arith.addi %parallel_loop3A_698, %parallel_loop3A_655 : i32
        %parallel_loop3A_700 = arith.index_cast %parallel_loop3A_699 : i32 to index
        %parallel_loop3A_701 = tpu.vector_load %arg11[%parallel_loop3A_700] {strides = array<i32>} : memref<3072xf32, #tpu.memory_space<vmem>>, vector<16xf32>,
        %parallel_loop3A_702 = arith.addf %parallel_loop3A_701, %gather3A_650 : vector<16xf32>
        %parallel_loop3A_703 = arith.subf %parallel_loop3A_702, %gather3A_322 : vector<16xf32>
        %parallel_loop3A_704 = tpu.bitcast %parallel_loop3A_703 : vector<16xf32> -> vector<16xi32>
        %parallel_loop3A_705 = arith.constant 16 : i32
        %parallel_loop3A_706 = vector.broadcast %parallel_loop3A_705 : i32 to vector<16xi32>
        %parallel_loop3A_707 = arith.shrui %parallel_loop3A_704, %parallel_loop3A_706 : vector<16xi32>
        %parallel_loop3A_708 = arith.constant 1 : i32
        %parallel_loop3A_709 = vector.broadcast %parallel_loop3A_708 : i32 to vector<16xi32>
        %parallel_loop3A_710 = arith.andi %parallel_loop3A_707, %parallel_loop3A_709 : vector<16xi32>
        %parallel_loop3A_711 = arith.constant 32767 : i32
        %parallel_loop3A_712 = vector.broadcast %parallel_loop3A_711 : i32 to vector<16xi32>
        %parallel_loop3A_713 = arith.addi %parallel_loop3A_704, %parallel_loop3A_712 : vector<16xi32>
        %parallel_loop3A_714 = arith.addi %parallel_loop3A_713, %parallel_loop3A_710 : vector<16xi32>
        %parallel_loop3A_715 = arith.constant -65536 : i32
        %parallel_loop3A_716 = vector.broadcast %parallel_loop3A_715 : i32 to vector<16xi32>
        %parallel_loop3A_717 = arith.andi %parallel_loop3A_714, %parallel_loop3A_716 : vector<16xi32>
        %parallel_loop3A_718 = tpu.bitcast %parallel_loop3A_717 : vector<16xi32> -> vector<16xf32>
        %parallel_loop3A_719 = arith.mulf %gather3A_256, %parallel_loop3A_676 : vector<16xf32>
        %parallel_loop3A_720 = arith.mulf %gather3A_274, %parallel_loop3A_697 : vector<16xf32>
        %parallel_loop3A_721 = arith.addf %parallel_loop3A_719, %parallel_loop3A_720 : vector<16xf32>
        %parallel_loop3A_722 = arith.mulf %gather3A_292, %parallel_loop3A_718 : vector<16xf32>
        %parallel_loop3A_723 = arith.addf %parallel_loop3A_721, %parallel_loop3A_722 : vector<16xf32>
        %parallel_loop3A_724 = arith.mulf %gather3A_262, %parallel_loop3A_676 : vector<16xf32>
        %parallel_loop3A_725 = arith.mulf %gather3A_280, %parallel_loop3A_697 : vector<16xf32>
        %parallel_loop3A_726 = arith.addf %parallel_loop3A_724, %parallel_loop3A_725 : vector<16xf32>
        %parallel_loop3A_727 = arith.mulf %gather3A_298, %parallel_loop3A_718 : vector<16xf32>
        %parallel_loop3A_728 = arith.addf %parallel_loop3A_726, %parallel_loop3A_727 : vector<16xf32>
        %parallel_loop3A_729 = arith.mulf %gather3A_268, %parallel_loop3A_676 : vector<16xf32>
        %parallel_loop3A_730 = arith.mulf %gather3A_286, %parallel_loop3A_697 : vector<16xf32>
        %parallel_loop3A_731 = arith.addf %parallel_loop3A_729, %parallel_loop3A_730 : vector<16xf32>
        %parallel_loop3A_732 = arith.mulf %gather3A_304, %parallel_loop3A_718 : vector<16xf32>
        %parallel_loop3A_733 = arith.addf %parallel_loop3A_731, %parallel_loop3A_732 : vector<16xf32>
        %parallel_loop3A_734 = arith.mulf %parallel_loop3A_723, %gather3A_328 : vector<16xf32>
        %parallel_loop3A_735 = arith.constant 3.200000e+01 : f32
        %parallel_loop3A_736 = vector.broadcast %parallel_loop3A_735 : f32 to vector<16xf32>
        %parallel_loop3A_737 = arith.addf %parallel_loop3A_734, %parallel_loop3A_736 : vector<16xf32>
        %parallel_loop3A_738 = arith.mulf %parallel_loop3A_728, %gather3A_328 : vector<16xf32>
        %parallel_loop3A_739 = arith.constant 3.200000e+01 : f32
        %parallel_loop3A_740 = vector.broadcast %parallel_loop3A_739 : f32 to vector<16xf32>
        %parallel_loop3A_741 = arith.addf %parallel_loop3A_738, %parallel_loop3A_740 : vector<16xf32>
        %parallel_loop3A_742 = arith.mulf %parallel_loop3A_733, %gather3A_328 : vector<16xf32>
        %parallel_loop3A_743 = arith.constant 3.200000e+01 : f32
        %parallel_loop3A_744 = vector.broadcast %parallel_loop3A_743 : f32 to vector<16xf32>
        %parallel_loop3A_745 = arith.addf %parallel_loop3A_742, %parallel_loop3A_744 : vector<16xf32>
        %parallel_loop3A_746 = arith.constant 3.150000e+01 : f32
        %parallel_loop3A_747 = vector.broadcast %parallel_loop3A_746 : f32 to vector<16xf32>
        %parallel_loop3A_748 = arith.maximumf %parallel_loop3A_737, %parallel_loop3A_747 : vector<16xf32>
        %parallel_loop3A_749 = arith.constant 6.400000e+01 : f32
        %parallel_loop3A_750 = vector.broadcast %parallel_loop3A_749 : f32 to vector<16xf32>
        %parallel_loop3A_751 = arith.minimumf %parallel_loop3A_748, %parallel_loop3A_750 : vector<16xf32>
        %parallel_loop3A_752 = arith.constant 3.150000e+01 : f32
        %parallel_loop3A_753 = vector.broadcast %parallel_loop3A_752 : f32 to vector<16xf32>
        %parallel_loop3A_754 = arith.maximumf %parallel_loop3A_741, %parallel_loop3A_753 : vector<16xf32>
        %parallel_loop3A_755 = arith.constant 6.400000e+01 : f32
        %parallel_loop3A_756 = vector.broadcast %parallel_loop3A_755 : f32 to vector<16xf32>
        %parallel_loop3A_757 = arith.minimumf %parallel_loop3A_754, %parallel_loop3A_756 : vector<16xf32>
        %parallel_loop3A_758 = arith.constant 3.150000e+01 : f32
        %parallel_loop3A_759 = vector.broadcast %parallel_loop3A_758 : f32 to vector<16xf32>
        %parallel_loop3A_760 = arith.maximumf %parallel_loop3A_745, %parallel_loop3A_759 : vector<16xf32>
        %parallel_loop3A_761 = arith.constant 6.400000e+01 : f32
        %parallel_loop3A_762 = vector.broadcast %parallel_loop3A_761 : f32 to vector<16xf32>
        %parallel_loop3A_763 = arith.minimumf %parallel_loop3A_760, %parallel_loop3A_762 : vector<16xf32>
        %parallel_loop3A_764 = arith.fptosi %parallel_loop3A_751 : vector<16xf32> to vector<16xi32>
        %parallel_loop3A_765 = arith.fptosi %parallel_loop3A_757 : vector<16xf32> to vector<16xi32>
        %parallel_loop3A_766 = arith.fptosi %parallel_loop3A_763 : vector<16xf32> to vector<16xi32>
        %parallel_loop3A_767 = arith.constant 1156 : i32
        %parallel_loop3A_768 = vector.broadcast %parallel_loop3A_767 : i32 to vector<16xi32>
        %parallel_loop3A_769 = arith.muli %parallel_loop3A_764, %parallel_loop3A_768 : vector<16xi32>
        %parallel_loop3A_770 = arith.constant 34 : i32
        %parallel_loop3A_771 = vector.broadcast %parallel_loop3A_770 : i32 to vector<16xi32>
        %parallel_loop3A_772 = arith.muli %parallel_loop3A_765, %parallel_loop3A_771 : vector<16xi32>
        %parallel_loop3A_773 = arith.addi %parallel_loop3A_769, %parallel_loop3A_772 : vector<16xi32>
        %parallel_loop3A_774 = arith.addi %parallel_loop3A_773, %parallel_loop3A_766 : vector<16xi32>
        %parallel_loop3A_775 = arith.addi %parallel_loop3A_774, %gather3A_338 : vector<16xi32>
        %parallel_loop3A_776 = tpu.vector_load_idx %arg8[%parallel_loop3A_775] : memref<78608xi32, #tpu.memory_space<vmem>>[vector<16xi32>], vector<16xi32>,
        %parallel_loop3A_777 = arith.shrui %parallel_loop3A_776, %gather3A_344 : vector<16xi32>
        %parallel_loop3A_778 = arith.constant 16 : i32
        %parallel_loop3A_779 = vector.broadcast %parallel_loop3A_778 : i32 to vector<16xi32>
        %parallel_loop3A_780 = arith.shli %parallel_loop3A_777, %parallel_loop3A_779 : vector<16xi32>
        %parallel_loop3A_781 = tpu.bitcast %parallel_loop3A_780 : vector<16xi32> -> vector<16xf32>
        %parallel_loop3A_782 = arith.mulf %parallel_loop3A_781, %gather3A_334 : vector<16xf32>
        %parallel_loop3A_783 = arith.constant 1024 : i32
        %parallel_loop3A_784 = arith.muli %scan3A_638, %parallel_loop3A_783 : i32
        %parallel_loop3A_785 = arith.addi %parallel_loop3A_784, %parallel_loop3A_655 : i32
        %parallel_loop3A_786 = arith.index_cast %parallel_loop3A_785 : i32 to index
        %parallel_loop3A_787 = tpu.vector_load %arg12[%parallel_loop3A_786] {strides = array<i32>} : memref<27648xf32, #tpu.memory_space<vmem>>, vector<16xf32>,
        %parallel_loop3A_788 = arith.minimumf %parallel_loop3A_787, %parallel_loop3A_782 : vector<16xf32>
        %parallel_loop3A_789 = arith.index_cast %parallel_loop3A_785 : i32 to index
        %parallel_loop3A_790 = tpu.vector_load %arg12[%parallel_loop3A_789] {strides = array<i32>} : memref<27648xf32, #tpu.memory_space<vmem>>, vector<16xf32>,
        tpu.vector_store %arg12[%parallel_loop3A_789], %parallel_loop3A_788 {strides = array<i32>} : memref<27648xf32, #tpu.memory_space<vmem>>, vector<16xf32>,
      } {sc.loop_unroll_factor = 4 : i64, sc.parallel_access}
    }
    %scan3A_349 = arith.constant 27 : i32
    %add3A_350 = arith.constant 0 : i32
    %add3A_351 = arith.addi %add3A_350, %mul3A_34 : i32
    %add3A_352 = arith.constant 3 : i32
    %add3A_353 = arith.addi %add3A_351, %add3A_352 : i32
    %broadcast_in_dim3A_354 = vector.broadcast %add3A_353 : i32 to vector<16xi32>
    %gather3A_355 = tpu.vector_load_idx %arg9[%broadcast_in_dim3A_354] : memref<448xf32, #tpu.memory_space<vmem>>[vector<16xi32>], vector<16xf32>,
    %add3A_356 = arith.constant 32 : i32
    %add3A_357 = arith.addi %add3A_356, %mul3A_34 : i32
    %add3A_358 = arith.constant 3 : i32
    %add3A_359 = arith.addi %add3A_357, %add3A_358 : i32
    %broadcast_in_dim3A_360 = vector.broadcast %add3A_359 : i32 to vector<16xi32>
    %gather3A_361 = tpu.vector_load_idx %arg9[%broadcast_in_dim3A_360] : memref<448xf32, #tpu.memory_space<vmem>>[vector<16xi32>], vector<16xf32>,
    %add3A_362 = arith.constant 64 : i32
    %add3A_363 = arith.addi %add3A_362, %mul3A_34 : i32
    %add3A_364 = arith.constant 3 : i32
    %add3A_365 = arith.addi %add3A_363, %add3A_364 : i32
    %broadcast_in_dim3A_366 = vector.broadcast %add3A_365 : i32 to vector<16xi32>
    %gather3A_367 = tpu.vector_load_idx %arg9[%broadcast_in_dim3A_366] : memref<448xf32, #tpu.memory_space<vmem>>[vector<16xi32>], vector<16xf32>,
    %add3A_368 = arith.constant 96 : i32
    %add3A_369 = arith.addi %add3A_368, %mul3A_34 : i32
    %add3A_370 = arith.constant 3 : i32
    %add3A_371 = arith.addi %add3A_369, %add3A_370 : i32
    %broadcast_in_dim3A_372 = vector.broadcast %add3A_371 : i32 to vector<16xi32>
    %gather3A_373 = tpu.vector_load_idx %arg9[%broadcast_in_dim3A_372] : memref<448xf32, #tpu.memory_space<vmem>>[vector<16xi32>], vector<16xf32>,
    %add3A_374 = arith.constant 128 : i32
    %add3A_375 = arith.addi %add3A_374, %mul3A_34 : i32
    %add3A_376 = arith.constant 3 : i32
    %add3A_377 = arith.addi %add3A_375, %add3A_376 : i32
    %broadcast_in_dim3A_378 = vector.broadcast %add3A_377 : i32 to vector<16xi32>
    %gather3A_379 = tpu.vector_load_idx %arg9[%broadcast_in_dim3A_378] : memref<448xf32, #tpu.memory_space<vmem>>[vector<16xi32>], vector<16xf32>,
    %add3A_380 = arith.constant 160 : i32
    %add3A_381 = arith.addi %add3A_380, %mul3A_34 : i32
    %add3A_382 = arith.constant 3 : i32
    %add3A_383 = arith.addi %add3A_381, %add3A_382 : i32
    %broadcast_in_dim3A_384 = vector.broadcast %add3A_383 : i32 to vector<16xi32>
    %gather3A_385 = tpu.vector_load_idx %arg9[%broadcast_in_dim3A_384] : memref<448xf32, #tpu.memory_space<vmem>>[vector<16xi32>], vector<16xf32>,
    %add3A_386 = arith.constant 192 : i32
    %add3A_387 = arith.addi %add3A_386, %mul3A_34 : i32
    %add3A_388 = arith.constant 3 : i32
    %add3A_389 = arith.addi %add3A_387, %add3A_388 : i32
    %broadcast_in_dim3A_390 = vector.broadcast %add3A_389 : i32 to vector<16xi32>
    %gather3A_391 = tpu.vector_load_idx %arg9[%broadcast_in_dim3A_390] : memref<448xf32, #tpu.memory_space<vmem>>[vector<16xi32>], vector<16xf32>,
    %add3A_392 = arith.constant 224 : i32
    %add3A_393 = arith.addi %add3A_392, %mul3A_34 : i32
    %add3A_394 = arith.constant 3 : i32
    %add3A_395 = arith.addi %add3A_393, %add3A_394 : i32
    %broadcast_in_dim3A_396 = vector.broadcast %add3A_395 : i32 to vector<16xi32>
    %gather3A_397 = tpu.vector_load_idx %arg9[%broadcast_in_dim3A_396] : memref<448xf32, #tpu.memory_space<vmem>>[vector<16xi32>], vector<16xf32>,
    %add3A_398 = arith.constant 256 : i32
    %add3A_399 = arith.addi %add3A_398, %mul3A_34 : i32
    %add3A_400 = arith.constant 3 : i32
    %add3A_401 = arith.addi %add3A_399, %add3A_400 : i32
    %broadcast_in_dim3A_402 = vector.broadcast %add3A_401 : i32 to vector<16xi32>
    %gather3A_403 = tpu.vector_load_idx %arg9[%broadcast_in_dim3A_402] : memref<448xf32, #tpu.memory_space<vmem>>[vector<16xi32>], vector<16xf32>,
    %add3A_404 = arith.constant 288 : i32
    %add3A_405 = arith.addi %add3A_404, %mul3A_34 : i32
    %add3A_406 = arith.constant 3 : i32
    %add3A_407 = arith.addi %add3A_405, %add3A_406 : i32
    %broadcast_in_dim3A_408 = vector.broadcast %add3A_407 : i32 to vector<16xi32>
    %gather3A_409 = tpu.vector_load_idx %arg9[%broadcast_in_dim3A_408] : memref<448xf32, #tpu.memory_space<vmem>>[vector<16xi32>], vector<16xf32>,
    %add3A_410 = arith.constant 320 : i32
    %add3A_411 = arith.addi %add3A_410, %mul3A_34 : i32
    %add3A_412 = arith.constant 3 : i32
    %add3A_413 = arith.addi %add3A_411, %add3A_412 : i32
    %broadcast_in_dim3A_414 = vector.broadcast %add3A_413 : i32 to vector<16xi32>
    %gather3A_415 = tpu.vector_load_idx %arg9[%broadcast_in_dim3A_414] : memref<448xf32, #tpu.memory_space<vmem>>[vector<16xi32>], vector<16xf32>,
    %add3A_416 = arith.constant 352 : i32
    %add3A_417 = arith.addi %add3A_416, %mul3A_34 : i32
    %add3A_418 = arith.constant 3 : i32
    %add3A_419 = arith.addi %add3A_417, %add3A_418 : i32
    %broadcast_in_dim3A_420 = vector.broadcast %add3A_419 : i32 to vector<16xi32>
    %gather3A_421 = tpu.vector_load_idx %arg9[%broadcast_in_dim3A_420] : memref<448xf32, #tpu.memory_space<vmem>>[vector<16xi32>], vector<16xf32>,
    %add3A_422 = arith.constant 384 : i32
    %add3A_423 = arith.addi %add3A_422, %mul3A_34 : i32
    %add3A_424 = arith.constant 3 : i32
    %add3A_425 = arith.addi %add3A_423, %add3A_424 : i32
    %broadcast_in_dim3A_426 = vector.broadcast %add3A_425 : i32 to vector<16xi32>
    %gather3A_427 = tpu.vector_load_idx %arg9[%broadcast_in_dim3A_426] : memref<448xf32, #tpu.memory_space<vmem>>[vector<16xi32>], vector<16xf32>,
    %add3A_428 = arith.constant 416 : i32
    %add3A_429 = arith.addi %add3A_428, %mul3A_34 : i32
    %add3A_430 = arith.constant 3 : i32
    %add3A_431 = arith.addi %add3A_429, %add3A_430 : i32
    %broadcast_in_dim3A_432 = vector.broadcast %add3A_431 : i32 to vector<16xi32>
    %gather3A_433 = tpu.vector_load_idx %arg9[%broadcast_in_dim3A_432] : memref<448xf32, #tpu.memory_space<vmem>>[vector<16xi32>], vector<16xf32>,
    %add3A_434 = arith.constant 3 : i32
    %add3A_435 = arith.addi %mul3A_34, %add3A_434 : i32
    %broadcast_in_dim3A_436 = vector.broadcast %add3A_435 : i32 to vector<16xi32>
    %gather3A_437 = tpu.vector_load_idx %arg10[%broadcast_in_dim3A_436] : memref<64xi32, #tpu.memory_space<vmem>>[vector<16xi32>], vector<16xi32>,
    %add3A_438 = arith.constant 32 : i32
    %add3A_439 = arith.addi %add3A_438, %mul3A_34 : i32
    %add3A_440 = arith.constant 3 : i32
    %add3A_441 = arith.addi %add3A_439, %add3A_440 : i32
    %broadcast_in_dim3A_442 = vector.broadcast %add3A_441 : i32 to vector<16xi32>
    %gather3A_443 = tpu.vector_load_idx %arg10[%broadcast_in_dim3A_442] : memref<64xi32, #tpu.memory_space<vmem>>[vector<16xi32>], vector<16xi32>,
    %scan3A_444 = arith.constant 0 : i32
    %scan3A_445 = arith.constant 27 : i32
    %scan3A_446 = arith.addi %scan3A_444, %scan3A_445 : i32
    %scan3A_447 = arith.constant 1 : i32
    scf.for %scan3A_638 = %scan3A_444 to %scan3A_446 step %scan3A_447  : i32 {
      %add3A_639 = arith.constant 0 : i32
      %add3A_640 = arith.addi %add3A_639, %scan3A_638 : i32
      %broadcast_in_dim3A_641 = vector.broadcast %add3A_640 : i32 to vector<16xi32>
      %gather3A_642 = tpu.vector_load_idx %arg13[%broadcast_in_dim3A_641] : memref<81xf32, #tpu.memory_space<vmem>>[vector<16xi32>], vector<16xf32>,
      %add3A_643 = arith.constant 27 : i32
      %add3A_644 = arith.addi %add3A_643, %scan3A_638 : i32
      %broadcast_in_dim3A_645 = vector.broadcast %add3A_644 : i32 to vector<16xi32>
      %gather3A_646 = tpu.vector_load_idx %arg13[%broadcast_in_dim3A_645] : memref<81xf32, #tpu.memory_space<vmem>>[vector<16xi32>], vector<16xf32>,
      %add3A_647 = arith.constant 54 : i32
      %add3A_648 = arith.addi %add3A_647, %scan3A_638 : i32
      %broadcast_in_dim3A_649 = vector.broadcast %add3A_648 : i32 to vector<16xi32>
      %gather3A_650 = tpu.vector_load_idx %arg13[%broadcast_in_dim3A_649] : memref<81xf32, #tpu.memory_space<vmem>>[vector<16xi32>], vector<16xf32>,
      %parallel_loop3A = arith.constant 0 : i32
      %parallel_loop3A_651 = arith.constant 64 : i32
      %parallel_loop3A_652 = arith.constant 1 : i32
      scf.for %parallel_loop3A_653 = %parallel_loop3A to %parallel_loop3A_651 step %parallel_loop3A_652  : i32 {
        %parallel_loop3A_654 = arith.constant 16 : i32
        %parallel_loop3A_655 = arith.muli %parallel_loop3A_653, %parallel_loop3A_654 : i32
        %parallel_loop3A_656 = arith.constant 0 : i32
        %parallel_loop3A_657 = arith.addi %parallel_loop3A_656, %parallel_loop3A_655 : i32
        %parallel_loop3A_658 = arith.index_cast %parallel_loop3A_657 : i32 to index
        %parallel_loop3A_659 = tpu.vector_load %arg11[%parallel_loop3A_658] {strides = array<i32>} : memref<3072xf32, #tpu.memory_space<vmem>>, vector<16xf32>,
        %parallel_loop3A_660 = arith.addf %parallel_loop3A_659, %gather3A_642 : vector<16xf32>
        %parallel_loop3A_661 = arith.subf %parallel_loop3A_660, %gather3A_409 : vector<16xf32>
        %parallel_loop3A_662 = tpu.bitcast %parallel_loop3A_661 : vector<16xf32> -> vector<16xi32>
        %parallel_loop3A_663 = arith.constant 16 : i32
        %parallel_loop3A_664 = vector.broadcast %parallel_loop3A_663 : i32 to vector<16xi32>
        %parallel_loop3A_665 = arith.shrui %parallel_loop3A_662, %parallel_loop3A_664 : vector<16xi32>
        %parallel_loop3A_666 = arith.constant 1 : i32
        %parallel_loop3A_667 = vector.broadcast %parallel_loop3A_666 : i32 to vector<16xi32>
        %parallel_loop3A_668 = arith.andi %parallel_loop3A_665, %parallel_loop3A_667 : vector<16xi32>
        %parallel_loop3A_669 = arith.constant 32767 : i32
        %parallel_loop3A_670 = vector.broadcast %parallel_loop3A_669 : i32 to vector<16xi32>
        %parallel_loop3A_671 = arith.addi %parallel_loop3A_662, %parallel_loop3A_670 : vector<16xi32>
        %parallel_loop3A_672 = arith.addi %parallel_loop3A_671, %parallel_loop3A_668 : vector<16xi32>
        %parallel_loop3A_673 = arith.constant -65536 : i32
        %parallel_loop3A_674 = vector.broadcast %parallel_loop3A_673 : i32 to vector<16xi32>
        %parallel_loop3A_675 = arith.andi %parallel_loop3A_672, %parallel_loop3A_674 : vector<16xi32>
        %parallel_loop3A_676 = tpu.bitcast %parallel_loop3A_675 : vector<16xi32> -> vector<16xf32>
        %parallel_loop3A_677 = arith.constant 1024 : i32
        %parallel_loop3A_678 = arith.addi %parallel_loop3A_677, %parallel_loop3A_655 : i32
        %parallel_loop3A_679 = arith.index_cast %parallel_loop3A_678 : i32 to index
        %parallel_loop3A_680 = tpu.vector_load %arg11[%parallel_loop3A_679] {strides = array<i32>} : memref<3072xf32, #tpu.memory_space<vmem>>, vector<16xf32>,
        %parallel_loop3A_681 = arith.addf %parallel_loop3A_680, %gather3A_646 : vector<16xf32>
        %parallel_loop3A_682 = arith.subf %parallel_loop3A_681, %gather3A_415 : vector<16xf32>
        %parallel_loop3A_683 = tpu.bitcast %parallel_loop3A_682 : vector<16xf32> -> vector<16xi32>
        %parallel_loop3A_684 = arith.constant 16 : i32
        %parallel_loop3A_685 = vector.broadcast %parallel_loop3A_684 : i32 to vector<16xi32>
        %parallel_loop3A_686 = arith.shrui %parallel_loop3A_683, %parallel_loop3A_685 : vector<16xi32>
        %parallel_loop3A_687 = arith.constant 1 : i32
        %parallel_loop3A_688 = vector.broadcast %parallel_loop3A_687 : i32 to vector<16xi32>
        %parallel_loop3A_689 = arith.andi %parallel_loop3A_686, %parallel_loop3A_688 : vector<16xi32>
        %parallel_loop3A_690 = arith.constant 32767 : i32
        %parallel_loop3A_691 = vector.broadcast %parallel_loop3A_690 : i32 to vector<16xi32>
        %parallel_loop3A_692 = arith.addi %parallel_loop3A_683, %parallel_loop3A_691 : vector<16xi32>
        %parallel_loop3A_693 = arith.addi %parallel_loop3A_692, %parallel_loop3A_689 : vector<16xi32>
        %parallel_loop3A_694 = arith.constant -65536 : i32
        %parallel_loop3A_695 = vector.broadcast %parallel_loop3A_694 : i32 to vector<16xi32>
        %parallel_loop3A_696 = arith.andi %parallel_loop3A_693, %parallel_loop3A_695 : vector<16xi32>
        %parallel_loop3A_697 = tpu.bitcast %parallel_loop3A_696 : vector<16xi32> -> vector<16xf32>
        %parallel_loop3A_698 = arith.constant 2048 : i32
        %parallel_loop3A_699 = arith.addi %parallel_loop3A_698, %parallel_loop3A_655 : i32
        %parallel_loop3A_700 = arith.index_cast %parallel_loop3A_699 : i32 to index
        %parallel_loop3A_701 = tpu.vector_load %arg11[%parallel_loop3A_700] {strides = array<i32>} : memref<3072xf32, #tpu.memory_space<vmem>>, vector<16xf32>,
        %parallel_loop3A_702 = arith.addf %parallel_loop3A_701, %gather3A_650 : vector<16xf32>
        %parallel_loop3A_703 = arith.subf %parallel_loop3A_702, %gather3A_421 : vector<16xf32>
        %parallel_loop3A_704 = tpu.bitcast %parallel_loop3A_703 : vector<16xf32> -> vector<16xi32>
        %parallel_loop3A_705 = arith.constant 16 : i32
        %parallel_loop3A_706 = vector.broadcast %parallel_loop3A_705 : i32 to vector<16xi32>
        %parallel_loop3A_707 = arith.shrui %parallel_loop3A_704, %parallel_loop3A_706 : vector<16xi32>
        %parallel_loop3A_708 = arith.constant 1 : i32
        %parallel_loop3A_709 = vector.broadcast %parallel_loop3A_708 : i32 to vector<16xi32>
        %parallel_loop3A_710 = arith.andi %parallel_loop3A_707, %parallel_loop3A_709 : vector<16xi32>
        %parallel_loop3A_711 = arith.constant 32767 : i32
        %parallel_loop3A_712 = vector.broadcast %parallel_loop3A_711 : i32 to vector<16xi32>
        %parallel_loop3A_713 = arith.addi %parallel_loop3A_704, %parallel_loop3A_712 : vector<16xi32>
        %parallel_loop3A_714 = arith.addi %parallel_loop3A_713, %parallel_loop3A_710 : vector<16xi32>
        %parallel_loop3A_715 = arith.constant -65536 : i32
        %parallel_loop3A_716 = vector.broadcast %parallel_loop3A_715 : i32 to vector<16xi32>
        %parallel_loop3A_717 = arith.andi %parallel_loop3A_714, %parallel_loop3A_716 : vector<16xi32>
        %parallel_loop3A_718 = tpu.bitcast %parallel_loop3A_717 : vector<16xi32> -> vector<16xf32>
        %parallel_loop3A_719 = arith.mulf %gather3A_355, %parallel_loop3A_676 : vector<16xf32>
        %parallel_loop3A_720 = arith.mulf %gather3A_373, %parallel_loop3A_697 : vector<16xf32>
        %parallel_loop3A_721 = arith.addf %parallel_loop3A_719, %parallel_loop3A_720 : vector<16xf32>
        %parallel_loop3A_722 = arith.mulf %gather3A_391, %parallel_loop3A_718 : vector<16xf32>
        %parallel_loop3A_723 = arith.addf %parallel_loop3A_721, %parallel_loop3A_722 : vector<16xf32>
        %parallel_loop3A_724 = arith.mulf %gather3A_361, %parallel_loop3A_676 : vector<16xf32>
        %parallel_loop3A_725 = arith.mulf %gather3A_379, %parallel_loop3A_697 : vector<16xf32>
        %parallel_loop3A_726 = arith.addf %parallel_loop3A_724, %parallel_loop3A_725 : vector<16xf32>
        %parallel_loop3A_727 = arith.mulf %gather3A_397, %parallel_loop3A_718 : vector<16xf32>
        %parallel_loop3A_728 = arith.addf %parallel_loop3A_726, %parallel_loop3A_727 : vector<16xf32>
        %parallel_loop3A_729 = arith.mulf %gather3A_367, %parallel_loop3A_676 : vector<16xf32>
        %parallel_loop3A_730 = arith.mulf %gather3A_385, %parallel_loop3A_697 : vector<16xf32>
        %parallel_loop3A_731 = arith.addf %parallel_loop3A_729, %parallel_loop3A_730 : vector<16xf32>
        %parallel_loop3A_732 = arith.mulf %gather3A_403, %parallel_loop3A_718 : vector<16xf32>
        %parallel_loop3A_733 = arith.addf %parallel_loop3A_731, %parallel_loop3A_732 : vector<16xf32>
        %parallel_loop3A_734 = arith.mulf %parallel_loop3A_723, %gather3A_427 : vector<16xf32>
        %parallel_loop3A_735 = arith.constant 3.200000e+01 : f32
        %parallel_loop3A_736 = vector.broadcast %parallel_loop3A_735 : f32 to vector<16xf32>
        %parallel_loop3A_737 = arith.addf %parallel_loop3A_734, %parallel_loop3A_736 : vector<16xf32>
        %parallel_loop3A_738 = arith.mulf %parallel_loop3A_728, %gather3A_427 : vector<16xf32>
        %parallel_loop3A_739 = arith.constant 3.200000e+01 : f32
        %parallel_loop3A_740 = vector.broadcast %parallel_loop3A_739 : f32 to vector<16xf32>
        %parallel_loop3A_741 = arith.addf %parallel_loop3A_738, %parallel_loop3A_740 : vector<16xf32>
        %parallel_loop3A_742 = arith.mulf %parallel_loop3A_733, %gather3A_427 : vector<16xf32>
        %parallel_loop3A_743 = arith.constant 3.200000e+01 : f32
        %parallel_loop3A_744 = vector.broadcast %parallel_loop3A_743 : f32 to vector<16xf32>
        %parallel_loop3A_745 = arith.addf %parallel_loop3A_742, %parallel_loop3A_744 : vector<16xf32>
        %parallel_loop3A_746 = arith.constant 3.150000e+01 : f32
        %parallel_loop3A_747 = vector.broadcast %parallel_loop3A_746 : f32 to vector<16xf32>
        %parallel_loop3A_748 = arith.maximumf %parallel_loop3A_737, %parallel_loop3A_747 : vector<16xf32>
        %parallel_loop3A_749 = arith.constant 6.400000e+01 : f32
        %parallel_loop3A_750 = vector.broadcast %parallel_loop3A_749 : f32 to vector<16xf32>
        %parallel_loop3A_751 = arith.minimumf %parallel_loop3A_748, %parallel_loop3A_750 : vector<16xf32>
        %parallel_loop3A_752 = arith.constant 3.150000e+01 : f32
        %parallel_loop3A_753 = vector.broadcast %parallel_loop3A_752 : f32 to vector<16xf32>
        %parallel_loop3A_754 = arith.maximumf %parallel_loop3A_741, %parallel_loop3A_753 : vector<16xf32>
        %parallel_loop3A_755 = arith.constant 6.400000e+01 : f32
        %parallel_loop3A_756 = vector.broadcast %parallel_loop3A_755 : f32 to vector<16xf32>
        %parallel_loop3A_757 = arith.minimumf %parallel_loop3A_754, %parallel_loop3A_756 : vector<16xf32>
        %parallel_loop3A_758 = arith.constant 3.150000e+01 : f32
        %parallel_loop3A_759 = vector.broadcast %parallel_loop3A_758 : f32 to vector<16xf32>
        %parallel_loop3A_760 = arith.maximumf %parallel_loop3A_745, %parallel_loop3A_759 : vector<16xf32>
        %parallel_loop3A_761 = arith.constant 6.400000e+01 : f32
        %parallel_loop3A_762 = vector.broadcast %parallel_loop3A_761 : f32 to vector<16xf32>
        %parallel_loop3A_763 = arith.minimumf %parallel_loop3A_760, %parallel_loop3A_762 : vector<16xf32>
        %parallel_loop3A_764 = arith.fptosi %parallel_loop3A_751 : vector<16xf32> to vector<16xi32>
        %parallel_loop3A_765 = arith.fptosi %parallel_loop3A_757 : vector<16xf32> to vector<16xi32>
        %parallel_loop3A_766 = arith.fptosi %parallel_loop3A_763 : vector<16xf32> to vector<16xi32>
        %parallel_loop3A_767 = arith.constant 1156 : i32
        %parallel_loop3A_768 = vector.broadcast %parallel_loop3A_767 : i32 to vector<16xi32>
        %parallel_loop3A_769 = arith.muli %parallel_loop3A_764, %parallel_loop3A_768 : vector<16xi32>
        %parallel_loop3A_770 = arith.constant 34 : i32
        %parallel_loop3A_771 = vector.broadcast %parallel_loop3A_770 : i32 to vector<16xi32>
        %parallel_loop3A_772 = arith.muli %parallel_loop3A_765, %parallel_loop3A_771 : vector<16xi32>
        %parallel_loop3A_773 = arith.addi %parallel_loop3A_769, %parallel_loop3A_772 : vector<16xi32>
        %parallel_loop3A_774 = arith.addi %parallel_loop3A_773, %parallel_loop3A_766 : vector<16xi32>
        %parallel_loop3A_775 = arith.addi %parallel_loop3A_774, %gather3A_437 : vector<16xi32>
        %parallel_loop3A_776 = tpu.vector_load_idx %arg8[%parallel_loop3A_775] : memref<78608xi32, #tpu.memory_space<vmem>>[vector<16xi32>], vector<16xi32>,
        %parallel_loop3A_777 = arith.shrui %parallel_loop3A_776, %gather3A_443 : vector<16xi32>
        %parallel_loop3A_778 = arith.constant 16 : i32
        %parallel_loop3A_779 = vector.broadcast %parallel_loop3A_778 : i32 to vector<16xi32>
        %parallel_loop3A_780 = arith.shli %parallel_loop3A_777, %parallel_loop3A_779 : vector<16xi32>
        %parallel_loop3A_781 = tpu.bitcast %parallel_loop3A_780 : vector<16xi32> -> vector<16xf32>
        %parallel_loop3A_782 = arith.mulf %parallel_loop3A_781, %gather3A_433 : vector<16xf32>
        %parallel_loop3A_783 = arith.constant 1024 : i32
        %parallel_loop3A_784 = arith.muli %scan3A_638, %parallel_loop3A_783 : i32
        %parallel_loop3A_785 = arith.addi %parallel_loop3A_784, %parallel_loop3A_655 : i32
        %parallel_loop3A_786 = arith.index_cast %parallel_loop3A_785 : i32 to index
        %parallel_loop3A_787 = tpu.vector_load %arg12[%parallel_loop3A_786] {strides = array<i32>} : memref<27648xf32, #tpu.memory_space<vmem>>, vector<16xf32>,
        %parallel_loop3A_788 = arith.minimumf %parallel_loop3A_787, %parallel_loop3A_782 : vector<16xf32>
        %parallel_loop3A_789 = arith.constant 1.000000e+00 : f32
        %parallel_loop3A_790 = vector.broadcast %parallel_loop3A_789 : f32 to vector<16xf32>
        %parallel_loop3A_791 = arith.minimumf %parallel_loop3A_788, %parallel_loop3A_790 : vector<16xf32>
        %parallel_loop3A_792 = arith.index_cast %parallel_loop3A_785 : i32 to index
        %parallel_loop3A_793 = tpu.vector_load %arg12[%parallel_loop3A_792] {strides = array<i32>} : memref<27648xf32, #tpu.memory_space<vmem>>, vector<16xf32>,
        tpu.vector_store %arg12[%parallel_loop3A_792], %parallel_loop3A_791 {strides = array<i32>} : memref<27648xf32, #tpu.memory_space<vmem>>, vector<16xf32>,
      } {sc.loop_unroll_factor = 4 : i64, sc.parallel_access}
    }
    %scan3A_448 = arith.constant 27 : i32
    %mul3A_449 = arith.constant 27 : i32
    %mul3A_450 = arith.muli %select_n3A, %mul3A_449 : i32
    %add3A_451 = arith.constant 0 : i32
    %add3A_452 = arith.addi %mul3A_450, %add3A_451 : i32
    %mul3A_453 = arith.constant 4096 : i32
    %mul3A_454 = arith.muli %add3A_452, %mul3A_453 : i32
    %add3A_455 = arith.addi %mul3A_454, %mul3A_32 : i32
    "tpu.region"() ({
      %run_scoped3A = tpu.sem_alloc : memref<!tpu.dma_semaphore, #tpu.memory_space<semaphore_mem>>
      %dma_start3A = arith.constant 0 : i32
      %dma_start3A_638 = tpu.memref_slice %arg12[%dma_start3A] : memref<27648xf32, #tpu.memory_space<vmem>> -> memref<1024xf32, #tpu.memory_space<vmem>>
      %dma_start3A_639 = tpu.memref_slice %arg7[%add3A_455] : memref<884736xf32, #tpu.memory_space<hbm>> -> memref<1024xf32, #tpu.memory_space<hbm>>
      %dma_start3A_640 = tpu.memref_slice %arg7[%add3A_455] : memref<884736xf32, #tpu.memory_space<hbm>> -> memref<1024xf32, #tpu.memory_space<hbm>>
      %dma_start3A_641 = arith.constant 0 : i32
      %dma_start3A_642 = tpu.memref_slice %arg12[%dma_start3A_641] : memref<27648xf32, #tpu.memory_space<vmem>> -> memref<1024xf32, #tpu.memory_space<vmem>>
      tpu.enqueue_dma source(%dma_start3A_642 : memref<1024xf32, #tpu.memory_space<vmem>>) target(%dma_start3A_640 : memref<1024xf32, #tpu.memory_space<hbm>>) target_semaphore(%run_scoped3A : memref<!tpu.dma_semaphore, #tpu.memory_space<semaphore_mem>>)
      %dma_wait3A = arith.constant 0 : i32
      %dma_wait3A_643 = tpu.memref_slice %arg12[%dma_wait3A] : memref<27648xf32, #tpu.memory_space<vmem>> -> memref<1024xf32, #tpu.memory_space<vmem>>
      %dma_wait3A_644 = tpu.memref_slice %arg7[%add3A_455] : memref<884736xf32, #tpu.memory_space<hbm>> -> memref<1024xf32, #tpu.memory_space<hbm>>
      %dma_wait3A_645 = tpu.memref_slice %arg7[%add3A_455] : memref<884736xf32, #tpu.memory_space<hbm>> -> memref<1024xf32, #tpu.memory_space<hbm>>
      %dma_wait3A_646 = arith.constant 0 : i32
      %dma_wait3A_647 = tpu.memref_slice %arg12[%dma_wait3A_646] : memref<27648xf32, #tpu.memory_space<vmem>> -> memref<1024xf32, #tpu.memory_space<vmem>>
      tpu.wait_dma2 semaphore(%run_scoped3A : memref<!tpu.dma_semaphore, #tpu.memory_space<semaphore_mem>>) src(%dma_wait3A_647 : memref<1024xf32, #tpu.memory_space<vmem>>) dst(%dma_wait3A_645 : memref<1024xf32, #tpu.memory_space<hbm>>)
      tpu.yield
    }) : () -> ()
    %mul3A_456 = arith.constant 27 : i32
    %mul3A_457 = arith.muli %select_n3A, %mul3A_456 : i32
    %add3A_458 = arith.constant 1 : i32
    %add3A_459 = arith.addi %mul3A_457, %add3A_458 : i32
    %mul3A_460 = arith.constant 4096 : i32
    %mul3A_461 = arith.muli %add3A_459, %mul3A_460 : i32
    %add3A_462 = arith.addi %mul3A_461, %mul3A_32 : i32
    "tpu.region"() ({
      %run_scoped3A = tpu.sem_alloc : memref<!tpu.dma_semaphore, #tpu.memory_space<semaphore_mem>>
      %dma_start3A = arith.constant 1024 : i32
      %dma_start3A_638 = tpu.memref_slice %arg12[%dma_start3A] : memref<27648xf32, #tpu.memory_space<vmem>> -> memref<1024xf32, #tpu.memory_space<vmem>>
      %dma_start3A_639 = tpu.memref_slice %arg7[%add3A_462] : memref<884736xf32, #tpu.memory_space<hbm>> -> memref<1024xf32, #tpu.memory_space<hbm>>
      %dma_start3A_640 = tpu.memref_slice %arg7[%add3A_462] : memref<884736xf32, #tpu.memory_space<hbm>> -> memref<1024xf32, #tpu.memory_space<hbm>>
      %dma_start3A_641 = arith.constant 1024 : i32
      %dma_start3A_642 = tpu.memref_slice %arg12[%dma_start3A_641] : memref<27648xf32, #tpu.memory_space<vmem>> -> memref<1024xf32, #tpu.memory_space<vmem>>
      tpu.enqueue_dma source(%dma_start3A_642 : memref<1024xf32, #tpu.memory_space<vmem>>) target(%dma_start3A_640 : memref<1024xf32, #tpu.memory_space<hbm>>) target_semaphore(%run_scoped3A : memref<!tpu.dma_semaphore, #tpu.memory_space<semaphore_mem>>)
      %dma_wait3A = arith.constant 1024 : i32
      %dma_wait3A_643 = tpu.memref_slice %arg12[%dma_wait3A] : memref<27648xf32, #tpu.memory_space<vmem>> -> memref<1024xf32, #tpu.memory_space<vmem>>
      %dma_wait3A_644 = tpu.memref_slice %arg7[%add3A_462] : memref<884736xf32, #tpu.memory_space<hbm>> -> memref<1024xf32, #tpu.memory_space<hbm>>
      %dma_wait3A_645 = tpu.memref_slice %arg7[%add3A_462] : memref<884736xf32, #tpu.memory_space<hbm>> -> memref<1024xf32, #tpu.memory_space<hbm>>
      %dma_wait3A_646 = arith.constant 1024 : i32
      %dma_wait3A_647 = tpu.memref_slice %arg12[%dma_wait3A_646] : memref<27648xf32, #tpu.memory_space<vmem>> -> memref<1024xf32, #tpu.memory_space<vmem>>
      tpu.wait_dma2 semaphore(%run_scoped3A : memref<!tpu.dma_semaphore, #tpu.memory_space<semaphore_mem>>) src(%dma_wait3A_647 : memref<1024xf32, #tpu.memory_space<vmem>>) dst(%dma_wait3A_645 : memref<1024xf32, #tpu.memory_space<hbm>>)
      tpu.yield
    }) : () -> ()
    %mul3A_463 = arith.constant 27 : i32
    %mul3A_464 = arith.muli %select_n3A, %mul3A_463 : i32
    %add3A_465 = arith.constant 2 : i32
    %add3A_466 = arith.addi %mul3A_464, %add3A_465 : i32
    %mul3A_467 = arith.constant 4096 : i32
    %mul3A_468 = arith.muli %add3A_466, %mul3A_467 : i32
    %add3A_469 = arith.addi %mul3A_468, %mul3A_32 : i32
    "tpu.region"() ({
      %run_scoped3A = tpu.sem_alloc : memref<!tpu.dma_semaphore, #tpu.memory_space<semaphore_mem>>
      %dma_start3A = arith.constant 2048 : i32
      %dma_start3A_638 = tpu.memref_slice %arg12[%dma_start3A] : memref<27648xf32, #tpu.memory_space<vmem>> -> memref<1024xf32, #tpu.memory_space<vmem>>
      %dma_start3A_639 = tpu.memref_slice %arg7[%add3A_469] : memref<884736xf32, #tpu.memory_space<hbm>> -> memref<1024xf32, #tpu.memory_space<hbm>>
      %dma_start3A_640 = tpu.memref_slice %arg7[%add3A_469] : memref<884736xf32, #tpu.memory_space<hbm>> -> memref<1024xf32, #tpu.memory_space<hbm>>
      %dma_start3A_641 = arith.constant 2048 : i32
      %dma_start3A_642 = tpu.memref_slice %arg12[%dma_start3A_641] : memref<27648xf32, #tpu.memory_space<vmem>> -> memref<1024xf32, #tpu.memory_space<vmem>>
      tpu.enqueue_dma source(%dma_start3A_642 : memref<1024xf32, #tpu.memory_space<vmem>>) target(%dma_start3A_640 : memref<1024xf32, #tpu.memory_space<hbm>>) target_semaphore(%run_scoped3A : memref<!tpu.dma_semaphore, #tpu.memory_space<semaphore_mem>>)
      %dma_wait3A = arith.constant 2048 : i32
      %dma_wait3A_643 = tpu.memref_slice %arg12[%dma_wait3A] : memref<27648xf32, #tpu.memory_space<vmem>> -> memref<1024xf32, #tpu.memory_space<vmem>>
      %dma_wait3A_644 = tpu.memref_slice %arg7[%add3A_469] : memref<884736xf32, #tpu.memory_space<hbm>> -> memref<1024xf32, #tpu.memory_space<hbm>>
      %dma_wait3A_645 = tpu.memref_slice %arg7[%add3A_469] : memref<884736xf32, #tpu.memory_space<hbm>> -> memref<1024xf32, #tpu.memory_space<hbm>>
      %dma_wait3A_646 = arith.constant 2048 : i32
      %dma_wait3A_647 = tpu.memref_slice %arg12[%dma_wait3A_646] : memref<27648xf32, #tpu.memory_space<vmem>> -> memref<1024xf32, #tpu.memory_space<vmem>>
      tpu.wait_dma2 semaphore(%run_scoped3A : memref<!tpu.dma_semaphore, #tpu.memory_space<semaphore_mem>>) src(%dma_wait3A_647 : memref<1024xf32, #tpu.memory_space<vmem>>) dst(%dma_wait3A_645 : memref<1024xf32, #tpu.memory_space<hbm>>)
      tpu.yield
    }) : () -> ()
    %mul3A_470 = arith.constant 27 : i32
    %mul3A_471 = arith.muli %select_n3A, %mul3A_470 : i32
    %add3A_472 = arith.constant 3 : i32
    %add3A_473 = arith.addi %mul3A_471, %add3A_472 : i32
    %mul3A_474 = arith.constant 4096 : i32
    %mul3A_475 = arith.muli %add3A_473, %mul3A_474 : i32
    %add3A_476 = arith.addi %mul3A_475, %mul3A_32 : i32
    "tpu.region"() ({
      %run_scoped3A = tpu.sem_alloc : memref<!tpu.dma_semaphore, #tpu.memory_space<semaphore_mem>>
      %dma_start3A = arith.constant 3072 : i32
      %dma_start3A_638 = tpu.memref_slice %arg12[%dma_start3A] : memref<27648xf32, #tpu.memory_space<vmem>> -> memref<1024xf32, #tpu.memory_space<vmem>>
      %dma_start3A_639 = tpu.memref_slice %arg7[%add3A_476] : memref<884736xf32, #tpu.memory_space<hbm>> -> memref<1024xf32, #tpu.memory_space<hbm>>
      %dma_start3A_640 = tpu.memref_slice %arg7[%add3A_476] : memref<884736xf32, #tpu.memory_space<hbm>> -> memref<1024xf32, #tpu.memory_space<hbm>>
      %dma_start3A_641 = arith.constant 3072 : i32
      %dma_start3A_642 = tpu.memref_slice %arg12[%dma_start3A_641] : memref<27648xf32, #tpu.memory_space<vmem>> -> memref<1024xf32, #tpu.memory_space<vmem>>
      tpu.enqueue_dma source(%dma_start3A_642 : memref<1024xf32, #tpu.memory_space<vmem>>) target(%dma_start3A_640 : memref<1024xf32, #tpu.memory_space<hbm>>) target_semaphore(%run_scoped3A : memref<!tpu.dma_semaphore, #tpu.memory_space<semaphore_mem>>)
      %dma_wait3A = arith.constant 3072 : i32
      %dma_wait3A_643 = tpu.memref_slice %arg12[%dma_wait3A] : memref<27648xf32, #tpu.memory_space<vmem>> -> memref<1024xf32, #tpu.memory_space<vmem>>
      %dma_wait3A_644 = tpu.memref_slice %arg7[%add3A_476] : memref<884736xf32, #tpu.memory_space<hbm>> -> memref<1024xf32, #tpu.memory_space<hbm>>
      %dma_wait3A_645 = tpu.memref_slice %arg7[%add3A_476] : memref<884736xf32, #tpu.memory_space<hbm>> -> memref<1024xf32, #tpu.memory_space<hbm>>
      %dma_wait3A_646 = arith.constant 3072 : i32
      %dma_wait3A_647 = tpu.memref_slice %arg12[%dma_wait3A_646] : memref<27648xf32, #tpu.memory_space<vmem>> -> memref<1024xf32, #tpu.memory_space<vmem>>
      tpu.wait_dma2 semaphore(%run_scoped3A : memref<!tpu.dma_semaphore, #tpu.memory_space<semaphore_mem>>) src(%dma_wait3A_647 : memref<1024xf32, #tpu.memory_space<vmem>>) dst(%dma_wait3A_645 : memref<1024xf32, #tpu.memory_space<hbm>>)
      tpu.yield
    }) : () -> ()
    %mul3A_477 = arith.constant 27 : i32
    %mul3A_478 = arith.muli %select_n3A, %mul3A_477 : i32
    %add3A_479 = arith.constant 4 : i32
    %add3A_480 = arith.addi %mul3A_478, %add3A_479 : i32
    %mul3A_481 = arith.constant 4096 : i32
    %mul3A_482 = arith.muli %add3A_480, %mul3A_481 : i32
    %add3A_483 = arith.addi %mul3A_482, %mul3A_32 : i32
    "tpu.region"() ({
      %run_scoped3A = tpu.sem_alloc : memref<!tpu.dma_semaphore, #tpu.memory_space<semaphore_mem>>
      %dma_start3A = arith.constant 4096 : i32
      %dma_start3A_638 = tpu.memref_slice %arg12[%dma_start3A] : memref<27648xf32, #tpu.memory_space<vmem>> -> memref<1024xf32, #tpu.memory_space<vmem>>
      %dma_start3A_639 = tpu.memref_slice %arg7[%add3A_483] : memref<884736xf32, #tpu.memory_space<hbm>> -> memref<1024xf32, #tpu.memory_space<hbm>>
      %dma_start3A_640 = tpu.memref_slice %arg7[%add3A_483] : memref<884736xf32, #tpu.memory_space<hbm>> -> memref<1024xf32, #tpu.memory_space<hbm>>
      %dma_start3A_641 = arith.constant 4096 : i32
      %dma_start3A_642 = tpu.memref_slice %arg12[%dma_start3A_641] : memref<27648xf32, #tpu.memory_space<vmem>> -> memref<1024xf32, #tpu.memory_space<vmem>>
      tpu.enqueue_dma source(%dma_start3A_642 : memref<1024xf32, #tpu.memory_space<vmem>>) target(%dma_start3A_640 : memref<1024xf32, #tpu.memory_space<hbm>>) target_semaphore(%run_scoped3A : memref<!tpu.dma_semaphore, #tpu.memory_space<semaphore_mem>>)
      %dma_wait3A = arith.constant 4096 : i32
      %dma_wait3A_643 = tpu.memref_slice %arg12[%dma_wait3A] : memref<27648xf32, #tpu.memory_space<vmem>> -> memref<1024xf32, #tpu.memory_space<vmem>>
      %dma_wait3A_644 = tpu.memref_slice %arg7[%add3A_483] : memref<884736xf32, #tpu.memory_space<hbm>> -> memref<1024xf32, #tpu.memory_space<hbm>>
      %dma_wait3A_645 = tpu.memref_slice %arg7[%add3A_483] : memref<884736xf32, #tpu.memory_space<hbm>> -> memref<1024xf32, #tpu.memory_space<hbm>>
      %dma_wait3A_646 = arith.constant 4096 : i32
      %dma_wait3A_647 = tpu.memref_slice %arg12[%dma_wait3A_646] : memref<27648xf32, #tpu.memory_space<vmem>> -> memref<1024xf32, #tpu.memory_space<vmem>>
      tpu.wait_dma2 semaphore(%run_scoped3A : memref<!tpu.dma_semaphore, #tpu.memory_space<semaphore_mem>>) src(%dma_wait3A_647 : memref<1024xf32, #tpu.memory_space<vmem>>) dst(%dma_wait3A_645 : memref<1024xf32, #tpu.memory_space<hbm>>)
      tpu.yield
    }) : () -> ()
    %mul3A_484 = arith.constant 27 : i32
    %mul3A_485 = arith.muli %select_n3A, %mul3A_484 : i32
    %add3A_486 = arith.constant 5 : i32
    %add3A_487 = arith.addi %mul3A_485, %add3A_486 : i32
    %mul3A_488 = arith.constant 4096 : i32
    %mul3A_489 = arith.muli %add3A_487, %mul3A_488 : i32
    %add3A_490 = arith.addi %mul3A_489, %mul3A_32 : i32
    "tpu.region"() ({
      %run_scoped3A = tpu.sem_alloc : memref<!tpu.dma_semaphore, #tpu.memory_space<semaphore_mem>>
      %dma_start3A = arith.constant 5120 : i32
      %dma_start3A_638 = tpu.memref_slice %arg12[%dma_start3A] : memref<27648xf32, #tpu.memory_space<vmem>> -> memref<1024xf32, #tpu.memory_space<vmem>>
      %dma_start3A_639 = tpu.memref_slice %arg7[%add3A_490] : memref<884736xf32, #tpu.memory_space<hbm>> -> memref<1024xf32, #tpu.memory_space<hbm>>
      %dma_start3A_640 = tpu.memref_slice %arg7[%add3A_490] : memref<884736xf32, #tpu.memory_space<hbm>> -> memref<1024xf32, #tpu.memory_space<hbm>>
      %dma_start3A_641 = arith.constant 5120 : i32
      %dma_start3A_642 = tpu.memref_slice %arg12[%dma_start3A_641] : memref<27648xf32, #tpu.memory_space<vmem>> -> memref<1024xf32, #tpu.memory_space<vmem>>
      tpu.enqueue_dma source(%dma_start3A_642 : memref<1024xf32, #tpu.memory_space<vmem>>) target(%dma_start3A_640 : memref<1024xf32, #tpu.memory_space<hbm>>) target_semaphore(%run_scoped3A : memref<!tpu.dma_semaphore, #tpu.memory_space<semaphore_mem>>)
      %dma_wait3A = arith.constant 5120 : i32
      %dma_wait3A_643 = tpu.memref_slice %arg12[%dma_wait3A] : memref<27648xf32, #tpu.memory_space<vmem>> -> memref<1024xf32, #tpu.memory_space<vmem>>
      %dma_wait3A_644 = tpu.memref_slice %arg7[%add3A_490] : memref<884736xf32, #tpu.memory_space<hbm>> -> memref<1024xf32, #tpu.memory_space<hbm>>
      %dma_wait3A_645 = tpu.memref_slice %arg7[%add3A_490] : memref<884736xf32, #tpu.memory_space<hbm>> -> memref<1024xf32, #tpu.memory_space<hbm>>
      %dma_wait3A_646 = arith.constant 5120 : i32
      %dma_wait3A_647 = tpu.memref_slice %arg12[%dma_wait3A_646] : memref<27648xf32, #tpu.memory_space<vmem>> -> memref<1024xf32, #tpu.memory_space<vmem>>
      tpu.wait_dma2 semaphore(%run_scoped3A : memref<!tpu.dma_semaphore, #tpu.memory_space<semaphore_mem>>) src(%dma_wait3A_647 : memref<1024xf32, #tpu.memory_space<vmem>>) dst(%dma_wait3A_645 : memref<1024xf32, #tpu.memory_space<hbm>>)
      tpu.yield
    }) : () -> ()
    %mul3A_491 = arith.constant 27 : i32
    %mul3A_492 = arith.muli %select_n3A, %mul3A_491 : i32
    %add3A_493 = arith.constant 6 : i32
    %add3A_494 = arith.addi %mul3A_492, %add3A_493 : i32
    %mul3A_495 = arith.constant 4096 : i32
    %mul3A_496 = arith.muli %add3A_494, %mul3A_495 : i32
    %add3A_497 = arith.addi %mul3A_496, %mul3A_32 : i32
    "tpu.region"() ({
      %run_scoped3A = tpu.sem_alloc : memref<!tpu.dma_semaphore, #tpu.memory_space<semaphore_mem>>
      %dma_start3A = arith.constant 6144 : i32
      %dma_start3A_638 = tpu.memref_slice %arg12[%dma_start3A] : memref<27648xf32, #tpu.memory_space<vmem>> -> memref<1024xf32, #tpu.memory_space<vmem>>
      %dma_start3A_639 = tpu.memref_slice %arg7[%add3A_497] : memref<884736xf32, #tpu.memory_space<hbm>> -> memref<1024xf32, #tpu.memory_space<hbm>>
      %dma_start3A_640 = tpu.memref_slice %arg7[%add3A_497] : memref<884736xf32, #tpu.memory_space<hbm>> -> memref<1024xf32, #tpu.memory_space<hbm>>
      %dma_start3A_641 = arith.constant 6144 : i32
      %dma_start3A_642 = tpu.memref_slice %arg12[%dma_start3A_641] : memref<27648xf32, #tpu.memory_space<vmem>> -> memref<1024xf32, #tpu.memory_space<vmem>>
      tpu.enqueue_dma source(%dma_start3A_642 : memref<1024xf32, #tpu.memory_space<vmem>>) target(%dma_start3A_640 : memref<1024xf32, #tpu.memory_space<hbm>>) target_semaphore(%run_scoped3A : memref<!tpu.dma_semaphore, #tpu.memory_space<semaphore_mem>>)
      %dma_wait3A = arith.constant 6144 : i32
      %dma_wait3A_643 = tpu.memref_slice %arg12[%dma_wait3A] : memref<27648xf32, #tpu.memory_space<vmem>> -> memref<1024xf32, #tpu.memory_space<vmem>>
      %dma_wait3A_644 = tpu.memref_slice %arg7[%add3A_497] : memref<884736xf32, #tpu.memory_space<hbm>> -> memref<1024xf32, #tpu.memory_space<hbm>>
      %dma_wait3A_645 = tpu.memref_slice %arg7[%add3A_497] : memref<884736xf32, #tpu.memory_space<hbm>> -> memref<1024xf32, #tpu.memory_space<hbm>>
      %dma_wait3A_646 = arith.constant 6144 : i32
      %dma_wait3A_647 = tpu.memref_slice %arg12[%dma_wait3A_646] : memref<27648xf32, #tpu.memory_space<vmem>> -> memref<1024xf32, #tpu.memory_space<vmem>>
      tpu.wait_dma2 semaphore(%run_scoped3A : memref<!tpu.dma_semaphore, #tpu.memory_space<semaphore_mem>>) src(%dma_wait3A_647 : memref<1024xf32, #tpu.memory_space<vmem>>) dst(%dma_wait3A_645 : memref<1024xf32, #tpu.memory_space<hbm>>)
      tpu.yield
    }) : () -> ()
    %mul3A_498 = arith.constant 27 : i32
    %mul3A_499 = arith.muli %select_n3A, %mul3A_498 : i32
    %add3A_500 = arith.constant 7 : i32
    %add3A_501 = arith.addi %mul3A_499, %add3A_500 : i32
    %mul3A_502 = arith.constant 4096 : i32
    %mul3A_503 = arith.muli %add3A_501, %mul3A_502 : i32
    %add3A_504 = arith.addi %mul3A_503, %mul3A_32 : i32
    "tpu.region"() ({
      %run_scoped3A = tpu.sem_alloc : memref<!tpu.dma_semaphore, #tpu.memory_space<semaphore_mem>>
      %dma_start3A = arith.constant 7168 : i32
      %dma_start3A_638 = tpu.memref_slice %arg12[%dma_start3A] : memref<27648xf32, #tpu.memory_space<vmem>> -> memref<1024xf32, #tpu.memory_space<vmem>>
      %dma_start3A_639 = tpu.memref_slice %arg7[%add3A_504] : memref<884736xf32, #tpu.memory_space<hbm>> -> memref<1024xf32, #tpu.memory_space<hbm>>
      %dma_start3A_640 = tpu.memref_slice %arg7[%add3A_504] : memref<884736xf32, #tpu.memory_space<hbm>> -> memref<1024xf32, #tpu.memory_space<hbm>>
      %dma_start3A_641 = arith.constant 7168 : i32
      %dma_start3A_642 = tpu.memref_slice %arg12[%dma_start3A_641] : memref<27648xf32, #tpu.memory_space<vmem>> -> memref<1024xf32, #tpu.memory_space<vmem>>
      tpu.enqueue_dma source(%dma_start3A_642 : memref<1024xf32, #tpu.memory_space<vmem>>) target(%dma_start3A_640 : memref<1024xf32, #tpu.memory_space<hbm>>) target_semaphore(%run_scoped3A : memref<!tpu.dma_semaphore, #tpu.memory_space<semaphore_mem>>)
      %dma_wait3A = arith.constant 7168 : i32
      %dma_wait3A_643 = tpu.memref_slice %arg12[%dma_wait3A] : memref<27648xf32, #tpu.memory_space<vmem>> -> memref<1024xf32, #tpu.memory_space<vmem>>
      %dma_wait3A_644 = tpu.memref_slice %arg7[%add3A_504] : memref<884736xf32, #tpu.memory_space<hbm>> -> memref<1024xf32, #tpu.memory_space<hbm>>
      %dma_wait3A_645 = tpu.memref_slice %arg7[%add3A_504] : memref<884736xf32, #tpu.memory_space<hbm>> -> memref<1024xf32, #tpu.memory_space<hbm>>
      %dma_wait3A_646 = arith.constant 7168 : i32
      %dma_wait3A_647 = tpu.memref_slice %arg12[%dma_wait3A_646] : memref<27648xf32, #tpu.memory_space<vmem>> -> memref<1024xf32, #tpu.memory_space<vmem>>
      tpu.wait_dma2 semaphore(%run_scoped3A : memref<!tpu.dma_semaphore, #tpu.memory_space<semaphore_mem>>) src(%dma_wait3A_647 : memref<1024xf32, #tpu.memory_space<vmem>>) dst(%dma_wait3A_645 : memref<1024xf32, #tpu.memory_space<hbm>>)
      tpu.yield
    }) : () -> ()
    %mul3A_505 = arith.constant 27 : i32
    %mul3A_506 = arith.muli %select_n3A, %mul3A_505 : i32
    %add3A_507 = arith.constant 8 : i32
    %add3A_508 = arith.addi %mul3A_506, %add3A_507 : i32
    %mul3A_509 = arith.constant 4096 : i32
    %mul3A_510 = arith.muli %add3A_508, %mul3A_509 : i32
    %add3A_511 = arith.addi %mul3A_510, %mul3A_32 : i32
    "tpu.region"() ({
      %run_scoped3A = tpu.sem_alloc : memref<!tpu.dma_semaphore, #tpu.memory_space<semaphore_mem>>
      %dma_start3A = arith.constant 8192 : i32
      %dma_start3A_638 = tpu.memref_slice %arg12[%dma_start3A] : memref<27648xf32, #tpu.memory_space<vmem>> -> memref<1024xf32, #tpu.memory_space<vmem>>
      %dma_start3A_639 = tpu.memref_slice %arg7[%add3A_511] : memref<884736xf32, #tpu.memory_space<hbm>> -> memref<1024xf32, #tpu.memory_space<hbm>>
      %dma_start3A_640 = tpu.memref_slice %arg7[%add3A_511] : memref<884736xf32, #tpu.memory_space<hbm>> -> memref<1024xf32, #tpu.memory_space<hbm>>
      %dma_start3A_641 = arith.constant 8192 : i32
      %dma_start3A_642 = tpu.memref_slice %arg12[%dma_start3A_641] : memref<27648xf32, #tpu.memory_space<vmem>> -> memref<1024xf32, #tpu.memory_space<vmem>>
      tpu.enqueue_dma source(%dma_start3A_642 : memref<1024xf32, #tpu.memory_space<vmem>>) target(%dma_start3A_640 : memref<1024xf32, #tpu.memory_space<hbm>>) target_semaphore(%run_scoped3A : memref<!tpu.dma_semaphore, #tpu.memory_space<semaphore_mem>>)
      %dma_wait3A = arith.constant 8192 : i32
      %dma_wait3A_643 = tpu.memref_slice %arg12[%dma_wait3A] : memref<27648xf32, #tpu.memory_space<vmem>> -> memref<1024xf32, #tpu.memory_space<vmem>>
      %dma_wait3A_644 = tpu.memref_slice %arg7[%add3A_511] : memref<884736xf32, #tpu.memory_space<hbm>> -> memref<1024xf32, #tpu.memory_space<hbm>>
      %dma_wait3A_645 = tpu.memref_slice %arg7[%add3A_511] : memref<884736xf32, #tpu.memory_space<hbm>> -> memref<1024xf32, #tpu.memory_space<hbm>>
      %dma_wait3A_646 = arith.constant 8192 : i32
      %dma_wait3A_647 = tpu.memref_slice %arg12[%dma_wait3A_646] : memref<27648xf32, #tpu.memory_space<vmem>> -> memref<1024xf32, #tpu.memory_space<vmem>>
      tpu.wait_dma2 semaphore(%run_scoped3A : memref<!tpu.dma_semaphore, #tpu.memory_space<semaphore_mem>>) src(%dma_wait3A_647 : memref<1024xf32, #tpu.memory_space<vmem>>) dst(%dma_wait3A_645 : memref<1024xf32, #tpu.memory_space<hbm>>)
      tpu.yield
    }) : () -> ()
    %mul3A_512 = arith.constant 27 : i32
    %mul3A_513 = arith.muli %select_n3A, %mul3A_512 : i32
    %add3A_514 = arith.constant 9 : i32
    %add3A_515 = arith.addi %mul3A_513, %add3A_514 : i32
    %mul3A_516 = arith.constant 4096 : i32
    %mul3A_517 = arith.muli %add3A_515, %mul3A_516 : i32
    %add3A_518 = arith.addi %mul3A_517, %mul3A_32 : i32
    "tpu.region"() ({
      %run_scoped3A = tpu.sem_alloc : memref<!tpu.dma_semaphore, #tpu.memory_space<semaphore_mem>>
      %dma_start3A = arith.constant 9216 : i32
      %dma_start3A_638 = tpu.memref_slice %arg12[%dma_start3A] : memref<27648xf32, #tpu.memory_space<vmem>> -> memref<1024xf32, #tpu.memory_space<vmem>>
      %dma_start3A_639 = tpu.memref_slice %arg7[%add3A_518] : memref<884736xf32, #tpu.memory_space<hbm>> -> memref<1024xf32, #tpu.memory_space<hbm>>
      %dma_start3A_640 = tpu.memref_slice %arg7[%add3A_518] : memref<884736xf32, #tpu.memory_space<hbm>> -> memref<1024xf32, #tpu.memory_space<hbm>>
      %dma_start3A_641 = arith.constant 9216 : i32
      %dma_start3A_642 = tpu.memref_slice %arg12[%dma_start3A_641] : memref<27648xf32, #tpu.memory_space<vmem>> -> memref<1024xf32, #tpu.memory_space<vmem>>
      tpu.enqueue_dma source(%dma_start3A_642 : memref<1024xf32, #tpu.memory_space<vmem>>) target(%dma_start3A_640 : memref<1024xf32, #tpu.memory_space<hbm>>) target_semaphore(%run_scoped3A : memref<!tpu.dma_semaphore, #tpu.memory_space<semaphore_mem>>)
      %dma_wait3A = arith.constant 9216 : i32
      %dma_wait3A_643 = tpu.memref_slice %arg12[%dma_wait3A] : memref<27648xf32, #tpu.memory_space<vmem>> -> memref<1024xf32, #tpu.memory_space<vmem>>
      %dma_wait3A_644 = tpu.memref_slice %arg7[%add3A_518] : memref<884736xf32, #tpu.memory_space<hbm>> -> memref<1024xf32, #tpu.memory_space<hbm>>
      %dma_wait3A_645 = tpu.memref_slice %arg7[%add3A_518] : memref<884736xf32, #tpu.memory_space<hbm>> -> memref<1024xf32, #tpu.memory_space<hbm>>
      %dma_wait3A_646 = arith.constant 9216 : i32
      %dma_wait3A_647 = tpu.memref_slice %arg12[%dma_wait3A_646] : memref<27648xf32, #tpu.memory_space<vmem>> -> memref<1024xf32, #tpu.memory_space<vmem>>
      tpu.wait_dma2 semaphore(%run_scoped3A : memref<!tpu.dma_semaphore, #tpu.memory_space<semaphore_mem>>) src(%dma_wait3A_647 : memref<1024xf32, #tpu.memory_space<vmem>>) dst(%dma_wait3A_645 : memref<1024xf32, #tpu.memory_space<hbm>>)
      tpu.yield
    }) : () -> ()
    %mul3A_519 = arith.constant 27 : i32
    %mul3A_520 = arith.muli %select_n3A, %mul3A_519 : i32
    %add3A_521 = arith.constant 10 : i32
    %add3A_522 = arith.addi %mul3A_520, %add3A_521 : i32
    %mul3A_523 = arith.constant 4096 : i32
    %mul3A_524 = arith.muli %add3A_522, %mul3A_523 : i32
    %add3A_525 = arith.addi %mul3A_524, %mul3A_32 : i32
    "tpu.region"() ({
      %run_scoped3A = tpu.sem_alloc : memref<!tpu.dma_semaphore, #tpu.memory_space<semaphore_mem>>
      %dma_start3A = arith.constant 10240 : i32
      %dma_start3A_638 = tpu.memref_slice %arg12[%dma_start3A] : memref<27648xf32, #tpu.memory_space<vmem>> -> memref<1024xf32, #tpu.memory_space<vmem>>
      %dma_start3A_639 = tpu.memref_slice %arg7[%add3A_525] : memref<884736xf32, #tpu.memory_space<hbm>> -> memref<1024xf32, #tpu.memory_space<hbm>>
      %dma_start3A_640 = tpu.memref_slice %arg7[%add3A_525] : memref<884736xf32, #tpu.memory_space<hbm>> -> memref<1024xf32, #tpu.memory_space<hbm>>
      %dma_start3A_641 = arith.constant 10240 : i32
      %dma_start3A_642 = tpu.memref_slice %arg12[%dma_start3A_641] : memref<27648xf32, #tpu.memory_space<vmem>> -> memref<1024xf32, #tpu.memory_space<vmem>>
      tpu.enqueue_dma source(%dma_start3A_642 : memref<1024xf32, #tpu.memory_space<vmem>>) target(%dma_start3A_640 : memref<1024xf32, #tpu.memory_space<hbm>>) target_semaphore(%run_scoped3A : memref<!tpu.dma_semaphore, #tpu.memory_space<semaphore_mem>>)
      %dma_wait3A = arith.constant 10240 : i32
      %dma_wait3A_643 = tpu.memref_slice %arg12[%dma_wait3A] : memref<27648xf32, #tpu.memory_space<vmem>> -> memref<1024xf32, #tpu.memory_space<vmem>>
      %dma_wait3A_644 = tpu.memref_slice %arg7[%add3A_525] : memref<884736xf32, #tpu.memory_space<hbm>> -> memref<1024xf32, #tpu.memory_space<hbm>>
      %dma_wait3A_645 = tpu.memref_slice %arg7[%add3A_525] : memref<884736xf32, #tpu.memory_space<hbm>> -> memref<1024xf32, #tpu.memory_space<hbm>>
      %dma_wait3A_646 = arith.constant 10240 : i32
      %dma_wait3A_647 = tpu.memref_slice %arg12[%dma_wait3A_646] : memref<27648xf32, #tpu.memory_space<vmem>> -> memref<1024xf32, #tpu.memory_space<vmem>>
      tpu.wait_dma2 semaphore(%run_scoped3A : memref<!tpu.dma_semaphore, #tpu.memory_space<semaphore_mem>>) src(%dma_wait3A_647 : memref<1024xf32, #tpu.memory_space<vmem>>) dst(%dma_wait3A_645 : memref<1024xf32, #tpu.memory_space<hbm>>)
      tpu.yield
    }) : () -> ()
    %mul3A_526 = arith.constant 27 : i32
    %mul3A_527 = arith.muli %select_n3A, %mul3A_526 : i32
    %add3A_528 = arith.constant 11 : i32
    %add3A_529 = arith.addi %mul3A_527, %add3A_528 : i32
    %mul3A_530 = arith.constant 4096 : i32
    %mul3A_531 = arith.muli %add3A_529, %mul3A_530 : i32
    %add3A_532 = arith.addi %mul3A_531, %mul3A_32 : i32
    "tpu.region"() ({
      %run_scoped3A = tpu.sem_alloc : memref<!tpu.dma_semaphore, #tpu.memory_space<semaphore_mem>>
      %dma_start3A = arith.constant 11264 : i32
      %dma_start3A_638 = tpu.memref_slice %arg12[%dma_start3A] : memref<27648xf32, #tpu.memory_space<vmem>> -> memref<1024xf32, #tpu.memory_space<vmem>>
      %dma_start3A_639 = tpu.memref_slice %arg7[%add3A_532] : memref<884736xf32, #tpu.memory_space<hbm>> -> memref<1024xf32, #tpu.memory_space<hbm>>
      %dma_start3A_640 = tpu.memref_slice %arg7[%add3A_532] : memref<884736xf32, #tpu.memory_space<hbm>> -> memref<1024xf32, #tpu.memory_space<hbm>>
      %dma_start3A_641 = arith.constant 11264 : i32
      %dma_start3A_642 = tpu.memref_slice %arg12[%dma_start3A_641] : memref<27648xf32, #tpu.memory_space<vmem>> -> memref<1024xf32, #tpu.memory_space<vmem>>
      tpu.enqueue_dma source(%dma_start3A_642 : memref<1024xf32, #tpu.memory_space<vmem>>) target(%dma_start3A_640 : memref<1024xf32, #tpu.memory_space<hbm>>) target_semaphore(%run_scoped3A : memref<!tpu.dma_semaphore, #tpu.memory_space<semaphore_mem>>)
      %dma_wait3A = arith.constant 11264 : i32
      %dma_wait3A_643 = tpu.memref_slice %arg12[%dma_wait3A] : memref<27648xf32, #tpu.memory_space<vmem>> -> memref<1024xf32, #tpu.memory_space<vmem>>
      %dma_wait3A_644 = tpu.memref_slice %arg7[%add3A_532] : memref<884736xf32, #tpu.memory_space<hbm>> -> memref<1024xf32, #tpu.memory_space<hbm>>
      %dma_wait3A_645 = tpu.memref_slice %arg7[%add3A_532] : memref<884736xf32, #tpu.memory_space<hbm>> -> memref<1024xf32, #tpu.memory_space<hbm>>
      %dma_wait3A_646 = arith.constant 11264 : i32
      %dma_wait3A_647 = tpu.memref_slice %arg12[%dma_wait3A_646] : memref<27648xf32, #tpu.memory_space<vmem>> -> memref<1024xf32, #tpu.memory_space<vmem>>
      tpu.wait_dma2 semaphore(%run_scoped3A : memref<!tpu.dma_semaphore, #tpu.memory_space<semaphore_mem>>) src(%dma_wait3A_647 : memref<1024xf32, #tpu.memory_space<vmem>>) dst(%dma_wait3A_645 : memref<1024xf32, #tpu.memory_space<hbm>>)
      tpu.yield
    }) : () -> ()
    %mul3A_533 = arith.constant 27 : i32
    %mul3A_534 = arith.muli %select_n3A, %mul3A_533 : i32
    %add3A_535 = arith.constant 12 : i32
    %add3A_536 = arith.addi %mul3A_534, %add3A_535 : i32
    %mul3A_537 = arith.constant 4096 : i32
    %mul3A_538 = arith.muli %add3A_536, %mul3A_537 : i32
    %add3A_539 = arith.addi %mul3A_538, %mul3A_32 : i32
    "tpu.region"() ({
      %run_scoped3A = tpu.sem_alloc : memref<!tpu.dma_semaphore, #tpu.memory_space<semaphore_mem>>
      %dma_start3A = arith.constant 12288 : i32
      %dma_start3A_638 = tpu.memref_slice %arg12[%dma_start3A] : memref<27648xf32, #tpu.memory_space<vmem>> -> memref<1024xf32, #tpu.memory_space<vmem>>
      %dma_start3A_639 = tpu.memref_slice %arg7[%add3A_539] : memref<884736xf32, #tpu.memory_space<hbm>> -> memref<1024xf32, #tpu.memory_space<hbm>>
      %dma_start3A_640 = tpu.memref_slice %arg7[%add3A_539] : memref<884736xf32, #tpu.memory_space<hbm>> -> memref<1024xf32, #tpu.memory_space<hbm>>
      %dma_start3A_641 = arith.constant 12288 : i32
      %dma_start3A_642 = tpu.memref_slice %arg12[%dma_start3A_641] : memref<27648xf32, #tpu.memory_space<vmem>> -> memref<1024xf32, #tpu.memory_space<vmem>>
      tpu.enqueue_dma source(%dma_start3A_642 : memref<1024xf32, #tpu.memory_space<vmem>>) target(%dma_start3A_640 : memref<1024xf32, #tpu.memory_space<hbm>>) target_semaphore(%run_scoped3A : memref<!tpu.dma_semaphore, #tpu.memory_space<semaphore_mem>>)
      %dma_wait3A = arith.constant 12288 : i32
      %dma_wait3A_643 = tpu.memref_slice %arg12[%dma_wait3A] : memref<27648xf32, #tpu.memory_space<vmem>> -> memref<1024xf32, #tpu.memory_space<vmem>>
      %dma_wait3A_644 = tpu.memref_slice %arg7[%add3A_539] : memref<884736xf32, #tpu.memory_space<hbm>> -> memref<1024xf32, #tpu.memory_space<hbm>>
      %dma_wait3A_645 = tpu.memref_slice %arg7[%add3A_539] : memref<884736xf32, #tpu.memory_space<hbm>> -> memref<1024xf32, #tpu.memory_space<hbm>>
      %dma_wait3A_646 = arith.constant 12288 : i32
      %dma_wait3A_647 = tpu.memref_slice %arg12[%dma_wait3A_646] : memref<27648xf32, #tpu.memory_space<vmem>> -> memref<1024xf32, #tpu.memory_space<vmem>>
      tpu.wait_dma2 semaphore(%run_scoped3A : memref<!tpu.dma_semaphore, #tpu.memory_space<semaphore_mem>>) src(%dma_wait3A_647 : memref<1024xf32, #tpu.memory_space<vmem>>) dst(%dma_wait3A_645 : memref<1024xf32, #tpu.memory_space<hbm>>)
      tpu.yield
    }) : () -> ()
    %mul3A_540 = arith.constant 27 : i32
    %mul3A_541 = arith.muli %select_n3A, %mul3A_540 : i32
    %add3A_542 = arith.constant 13 : i32
    %add3A_543 = arith.addi %mul3A_541, %add3A_542 : i32
    %mul3A_544 = arith.constant 4096 : i32
    %mul3A_545 = arith.muli %add3A_543, %mul3A_544 : i32
    %add3A_546 = arith.addi %mul3A_545, %mul3A_32 : i32
    "tpu.region"() ({
      %run_scoped3A = tpu.sem_alloc : memref<!tpu.dma_semaphore, #tpu.memory_space<semaphore_mem>>
      %dma_start3A = arith.constant 13312 : i32
      %dma_start3A_638 = tpu.memref_slice %arg12[%dma_start3A] : memref<27648xf32, #tpu.memory_space<vmem>> -> memref<1024xf32, #tpu.memory_space<vmem>>
      %dma_start3A_639 = tpu.memref_slice %arg7[%add3A_546] : memref<884736xf32, #tpu.memory_space<hbm>> -> memref<1024xf32, #tpu.memory_space<hbm>>
      %dma_start3A_640 = tpu.memref_slice %arg7[%add3A_546] : memref<884736xf32, #tpu.memory_space<hbm>> -> memref<1024xf32, #tpu.memory_space<hbm>>
      %dma_start3A_641 = arith.constant 13312 : i32
      %dma_start3A_642 = tpu.memref_slice %arg12[%dma_start3A_641] : memref<27648xf32, #tpu.memory_space<vmem>> -> memref<1024xf32, #tpu.memory_space<vmem>>
      tpu.enqueue_dma source(%dma_start3A_642 : memref<1024xf32, #tpu.memory_space<vmem>>) target(%dma_start3A_640 : memref<1024xf32, #tpu.memory_space<hbm>>) target_semaphore(%run_scoped3A : memref<!tpu.dma_semaphore, #tpu.memory_space<semaphore_mem>>)
      %dma_wait3A = arith.constant 13312 : i32
      %dma_wait3A_643 = tpu.memref_slice %arg12[%dma_wait3A] : memref<27648xf32, #tpu.memory_space<vmem>> -> memref<1024xf32, #tpu.memory_space<vmem>>
      %dma_wait3A_644 = tpu.memref_slice %arg7[%add3A_546] : memref<884736xf32, #tpu.memory_space<hbm>> -> memref<1024xf32, #tpu.memory_space<hbm>>
      %dma_wait3A_645 = tpu.memref_slice %arg7[%add3A_546] : memref<884736xf32, #tpu.memory_space<hbm>> -> memref<1024xf32, #tpu.memory_space<hbm>>
      %dma_wait3A_646 = arith.constant 13312 : i32
      %dma_wait3A_647 = tpu.memref_slice %arg12[%dma_wait3A_646] : memref<27648xf32, #tpu.memory_space<vmem>> -> memref<1024xf32, #tpu.memory_space<vmem>>
      tpu.wait_dma2 semaphore(%run_scoped3A : memref<!tpu.dma_semaphore, #tpu.memory_space<semaphore_mem>>) src(%dma_wait3A_647 : memref<1024xf32, #tpu.memory_space<vmem>>) dst(%dma_wait3A_645 : memref<1024xf32, #tpu.memory_space<hbm>>)
      tpu.yield
    }) : () -> ()
    %mul3A_547 = arith.constant 27 : i32
    %mul3A_548 = arith.muli %select_n3A, %mul3A_547 : i32
    %add3A_549 = arith.constant 14 : i32
    %add3A_550 = arith.addi %mul3A_548, %add3A_549 : i32
    %mul3A_551 = arith.constant 4096 : i32
    %mul3A_552 = arith.muli %add3A_550, %mul3A_551 : i32
    %add3A_553 = arith.addi %mul3A_552, %mul3A_32 : i32
    "tpu.region"() ({
      %run_scoped3A = tpu.sem_alloc : memref<!tpu.dma_semaphore, #tpu.memory_space<semaphore_mem>>
      %dma_start3A = arith.constant 14336 : i32
      %dma_start3A_638 = tpu.memref_slice %arg12[%dma_start3A] : memref<27648xf32, #tpu.memory_space<vmem>> -> memref<1024xf32, #tpu.memory_space<vmem>>
      %dma_start3A_639 = tpu.memref_slice %arg7[%add3A_553] : memref<884736xf32, #tpu.memory_space<hbm>> -> memref<1024xf32, #tpu.memory_space<hbm>>
      %dma_start3A_640 = tpu.memref_slice %arg7[%add3A_553] : memref<884736xf32, #tpu.memory_space<hbm>> -> memref<1024xf32, #tpu.memory_space<hbm>>
      %dma_start3A_641 = arith.constant 14336 : i32
      %dma_start3A_642 = tpu.memref_slice %arg12[%dma_start3A_641] : memref<27648xf32, #tpu.memory_space<vmem>> -> memref<1024xf32, #tpu.memory_space<vmem>>
      tpu.enqueue_dma source(%dma_start3A_642 : memref<1024xf32, #tpu.memory_space<vmem>>) target(%dma_start3A_640 : memref<1024xf32, #tpu.memory_space<hbm>>) target_semaphore(%run_scoped3A : memref<!tpu.dma_semaphore, #tpu.memory_space<semaphore_mem>>)
      %dma_wait3A = arith.constant 14336 : i32
      %dma_wait3A_643 = tpu.memref_slice %arg12[%dma_wait3A] : memref<27648xf32, #tpu.memory_space<vmem>> -> memref<1024xf32, #tpu.memory_space<vmem>>
      %dma_wait3A_644 = tpu.memref_slice %arg7[%add3A_553] : memref<884736xf32, #tpu.memory_space<hbm>> -> memref<1024xf32, #tpu.memory_space<hbm>>
      %dma_wait3A_645 = tpu.memref_slice %arg7[%add3A_553] : memref<884736xf32, #tpu.memory_space<hbm>> -> memref<1024xf32, #tpu.memory_space<hbm>>
      %dma_wait3A_646 = arith.constant 14336 : i32
      %dma_wait3A_647 = tpu.memref_slice %arg12[%dma_wait3A_646] : memref<27648xf32, #tpu.memory_space<vmem>> -> memref<1024xf32, #tpu.memory_space<vmem>>
      tpu.wait_dma2 semaphore(%run_scoped3A : memref<!tpu.dma_semaphore, #tpu.memory_space<semaphore_mem>>) src(%dma_wait3A_647 : memref<1024xf32, #tpu.memory_space<vmem>>) dst(%dma_wait3A_645 : memref<1024xf32, #tpu.memory_space<hbm>>)
      tpu.yield
    }) : () -> ()
    %mul3A_554 = arith.constant 27 : i32
    %mul3A_555 = arith.muli %select_n3A, %mul3A_554 : i32
    %add3A_556 = arith.constant 15 : i32
    %add3A_557 = arith.addi %mul3A_555, %add3A_556 : i32
    %mul3A_558 = arith.constant 4096 : i32
    %mul3A_559 = arith.muli %add3A_557, %mul3A_558 : i32
    %add3A_560 = arith.addi %mul3A_559, %mul3A_32 : i32
    "tpu.region"() ({
      %run_scoped3A = tpu.sem_alloc : memref<!tpu.dma_semaphore, #tpu.memory_space<semaphore_mem>>
      %dma_start3A = arith.constant 15360 : i32
      %dma_start3A_638 = tpu.memref_slice %arg12[%dma_start3A] : memref<27648xf32, #tpu.memory_space<vmem>> -> memref<1024xf32, #tpu.memory_space<vmem>>
      %dma_start3A_639 = tpu.memref_slice %arg7[%add3A_560] : memref<884736xf32, #tpu.memory_space<hbm>> -> memref<1024xf32, #tpu.memory_space<hbm>>
      %dma_start3A_640 = tpu.memref_slice %arg7[%add3A_560] : memref<884736xf32, #tpu.memory_space<hbm>> -> memref<1024xf32, #tpu.memory_space<hbm>>
      %dma_start3A_641 = arith.constant 15360 : i32
      %dma_start3A_642 = tpu.memref_slice %arg12[%dma_start3A_641] : memref<27648xf32, #tpu.memory_space<vmem>> -> memref<1024xf32, #tpu.memory_space<vmem>>
      tpu.enqueue_dma source(%dma_start3A_642 : memref<1024xf32, #tpu.memory_space<vmem>>) target(%dma_start3A_640 : memref<1024xf32, #tpu.memory_space<hbm>>) target_semaphore(%run_scoped3A : memref<!tpu.dma_semaphore, #tpu.memory_space<semaphore_mem>>)
      %dma_wait3A = arith.constant 15360 : i32
      %dma_wait3A_643 = tpu.memref_slice %arg12[%dma_wait3A] : memref<27648xf32, #tpu.memory_space<vmem>> -> memref<1024xf32, #tpu.memory_space<vmem>>
      %dma_wait3A_644 = tpu.memref_slice %arg7[%add3A_560] : memref<884736xf32, #tpu.memory_space<hbm>> -> memref<1024xf32, #tpu.memory_space<hbm>>
      %dma_wait3A_645 = tpu.memref_slice %arg7[%add3A_560] : memref<884736xf32, #tpu.memory_space<hbm>> -> memref<1024xf32, #tpu.memory_space<hbm>>
      %dma_wait3A_646 = arith.constant 15360 : i32
      %dma_wait3A_647 = tpu.memref_slice %arg12[%dma_wait3A_646] : memref<27648xf32, #tpu.memory_space<vmem>> -> memref<1024xf32, #tpu.memory_space<vmem>>
      tpu.wait_dma2 semaphore(%run_scoped3A : memref<!tpu.dma_semaphore, #tpu.memory_space<semaphore_mem>>) src(%dma_wait3A_647 : memref<1024xf32, #tpu.memory_space<vmem>>) dst(%dma_wait3A_645 : memref<1024xf32, #tpu.memory_space<hbm>>)
      tpu.yield
    }) : () -> ()
    %mul3A_561 = arith.constant 27 : i32
    %mul3A_562 = arith.muli %select_n3A, %mul3A_561 : i32
    %add3A_563 = arith.constant 16 : i32
    %add3A_564 = arith.addi %mul3A_562, %add3A_563 : i32
    %mul3A_565 = arith.constant 4096 : i32
    %mul3A_566 = arith.muli %add3A_564, %mul3A_565 : i32
    %add3A_567 = arith.addi %mul3A_566, %mul3A_32 : i32
    "tpu.region"() ({
      %run_scoped3A = tpu.sem_alloc : memref<!tpu.dma_semaphore, #tpu.memory_space<semaphore_mem>>
      %dma_start3A = arith.constant 16384 : i32
      %dma_start3A_638 = tpu.memref_slice %arg12[%dma_start3A] : memref<27648xf32, #tpu.memory_space<vmem>> -> memref<1024xf32, #tpu.memory_space<vmem>>
      %dma_start3A_639 = tpu.memref_slice %arg7[%add3A_567] : memref<884736xf32, #tpu.memory_space<hbm>> -> memref<1024xf32, #tpu.memory_space<hbm>>
      %dma_start3A_640 = tpu.memref_slice %arg7[%add3A_567] : memref<884736xf32, #tpu.memory_space<hbm>> -> memref<1024xf32, #tpu.memory_space<hbm>>
      %dma_start3A_641 = arith.constant 16384 : i32
      %dma_start3A_642 = tpu.memref_slice %arg12[%dma_start3A_641] : memref<27648xf32, #tpu.memory_space<vmem>> -> memref<1024xf32, #tpu.memory_space<vmem>>
      tpu.enqueue_dma source(%dma_start3A_642 : memref<1024xf32, #tpu.memory_space<vmem>>) target(%dma_start3A_640 : memref<1024xf32, #tpu.memory_space<hbm>>) target_semaphore(%run_scoped3A : memref<!tpu.dma_semaphore, #tpu.memory_space<semaphore_mem>>)
      %dma_wait3A = arith.constant 16384 : i32
      %dma_wait3A_643 = tpu.memref_slice %arg12[%dma_wait3A] : memref<27648xf32, #tpu.memory_space<vmem>> -> memref<1024xf32, #tpu.memory_space<vmem>>
      %dma_wait3A_644 = tpu.memref_slice %arg7[%add3A_567] : memref<884736xf32, #tpu.memory_space<hbm>> -> memref<1024xf32, #tpu.memory_space<hbm>>
      %dma_wait3A_645 = tpu.memref_slice %arg7[%add3A_567] : memref<884736xf32, #tpu.memory_space<hbm>> -> memref<1024xf32, #tpu.memory_space<hbm>>
      %dma_wait3A_646 = arith.constant 16384 : i32
      %dma_wait3A_647 = tpu.memref_slice %arg12[%dma_wait3A_646] : memref<27648xf32, #tpu.memory_space<vmem>> -> memref<1024xf32, #tpu.memory_space<vmem>>
      tpu.wait_dma2 semaphore(%run_scoped3A : memref<!tpu.dma_semaphore, #tpu.memory_space<semaphore_mem>>) src(%dma_wait3A_647 : memref<1024xf32, #tpu.memory_space<vmem>>) dst(%dma_wait3A_645 : memref<1024xf32, #tpu.memory_space<hbm>>)
      tpu.yield
    }) : () -> ()
    %mul3A_568 = arith.constant 27 : i32
    %mul3A_569 = arith.muli %select_n3A, %mul3A_568 : i32
    %add3A_570 = arith.constant 17 : i32
    %add3A_571 = arith.addi %mul3A_569, %add3A_570 : i32
    %mul3A_572 = arith.constant 4096 : i32
    %mul3A_573 = arith.muli %add3A_571, %mul3A_572 : i32
    %add3A_574 = arith.addi %mul3A_573, %mul3A_32 : i32
    "tpu.region"() ({
      %run_scoped3A = tpu.sem_alloc : memref<!tpu.dma_semaphore, #tpu.memory_space<semaphore_mem>>
      %dma_start3A = arith.constant 17408 : i32
      %dma_start3A_638 = tpu.memref_slice %arg12[%dma_start3A] : memref<27648xf32, #tpu.memory_space<vmem>> -> memref<1024xf32, #tpu.memory_space<vmem>>
      %dma_start3A_639 = tpu.memref_slice %arg7[%add3A_574] : memref<884736xf32, #tpu.memory_space<hbm>> -> memref<1024xf32, #tpu.memory_space<hbm>>
      %dma_start3A_640 = tpu.memref_slice %arg7[%add3A_574] : memref<884736xf32, #tpu.memory_space<hbm>> -> memref<1024xf32, #tpu.memory_space<hbm>>
      %dma_start3A_641 = arith.constant 17408 : i32
      %dma_start3A_642 = tpu.memref_slice %arg12[%dma_start3A_641] : memref<27648xf32, #tpu.memory_space<vmem>> -> memref<1024xf32, #tpu.memory_space<vmem>>
      tpu.enqueue_dma source(%dma_start3A_642 : memref<1024xf32, #tpu.memory_space<vmem>>) target(%dma_start3A_640 : memref<1024xf32, #tpu.memory_space<hbm>>) target_semaphore(%run_scoped3A : memref<!tpu.dma_semaphore, #tpu.memory_space<semaphore_mem>>)
      %dma_wait3A = arith.constant 17408 : i32
      %dma_wait3A_643 = tpu.memref_slice %arg12[%dma_wait3A] : memref<27648xf32, #tpu.memory_space<vmem>> -> memref<1024xf32, #tpu.memory_space<vmem>>
      %dma_wait3A_644 = tpu.memref_slice %arg7[%add3A_574] : memref<884736xf32, #tpu.memory_space<hbm>> -> memref<1024xf32, #tpu.memory_space<hbm>>
      %dma_wait3A_645 = tpu.memref_slice %arg7[%add3A_574] : memref<884736xf32, #tpu.memory_space<hbm>> -> memref<1024xf32, #tpu.memory_space<hbm>>
      %dma_wait3A_646 = arith.constant 17408 : i32
      %dma_wait3A_647 = tpu.memref_slice %arg12[%dma_wait3A_646] : memref<27648xf32, #tpu.memory_space<vmem>> -> memref<1024xf32, #tpu.memory_space<vmem>>
      tpu.wait_dma2 semaphore(%run_scoped3A : memref<!tpu.dma_semaphore, #tpu.memory_space<semaphore_mem>>) src(%dma_wait3A_647 : memref<1024xf32, #tpu.memory_space<vmem>>) dst(%dma_wait3A_645 : memref<1024xf32, #tpu.memory_space<hbm>>)
      tpu.yield
    }) : () -> ()
    %mul3A_575 = arith.constant 27 : i32
    %mul3A_576 = arith.muli %select_n3A, %mul3A_575 : i32
    %add3A_577 = arith.constant 18 : i32
    %add3A_578 = arith.addi %mul3A_576, %add3A_577 : i32
    %mul3A_579 = arith.constant 4096 : i32
    %mul3A_580 = arith.muli %add3A_578, %mul3A_579 : i32
    %add3A_581 = arith.addi %mul3A_580, %mul3A_32 : i32
    "tpu.region"() ({
      %run_scoped3A = tpu.sem_alloc : memref<!tpu.dma_semaphore, #tpu.memory_space<semaphore_mem>>
      %dma_start3A = arith.constant 18432 : i32
      %dma_start3A_638 = tpu.memref_slice %arg12[%dma_start3A] : memref<27648xf32, #tpu.memory_space<vmem>> -> memref<1024xf32, #tpu.memory_space<vmem>>
      %dma_start3A_639 = tpu.memref_slice %arg7[%add3A_581] : memref<884736xf32, #tpu.memory_space<hbm>> -> memref<1024xf32, #tpu.memory_space<hbm>>
      %dma_start3A_640 = tpu.memref_slice %arg7[%add3A_581] : memref<884736xf32, #tpu.memory_space<hbm>> -> memref<1024xf32, #tpu.memory_space<hbm>>
      %dma_start3A_641 = arith.constant 18432 : i32
      %dma_start3A_642 = tpu.memref_slice %arg12[%dma_start3A_641] : memref<27648xf32, #tpu.memory_space<vmem>> -> memref<1024xf32, #tpu.memory_space<vmem>>
      tpu.enqueue_dma source(%dma_start3A_642 : memref<1024xf32, #tpu.memory_space<vmem>>) target(%dma_start3A_640 : memref<1024xf32, #tpu.memory_space<hbm>>) target_semaphore(%run_scoped3A : memref<!tpu.dma_semaphore, #tpu.memory_space<semaphore_mem>>)
      %dma_wait3A = arith.constant 18432 : i32
      %dma_wait3A_643 = tpu.memref_slice %arg12[%dma_wait3A] : memref<27648xf32, #tpu.memory_space<vmem>> -> memref<1024xf32, #tpu.memory_space<vmem>>
      %dma_wait3A_644 = tpu.memref_slice %arg7[%add3A_581] : memref<884736xf32, #tpu.memory_space<hbm>> -> memref<1024xf32, #tpu.memory_space<hbm>>
      %dma_wait3A_645 = tpu.memref_slice %arg7[%add3A_581] : memref<884736xf32, #tpu.memory_space<hbm>> -> memref<1024xf32, #tpu.memory_space<hbm>>
      %dma_wait3A_646 = arith.constant 18432 : i32
      %dma_wait3A_647 = tpu.memref_slice %arg12[%dma_wait3A_646] : memref<27648xf32, #tpu.memory_space<vmem>> -> memref<1024xf32, #tpu.memory_space<vmem>>
      tpu.wait_dma2 semaphore(%run_scoped3A : memref<!tpu.dma_semaphore, #tpu.memory_space<semaphore_mem>>) src(%dma_wait3A_647 : memref<1024xf32, #tpu.memory_space<vmem>>) dst(%dma_wait3A_645 : memref<1024xf32, #tpu.memory_space<hbm>>)
      tpu.yield
    }) : () -> ()
    %mul3A_582 = arith.constant 27 : i32
    %mul3A_583 = arith.muli %select_n3A, %mul3A_582 : i32
    %add3A_584 = arith.constant 19 : i32
    %add3A_585 = arith.addi %mul3A_583, %add3A_584 : i32
    %mul3A_586 = arith.constant 4096 : i32
    %mul3A_587 = arith.muli %add3A_585, %mul3A_586 : i32
    %add3A_588 = arith.addi %mul3A_587, %mul3A_32 : i32
    "tpu.region"() ({
      %run_scoped3A = tpu.sem_alloc : memref<!tpu.dma_semaphore, #tpu.memory_space<semaphore_mem>>
      %dma_start3A = arith.constant 19456 : i32
      %dma_start3A_638 = tpu.memref_slice %arg12[%dma_start3A] : memref<27648xf32, #tpu.memory_space<vmem>> -> memref<1024xf32, #tpu.memory_space<vmem>>
      %dma_start3A_639 = tpu.memref_slice %arg7[%add3A_588] : memref<884736xf32, #tpu.memory_space<hbm>> -> memref<1024xf32, #tpu.memory_space<hbm>>
      %dma_start3A_640 = tpu.memref_slice %arg7[%add3A_588] : memref<884736xf32, #tpu.memory_space<hbm>> -> memref<1024xf32, #tpu.memory_space<hbm>>
      %dma_start3A_641 = arith.constant 19456 : i32
      %dma_start3A_642 = tpu.memref_slice %arg12[%dma_start3A_641] : memref<27648xf32, #tpu.memory_space<vmem>> -> memref<1024xf32, #tpu.memory_space<vmem>>
      tpu.enqueue_dma source(%dma_start3A_642 : memref<1024xf32, #tpu.memory_space<vmem>>) target(%dma_start3A_640 : memref<1024xf32, #tpu.memory_space<hbm>>) target_semaphore(%run_scoped3A : memref<!tpu.dma_semaphore, #tpu.memory_space<semaphore_mem>>)
      %dma_wait3A = arith.constant 19456 : i32
      %dma_wait3A_643 = tpu.memref_slice %arg12[%dma_wait3A] : memref<27648xf32, #tpu.memory_space<vmem>> -> memref<1024xf32, #tpu.memory_space<vmem>>
      %dma_wait3A_644 = tpu.memref_slice %arg7[%add3A_588] : memref<884736xf32, #tpu.memory_space<hbm>> -> memref<1024xf32, #tpu.memory_space<hbm>>
      %dma_wait3A_645 = tpu.memref_slice %arg7[%add3A_588] : memref<884736xf32, #tpu.memory_space<hbm>> -> memref<1024xf32, #tpu.memory_space<hbm>>
      %dma_wait3A_646 = arith.constant 19456 : i32
      %dma_wait3A_647 = tpu.memref_slice %arg12[%dma_wait3A_646] : memref<27648xf32, #tpu.memory_space<vmem>> -> memref<1024xf32, #tpu.memory_space<vmem>>
      tpu.wait_dma2 semaphore(%run_scoped3A : memref<!tpu.dma_semaphore, #tpu.memory_space<semaphore_mem>>) src(%dma_wait3A_647 : memref<1024xf32, #tpu.memory_space<vmem>>) dst(%dma_wait3A_645 : memref<1024xf32, #tpu.memory_space<hbm>>)
      tpu.yield
    }) : () -> ()
    %mul3A_589 = arith.constant 27 : i32
    %mul3A_590 = arith.muli %select_n3A, %mul3A_589 : i32
    %add3A_591 = arith.constant 20 : i32
    %add3A_592 = arith.addi %mul3A_590, %add3A_591 : i32
    %mul3A_593 = arith.constant 4096 : i32
    %mul3A_594 = arith.muli %add3A_592, %mul3A_593 : i32
    %add3A_595 = arith.addi %mul3A_594, %mul3A_32 : i32
    "tpu.region"() ({
      %run_scoped3A = tpu.sem_alloc : memref<!tpu.dma_semaphore, #tpu.memory_space<semaphore_mem>>
      %dma_start3A = arith.constant 20480 : i32
      %dma_start3A_638 = tpu.memref_slice %arg12[%dma_start3A] : memref<27648xf32, #tpu.memory_space<vmem>> -> memref<1024xf32, #tpu.memory_space<vmem>>
      %dma_start3A_639 = tpu.memref_slice %arg7[%add3A_595] : memref<884736xf32, #tpu.memory_space<hbm>> -> memref<1024xf32, #tpu.memory_space<hbm>>
      %dma_start3A_640 = tpu.memref_slice %arg7[%add3A_595] : memref<884736xf32, #tpu.memory_space<hbm>> -> memref<1024xf32, #tpu.memory_space<hbm>>
      %dma_start3A_641 = arith.constant 20480 : i32
      %dma_start3A_642 = tpu.memref_slice %arg12[%dma_start3A_641] : memref<27648xf32, #tpu.memory_space<vmem>> -> memref<1024xf32, #tpu.memory_space<vmem>>
      tpu.enqueue_dma source(%dma_start3A_642 : memref<1024xf32, #tpu.memory_space<vmem>>) target(%dma_start3A_640 : memref<1024xf32, #tpu.memory_space<hbm>>) target_semaphore(%run_scoped3A : memref<!tpu.dma_semaphore, #tpu.memory_space<semaphore_mem>>)
      %dma_wait3A = arith.constant 20480 : i32
      %dma_wait3A_643 = tpu.memref_slice %arg12[%dma_wait3A] : memref<27648xf32, #tpu.memory_space<vmem>> -> memref<1024xf32, #tpu.memory_space<vmem>>
      %dma_wait3A_644 = tpu.memref_slice %arg7[%add3A_595] : memref<884736xf32, #tpu.memory_space<hbm>> -> memref<1024xf32, #tpu.memory_space<hbm>>
      %dma_wait3A_645 = tpu.memref_slice %arg7[%add3A_595] : memref<884736xf32, #tpu.memory_space<hbm>> -> memref<1024xf32, #tpu.memory_space<hbm>>
      %dma_wait3A_646 = arith.constant 20480 : i32
      %dma_wait3A_647 = tpu.memref_slice %arg12[%dma_wait3A_646] : memref<27648xf32, #tpu.memory_space<vmem>> -> memref<1024xf32, #tpu.memory_space<vmem>>
      tpu.wait_dma2 semaphore(%run_scoped3A : memref<!tpu.dma_semaphore, #tpu.memory_space<semaphore_mem>>) src(%dma_wait3A_647 : memref<1024xf32, #tpu.memory_space<vmem>>) dst(%dma_wait3A_645 : memref<1024xf32, #tpu.memory_space<hbm>>)
      tpu.yield
    }) : () -> ()
    %mul3A_596 = arith.constant 27 : i32
    %mul3A_597 = arith.muli %select_n3A, %mul3A_596 : i32
    %add3A_598 = arith.constant 21 : i32
    %add3A_599 = arith.addi %mul3A_597, %add3A_598 : i32
    %mul3A_600 = arith.constant 4096 : i32
    %mul3A_601 = arith.muli %add3A_599, %mul3A_600 : i32
    %add3A_602 = arith.addi %mul3A_601, %mul3A_32 : i32
    "tpu.region"() ({
      %run_scoped3A = tpu.sem_alloc : memref<!tpu.dma_semaphore, #tpu.memory_space<semaphore_mem>>
      %dma_start3A = arith.constant 21504 : i32
      %dma_start3A_638 = tpu.memref_slice %arg12[%dma_start3A] : memref<27648xf32, #tpu.memory_space<vmem>> -> memref<1024xf32, #tpu.memory_space<vmem>>
      %dma_start3A_639 = tpu.memref_slice %arg7[%add3A_602] : memref<884736xf32, #tpu.memory_space<hbm>> -> memref<1024xf32, #tpu.memory_space<hbm>>
      %dma_start3A_640 = tpu.memref_slice %arg7[%add3A_602] : memref<884736xf32, #tpu.memory_space<hbm>> -> memref<1024xf32, #tpu.memory_space<hbm>>
      %dma_start3A_641 = arith.constant 21504 : i32
      %dma_start3A_642 = tpu.memref_slice %arg12[%dma_start3A_641] : memref<27648xf32, #tpu.memory_space<vmem>> -> memref<1024xf32, #tpu.memory_space<vmem>>
      tpu.enqueue_dma source(%dma_start3A_642 : memref<1024xf32, #tpu.memory_space<vmem>>) target(%dma_start3A_640 : memref<1024xf32, #tpu.memory_space<hbm>>) target_semaphore(%run_scoped3A : memref<!tpu.dma_semaphore, #tpu.memory_space<semaphore_mem>>)
      %dma_wait3A = arith.constant 21504 : i32
      %dma_wait3A_643 = tpu.memref_slice %arg12[%dma_wait3A] : memref<27648xf32, #tpu.memory_space<vmem>> -> memref<1024xf32, #tpu.memory_space<vmem>>
      %dma_wait3A_644 = tpu.memref_slice %arg7[%add3A_602] : memref<884736xf32, #tpu.memory_space<hbm>> -> memref<1024xf32, #tpu.memory_space<hbm>>
      %dma_wait3A_645 = tpu.memref_slice %arg7[%add3A_602] : memref<884736xf32, #tpu.memory_space<hbm>> -> memref<1024xf32, #tpu.memory_space<hbm>>
      %dma_wait3A_646 = arith.constant 21504 : i32
      %dma_wait3A_647 = tpu.memref_slice %arg12[%dma_wait3A_646] : memref<27648xf32, #tpu.memory_space<vmem>> -> memref<1024xf32, #tpu.memory_space<vmem>>
      tpu.wait_dma2 semaphore(%run_scoped3A : memref<!tpu.dma_semaphore, #tpu.memory_space<semaphore_mem>>) src(%dma_wait3A_647 : memref<1024xf32, #tpu.memory_space<vmem>>) dst(%dma_wait3A_645 : memref<1024xf32, #tpu.memory_space<hbm>>)
      tpu.yield
    }) : () -> ()
    %mul3A_603 = arith.constant 27 : i32
    %mul3A_604 = arith.muli %select_n3A, %mul3A_603 : i32
    %add3A_605 = arith.constant 22 : i32
    %add3A_606 = arith.addi %mul3A_604, %add3A_605 : i32
    %mul3A_607 = arith.constant 4096 : i32
    %mul3A_608 = arith.muli %add3A_606, %mul3A_607 : i32
    %add3A_609 = arith.addi %mul3A_608, %mul3A_32 : i32
    "tpu.region"() ({
      %run_scoped3A = tpu.sem_alloc : memref<!tpu.dma_semaphore, #tpu.memory_space<semaphore_mem>>
      %dma_start3A = arith.constant 22528 : i32
      %dma_start3A_638 = tpu.memref_slice %arg12[%dma_start3A] : memref<27648xf32, #tpu.memory_space<vmem>> -> memref<1024xf32, #tpu.memory_space<vmem>>
      %dma_start3A_639 = tpu.memref_slice %arg7[%add3A_609] : memref<884736xf32, #tpu.memory_space<hbm>> -> memref<1024xf32, #tpu.memory_space<hbm>>
      %dma_start3A_640 = tpu.memref_slice %arg7[%add3A_609] : memref<884736xf32, #tpu.memory_space<hbm>> -> memref<1024xf32, #tpu.memory_space<hbm>>
      %dma_start3A_641 = arith.constant 22528 : i32
      %dma_start3A_642 = tpu.memref_slice %arg12[%dma_start3A_641] : memref<27648xf32, #tpu.memory_space<vmem>> -> memref<1024xf32, #tpu.memory_space<vmem>>
      tpu.enqueue_dma source(%dma_start3A_642 : memref<1024xf32, #tpu.memory_space<vmem>>) target(%dma_start3A_640 : memref<1024xf32, #tpu.memory_space<hbm>>) target_semaphore(%run_scoped3A : memref<!tpu.dma_semaphore, #tpu.memory_space<semaphore_mem>>)
      %dma_wait3A = arith.constant 22528 : i32
      %dma_wait3A_643 = tpu.memref_slice %arg12[%dma_wait3A] : memref<27648xf32, #tpu.memory_space<vmem>> -> memref<1024xf32, #tpu.memory_space<vmem>>
      %dma_wait3A_644 = tpu.memref_slice %arg7[%add3A_609] : memref<884736xf32, #tpu.memory_space<hbm>> -> memref<1024xf32, #tpu.memory_space<hbm>>
      %dma_wait3A_645 = tpu.memref_slice %arg7[%add3A_609] : memref<884736xf32, #tpu.memory_space<hbm>> -> memref<1024xf32, #tpu.memory_space<hbm>>
      %dma_wait3A_646 = arith.constant 22528 : i32
      %dma_wait3A_647 = tpu.memref_slice %arg12[%dma_wait3A_646] : memref<27648xf32, #tpu.memory_space<vmem>> -> memref<1024xf32, #tpu.memory_space<vmem>>
      tpu.wait_dma2 semaphore(%run_scoped3A : memref<!tpu.dma_semaphore, #tpu.memory_space<semaphore_mem>>) src(%dma_wait3A_647 : memref<1024xf32, #tpu.memory_space<vmem>>) dst(%dma_wait3A_645 : memref<1024xf32, #tpu.memory_space<hbm>>)
      tpu.yield
    }) : () -> ()
    %mul3A_610 = arith.constant 27 : i32
    %mul3A_611 = arith.muli %select_n3A, %mul3A_610 : i32
    %add3A_612 = arith.constant 23 : i32
    %add3A_613 = arith.addi %mul3A_611, %add3A_612 : i32
    %mul3A_614 = arith.constant 4096 : i32
    %mul3A_615 = arith.muli %add3A_613, %mul3A_614 : i32
    %add3A_616 = arith.addi %mul3A_615, %mul3A_32 : i32
    "tpu.region"() ({
      %run_scoped3A = tpu.sem_alloc : memref<!tpu.dma_semaphore, #tpu.memory_space<semaphore_mem>>
      %dma_start3A = arith.constant 23552 : i32
      %dma_start3A_638 = tpu.memref_slice %arg12[%dma_start3A] : memref<27648xf32, #tpu.memory_space<vmem>> -> memref<1024xf32, #tpu.memory_space<vmem>>
      %dma_start3A_639 = tpu.memref_slice %arg7[%add3A_616] : memref<884736xf32, #tpu.memory_space<hbm>> -> memref<1024xf32, #tpu.memory_space<hbm>>
      %dma_start3A_640 = tpu.memref_slice %arg7[%add3A_616] : memref<884736xf32, #tpu.memory_space<hbm>> -> memref<1024xf32, #tpu.memory_space<hbm>>
      %dma_start3A_641 = arith.constant 23552 : i32
      %dma_start3A_642 = tpu.memref_slice %arg12[%dma_start3A_641] : memref<27648xf32, #tpu.memory_space<vmem>> -> memref<1024xf32, #tpu.memory_space<vmem>>
      tpu.enqueue_dma source(%dma_start3A_642 : memref<1024xf32, #tpu.memory_space<vmem>>) target(%dma_start3A_640 : memref<1024xf32, #tpu.memory_space<hbm>>) target_semaphore(%run_scoped3A : memref<!tpu.dma_semaphore, #tpu.memory_space<semaphore_mem>>)
      %dma_wait3A = arith.constant 23552 : i32
      %dma_wait3A_643 = tpu.memref_slice %arg12[%dma_wait3A] : memref<27648xf32, #tpu.memory_space<vmem>> -> memref<1024xf32, #tpu.memory_space<vmem>>
      %dma_wait3A_644 = tpu.memref_slice %arg7[%add3A_616] : memref<884736xf32, #tpu.memory_space<hbm>> -> memref<1024xf32, #tpu.memory_space<hbm>>
      %dma_wait3A_645 = tpu.memref_slice %arg7[%add3A_616] : memref<884736xf32, #tpu.memory_space<hbm>> -> memref<1024xf32, #tpu.memory_space<hbm>>
      %dma_wait3A_646 = arith.constant 23552 : i32
      %dma_wait3A_647 = tpu.memref_slice %arg12[%dma_wait3A_646] : memref<27648xf32, #tpu.memory_space<vmem>> -> memref<1024xf32, #tpu.memory_space<vmem>>
      tpu.wait_dma2 semaphore(%run_scoped3A : memref<!tpu.dma_semaphore, #tpu.memory_space<semaphore_mem>>) src(%dma_wait3A_647 : memref<1024xf32, #tpu.memory_space<vmem>>) dst(%dma_wait3A_645 : memref<1024xf32, #tpu.memory_space<hbm>>)
      tpu.yield
    }) : () -> ()
    %mul3A_617 = arith.constant 27 : i32
    %mul3A_618 = arith.muli %select_n3A, %mul3A_617 : i32
    %add3A_619 = arith.constant 24 : i32
    %add3A_620 = arith.addi %mul3A_618, %add3A_619 : i32
    %mul3A_621 = arith.constant 4096 : i32
    %mul3A_622 = arith.muli %add3A_620, %mul3A_621 : i32
    %add3A_623 = arith.addi %mul3A_622, %mul3A_32 : i32
    "tpu.region"() ({
      %run_scoped3A = tpu.sem_alloc : memref<!tpu.dma_semaphore, #tpu.memory_space<semaphore_mem>>
      %dma_start3A = arith.constant 24576 : i32
      %dma_start3A_638 = tpu.memref_slice %arg12[%dma_start3A] : memref<27648xf32, #tpu.memory_space<vmem>> -> memref<1024xf32, #tpu.memory_space<vmem>>
      %dma_start3A_639 = tpu.memref_slice %arg7[%add3A_623] : memref<884736xf32, #tpu.memory_space<hbm>> -> memref<1024xf32, #tpu.memory_space<hbm>>
      %dma_start3A_640 = tpu.memref_slice %arg7[%add3A_623] : memref<884736xf32, #tpu.memory_space<hbm>> -> memref<1024xf32, #tpu.memory_space<hbm>>
      %dma_start3A_641 = arith.constant 24576 : i32
      %dma_start3A_642 = tpu.memref_slice %arg12[%dma_start3A_641] : memref<27648xf32, #tpu.memory_space<vmem>> -> memref<1024xf32, #tpu.memory_space<vmem>>
      tpu.enqueue_dma source(%dma_start3A_642 : memref<1024xf32, #tpu.memory_space<vmem>>) target(%dma_start3A_640 : memref<1024xf32, #tpu.memory_space<hbm>>) target_semaphore(%run_scoped3A : memref<!tpu.dma_semaphore, #tpu.memory_space<semaphore_mem>>)
      %dma_wait3A = arith.constant 24576 : i32
      %dma_wait3A_643 = tpu.memref_slice %arg12[%dma_wait3A] : memref<27648xf32, #tpu.memory_space<vmem>> -> memref<1024xf32, #tpu.memory_space<vmem>>
      %dma_wait3A_644 = tpu.memref_slice %arg7[%add3A_623] : memref<884736xf32, #tpu.memory_space<hbm>> -> memref<1024xf32, #tpu.memory_space<hbm>>
      %dma_wait3A_645 = tpu.memref_slice %arg7[%add3A_623] : memref<884736xf32, #tpu.memory_space<hbm>> -> memref<1024xf32, #tpu.memory_space<hbm>>
      %dma_wait3A_646 = arith.constant 24576 : i32
      %dma_wait3A_647 = tpu.memref_slice %arg12[%dma_wait3A_646] : memref<27648xf32, #tpu.memory_space<vmem>> -> memref<1024xf32, #tpu.memory_space<vmem>>
      tpu.wait_dma2 semaphore(%run_scoped3A : memref<!tpu.dma_semaphore, #tpu.memory_space<semaphore_mem>>) src(%dma_wait3A_647 : memref<1024xf32, #tpu.memory_space<vmem>>) dst(%dma_wait3A_645 : memref<1024xf32, #tpu.memory_space<hbm>>)
      tpu.yield
    }) : () -> ()
    %mul3A_624 = arith.constant 27 : i32
    %mul3A_625 = arith.muli %select_n3A, %mul3A_624 : i32
    %add3A_626 = arith.constant 25 : i32
    %add3A_627 = arith.addi %mul3A_625, %add3A_626 : i32
    %mul3A_628 = arith.constant 4096 : i32
    %mul3A_629 = arith.muli %add3A_627, %mul3A_628 : i32
    %add3A_630 = arith.addi %mul3A_629, %mul3A_32 : i32
    "tpu.region"() ({
      %run_scoped3A = tpu.sem_alloc : memref<!tpu.dma_semaphore, #tpu.memory_space<semaphore_mem>>
      %dma_start3A = arith.constant 25600 : i32
      %dma_start3A_638 = tpu.memref_slice %arg12[%dma_start3A] : memref<27648xf32, #tpu.memory_space<vmem>> -> memref<1024xf32, #tpu.memory_space<vmem>>
      %dma_start3A_639 = tpu.memref_slice %arg7[%add3A_630] : memref<884736xf32, #tpu.memory_space<hbm>> -> memref<1024xf32, #tpu.memory_space<hbm>>
      %dma_start3A_640 = tpu.memref_slice %arg7[%add3A_630] : memref<884736xf32, #tpu.memory_space<hbm>> -> memref<1024xf32, #tpu.memory_space<hbm>>
      %dma_start3A_641 = arith.constant 25600 : i32
      %dma_start3A_642 = tpu.memref_slice %arg12[%dma_start3A_641] : memref<27648xf32, #tpu.memory_space<vmem>> -> memref<1024xf32, #tpu.memory_space<vmem>>
      tpu.enqueue_dma source(%dma_start3A_642 : memref<1024xf32, #tpu.memory_space<vmem>>) target(%dma_start3A_640 : memref<1024xf32, #tpu.memory_space<hbm>>) target_semaphore(%run_scoped3A : memref<!tpu.dma_semaphore, #tpu.memory_space<semaphore_mem>>)
      %dma_wait3A = arith.constant 25600 : i32
      %dma_wait3A_643 = tpu.memref_slice %arg12[%dma_wait3A] : memref<27648xf32, #tpu.memory_space<vmem>> -> memref<1024xf32, #tpu.memory_space<vmem>>
      %dma_wait3A_644 = tpu.memref_slice %arg7[%add3A_630] : memref<884736xf32, #tpu.memory_space<hbm>> -> memref<1024xf32, #tpu.memory_space<hbm>>
      %dma_wait3A_645 = tpu.memref_slice %arg7[%add3A_630] : memref<884736xf32, #tpu.memory_space<hbm>> -> memref<1024xf32, #tpu.memory_space<hbm>>
      %dma_wait3A_646 = arith.constant 25600 : i32
      %dma_wait3A_647 = tpu.memref_slice %arg12[%dma_wait3A_646] : memref<27648xf32, #tpu.memory_space<vmem>> -> memref<1024xf32, #tpu.memory_space<vmem>>
      tpu.wait_dma2 semaphore(%run_scoped3A : memref<!tpu.dma_semaphore, #tpu.memory_space<semaphore_mem>>) src(%dma_wait3A_647 : memref<1024xf32, #tpu.memory_space<vmem>>) dst(%dma_wait3A_645 : memref<1024xf32, #tpu.memory_space<hbm>>)
      tpu.yield
    }) : () -> ()
    %mul3A_631 = arith.constant 27 : i32
    %mul3A_632 = arith.muli %select_n3A, %mul3A_631 : i32
    %add3A_633 = arith.constant 26 : i32
    %add3A_634 = arith.addi %mul3A_632, %add3A_633 : i32
    %mul3A_635 = arith.constant 4096 : i32
    %mul3A_636 = arith.muli %add3A_634, %mul3A_635 : i32
    %add3A_637 = arith.addi %mul3A_636, %mul3A_32 : i32
    "tpu.region"() ({
      %run_scoped3A = tpu.sem_alloc : memref<!tpu.dma_semaphore, #tpu.memory_space<semaphore_mem>>
      %dma_start3A = arith.constant 26624 : i32
      %dma_start3A_638 = tpu.memref_slice %arg12[%dma_start3A] : memref<27648xf32, #tpu.memory_space<vmem>> -> memref<1024xf32, #tpu.memory_space<vmem>>
      %dma_start3A_639 = tpu.memref_slice %arg7[%add3A_637] : memref<884736xf32, #tpu.memory_space<hbm>> -> memref<1024xf32, #tpu.memory_space<hbm>>
      %dma_start3A_640 = tpu.memref_slice %arg7[%add3A_637] : memref<884736xf32, #tpu.memory_space<hbm>> -> memref<1024xf32, #tpu.memory_space<hbm>>
      %dma_start3A_641 = arith.constant 26624 : i32
      %dma_start3A_642 = tpu.memref_slice %arg12[%dma_start3A_641] : memref<27648xf32, #tpu.memory_space<vmem>> -> memref<1024xf32, #tpu.memory_space<vmem>>
      tpu.enqueue_dma source(%dma_start3A_642 : memref<1024xf32, #tpu.memory_space<vmem>>) target(%dma_start3A_640 : memref<1024xf32, #tpu.memory_space<hbm>>) target_semaphore(%run_scoped3A : memref<!tpu.dma_semaphore, #tpu.memory_space<semaphore_mem>>)
      %dma_wait3A = arith.constant 26624 : i32
      %dma_wait3A_643 = tpu.memref_slice %arg12[%dma_wait3A] : memref<27648xf32, #tpu.memory_space<vmem>> -> memref<1024xf32, #tpu.memory_space<vmem>>
      %dma_wait3A_644 = tpu.memref_slice %arg7[%add3A_637] : memref<884736xf32, #tpu.memory_space<hbm>> -> memref<1024xf32, #tpu.memory_space<hbm>>
      %dma_wait3A_645 = tpu.memref_slice %arg7[%add3A_637] : memref<884736xf32, #tpu.memory_space<hbm>> -> memref<1024xf32, #tpu.memory_space<hbm>>
      %dma_wait3A_646 = arith.constant 26624 : i32
      %dma_wait3A_647 = tpu.memref_slice %arg12[%dma_wait3A_646] : memref<27648xf32, #tpu.memory_space<vmem>> -> memref<1024xf32, #tpu.memory_space<vmem>>
      tpu.wait_dma2 semaphore(%run_scoped3A : memref<!tpu.dma_semaphore, #tpu.memory_space<semaphore_mem>>) src(%dma_wait3A_647 : memref<1024xf32, #tpu.memory_space<vmem>>) dst(%dma_wait3A_645 : memref<1024xf32, #tpu.memory_space<hbm>>)
      tpu.yield
    }) : () -> ()
    return
  }
}

module attributes {stable_mosaic.version = 14 : i64} {
  func.func @_prep_body(%arg0: memref<8x4xi32, #tpu.memory_space<vmem>>, %arg1: memref<8x4x7xf32, #tpu.memory_space<vmem>>, %arg2: memref<8x4xf32, #tpu.memory_space<vmem>>, %arg3: memref<14x8x4xf32, #tpu.memory_space<vmem>>, %arg4: memref<2x8x4xi32, #tpu.memory_space<vmem>>) attributes {dimension_semantics = [], scalar_prefetch = 0 : i64, scratch_operands = 0 : i64, tpu.core_type = #tpu.core_type<tc>} {
    %get3A = arith.constant 0 : index
    %get3A_0 = arith.constant 0 : index
    %get3A_1 = arith.constant 0 : index
    %get3A_2 = vector.load %arg1[%get3A, %get3A_0, %get3A_1] : memref<8x4x7xf32, #tpu.memory_space<vmem>>, vector<8x4x7xf32>
    %get3A_3 = arith.constant 0 : index
    %get3A_4 = arith.constant 0 : index
    %get3A_5 = vector.load %arg2[%get3A_3, %get3A_4] : memref<8x4xf32, #tpu.memory_space<vmem>>, vector<8x4xf32>
    %get3A_6 = arith.constant 0 : index
    %get3A_7 = arith.constant 0 : index
    %get3A_8 = vector.load %arg0[%get3A_6, %get3A_7] : memref<8x4xi32, #tpu.memory_space<vmem>>, vector<8x4xi32>
    %slice3A = vector.extract_strided_slice %get3A_2 {offsets = [0, 0, 3], sizes = [8, 4, 1], strides = [1, 1, 1]} : vector<8x4x7xf32> to vector<8x4x1xf32>
    %squeeze3A = vector.shape_cast %slice3A : vector<8x4x1xf32> to vector<8x4xf32>
    %slice3A_9 = vector.extract_strided_slice %get3A_2 {offsets = [0, 0, 4], sizes = [8, 4, 1], strides = [1, 1, 1]} : vector<8x4x7xf32> to vector<8x4x1xf32>
    %squeeze3A_10 = vector.shape_cast %slice3A_9 : vector<8x4x1xf32> to vector<8x4xf32>
    %slice3A_11 = vector.extract_strided_slice %get3A_2 {offsets = [0, 0, 5], sizes = [8, 4, 1], strides = [1, 1, 1]} : vector<8x4x7xf32> to vector<8x4x1xf32>
    %squeeze3A_12 = vector.shape_cast %slice3A_11 : vector<8x4x1xf32> to vector<8x4xf32>
    %slice3A_13 = vector.extract_strided_slice %get3A_2 {offsets = [0, 0, 6], sizes = [8, 4, 1], strides = [1, 1, 1]} : vector<8x4x7xf32> to vector<8x4x1xf32>
    %squeeze3A_14 = vector.shape_cast %slice3A_13 : vector<8x4x1xf32> to vector<8x4xf32>
    %mul3A = arith.mulf %squeeze3A, %squeeze3A : vector<8x4xf32>
    %mul3A_15 = arith.mulf %squeeze3A_10, %squeeze3A_10 : vector<8x4xf32>
    %add3A = arith.addf %mul3A, %mul3A_15 : vector<8x4xf32>
    %mul3A_16 = arith.mulf %squeeze3A_12, %squeeze3A_12 : vector<8x4xf32>
    %add3A_17 = arith.addf %add3A, %mul3A_16 : vector<8x4xf32>
    %mul3A_18 = arith.mulf %squeeze3A_14, %squeeze3A_14 : vector<8x4xf32>
    %add3A_19 = arith.addf %add3A_17, %mul3A_18 : vector<8x4xf32>
    %rsqrt3A = math.rsqrt %add3A_19 : vector<8x4xf32>
    %mul3A_20 = arith.constant 5.000000e-01 : f32
    %mul3A_21 = vector.broadcast %mul3A_20 : f32 to vector<8x4xf32>
    %mul3A_22 = arith.mulf %mul3A_21, %add3A_19 : vector<8x4xf32>
    %mul3A_23 = arith.mulf %mul3A_22, %rsqrt3A : vector<8x4xf32>
    %mul3A_24 = arith.mulf %mul3A_23, %rsqrt3A : vector<8x4xf32>
    %sub3A = arith.constant 1.500000e+00 : f32
    %sub3A_25 = vector.broadcast %sub3A : f32 to vector<8x4xf32>
    %sub3A_26 = arith.subf %sub3A_25, %mul3A_24 : vector<8x4xf32>
    %mul3A_27 = arith.mulf %rsqrt3A, %sub3A_26 : vector<8x4xf32>
    %mul3A_28 = arith.constant 5.000000e-01 : f32
    %mul3A_29 = vector.broadcast %mul3A_28 : f32 to vector<8x4xf32>
    %mul3A_30 = arith.mulf %mul3A_29, %add3A_19 : vector<8x4xf32>
    %mul3A_31 = arith.mulf %mul3A_30, %mul3A_27 : vector<8x4xf32>
    %mul3A_32 = arith.mulf %mul3A_31, %mul3A_27 : vector<8x4xf32>
    %sub3A_33 = arith.constant 1.500000e+00 : f32
    %sub3A_34 = vector.broadcast %sub3A_33 : f32 to vector<8x4xf32>
    %sub3A_35 = arith.subf %sub3A_34, %mul3A_32 : vector<8x4xf32>
    %mul3A_36 = arith.mulf %mul3A_27, %sub3A_35 : vector<8x4xf32>
    %mul3A_37 = arith.mulf %add3A_19, %mul3A_36 : vector<8x4xf32>
    %add3A_38 = arith.constant 9.99999993E-9 : f32
    %add3A_39 = vector.broadcast %add3A_38 : f32 to vector<8x4xf32>
    %add3A_40 = arith.addf %mul3A_37, %add3A_39 : vector<8x4xf32>
    %div3A = arith.constant 1.000000e+00 : f32
    %div3A_41 = vector.broadcast %div3A : f32 to vector<8x4xf32>
    %div3A_42 = arith.divf %div3A_41, %add3A_40 : vector<8x4xf32>
    %mul3A_43 = arith.mulf %add3A_40, %div3A_42 : vector<8x4xf32>
    %sub3A_44 = arith.constant 2.000000e+00 : f32
    %sub3A_45 = vector.broadcast %sub3A_44 : f32 to vector<8x4xf32>
    %sub3A_46 = arith.subf %sub3A_45, %mul3A_43 : vector<8x4xf32>
    %mul3A_47 = arith.mulf %div3A_42, %sub3A_46 : vector<8x4xf32>
    %mul3A_48 = arith.mulf %add3A_40, %mul3A_47 : vector<8x4xf32>
    %sub3A_49 = arith.constant 2.000000e+00 : f32
    %sub3A_50 = vector.broadcast %sub3A_49 : f32 to vector<8x4xf32>
    %sub3A_51 = arith.subf %sub3A_50, %mul3A_48 : vector<8x4xf32>
    %mul3A_52 = arith.mulf %mul3A_47, %sub3A_51 : vector<8x4xf32>
    %mul3A_53 = arith.mulf %squeeze3A, %mul3A_52 : vector<8x4xf32>
    %mul3A_54 = arith.mulf %squeeze3A_10, %mul3A_52 : vector<8x4xf32>
    %mul3A_55 = arith.mulf %squeeze3A_12, %mul3A_52 : vector<8x4xf32>
    %mul3A_56 = arith.mulf %squeeze3A_14, %mul3A_52 : vector<8x4xf32>
    %mul3A_57 = arith.mulf %mul3A_55, %mul3A_55 : vector<8x4xf32>
    %mul3A_58 = arith.mulf %mul3A_56, %mul3A_56 : vector<8x4xf32>
    %add3A_59 = arith.addf %mul3A_57, %mul3A_58 : vector<8x4xf32>
    %mul3A_60 = arith.constant 2.000000e+00 : f32
    %mul3A_61 = vector.broadcast %mul3A_60 : f32 to vector<8x4xf32>
    %mul3A_62 = arith.mulf %mul3A_61, %add3A_59 : vector<8x4xf32>
    %sub3A_63 = arith.constant 1.000000e+00 : f32
    %sub3A_64 = vector.broadcast %sub3A_63 : f32 to vector<8x4xf32>
    %sub3A_65 = arith.subf %sub3A_64, %mul3A_62 : vector<8x4xf32>
    %mul3A_66 = arith.mulf %mul3A_54, %mul3A_55 : vector<8x4xf32>
    %mul3A_67 = arith.mulf %mul3A_53, %mul3A_56 : vector<8x4xf32>
    %sub3A_68 = arith.subf %mul3A_66, %mul3A_67 : vector<8x4xf32>
    %mul3A_69 = arith.constant 2.000000e+00 : f32
    %mul3A_70 = vector.broadcast %mul3A_69 : f32 to vector<8x4xf32>
    %mul3A_71 = arith.mulf %mul3A_70, %sub3A_68 : vector<8x4xf32>
    %mul3A_72 = arith.mulf %mul3A_54, %mul3A_56 : vector<8x4xf32>
    %mul3A_73 = arith.mulf %mul3A_53, %mul3A_55 : vector<8x4xf32>
    %add3A_74 = arith.addf %mul3A_72, %mul3A_73 : vector<8x4xf32>
    %mul3A_75 = arith.constant 2.000000e+00 : f32
    %mul3A_76 = vector.broadcast %mul3A_75 : f32 to vector<8x4xf32>
    %mul3A_77 = arith.mulf %mul3A_76, %add3A_74 : vector<8x4xf32>
    %mul3A_78 = arith.mulf %mul3A_54, %mul3A_55 : vector<8x4xf32>
    %mul3A_79 = arith.mulf %mul3A_53, %mul3A_56 : vector<8x4xf32>
    %add3A_80 = arith.addf %mul3A_78, %mul3A_79 : vector<8x4xf32>
    %mul3A_81 = arith.constant 2.000000e+00 : f32
    %mul3A_82 = vector.broadcast %mul3A_81 : f32 to vector<8x4xf32>
    %mul3A_83 = arith.mulf %mul3A_82, %add3A_80 : vector<8x4xf32>
    %mul3A_84 = arith.mulf %mul3A_54, %mul3A_54 : vector<8x4xf32>
    %mul3A_85 = arith.mulf %mul3A_56, %mul3A_56 : vector<8x4xf32>
    %add3A_86 = arith.addf %mul3A_84, %mul3A_85 : vector<8x4xf32>
    %mul3A_87 = arith.constant 2.000000e+00 : f32
    %mul3A_88 = vector.broadcast %mul3A_87 : f32 to vector<8x4xf32>
    %mul3A_89 = arith.mulf %mul3A_88, %add3A_86 : vector<8x4xf32>
    %sub3A_90 = arith.constant 1.000000e+00 : f32
    %sub3A_91 = vector.broadcast %sub3A_90 : f32 to vector<8x4xf32>
    %sub3A_92 = arith.subf %sub3A_91, %mul3A_89 : vector<8x4xf32>
    %mul3A_93 = arith.mulf %mul3A_55, %mul3A_56 : vector<8x4xf32>
    %mul3A_94 = arith.mulf %mul3A_53, %mul3A_54 : vector<8x4xf32>
    %sub3A_95 = arith.subf %mul3A_93, %mul3A_94 : vector<8x4xf32>
    %mul3A_96 = arith.constant 2.000000e+00 : f32
    %mul3A_97 = vector.broadcast %mul3A_96 : f32 to vector<8x4xf32>
    %mul3A_98 = arith.mulf %mul3A_97, %sub3A_95 : vector<8x4xf32>
    %mul3A_99 = arith.mulf %mul3A_54, %mul3A_56 : vector<8x4xf32>
    %mul3A_100 = arith.mulf %mul3A_53, %mul3A_55 : vector<8x4xf32>
    %sub3A_101 = arith.subf %mul3A_99, %mul3A_100 : vector<8x4xf32>
    %mul3A_102 = arith.constant 2.000000e+00 : f32
    %mul3A_103 = vector.broadcast %mul3A_102 : f32 to vector<8x4xf32>
    %mul3A_104 = arith.mulf %mul3A_103, %sub3A_101 : vector<8x4xf32>
    %mul3A_105 = arith.mulf %mul3A_55, %mul3A_56 : vector<8x4xf32>
    %mul3A_106 = arith.mulf %mul3A_53, %mul3A_54 : vector<8x4xf32>
    %add3A_107 = arith.addf %mul3A_105, %mul3A_106 : vector<8x4xf32>
    %mul3A_108 = arith.constant 2.000000e+00 : f32
    %mul3A_109 = vector.broadcast %mul3A_108 : f32 to vector<8x4xf32>
    %mul3A_110 = arith.mulf %mul3A_109, %add3A_107 : vector<8x4xf32>
    %mul3A_111 = arith.mulf %mul3A_54, %mul3A_54 : vector<8x4xf32>
    %mul3A_112 = arith.mulf %mul3A_55, %mul3A_55 : vector<8x4xf32>
    %add3A_113 = arith.addf %mul3A_111, %mul3A_112 : vector<8x4xf32>
    %mul3A_114 = arith.constant 2.000000e+00 : f32
    %mul3A_115 = vector.broadcast %mul3A_114 : f32 to vector<8x4xf32>
    %mul3A_116 = arith.mulf %mul3A_115, %add3A_113 : vector<8x4xf32>
    %sub3A_117 = arith.constant 1.000000e+00 : f32
    %sub3A_118 = vector.broadcast %sub3A_117 : f32 to vector<8x4xf32>
    %sub3A_119 = arith.subf %sub3A_118, %mul3A_116 : vector<8x4xf32>
    %convert_element_type3A = arith.truncf %sub3A_65 : vector<8x4xf32> to vector<8x4xbf16>
    %convert_element_type3A_120 = arith.extf %convert_element_type3A : vector<8x4xbf16> to vector<8x4xf32>
    %swap3A = arith.constant 0 : index
    %swap3A_121 = arith.constant 0 : index
    %swap3A_122 = arith.constant 0 : index
    %swap3A_123 = vector.load %arg3[%swap3A, %swap3A_121, %swap3A_122] : memref<14x8x4xf32, #tpu.memory_space<vmem>>, vector<1x8x4xf32>
    %swap3A_124 = vector.shape_cast %swap3A_123 : vector<1x8x4xf32> to vector<8x4xf32>
    %swap3A_125 = vector.shape_cast %convert_element_type3A_120 : vector<8x4xf32> to vector<1x8x4xf32>
    tpu.vector_store %arg3[%swap3A, %swap3A_121, %swap3A_122], %swap3A_125 {strides = array<i32>} : memref<14x8x4xf32, #tpu.memory_space<vmem>>, vector<1x8x4xf32>,
    %convert_element_type3A_126 = arith.truncf %mul3A_71 : vector<8x4xf32> to vector<8x4xbf16>
    %convert_element_type3A_127 = arith.extf %convert_element_type3A_126 : vector<8x4xbf16> to vector<8x4xf32>
    %swap3A_128 = arith.constant 1 : index
    %swap3A_129 = arith.constant 0 : index
    %swap3A_130 = arith.constant 0 : index
    %swap3A_131 = vector.load %arg3[%swap3A_128, %swap3A_129, %swap3A_130] : memref<14x8x4xf32, #tpu.memory_space<vmem>>, vector<1x8x4xf32>
    %swap3A_132 = vector.shape_cast %swap3A_131 : vector<1x8x4xf32> to vector<8x4xf32>
    %swap3A_133 = vector.shape_cast %convert_element_type3A_127 : vector<8x4xf32> to vector<1x8x4xf32>
    tpu.vector_store %arg3[%swap3A_128, %swap3A_129, %swap3A_130], %swap3A_133 {strides = array<i32>} : memref<14x8x4xf32, #tpu.memory_space<vmem>>, vector<1x8x4xf32>,
    %convert_element_type3A_134 = arith.truncf %mul3A_77 : vector<8x4xf32> to vector<8x4xbf16>
    %convert_element_type3A_135 = arith.extf %convert_element_type3A_134 : vector<8x4xbf16> to vector<8x4xf32>
    %swap3A_136 = arith.constant 2 : index
    %swap3A_137 = arith.constant 0 : index
    %swap3A_138 = arith.constant 0 : index
    %swap3A_139 = vector.load %arg3[%swap3A_136, %swap3A_137, %swap3A_138] : memref<14x8x4xf32, #tpu.memory_space<vmem>>, vector<1x8x4xf32>
    %swap3A_140 = vector.shape_cast %swap3A_139 : vector<1x8x4xf32> to vector<8x4xf32>
    %swap3A_141 = vector.shape_cast %convert_element_type3A_135 : vector<8x4xf32> to vector<1x8x4xf32>
    tpu.vector_store %arg3[%swap3A_136, %swap3A_137, %swap3A_138], %swap3A_141 {strides = array<i32>} : memref<14x8x4xf32, #tpu.memory_space<vmem>>, vector<1x8x4xf32>,
    %convert_element_type3A_142 = arith.truncf %mul3A_83 : vector<8x4xf32> to vector<8x4xbf16>
    %convert_element_type3A_143 = arith.extf %convert_element_type3A_142 : vector<8x4xbf16> to vector<8x4xf32>
    %swap3A_144 = arith.constant 3 : index
    %swap3A_145 = arith.constant 0 : index
    %swap3A_146 = arith.constant 0 : index
    %swap3A_147 = vector.load %arg3[%swap3A_144, %swap3A_145, %swap3A_146] : memref<14x8x4xf32, #tpu.memory_space<vmem>>, vector<1x8x4xf32>
    %swap3A_148 = vector.shape_cast %swap3A_147 : vector<1x8x4xf32> to vector<8x4xf32>
    %swap3A_149 = vector.shape_cast %convert_element_type3A_143 : vector<8x4xf32> to vector<1x8x4xf32>
    tpu.vector_store %arg3[%swap3A_144, %swap3A_145, %swap3A_146], %swap3A_149 {strides = array<i32>} : memref<14x8x4xf32, #tpu.memory_space<vmem>>, vector<1x8x4xf32>,
    %convert_element_type3A_150 = arith.truncf %sub3A_92 : vector<8x4xf32> to vector<8x4xbf16>
    %convert_element_type3A_151 = arith.extf %convert_element_type3A_150 : vector<8x4xbf16> to vector<8x4xf32>
    %swap3A_152 = arith.constant 4 : index
    %swap3A_153 = arith.constant 0 : index
    %swap3A_154 = arith.constant 0 : index
    %swap3A_155 = vector.load %arg3[%swap3A_152, %swap3A_153, %swap3A_154] : memref<14x8x4xf32, #tpu.memory_space<vmem>>, vector<1x8x4xf32>
    %swap3A_156 = vector.shape_cast %swap3A_155 : vector<1x8x4xf32> to vector<8x4xf32>
    %swap3A_157 = vector.shape_cast %convert_element_type3A_151 : vector<8x4xf32> to vector<1x8x4xf32>
    tpu.vector_store %arg3[%swap3A_152, %swap3A_153, %swap3A_154], %swap3A_157 {strides = array<i32>} : memref<14x8x4xf32, #tpu.memory_space<vmem>>, vector<1x8x4xf32>,
    %convert_element_type3A_158 = arith.truncf %mul3A_98 : vector<8x4xf32> to vector<8x4xbf16>
    %convert_element_type3A_159 = arith.extf %convert_element_type3A_158 : vector<8x4xbf16> to vector<8x4xf32>
    %swap3A_160 = arith.constant 5 : index
    %swap3A_161 = arith.constant 0 : index
    %swap3A_162 = arith.constant 0 : index
    %swap3A_163 = vector.load %arg3[%swap3A_160, %swap3A_161, %swap3A_162] : memref<14x8x4xf32, #tpu.memory_space<vmem>>, vector<1x8x4xf32>
    %swap3A_164 = vector.shape_cast %swap3A_163 : vector<1x8x4xf32> to vector<8x4xf32>
    %swap3A_165 = vector.shape_cast %convert_element_type3A_159 : vector<8x4xf32> to vector<1x8x4xf32>
    tpu.vector_store %arg3[%swap3A_160, %swap3A_161, %swap3A_162], %swap3A_165 {strides = array<i32>} : memref<14x8x4xf32, #tpu.memory_space<vmem>>, vector<1x8x4xf32>,
    %convert_element_type3A_166 = arith.truncf %mul3A_104 : vector<8x4xf32> to vector<8x4xbf16>
    %convert_element_type3A_167 = arith.extf %convert_element_type3A_166 : vector<8x4xbf16> to vector<8x4xf32>
    %swap3A_168 = arith.constant 6 : index
    %swap3A_169 = arith.constant 0 : index
    %swap3A_170 = arith.constant 0 : index
    %swap3A_171 = vector.load %arg3[%swap3A_168, %swap3A_169, %swap3A_170] : memref<14x8x4xf32, #tpu.memory_space<vmem>>, vector<1x8x4xf32>
    %swap3A_172 = vector.shape_cast %swap3A_171 : vector<1x8x4xf32> to vector<8x4xf32>
    %swap3A_173 = vector.shape_cast %convert_element_type3A_167 : vector<8x4xf32> to vector<1x8x4xf32>
    tpu.vector_store %arg3[%swap3A_168, %swap3A_169, %swap3A_170], %swap3A_173 {strides = array<i32>} : memref<14x8x4xf32, #tpu.memory_space<vmem>>, vector<1x8x4xf32>,
    %convert_element_type3A_174 = arith.truncf %mul3A_110 : vector<8x4xf32> to vector<8x4xbf16>
    %convert_element_type3A_175 = arith.extf %convert_element_type3A_174 : vector<8x4xbf16> to vector<8x4xf32>
    %swap3A_176 = arith.constant 7 : index
    %swap3A_177 = arith.constant 0 : index
    %swap3A_178 = arith.constant 0 : index
    %swap3A_179 = vector.load %arg3[%swap3A_176, %swap3A_177, %swap3A_178] : memref<14x8x4xf32, #tpu.memory_space<vmem>>, vector<1x8x4xf32>
    %swap3A_180 = vector.shape_cast %swap3A_179 : vector<1x8x4xf32> to vector<8x4xf32>
    %swap3A_181 = vector.shape_cast %convert_element_type3A_175 : vector<8x4xf32> to vector<1x8x4xf32>
    tpu.vector_store %arg3[%swap3A_176, %swap3A_177, %swap3A_178], %swap3A_181 {strides = array<i32>} : memref<14x8x4xf32, #tpu.memory_space<vmem>>, vector<1x8x4xf32>,
    %convert_element_type3A_182 = arith.truncf %sub3A_119 : vector<8x4xf32> to vector<8x4xbf16>
    %convert_element_type3A_183 = arith.extf %convert_element_type3A_182 : vector<8x4xbf16> to vector<8x4xf32>
    %swap3A_184 = arith.constant 8 : index
    %swap3A_185 = arith.constant 0 : index
    %swap3A_186 = arith.constant 0 : index
    %swap3A_187 = vector.load %arg3[%swap3A_184, %swap3A_185, %swap3A_186] : memref<14x8x4xf32, #tpu.memory_space<vmem>>, vector<1x8x4xf32>
    %swap3A_188 = vector.shape_cast %swap3A_187 : vector<1x8x4xf32> to vector<8x4xf32>
    %swap3A_189 = vector.shape_cast %convert_element_type3A_183 : vector<8x4xf32> to vector<1x8x4xf32>
    tpu.vector_store %arg3[%swap3A_184, %swap3A_185, %swap3A_186], %swap3A_189 {strides = array<i32>} : memref<14x8x4xf32, #tpu.memory_space<vmem>>, vector<1x8x4xf32>,
    %slice3A_190 = vector.extract_strided_slice %get3A_2 {offsets = [0, 0, 0], sizes = [8, 4, 1], strides = [1, 1, 1]} : vector<8x4x7xf32> to vector<8x4x1xf32>
    %squeeze3A_191 = vector.shape_cast %slice3A_190 : vector<8x4x1xf32> to vector<8x4xf32>
    %swap3A_192 = arith.constant 9 : index
    %swap3A_193 = arith.constant 0 : index
    %swap3A_194 = arith.constant 0 : index
    %swap3A_195 = vector.load %arg3[%swap3A_192, %swap3A_193, %swap3A_194] : memref<14x8x4xf32, #tpu.memory_space<vmem>>, vector<1x8x4xf32>
    %swap3A_196 = vector.shape_cast %swap3A_195 : vector<1x8x4xf32> to vector<8x4xf32>
    %swap3A_197 = vector.shape_cast %squeeze3A_191 : vector<8x4xf32> to vector<1x8x4xf32>
    tpu.vector_store %arg3[%swap3A_192, %swap3A_193, %swap3A_194], %swap3A_197 {strides = array<i32>} : memref<14x8x4xf32, #tpu.memory_space<vmem>>, vector<1x8x4xf32>,
    %slice3A_198 = vector.extract_strided_slice %get3A_2 {offsets = [0, 0, 1], sizes = [8, 4, 1], strides = [1, 1, 1]} : vector<8x4x7xf32> to vector<8x4x1xf32>
    %squeeze3A_199 = vector.shape_cast %slice3A_198 : vector<8x4x1xf32> to vector<8x4xf32>
    %swap3A_200 = arith.constant 10 : index
    %swap3A_201 = arith.constant 0 : index
    %swap3A_202 = arith.constant 0 : index
    %swap3A_203 = vector.load %arg3[%swap3A_200, %swap3A_201, %swap3A_202] : memref<14x8x4xf32, #tpu.memory_space<vmem>>, vector<1x8x4xf32>
    %swap3A_204 = vector.shape_cast %swap3A_203 : vector<1x8x4xf32> to vector<8x4xf32>
    %swap3A_205 = vector.shape_cast %squeeze3A_199 : vector<8x4xf32> to vector<1x8x4xf32>
    tpu.vector_store %arg3[%swap3A_200, %swap3A_201, %swap3A_202], %swap3A_205 {strides = array<i32>} : memref<14x8x4xf32, #tpu.memory_space<vmem>>, vector<1x8x4xf32>,
    %slice3A_206 = vector.extract_strided_slice %get3A_2 {offsets = [0, 0, 2], sizes = [8, 4, 1], strides = [1, 1, 1]} : vector<8x4x7xf32> to vector<8x4x1xf32>
    %squeeze3A_207 = vector.shape_cast %slice3A_206 : vector<8x4x1xf32> to vector<8x4xf32>
    %swap3A_208 = arith.constant 11 : index
    %swap3A_209 = arith.constant 0 : index
    %swap3A_210 = arith.constant 0 : index
    %swap3A_211 = vector.load %arg3[%swap3A_208, %swap3A_209, %swap3A_210] : memref<14x8x4xf32, #tpu.memory_space<vmem>>, vector<1x8x4xf32>
    %swap3A_212 = vector.shape_cast %swap3A_211 : vector<1x8x4xf32> to vector<8x4xf32>
    %swap3A_213 = vector.shape_cast %squeeze3A_207 : vector<8x4xf32> to vector<1x8x4xf32>
    tpu.vector_store %arg3[%swap3A_208, %swap3A_209, %swap3A_210], %swap3A_213 {strides = array<i32>} : memref<14x8x4xf32, #tpu.memory_space<vmem>>, vector<1x8x4xf32>,
    %mul3A_214 = arith.constant 5.000000e-02 : f32
    %mul3A_215 = vector.broadcast %mul3A_214 : f32 to vector<8x4xf32>
    %mul3A_216 = arith.mulf %get3A_5, %mul3A_215 : vector<8x4xf32>
    %div3A_217 = arith.constant 1.000000e+00 : f32
    %div3A_218 = vector.broadcast %div3A_217 : f32 to vector<8x4xf32>
    %div3A_219 = arith.divf %div3A_218, %mul3A_216 : vector<8x4xf32>
    %mul3A_220 = arith.mulf %mul3A_216, %div3A_219 : vector<8x4xf32>
    %sub3A_221 = arith.constant 2.000000e+00 : f32
    %sub3A_222 = vector.broadcast %sub3A_221 : f32 to vector<8x4xf32>
    %sub3A_223 = arith.subf %sub3A_222, %mul3A_220 : vector<8x4xf32>
    %mul3A_224 = arith.mulf %div3A_219, %sub3A_223 : vector<8x4xf32>
    %mul3A_225 = arith.mulf %mul3A_216, %mul3A_224 : vector<8x4xf32>
    %sub3A_226 = arith.constant 2.000000e+00 : f32
    %sub3A_227 = vector.broadcast %sub3A_226 : f32 to vector<8x4xf32>
    %sub3A_228 = arith.subf %sub3A_227, %mul3A_225 : vector<8x4xf32>
    %mul3A_229 = arith.mulf %mul3A_224, %sub3A_228 : vector<8x4xf32>
    %swap3A_230 = arith.constant 12 : index
    %swap3A_231 = arith.constant 0 : index
    %swap3A_232 = arith.constant 0 : index
    %swap3A_233 = vector.load %arg3[%swap3A_230, %swap3A_231, %swap3A_232] : memref<14x8x4xf32, #tpu.memory_space<vmem>>, vector<1x8x4xf32>
    %swap3A_234 = vector.shape_cast %swap3A_233 : vector<1x8x4xf32> to vector<8x4xf32>
    %swap3A_235 = vector.shape_cast %mul3A_229 : vector<8x4xf32> to vector<1x8x4xf32>
    tpu.vector_store %arg3[%swap3A_230, %swap3A_231, %swap3A_232], %swap3A_235 {strides = array<i32>} : memref<14x8x4xf32, #tpu.memory_space<vmem>>, vector<1x8x4xf32>,
    %swap3A_236 = arith.constant 13 : index
    %swap3A_237 = arith.constant 0 : index
    %swap3A_238 = arith.constant 0 : index
    %swap3A_239 = vector.load %arg3[%swap3A_236, %swap3A_237, %swap3A_238] : memref<14x8x4xf32, #tpu.memory_space<vmem>>, vector<1x8x4xf32>
    %swap3A_240 = vector.shape_cast %swap3A_239 : vector<1x8x4xf32> to vector<8x4xf32>
    %swap3A_241 = vector.shape_cast %get3A_5 : vector<8x4xf32> to vector<1x8x4xf32>
    tpu.vector_store %arg3[%swap3A_236, %swap3A_237, %swap3A_238], %swap3A_241 {strides = array<i32>} : memref<14x8x4xf32, #tpu.memory_space<vmem>>, vector<1x8x4xf32>,
    %and3A = arith.constant 1 : i32
    %and3A_242 = vector.broadcast %and3A : i32 to vector<8x4xi32>
    %and3A_243 = arith.andi %get3A_8, %and3A_242 : vector<8x4xi32>
    %mul3A_244 = arith.constant 39304 : i32
    %mul3A_245 = vector.broadcast %mul3A_244 : i32 to vector<8x4xi32>
    %mul3A_246 = arith.muli %and3A_243, %mul3A_245 : vector<8x4xi32>
    %add3A_247 = arith.constant -36921 : i32
    %add3A_248 = vector.broadcast %add3A_247 : i32 to vector<8x4xi32>
    %add3A_249 = arith.addi %mul3A_246, %add3A_248 : vector<8x4xi32>
    %swap3A_250 = arith.constant 0 : index
    %swap3A_251 = arith.constant 0 : index
    %swap3A_252 = arith.constant 0 : index
    %swap3A_253 = vector.load %arg4[%swap3A_250, %swap3A_251, %swap3A_252] : memref<2x8x4xi32, #tpu.memory_space<vmem>>, vector<1x8x4xi32>
    %swap3A_254 = vector.shape_cast %swap3A_253 : vector<1x8x4xi32> to vector<8x4xi32>
    %swap3A_255 = vector.shape_cast %add3A_249 : vector<8x4xi32> to vector<1x8x4xi32>
    tpu.vector_store %arg4[%swap3A_250, %swap3A_251, %swap3A_252], %swap3A_255 {strides = array<i32>} : memref<2x8x4xi32, #tpu.memory_space<vmem>>, vector<1x8x4xi32>,
    %shift_right_logical3A = arith.constant 1 : i32
    %shift_right_logical3A_256 = vector.broadcast %shift_right_logical3A : i32 to vector<8x4xi32>
    %shift_right_logical3A_257 = arith.shrui %get3A_8, %shift_right_logical3A_256 : vector<8x4xi32>
    %mul3A_258 = arith.constant 16 : i32
    %mul3A_259 = vector.broadcast %mul3A_258 : i32 to vector<8x4xi32>
    %mul3A_260 = arith.muli %shift_right_logical3A_257, %mul3A_259 : vector<8x4xi32>
    %swap3A_261 = arith.constant 1 : index
    %swap3A_262 = arith.constant 0 : index
    %swap3A_263 = arith.constant 0 : index
    %swap3A_264 = vector.load %arg4[%swap3A_261, %swap3A_262, %swap3A_263] : memref<2x8x4xi32, #tpu.memory_space<vmem>>, vector<1x8x4xi32>
    %swap3A_265 = vector.shape_cast %swap3A_264 : vector<1x8x4xi32> to vector<8x4xi32>
    %swap3A_266 = vector.shape_cast %mul3A_260 : vector<8x4xi32> to vector<1x8x4xi32>
    tpu.vector_store %arg4[%swap3A_261, %swap3A_262, %swap3A_263], %swap3A_266 {strides = array<i32>} : memref<2x8x4xi32, #tpu.memory_space<vmem>>, vector<1x8x4xi32>,
    return
  }
}

module attributes {stable_mosaic.version = 14 : i64} {
  func.func @_mm_body(%arg0: i32, %arg1: i32, %arg2: memref<1x27x1024xf32, #tpu.memory_space<vmem>>, %arg3: memref<32x27xf32, #tpu.memory_space<vmem>>, %arg4: memref<32x1xf32, #tpu.memory_space<vmem>>, %arg5: memref<1x32x1024xf32, #tpu.memory_space<vmem>>) attributes {dimension_semantics = [#tpu.dimension_semantics<arbitrary>, #tpu.dimension_semantics<arbitrary>], iteration_bounds = array<i64: 8, 4>, scalar_prefetch = 0 : i64, scratch_operands = 0 : i64, tpu.core_type = #tpu.core_type<tc>, window_params = [{transform_indices = @transform_0, window_bounds = array<i64: 1, 27, 1024>}, {pipeline_mode = #tpu.pipeline_mode<synchronous>, transform_indices = @transform_1, window_bounds = array<i64: 32, 27>}, {pipeline_mode = #tpu.pipeline_mode<synchronous>, transform_indices = @transform_2, window_bounds = array<i64: 32, 1>}, {transform_indices = @transform_3, window_bounds = array<i64: 1, 32, 1024>}]} {
    %get3A = arith.constant 0 : index
    %get3A_0 = arith.constant 0 : index
    %get3A_1 = arith.constant 0 : index
    %get3A_2 = vector.load %arg2[%get3A, %get3A_0, %get3A_1] : memref<1x27x1024xf32, #tpu.memory_space<vmem>>, vector<1x27x1024xf32>
    %get3A_3 = vector.shape_cast %get3A_2 : vector<1x27x1024xf32> to vector<27x1024xf32>
    %convert_element_type3A = arith.truncf %get3A_3 : vector<27x1024xf32> to vector<27x1024xbf16>
    %get3A_4 = arith.constant 0 : index
    %get3A_5 = arith.constant 0 : index
    %get3A_6 = vector.load %arg3[%get3A_4, %get3A_5] : memref<32x27xf32, #tpu.memory_space<vmem>>, vector<32x27xf32>
    %convert_element_type3A_7 = arith.truncf %get3A_6 : vector<32x27xf32> to vector<32x27xbf16>
    %dot_general3A = arith.constant dense<0.000000e+00> : vector<32x1024xf32>
    %dot_general3A_8 = tpu.matmul %convert_element_type3A_7, %convert_element_type3A, %dot_general3A {dimension_numbers = #tpu.dot_dimension_numbers<[1], [0], [0], [1], [0, 0, 1, 1], [], []>, transpose_lhs_hint = false} : vector<32x27xbf16>, vector<27x1024xbf16>, vector<32x1024xf32> -> vector<32x1024xf32>
    %get3A_9 = arith.constant 0 : index
    %get3A_10 = arith.constant 0 : index
    %get3A_11 = vector.load %arg4[%get3A_9, %get3A_10] : memref<32x1xf32, #tpu.memory_space<vmem>>, vector<32x1xf32>
    %add3A = vector.broadcast %get3A_11 : vector<32x1xf32> to vector<32x1024xf32>
    %add3A_12 = arith.addf %dot_general3A_8, %add3A : vector<32x1024xf32>
    %swap3A = arith.constant 0 : index
    %swap3A_13 = arith.constant 0 : index
    %swap3A_14 = arith.constant 0 : index
    %swap3A_15 = vector.load %arg5[%swap3A, %swap3A_13, %swap3A_14] : memref<1x32x1024xf32, #tpu.memory_space<vmem>>, vector<1x32x1024xf32>
    %swap3A_16 = vector.shape_cast %swap3A_15 : vector<1x32x1024xf32> to vector<32x1024xf32>
    %swap3A_17 = vector.shape_cast %add3A_12 : vector<32x1024xf32> to vector<1x32x1024xf32>
    tpu.vector_store %arg5[%swap3A, %swap3A_13, %swap3A_14], %swap3A_17 {strides = array<i32>} : memref<1x32x1024xf32, #tpu.memory_space<vmem>>, vector<1x32x1024xf32>,
    return
  }
  func.func @transform_0(%arg0: i32, %arg1: i32) -> (i32, i32, i32) {
    %c0_i32 = arith.constant 0 : i32
    %c0_i32_0 = arith.constant 0 : i32
    return %arg0, %c0_i32, %arg1 : i32, i32, i32
  }
  func.func @transform_1(%arg0: i32, %arg1: i32) -> (i32, i32) {
    %c0_i32 = arith.constant 0 : i32
    %c0_i32_0 = arith.constant 0 : i32
    %c0_i32_1 = arith.constant 0 : i32
    return %c0_i32, %c0_i32_0 : i32, i32
  }
  func.func @transform_2(%arg0: i32, %arg1: i32) -> (i32, i32) {
    %c0_i32 = arith.constant 0 : i32
    %c0_i32_0 = arith.constant 0 : i32
    %c0_i32_1 = arith.constant 0 : i32
    return %c0_i32, %c0_i32_0 : i32, i32
  }
  func.func @transform_3(%arg0: i32, %arg1: i32) -> (i32, i32, i32) {
    %c0_i32 = arith.constant 0 : i32
    %c0_i32_0 = arith.constant 0 : i32
    return %arg0, %c0_i32, %arg1 : i32, i32, i32
  }
}

</mosaic_0001>

<sc_bundles>
// kernel: kernel.5.cloned.1.call-start
scs
__scs_entry_jumppad:
0x0: {  	(pc) =	sbr.rel $0x88, $3  }
0x1: {  	(tag) =	ssettag $0x0;
	lr =	simm.s32 $0x1  }
0x2: {  	[smem:$0x3F9A] =	sst lr;
	_ =	strace $0xD0000000  }
0x3: {  	_ = 	snop  }
0x4: {  	_ = 	snop  }
0x5: {  	_ = 	snop  }
0x6: {  	_ = 	snop  }
0x7: {  	_ = 	snop  }
__scs_overlays_trampoline_lowered:
0x8: {  	[smem:$0x3FA9] =	sst s0  }
0x9: {  	[smem:$0x3FAA] =	sst s1  }
0xa: {  	[smem:$0x3FAB] =	sst s2  }
0xb: {  	[smem:$0x3FAC] =	sst s3  }
0xc: {  	[smem:$0x3FAD] =	sst s4  }
0xd: {  	[smem:$0x3FAE] =	sst s5  }
0xe: {  	[smem:$0x3FAF] =	sst s6  }
0xf: {  	[smem:$0x3FB0] =	sst s7  }
0x10: {  	[smem:$0x3FB1] =	sst s8  }
0x11: {  	[smem:$0x3FB2] =	sst s9;
	s0 =	simm.s32 @!p0 $0x0  }
0x12: {  	s1 =	sld [smem:$0x3F98];
	s0 =	simm.s32 @p0 $0x1  }
0x13: {  	[smem:$0x3FB3] =	sst s0;
	s0 =	simm.s32 @!p1 $0x0  }
0x14: {  	s2 =	sld [smem:$0x3F97];
	s0 =	simm.s32 @p1 $0x1  }
0x15: {  	[smem:$0x3FB4] =	sst s0;
	s0 =	simm.s32 @!p2 $0x0  }
0x16: {  	s3 =	sld [smem:$0x3FDB];
	s0 =	simm.s32 @p2 $0x1  }
0x17: {  	s4 =	simm.s32 $0x1BF5;
	[smem:$0x3FB6] =	sst s0  }
0x18: {  	s0 =	sld [smem:$0x3F99];
	_ =	swait.ge [sflag:s4], $0x0  }
0x19: {  	s7 =	sld [smem:$0x3F9A]  }
0x1a: {  	s8 =	sadd.s32 $0xFFFFE003, lr  }
0x1b: {  	s9 =	sadd.s32 $0xFFFFFEF7, lr;
	s5 =	simm.s32 $0xFFFFFFFF;
	p2 =	slt.u32 s8, $0xFFFFF086  }
0x1c: {  	p1 =	slt.u32 s9, $0xF7A;
	s5 =	simm.s32 @!p2 $0x0  }
0x1d: {  	s5 =	simm.s32 @p1 $0x1;
	p0 =	seq.s32 s7, s2  }
0x1e: {  	s7 =	smul.u32 @!p0 $0xF7A, s2;
	p2 =	seq.s32 @!p0 s5, $0x0  }
0x1f: {  	s9 =	smul.u32 $0xF7A, s1;
	s8 =	simm.s32 @!p0 $0x1BF5;
	p2 =	por !p2, p0  }
0x20: {  	[sflag:s8] =	ssyncset.s32 @!p0 $0xFFFFF086;
	s6 =	sadd.s32 @!p0 s3, s7;
	s7 =	simm.s32 @!p0 $0x108  }
0x21: {  	s3 =	sadd.s32 s3, s9;
	s6 =	sadd.s32 @!p0 $0x88, s6;
	s7 =	simm.s32 @p2 $0x1082  }
0x22: {  	[simem:s7], [sflag:s8] =	dma.local @!p0 [hbm:s6], $0xF7A  }
0x23: {  	s9 =	sor.u32 $0xD0000000, s2;
	s6 =	simm.s32 $0x108;
	_ =	swait.ge @!p0 [sflag:s8], $0x0  }
0x24: {  	s3 =	sadd.s32 $0x88, s3;
	s6 =	simm.s32 @!p1 $0x1082;
	[sflag:s4] =	ssyncset.s32 $0xFFFFF086  }
0x25: {  	[simem:s6], [sflag:s4] =	dma.local [hbm:s3], $0xF7A  }
0x26: {  	[smem:$0x3F9A] =	sst s1;
	(tag) =	ssettag s2;
	_ =	strace s9  }
0x27: {  	s1 =	sld [smem:$0x3FAA]  }
0x28: {  	s2 =	sld [smem:$0x3FAB]  }
0x29: {  	s4 =	sld [smem:$0x3FAD]  }
0x2a: {  	p0 =	seq.s32 s5, $0x0;
	s5 =	sld [smem:$0x3FAE]  }
0x2b: {  	s6 =	sld [smem:$0x3FAF]  }
0x2c: {  	s7 =	sld [smem:$0x3FB0]  }
0x2d: {  	s3 =	simm.s32 $0x108;
	s8 =	sld [smem:$0x3FB1]  }
0x2e: {  	s3 =	simm.s32 @!p0 $0x1082;
	s9 =	sld [smem:$0x3FB2]  }
0x2f: {  	lr =	sadd.s32 s0, s3;
	s0 =	sld [smem:$0x3FA9]  }
0x30: {  	s3 =	sld [smem:$0x3FAC]  }
0x31: {  	[smem:$0x3FB5] =	sst s10  }
0x32: {  	s10 =	sld [smem:$0x3FB3];
	_ =	sdelay $0x3  }
0x33: {  	p0 =	seq.s32 s10, $0x1;
	s10 =	sld [smem:$0x3FB5];
	_ =	sdelay $0x3  }
0x34: {  	[smem:$0x3FB5] =	sst s10  }
0x35: {  	s10 =	sld [smem:$0x3FB4];
	_ =	sdelay $0x3  }
0x36: {  	p1 =	seq.s32 s10, $0x1;
	s10 =	sld [smem:$0x3FB5];
	_ =	sdelay $0x3  }
0x37: {  	[smem:$0x3FB5] =	sst s10  }
0x38: {  	s10 =	sld [smem:$0x3FB6]  }
0x39: {  	_ = 	snop;
	(pc) =	sbr.ind lr, $3  }
0x3a: {  	_ = 	snop  }
0x3b: {  	_ = 	snop  }
0x3c: {  	p2 =	seq.s32 s10, $0x1;
	s10 =	sld [smem:$0x3FB5]  }
0x3d: {  	_ =	shalt  }
0x3e: {  	_ =	shalt  }
0x3f: {  	_ =	shalt  }
0x40: {  	_ =	shalt  }
0x41: {  	_ =	shalt  }
0x42: {  	_ =	shalt  }
0x43: {  	_ =	shalt  }
0x44: {  	_ =	shalt  }
0x45: {  	_ =	shalt  }
0x46: {  	_ =	shalt  }
0x47: {  	_ =	shalt  }
0x48: {  	_ =	shalt  }
0x49: {  	_ =	shalt  }
0x4a: {  	_ =	shalt  }
0x4b: {  	_ =	shalt  }
0x4c: {  	_ =	shalt  }
0x4d: {  	_ =	shalt  }
0x4e: {  	_ =	shalt  }
0x4f: {  	_ =	shalt  }
0x50: {  	_ =	shalt  }
0x51: {  	_ =	shalt  }
0x52: {  	_ =	shalt  }
0x53: {  	_ =	shalt  }
0x54: {  	_ =	shalt  }
0x55: {  	_ =	shalt  }
0x56: {  	_ =	shalt  }
0x57: {  	_ =	shalt  }
0x58: {  	_ =	shalt  }
0x59: {  	_ =	shalt  }
0x5a: {  	_ =	shalt  }
0x5b: {  	_ =	shalt  }
0x5c: {  	_ =	shalt  }
0x5d: {  	_ =	shalt  }
0x5e: {  	_ =	shalt  }
0x5f: {  	_ =	shalt  }
0x60: {  	_ =	shalt  }
0x61: {  	_ =	shalt  }
0x62: {  	_ =	shalt  }
0x63: {  	_ =	shalt  }
0x64: {  	_ =	shalt  }
0x65: {  	_ =	shalt  }
0x66: {  	_ =	shalt  }
0x67: {  	_ =	shalt  }
0x68: {  	_ =	shalt  }
0x69: {  	_ =	shalt  }
0x6a: {  	_ =	shalt  }
0x6b: {  	_ =	shalt  }
0x6c: {  	_ =	shalt  }
0x6d: {  	_ =	shalt  }
0x6e: {  	_ =	shalt  }
0x6f: {  	_ =	shalt  }
0x70: {  	_ =	shalt  }
0x71: {  	_ =	shalt  }
0x72: {  	_ =	shalt  }
0x73: {  	_ =	shalt  }
0x74: {  	_ =	shalt  }
0x75: {  	_ =	shalt  }
0x76: {  	_ =	shalt  }
0x77: {  	_ =	shalt  }
0x78: {  	_ =	shalt  }
0x79: {  	_ =	shalt  }
0x7a: {  	_ =	shalt  }
0x7b: {  	_ =	shalt  }
0x7c: {  	_ =	shalt  }
0x7d: {  	_ =	shalt  }
0x7e: {  	_ =	shalt  }
0x7f: {  	_ =	shalt  }
0x80: {  	_ =	shalt  }
0x81: {  	_ =	shalt  }
0x82: {  	_ =	shalt  }
0x83: {  	_ =	shalt  }
0x84: {  	_ =	shalt  }
0x85: {  	_ =	shalt  }
0x86: {  	_ =	shalt  }
0x87: {  	_ =	shalt  }
.Lfunc_end0:
.L_simem_size_0:
called_computation_lowered:
.L_overlay_start_0:
0x88: {  	s2 =	sld [smem:$0x3FD9]  }
0x89: {  	s3 =	sld [smem:$0x3FFE];
	_ =	sdelay $0x1  }
0x8a: {  	s1 =	srdreg.scid  }
0x8b: {  	s0 =	sand.u32 $0x1, s1  }
0x8c: {  	s17 =	sshll.u32 s0, $0xA;
	s2 =	sadd.s32 s3, s2  }
0x8d: {  	s2 =	sadd.s32 s2, s17  }
0x8e: {  	[smem:$0x3FC1] =	sst s2  }
0x8f: {  	_ = 	snop  }
0x90: {  	s2 =	sld [smem:$0x3FD0];
	(tm) =	ssettm $0x1  }
0x91: {  	s18 =	sld [smem:$0x3FFB];
	_ =	sdelay $0x3  }
0x92: {  	_ =	strace s18  }
0x93: {  	s3 =	sld [smem:$0x3FFC];
	_ =	sdelay $0x3  }
0x94: {  	_ =	strace s3  }
0x95: {  	s3 =	sld [smem:$0x3FFD];
	_ =	sdelay $0x3  }
0x96: {  	_ =	strace s3  }
0x97: {  	_ =	strace $0x8FFFFFFF  }
0x98: {  	s19 =	sld [smem:$0x3FDB];
	_ =	sdelay $0x1  }
0x99: {  	s4 =	simm.s32 $_scs_section_size  }
0x9a: {  	s5 =	simm.s32 $_size__tile_overlayer_lowered;
	s6 =	simm.s32 $_tile_overlayer_lowered  }
0x9b: {  	s22 =	simm.s32 $0x1BFF;
	s21 =	sshll.u32 s6, $0x1;
	s3 =	sadd.s32 s4, s19  }
0x9c: {  	s7 =	simm.s32 $0x0;
	s20 =	sshll.u32 s5, $0x1;
	s5 =	sadd.s32 s21, s3  }
0x9d: {  	[timem:s7], [sflag:s22] =	dma.local [hbm:s5], s20  }
0x9e: {  	_ =	swait.ge [sflag:s22], s20  }
0x9f: {  	s4 =	ssub.s32 $0x0, s20;
	[sflag:s22] =	ssyncset.done $0x0  }
0xa0: {  	[sflag:s22] =	ssyncadd.s32 s4;
	_ =	sdelay $0x1  }
0xa1: {  	s23 =	simm.s32 $0x1B8B  }
0xa2: {  	_ =	swait.ge [sflag:s23], $0x1  }
0xa3: {  	[sflag:s23] =	ssyncset.done $0x0  }
0xa4: {  	s25 =	simm.s32 $0x1B8E;
	s24 =	sld [smem:$0x3FFE];
	[sflag:s23] =	ssyncadd.s32 $0xFFFFFFFF  }
0xa5: {  	s26 =	simm.s32 $execute0_lowered;
	[smem:$0x3FD2] =	sst s25  }
0xa6: {  	s5 =	sshll.u32 s26, $0x1;
	_ =	strace $0x80000046;
	[dreg:$0x1] =	wrdreg $0xFFFFFFFF  }
0xa7: {  	s28 =	simm.s32 $_size_execute0_lowered;
	s3 =	sadd.s32 s3, s5;
	[dreg:$0x0] =	wrdreg $0x0  }
0xa8: {  	s5 =	sshll.u32 s28, $0x1;
	[dreg:$0x2] =	wrdreg s3  }
0xa9: {  	[dreg:$0x3] =	wrdreg s5  }
0xaa: {  	[dreg:$0x4] =	wrdreg $0xC0  }
0xab: {  	_ =	task [dreg:s7], $0x5FFFF  }
0xac: {  	[dreg:$0x1] =	wrdreg $0xFFFFFFFF  }
0xad: {  	[dreg:$0x0] =	wrdreg $0x60  }
0xae: {  	[dreg:$0x2] =	wrdreg s24  }
0xaf: {  	[dreg:$0x3] =	wrdreg s2  }
0xb0: {  	[dreg:$0x4] =	wrdreg $0x9  }
0xb1: {  	_ =	task.clear_ibuf [dreg:s7], $0x5FFFF;
	_ =	strace $0x90000046  }
0xb2: {  	s29 =	simm.s32 $0x9;
	_ =	strace $0x80000048  }
0xb3: {  	_ =	swait.ge [sflag:s29], $0x1  }
0xb4: {  	[sflag:s29] =	ssyncadd.s32 $0xFFFFFFFF  }
0xb5: {  	_ =	strace $0x90000048  }
0xb6: {  	_ =	sfence  }
0xb7: {  	s30 =	sld [smem:$0x0];
	_ =	sdelay $0x2  }
0xb8: {  	s31 =	sshll.u32 s1, $0xD;
	s1 =	sshrl.u32 s1, $0x2  }
0xb9: {  	s3 =	sand.u32 $0x4000, s31;
	s1 =	sadd.s32 s1, s30  }
0xba: {  	s0 =	sor.u32 s3, s0;
	s1 =	sshll.u32 s1, $0x11  }
0xbb: {  	s0 =	sor.u32 s1, s0  }
0xbc: {  	s0 =	sadd.s32 $0x8F2B, s0  }
0xbd: {  	[sflag:s0] =	ssyncadd.remote.s32 $0x1  }
0xbe: {  	_ =	sfence.sel $0xFFFF  }
0xbf: {  	[dreg:$0x0] =	wrdreg $0xFFFFFFFF;
	(pc) =	sbr.abs _section_cstart, $3  }
0xc0: {  	[dreg:$0x1] =	wrdreg $0xFFFFFFFF  }
0xc1: {  	_ =	task.clear_ibuf [dreg:s7], $0x2FFFF;
	_ =	strace $0x9FFFFFFF  }
0xc2: {  	(tm) =	ssettm $0x7FFFFFFF  }
0xc3: {  	_ =	shalt  }
tec
execute0_lowered:
.L_overlay_start_1:
0x0: {  	(tag) =	ssettag $0x1  }
0x1: {  	s5 =	rddreg [dreg:$0x0]  }
0x2: {  	s0 =	rddreg [dreg:$0x1];
	s4 =	stileid.u32  }
0x3: {  	s1 =	simm.s32 $0x0;
	s2 =	srdreg.scid;
	s3 =	sshll.u32 s4, $0x1  }
0x4: {  	s2 =	sand.u32 $0x1, s2;
	s7 =	sshrl.u32 s4, $0x1;
	s3 =	sand.u32 $0x2, s3  }
0x5: {  	s28 =	ssub.s32 $0x2, s2;
	s29 =	smul.u32 $0x3000, s7;
	s2 =	sor.u32 s2, s3  }
0x6: {  	[smem:$0x7FF] =	sst s1;
	s10 =	smul.u32 $0x1B000, s7;
	s2 =	sshll.u32 s2, $0xA  }
0x7: {  	s8 =	sadd.s32 $0x1800, s5;
	s6 =	sshrl.u32 s28, $0x1;
	s3 =	sor.u32 s29, s2  }
0x8: {  	s6 =	ssub.s32 s28, s6;
	s2 =	sor.u32 s10, s2;
	s30 =	sshrl.u32 s3, $0x3  }
0x9: {  	s9 =	sadd.s32 $0x1000, s3;
	s3 =	sadd.s32 $0x2000, s3;
	s10 =	sadd.s32 $0x2000, s2  }
0xa: {  	s12 =	sadd.s32 $0x3000, s2;
	s14 =	sadd.s32 $0x4000, s2;
	s16 =	sadd.s32 $0x5000, s2  }
0xb: {  	s18 =	sadd.s32 $0x6000, s2;
	s20 =	sadd.s32 $0x7000, s2;
	s22 =	sadd.s32 $0x8000, s2  }
0xc: {  	s24 =	sadd.s32 $0x9000, s2;
	s26 =	sadd.s32 $0xA000, s2;
	s29 =	sadd.s32 $0xB000, s2  }
0xd: {  	s4 =	sadd.s32 s8, s30;
	s31 =	sshrl.u32 s9, $0x3;
	s3 =	sshrl.u32 s3, $0x3  }
0xe: {  	s11 =	sshrl.u32 s10, $0x3;
	s13 =	sshrl.u32 s12, $0x3;
	s15 =	sshrl.u32 s14, $0x3  }
0xf: {  	s17 =	sshrl.u32 s16, $0x3;
	s19 =	sshrl.u32 s18, $0x3;
	s21 =	sshrl.u32 s20, $0x3  }
0x10: {  	s23 =	sshrl.u32 s22, $0x3;
	s25 =	sshrl.u32 s24, $0x3;
	s28 =	sshrl.u32 s26, $0x3  }
0x11: {  	s30 =	sshrl.u32 s29, $0x3;
	s10 =	sadd.s32 $0xE000, s2;
	s12 =	sadd.s32 $0xF000, s2  }
0x12: {  	s14 =	sadd.s32 $0x10000, s2;
	s16 =	sadd.s32 $0x11000, s2;
	s18 =	sadd.s32 $0x12000, s2  }
0x13: {  	[dreg:$0x3] =	wrdreg s4;
	s4 =	sadd.s32 s8, s31;
	s3 =	sadd.s32 s8, s3  }
0x14: {  	s8 =	sadd.s32 $0x1000, s2;
	[dreg:$0x4] =	wrdreg s4;
	s4 =	sshrl.u32 s2, $0x3  }
0x15: {  	[dreg:$0x5] =	wrdreg s3;
	s9 =	sshrl.u32 s8, $0x3;
	s3 =	sadd.s32 s0, s4  }
0x16: {  	s20 =	sadd.s32 $0x13000, s2;
	[dreg:$0x6] =	wrdreg s3;
	s3 =	sadd.s32 s0, s9  }
0x17: {  	s22 =	sadd.s32 $0x14000, s2;
	[dreg:$0x7] =	wrdreg s3;
	s3 =	sadd.s32 s0, s11  }
0x18: {  	s24 =	sadd.s32 $0x15000, s2;
	[dreg:$0x8] =	wrdreg s3;
	s3 =	sadd.s32 s0, s13  }
0x19: {  	s26 =	sadd.s32 $0x16000, s2;
	[dreg:$0x9] =	wrdreg s3;
	s3 =	sadd.s32 s0, s15  }
0x1a: {  	s29 =	sadd.s32 $0x17000, s2;
	[dreg:$0xa] =	wrdreg s3;
	s3 =	sadd.s32 s0, s17  }
0x1b: {  	s31 =	sadd.s32 $0xC000, s2;
	[dreg:$0xb] =	wrdreg s3;
	s3 =	sadd.s32 s0, s19  }
0x1c: {  	s8 =	sadd.s32 $0xD000, s2;
	[dreg:$0xc] =	wrdreg s3;
	s3 =	sadd.s32 s0, s21  }
0x1d: {  	s4 =	sshrl.u32 s31, $0x3;
	[dreg:$0xd] =	wrdreg s3;
	s3 =	sadd.s32 s0, s23  }
0x1e: {  	s31 =	sadd.s32 $0x18000, s2;
	[dreg:$0xe] =	wrdreg s3;
	s3 =	sadd.s32 s0, s25  }
0x1f: {  	s9 =	sshrl.u32 s8, $0x3;
	[dreg:$0xf] =	wrdreg s3;
	s3 =	sadd.s32 s0, s28  }
0x20: {  	s8 =	sshrl.u32 s31, $0x3;
	[dreg:$0x10] =	wrdreg s3;
	s3 =	sadd.s32 s0, s30  }
0x21: {  	s11 =	sshrl.u32 s10, $0x3;
	[dreg:$0x11] =	wrdreg s3;
	s3 =	sadd.s32 s0, s4  }
0x22: {  	s13 =	sshrl.u32 s12, $0x3;
	[dreg:$0x12] =	wrdreg s3;
	s3 =	sadd.s32 s0, s9  }
0x23: {  	s15 =	sshrl.u32 s14, $0x3;
	[dreg:$0x13] =	wrdreg s3;
	s3 =	sadd.s32 s0, s11  }
0x24: {  	s17 =	sshrl.u32 s16, $0x3;
	[dreg:$0x14] =	wrdreg s3;
	s3 =	sadd.s32 s0, s13  }
0x25: {  	s19 =	sshrl.u32 s18, $0x3;
	[dreg:$0x15] =	wrdreg s3;
	s3 =	sadd.s32 s0, s15  }
0x26: {  	s21 =	sshrl.u32 s20, $0x3;
	[dreg:$0x16] =	wrdreg s3;
	s3 =	sadd.s32 s0, s17  }
0x27: {  	s23 =	sshrl.u32 s22, $0x3;
	[dreg:$0x17] =	wrdreg s3;
	s3 =	sadd.s32 s0, s19  }
0x28: {  	s25 =	sshrl.u32 s24, $0x3;
	[dreg:$0x18] =	wrdreg s3;
	s3 =	sadd.s32 s0, s21  }
0x29: {  	s28 =	sshrl.u32 s26, $0x3;
	[dreg:$0x19] =	wrdreg s3;
	s3 =	sadd.s32 s0, s23  }
0x2a: {  	s30 =	sshrl.u32 s29, $0x3;
	[dreg:$0x1a] =	wrdreg s3;
	s3 =	sadd.s32 s0, s25  }
0x2b: {  	s9 =	sadd.s32 $0x19000, s2;
	[dreg:$0x1b] =	wrdreg s3;
	s3 =	sadd.s32 s0, s28  }
0x2c: {  	s10 =	sshrl.u32 s9, $0x3;
	[dreg:$0x1c] =	wrdreg s3;
	s3 =	sadd.s32 s0, s30  }
0x2d: {  	[dreg:$0x1d] =	wrdreg s3;
	s3 =	sadd.s32 s0, s8;
	s8 =	sshll.u32 s7, $0x2  }
0x2e: {  	[dreg:$0x1e] =	wrdreg s3;
	s12 =	sor.u32 $0x40, s8;
	s31 =	sor.u32 $0xC1, s8  }
0x2f: {  	s3 =	sadd.s32 s0, s10;
	s16 =	sor.u32 $0xC0, s8;
	v2 =	vmov s12;
	v22 =	vmov s31;
	s31 =	sor.u32 $0x63, s8  }
0x30: {  	s17 =	sor.u32 $0xE0, s8;
	[dreg:$0x1f] =	wrdreg s3;
	v6 =	vmov s16;
	v2 =	vbroadcast v2, $0x0;
	v37 =	vmov s31  }
0x31: {  	s18 =	sor.u32 $0x100, s8;
	v7 =	vmov s17;
	_ =	strace $0x80000047;
	v56 =	vbroadcast v6, $0x0;
	[tilespmem:$0x1FE70] =	vst v37  }
0x32: {  	s19 =	sor.u32 $0x120, s8;
	v8 =	vmov s18;
	v57 =	vbroadcast v7, $0x0;
	[tilespmem:$0x1FD60] =	vst v2  }
0x33: {  	s20 =	sor.u32 $0x140, s8;
	v9 =	vmov s19;
	v58 =	vbroadcast v8, $0x0;
	[tilespmem:$0x1FDA0] =	vst v56  }
0x34: {  	s21 =	sor.u32 $0x160, s8;
	v10 =	vmov s20;
	v59 =	vbroadcast v9, $0x0;
	[tilespmem:$0x1FDB0] =	vst v57  }
0x35: {  	s22 =	sor.u32 $0x180, s8;
	v11 =	vmov s21;
	v60 =	vbroadcast v10, $0x0;
	[tilespmem:$0x1FDC0] =	vst v58  }
0x36: {  	s23 =	sor.u32 $0x1A0, s8;
	v12 =	vmov s22;
	v61 =	vbroadcast v11, $0x0;
	[tilespmem:$0x1FDD0] =	vst v59  }
0x37: {  	s26 =	sor.u32 $0x41, s8;
	v13 =	vmov s23;
	v62 =	vbroadcast v12, $0x0;
	[tilespmem:$0x1FDE0] =	vst v60  }
0x38: {  	s28 =	sor.u32 $0x61, s8;
	v18 =	vmov s26;
	v63 =	vbroadcast v13, $0x0;
	[tilespmem:$0x1FDF0] =	vst v61  }
0x39: {  	s14 =	sor.u32 $0x80, s8;
	v19 =	vmov s28;
	v9 =	vbroadcast v18, $0x0;
	[tilespmem:$0x1FE00] =	vst v62  }
0x3a: {  	s29 =	sor.u32 $0x81, s8;
	v4 =	vmov s14;
	s14 =	sor.u32 $0x181, s8;
	v10 =	vbroadcast v19, $0x0;
	[tilespmem:$0x1FE10] =	vst v63  }
0x3b: {  	s30 =	sor.u32 $0xA1, s8;
	v20 =	vmov s29;
	v28 =	vmov s14;
	s14 =	sor.u32 $0x43, s8;
	[tilespmem:$0x1FE20] =	vst v9  }
0x3c: {  	v21 =	vmov s30;
	v20 =	vbroadcast v20, $0x0;
	v11 =	vmov s14;
	[tilespmem:$0x1FE30] =	vst v10  }
0x3d: {  	s9 =	sor.u32 $0xE1, s8;
	v36 =	vbroadcast v21, $0x0;
	[tilespmem:$0x1FE40] =	vst v11  }
0x3e: {  	s15 =	sor.u32 $0xA0, s8;
	v23 =	vmov s9;
	v39 =	vbroadcast v22, $0x0;
	[tilespmem:$0x1FE50] =	vst v20  }
0x3f: {  	s10 =	sor.u32 $0x101, s8;
	v5 =	vmov s15;
	s15 =	sor.u32 $0x1A1, s8;
	v40 =	vbroadcast v23, $0x0;
	[tilespmem:$0x1FE60] =	vst v36  }
0x40: {  	v24 =	vmov s10;
	v29 =	vmov s15;
	s15 =	sor.u32 $0x83, s8;
	[tilespmem:$0x1FE80] =	vst v39  }
0x41: {  	s16 =	sor.u32 $0x2, s8;
	v42 =	vbroadcast v24, $0x0;
	v41 =	vmov s15;
	[tilespmem:$0x1FE90] =	vst v40  }
0x42: {  	s11 =	sor.u32 $0x20, s8;
	s17 =	sor.u32 $0x22, s8;
	v30 =	vmov s16;
	s16 =	sor.u32 $0xA3, s8;
	[tilespmem:$0x1FEA0] =	vst v41  }
0x43: {  	s13 =	sor.u32 $0x60, s8;
	v1 =	vmov s11;
	s18 =	sor.u32 $0x42, s8;
	v31 =	vmov s17;
	s17 =	sor.u32 $0xC3, s8;
	v44 =	vmov s16;
	[tilespmem:$0x1FEB0] =	vst v42  }
0x44: {  	v3 =	vmov s13;
	s11 =	sor.u32 $0x121, s8;
	s19 =	sor.u32 $0x62, s8;
	v32 =	vmov s18;
	s18 =	sor.u32 $0xE3, s8;
	v49 =	vmov s17;
	[tilespmem:$0x1FED0] =	vst v44  }
0x45: {  	s12 =	sor.u32 $0x141, s8;
	v25 =	vmov s11;
	v33 =	vmov s19;
	s19 =	sor.u32 $0x103, s8;
	v52 =	vmov s18;
	[tilespmem:$0x1FF00] =	vst v49  }
0x46: {  	s13 =	sor.u32 $0x161, s8;
	v26 =	vmov s12;
	v43 =	vbroadcast v25, $0x0;
	v53 =	vmov s19;
	[tilespmem:$0x1FF30] =	vst v52  }
0x47: {  	v27 =	vmov s13;
	v45 =	vbroadcast v26, $0x0;
	[tilespmem:$0x1FF40] =	vst v53  }
0x48: {  	v47 =	vbroadcast v27, $0x0;
	[tilespmem:$0x1FEC0] =	vst v43  }
0x49: {  	v50 =	vbroadcast v28, $0x0;
	[tilespmem:$0x1FEE0] =	vst v45  }
0x4a: {  	v51 =	vbroadcast v29, $0x0;
	[tilespmem:$0x1FEF0] =	vst v47  }
0x4b: {  	v54 =	vbroadcast v32, $0x0;
	[tilespmem:$0x1FF10] =	vst v50  }
0x4c: {  	s20 =	sor.u32 $0x82, s8;
	v55 =	vbroadcast v33, $0x0;
	[tilespmem:$0x1FF20] =	vst v51  }
0x4d: {  	s21 =	sor.u32 $0xA2, s8;
	v34 =	vmov s20;
	s20 =	sor.u32 $0x123, s8;
	[tilespmem:$0x1FF50] =	vst v54  }
0x4e: {  	s22 =	sor.u32 $0xC2, s8;
	v35 =	vmov s21;
	s21 =	sor.u32 $0x143, s8;
	v56 =	vmov s20;
	[tilespmem:$0x1FF60] =	vst v55  }
0x4f: {  	s7 =	sshllo.u32 s7, $0x2;
	v0 =	vmov s8;
	v38 =	vmov s22;
	s22 =	sor.u32 $0x163, s8;
	v59 =	vmov s21;
	[tilespmem:$0x1FF70] =	vst v56  }
0x50: {  	s24 =	sor.u32 $0x1, s8;
	s25 =	sor.u32 $0x21, s8;
	v14 =	vmov s7;
	v2 =	vbroadcast v3, $0x0;
	v62 =	vmov s22;
	[tilespmem:$0x1FFA0] =	vst v59  }
0x51: {  	v15 =	vmov s24;
	v16 =	vmov s25;
	s23 =	sor.u32 $0xE2, s8;
	v3 =	vbroadcast v4, $0x0;
	[tilespmem:$0x1FFD0] =	vst v62  }
0x52: {  	v0 =	vbroadcast v0, $0x0;
	s24 =	sor.u32 $0x102, s8;
	v46 =	vmov s23;
	v57 =	vbroadcast v34, $0x0;
	[tilespmem:$0x1FD70] =	vst v2  }
0x53: {  	s30 =	sor.u32 $0x1A2, s8;
	v1 =	vbroadcast v1, $0x0;
	v48 =	vmov s24;
	v58 =	vbroadcast v35, $0x0;
	[tilespmem:$0x1FD80] =	vst v3  }
0x54: {  	s6 =	smax.u32 s6, $0x1;
	s2 =	sadd.s32 $0x1A000, s2;
	s11 =	sor.u32 $0x23, s8;
	v6 =	vmov s30;
	v15 =	vbroadcast v15, $0x0;
	v60 =	vbroadcast v38, $0x0;
	[tilespmem:$0x1FF80] =	vst v57  }
0x55: {  	s4 =	sadd.s32 $0x1600, s5;
	s2 =	sshrl.u32 s2, $0x3;
	s28 =	sor.u32 $0x162, s8;
	v16 =	vbroadcast v16, $0x0;
	v17 =	vmov s11;
	v61 =	vbroadcast v46, $0x0;
	[tilespmem:$0x1FF90] =	vst v58  }
0x56: {  	s0 =	sadd.s32 s0, s2;
	s2 =	sadd.s32 $0x4800, s5;
	s25 =	sor.u32 $0x122, s8;
	v37 =	vbroadcast v31, $0x0;
	v4 =	vmov s28;
	v63 =	vbroadcast v48, $0x0;
	[tilespmem:$0x1FFB0] =	vst v60  }
0x57: {  	s7 =	simm.s32 $0x13380;
	s3 =	sadd.s32 $0x1400, s5;
	s12 =	sor.u32 $0x1A3, s8;
	v36 =	vbroadcast v30, $0x0;
	v2 =	vmov s25;
	v3 =	vbroadcast v5, $0x0;
	[tilespmem:$0x1FFC0] =	vst v61  }
0x58: {  	s5 =	sadd.s32 $0x7000, s5;
	s26 =	sor.u32 $0x142, s8;
	s29 =	sor.u32 $0x182, s8;
	v53 =	vmov s12;
	v52 =	vbroadcast v4, $0x0;
	[tilespmem:$0x1FFE0] =	vst v63;
	v2 =	vbroadcast v2, $0x0  }
0x59: {  	s9 =	simm.s32 $0x13580;
	s10 =	simm.s32 $0x1AE00;
	s13 =	sor.u32 $0x183, s8;
	v55 =	vbroadcast v6, $0x0;
	v5 =	vmov s29;
	[tilespmem:$0x1FD90] =	vst v3;
	v3 =	vmov s26  }
0x5a: {  	s8 =	simm.s32 $0x2;
	s11 =	simm.s32 $0x1;
	s12 =	simm.s32 $0x0;
	v50 =	vmov s13;
	v54 =	vbroadcast v5, $0x0;
	[tilespmem:$0x1FFF0] =	vst v2;
	v51 =	vbroadcast v3, $0x0  }
.LBB2_1:
0x5b: {  	[tilespmem:s1], [sflag:$0x1] =	stream.linear.gather [hbm4b:s2+s1], $0x13380, $0x38;
	[tilespmem:$0x1AE80] =	vst v63  }
0x5c: {  	_ = 	snop  }
0x5d: {  	[tilespmem:s7], [sflag:$0x2] =	stream.linear.gather [hbm4b:s3+s1], $0x200, $0x38;
	[tilespmem:$0x1AE80] =	vst v63  }
0x5e: {  	_ =	swait.ge [sflag:s8], $0x200  }
0x5f: {  	[sflag:s8] =	ssyncset.done $0x0  }
0x60: {  	[sflag:s8] =	ssyncadd.s32 $0xFFFFFE00  }
0x61: {  	[tilespmem:s9], [sflag:$0x2] =	stream.linear.gather [hbm4b:s4+s1], $0x80, $0x38;
	[tilespmem:$0x1AE80] =	vst v63  }
0x62: {  	_ =	swait.ge [sflag:s8], $0x80  }
0x63: {  	[sflag:s8] =	ssyncset.done $0x0  }
0x64: {  	[sflag:s8] =	ssyncadd.s32 $0xFFFFFF80  }
0x65: {  	[tilespmem:s10], [sflag:$0x2] =	stream.linear.gather [hbm4b:s5+s1], $0x80, $0x38;
	[tilespmem:$0x1AE80] =	vst v63  }
0x66: {  	_ =	swait.ge [sflag:s8], $0x80  }
0x67: {  	[sflag:s8] =	ssyncset.done $0x0  }
0x68: {  	s14 =	simm.s32 $0x13600;
	s13 =	rddreg [dreg:$0x3];
	[sflag:s8] =	ssyncadd.s32 $0xFFFFFF80  }
0x69: {  	[tilespmem:s14], [sflag:$0x2] =	stream.linear.gather [hbm4b:s13+s1], $0x400, $0x38;
	[tilespmem:$0x1AE80] =	vst v63  }
0x6a: {  	_ =	swait.ge [sflag:s8], $0x400  }
0x6b: {  	[sflag:s8] =	ssyncset.done $0x0  }
0x6c: {  	s29 =	simm.s32 $0x13A00;
	s28 =	rddreg [dreg:$0x4];
	[sflag:s8] =	ssyncadd.s32 $0xFFFFFC00  }
0x6d: {  	[tilespmem:s29], [sflag:$0x2] =	stream.linear.gather [hbm4b:s28+s1], $0x400, $0x38;
	[tilespmem:$0x1AE80] =	vst v63  }
0x6e: {  	_ =	swait.ge [sflag:s8], $0x400  }
0x6f: {  	[sflag:s8] =	ssyncset.done $0x0  }
0x70: {  	s31 =	simm.s32 $0x13E00;
	s30 =	rddreg [dreg:$0x5];
	[sflag:s8] =	ssyncadd.s32 $0xFFFFFC00  }
0x71: {  	[tilespmem:s31], [sflag:$0x2] =	stream.linear.gather [hbm4b:s30+s1], $0x400, $0x38;
	[tilespmem:$0x1AE80] =	vst v63  }
0x72: {  	_ =	swait.ge [sflag:s8], $0x400  }
0x73: {  	[sflag:s8] =	ssyncset.done $0x0  }
0x74: {  	[sflag:s8] =	ssyncadd.s32 $0xFFFFFC00  }
0x75: {  	_ =	swait.ge [sflag:s11], $0x13380  }
0x76: {  	v4 =	vld [tilespmem:$0x1FD60]  }
0x77: {  	v13 =	vld [tilespmem:$0x1FDF0]  }
0x78: {  	v5 =	vld [tilespmem:$0x1FD70]  }
0x79: {  	v6 =	vld [tilespmem:$0x1FD80]  }
0x7a: {  	v7 =	vld [tilespmem:$0x1FD90]  }
0x7b: {  	v8 =	vld [tilespmem:$0x1FDA0]  }
0x7c: {  	v9 =	vld [tilespmem:$0x1FDB0]  }
0x7d: {  	[sflag:s11] =	ssyncset.done $0x0;
	v10 =	vld [tilespmem:$0x1FDC0]  }
0x7e: {  	v11 =	vld [tilespmem:$0x1FDD0];
	[sflag:s11] =	ssyncadd.s32 $0xFFFECC80  }
0x7f: {  	v56 =	vld.idx.msk [tilespmem:v13+s7+$0x0], $0xffff  }
0x80: {  	v13 =	vld [tilespmem:$0x1FE00]  }
0x81: {  	v12 =	vld [tilespmem:$0x1FDE0]  }
0x82: {  	v2 =	vld.idx.msk [tilespmem:v0+s7+$0x0], $0xffff  }
0x83: {  	v3 =	vld.idx.msk [tilespmem:v1+s7+$0x0], $0xffff  }
0x84: {  	v59 =	vld.idx.msk [tilespmem:v0+s9+$0x0], $0xffff  }
0x85: {  	v60 =	vld.idx.msk [tilespmem:v1+s9+$0x0], $0xffff  }
0x86: {  	v4 =	vld.idx.msk [tilespmem:v4+s7+$0x0], $0xffff  }
0x87: {  	v5 =	vld.idx.msk [tilespmem:v5+s7+$0x0], $0xffff  }
0x88: {  	v57 =	vld.idx.msk [tilespmem:v13+s7+$0x0], $0xffff  }
0x89: {  	v13 =	vld [tilespmem:$0x1FE10]  }
0x8a: {  	v6 =	vld.idx.msk [tilespmem:v6+s7+$0x0], $0xffff  }
0x8b: {  	v7 =	vld.idx.msk [tilespmem:v7+s7+$0x0], $0xffff  }
0x8c: {  	v8 =	vld.idx.msk [tilespmem:v8+s7+$0x0], $0xffff  }
0x8d: {  	v9 =	vld.idx.msk [tilespmem:v9+s7+$0x0], $0xffff  }
0x8e: {  	v10 =	vld.idx.msk [tilespmem:v10+s7+$0x0], $0xffff  }
0x8f: {  	v11 =	vld.idx.msk [tilespmem:v11+s7+$0x0], $0xffff  }
0x90: {  	v12 =	vld.idx.msk [tilespmem:v12+s7+$0x0], $0xffff  }
0x91: {  	s13 =	simm.s32 $0x0;
	v58 =	vld.idx.msk [tilespmem:v13+s7+$0x0], $0xffff  }
.LBB2_2:
0x92: {  	v13 =	vmov s13;
	s16 =	simm.s32 $0x13A20  }
0x93: {  	s14 =	sadd.s32 $0x1B, s13;
	s25 =	simm.s32 $0x0;
	v22 =	vld [tilespmem:s16+$0xFFFFFC00]  }
0x94: {  	s24 =	sadd.s32 $0x36, s13;
	v18 =	vmov s14;
	s15 =	sand.u32 $0x380, s25;
	s14 =	sand.u32 $0x40, s25;
	v23 =	vld [tilespmem:s16+$0x0]  }
0x95: {  	v19 =	vmov s24;
	v24 =	vld [tilespmem:s16+$0xFFFFFC10];
	s17 =	sor.u32 s14, s15  }
0x96: {  	v20 =	vld [tilespmem:s17+$0x13A00]  }
0x97: {  	v61 =	vld.idx.msk [tilespmem:v13+s10+$0x0], $0xffff  }
0x98: {  	v13 =	vld [tilespmem:s16+$0xFFFFFBE0]  }
0x99: {  	v62 =	vld.idx.msk [tilespmem:v18+s10+$0x0], $0xffff  }
0x9a: {  	v63 =	vld.idx.msk [tilespmem:v19+s10+$0x0], $0xffff  }
0x9b: {  	v18 =	vld [tilespmem:s16+$0xFFFFFBF0]  }
0x9c: {  	v19 =	vld [tilespmem:s16+$0xFFFFFFF0]  }
0x9d: {  	v21 =	vld [tilespmem:s17+$0x13E00]  }
0x9e: {  	v26 =	vld [tilespmem:s16+$0x10];
	v13 =	vadd.f32 v13, v61  }
0x9f: {  	v22 =	vadd.f32 v22, v61;
	v24 =	vadd.f32 v24, v61  }
0xa0: {  	v18 =	vadd.f32 v18, v61;
	v13 =	vsub.f32 v13, v11  }
0xa1: {  	v19 =	vadd.f32 v19, v62;
	v20 =	vadd.f32 v20, v62  }
0xa2: {  	v21 =	vadd.f32 v21, v63;
	v23 =	vadd.f32 v23, v62;
	v25 =	vshrl.u32 v13, $0x10  }
0xa3: {  	v26 =	vadd.f32 v26, v62;
	v20 =	vsub.f32 v20, v12;
	v25 =	vand.u32 $0x1, v25  }
0xa4: {  	v22 =	vsub.f32 v22, v11;
	v21 =	vsub.f32 v21, v56;
	v13 =	vadd.s32 v25, v13  }
0xa5: {  	v24 =	vsub.f32 v24, v11;
	v25 =	vshrl.u32 v20, $0x10;
	v13 =	vadd.s32 $0x7FFF, v13  }
0xa6: {  	v27 =	vshrl.u32 v21, $0x10;
	v25 =	vand.u32 $0x1, v25;
	v13 =	vand.u32 $0xFFFF0000, v13  }
0xa7: {  	v20 =	vadd.s32 v25, v20;
	v25 =	vand.u32 $0x1, v27;
	v27 =	vmul.f32 v13, v2  }
0xa8: {  	v20 =	vadd.s32 $0x7FFF, v20;
	v21 =	vadd.s32 v25, v21;
	v25 =	vmul.f32 v13, v4  }
0xa9: {  	v13 =	vmul.f32 v13, v3;
	v20 =	vand.u32 $0xFFFF0000, v20;
	v21 =	vadd.s32 $0x7FFF, v21  }
0xaa: {  	v21 =	vand.u32 $0xFFFF0000, v21;
	v28 =	vmul.f32 v20, v5;
	v29 =	vmul.f32 v20, v6  }
0xab: {  	v18 =	vsub.f32 v18, v11;
	v20 =	vmul.f32 v20, v7;
	v30 =	vmul.f32 v21, v8  }
0xac: {  	v27 =	vadd.f32 v28, v27;
	v13 =	vadd.f32 v29, v13;
	v28 =	vmul.f32 v21, v9  }
0xad: {  	v19 =	vsub.f32 v19, v12;
	v20 =	vadd.f32 v20, v25;
	v21 =	vmul.f32 v21, v10  }
0xae: {  	v31 =	vld [tilespmem:s16+$0x3F0];
	v25 =	vadd.f32 v30, v27;
	v13 =	vadd.f32 v28, v13  }
0xaf: {  	v26 =	vsub.f32 v26, v12;
	v20 =	vadd.f32 v21, v20  }
0xb0: {  	v21 =	vsub.f32 v23, v12;
	v23 =	vmul.f32 v25, v57;
	v13 =	vmul.f32 v13, v57  }
0xb1: {  	v33 =	vshrl.u32 v24, $0x10;
	v34 =	vshrl.u32 v26, $0x10;
	v20 =	vmul.f32 v20, v57  }
0xb2: {  	v28 =	vshrl.u32 v18, $0x10;
	v23 =	vadd.f32 $3.200000000e+01, v23;
	v13 =	vadd.f32 $3.200000000e+01, v13  }
0xb3: {  	v29 =	vld [tilespmem:s16+$0x410];
	v30 =	vshrl.u32 v19, $0x10;
	v25 =	vadd.f32 v31, v63;
	v20 =	vadd.f32 $3.200000000e+01, v20  }
0xb4: {  	v27 =	vld [tilespmem:s16+$0x400];
	v31 =	vshrl.u32 v22, $0x10;
	v23 =	vmax.f32 v23, $3.150000000e+01;
	v13 =	vmax.f32 v13, $3.150000000e+01  }
0xb5: {  	v20 =	vmax.f32 v20, $3.150000000e+01;
	v23 =	vmin.f32 v23, $6.400000000e+01;
	v13 =	vmin.f32 v13, $6.400000000e+01  }
0xb6: {  	v20 =	vmin.f32 v20, $6.400000000e+01;
	v23 =	vtrunc.f32 v23;
	v13 =	vtrunc.f32 v13  }
0xb7: {  	v32 =	vshrl.u32 v21, $0x10;
	v20 =	vtrunc.f32 v20;
	v13 =	vcvt.f32.s32 v13  }
0xb8: {  	v29 =	vadd.f32 v29, v63;
	v23 =	vcvt.f32.s32 v23;
	v20 =	vcvt.f32.s32 v20  }
0xb9: {  	v25 =	vsub.f32 v25, v56;
	v27 =	vadd.f32 v27, v63;
	v13 =	vmul.u32 $0x22, v13  }
0xba: {  	v29 =	vsub.f32 v29, v56;
	v23 =	vmul.u32 $0x484, v23;
	v20 =	vadd.s32 v20, v59  }
0xbb: {  	v27 =	vsub.f32 v27, v56;
	v13 =	vadd.s32 v13, v20;
	v20 =	vand.u32 $0x1, v28  }
0xbc: {  	v28 =	vand.u32 $0x1, v30;
	v30 =	vand.u32 $0x1, v32;
	v13 =	vadd.s32 v23, v13  }
0xbd: {  	v23 =	vand.u32 $0x1, v31;
	v18 =	vadd.s32 v20, v18;
	v20 =	vand.u32 $0x1, v33  }
0xbe: {  	v31 =	vand.u32 $0x1, v34;
	v19 =	vadd.s32 v28, v19;
	v21 =	vadd.s32 v30, v21  }
0xbf: {  	v28 =	vshrl.u32 v29, $0x10;
	v22 =	vadd.s32 v23, v22;
	v23 =	vshrl.u32 v25, $0x10  }
0xc0: {  	v20 =	vadd.s32 v20, v24;
	v24 =	vadd.s32 v31, v26;
	v18 =	vadd.s32 $0x7FFF, v18  }
0xc1: {  	v26 =	vshrl.u32 v27, $0x10;
	v19 =	vadd.s32 $0x7FFF, v19;
	v21 =	vadd.s32 $0x7FFF, v21  }
0xc2: {  	v28 =	vand.u32 $0x1, v28;
	v22 =	vadd.s32 $0x7FFF, v22;
	v23 =	vand.u32 $0x1, v23  }
0xc3: {  	v20 =	vadd.s32 $0x7FFF, v20;
	v24 =	vadd.s32 $0x7FFF, v24;
	v18 =	vand.u32 $0xFFFF0000, v18  }
0xc4: {  	v26 =	vand.u32 $0x1, v26;
	v19 =	vand.u32 $0xFFFF0000, v19;
	v21 =	vand.u32 $0xFFFF0000, v21  }
0xc5: {  	v23 =	vadd.s32 v23, v25;
	v25 =	vmul.f32 v18, v3;
	v26 =	vadd.s32 v26, v27  }
0xc6: {  	v27 =	vadd.s32 v28, v29;
	v28 =	vmul.f32 v19, v6;
	v30 =	vmul.f32 v21, v6  }
0xc7: {  	v22 =	vand.u32 $0xFFFF0000, v22;
	v45 =	vmul.f32 v18, v2;
	v46 =	vmul.f32 v19, v5  }
0xc8: {  	v20 =	vand.u32 $0xFFFF0000, v20;
	v18 =	vmul.f32 v18, v4;
	v19 =	vmul.f32 v19, v7  }
0xc9: {  	v24 =	vand.u32 $0xFFFF0000, v24;
	v38 =	vmul.f32 v21, v5;
	v21 =	vmul.f32 v21, v7  }
0xca: {  	s26 =	simm.s32 $0x13A60;
	v29 =	vmul.f32 v22, v3;
	v31 =	vmul.f32 v20, v3;
	v23 =	vadd.s32 $0x7FFF, v23  }
0xcb: {  	v43 =	vld [tilespmem:s26+$0x3F0];
	v44 =	vmul.f32 v24, v6;
	v26 =	vadd.s32 $0x7FFF, v26;
	v27 =	vadd.s32 $0x7FFF, v27  }
0xcc: {  	v35 =	vmul.f32 v22, v2;
	v22 =	vmul.f32 v22, v4;
	v23 =	vand.u32 $0xFFFF0000, v23  }
0xcd: {  	v26 =	vand.u32 $0xFFFF0000, v26;
	v27 =	vand.u32 $0xFFFF0000, v27;
	v25 =	vadd.f32 v28, v25  }
0xce: {  	v28 =	vmul.f32 v20, v2;
	v20 =	vmul.f32 v20, v4;
	v47 =	vadd.f32 v46, v45  }
0xcf: {  	v18 =	vadd.f32 v19, v18;
	v29 =	vadd.f32 v30, v29;
	v30 =	vmul.f32 v24, v5  }
0xd0: {  	v46 =	vadd.f32 v43, v63;
	v39 =	vmul.f32 v23, v9;
	v24 =	vmul.f32 v24, v7  }
0xd1: {  	v31 =	vadd.f32 v44, v31;
	v48 =	vmul.f32 v26, v9;
	v49 =	vmul.f32 v27, v9  }
0xd2: {  	v13 =	vld.idx.msk [tilespmem:v13+s1+$0x0], $0xffff;
	v40 =	vmul.f32 v23, v8;
	v19 =	vadd.f32 v38, v35;
	v21 =	vadd.f32 v21, v22  }
0xd3: {  	v23 =	vmul.f32 v23, v10;
	v34 =	vsub.f32 v46, v56;
	v22 =	vadd.f32 v30, v28  }
0xd4: {  	v28 =	vmul.f32 v26, v8;
	v26 =	vmul.f32 v26, v10;
	v20 =	vadd.f32 v24, v20  }
0xd5: {  	v24 =	vadd.f32 v39, v25;
	v25 =	vmul.f32 v27, v8;
	v29 =	vadd.f32 v48, v29  }
0xd6: {  	v45 =	vld [tilespmem:s26+$0x410];
	v27 =	vmul.f32 v27, v10;
	v30 =	vadd.f32 v49, v31;
	v31 =	vadd.f32 v40, v47  }
0xd7: {  	v18 =	vadd.f32 v23, v18;
	v13 =	vshrl.u32 v13, v60;
	v23 =	vmul.f32 v24, v57  }
0xd8: {  	v19 =	vadd.f32 v28, v19;
	v21 =	vadd.f32 v26, v21;
	v24 =	vmul.f32 v29, v57  }
0xd9: {  	v22 =	vadd.f32 v25, v22;
	v20 =	vadd.f32 v27, v20;
	v25 =	vmul.f32 v30, v57  }
0xda: {  	v26 =	vmul.f32 v31, v57;
	v18 =	vmul.f32 v18, v57;
	v13 =	vshll.u32 v13, $0x10  }
0xdb: {  	v33 =	vadd.f32 v45, v63;
	v13 =	vmul.f32 v13, v58;
	v23 =	vadd.f32 $3.200000000e+01, v23  }
0xdc: {  	v19 =	vmul.f32 v19, v57;
	v24 =	vadd.f32 $3.200000000e+01, v24;
	v21 =	vmul.f32 v21, v57  }
0xdd: {  	v22 =	vmul.f32 v22, v57;
	v25 =	vadd.f32 $3.200000000e+01, v25;
	v20 =	vmul.f32 v20, v57  }
0xde: {  	v26 =	vadd.f32 $3.200000000e+01, v26;
	v18 =	vadd.f32 $3.200000000e+01, v18;
	v23 =	vmax.f32 v23, $3.150000000e+01  }
0xdf: {  	v19 =	vadd.f32 $3.200000000e+01, v19;
	v21 =	vadd.f32 $3.200000000e+01, v21;
	v24 =	vmax.f32 v24, $3.150000000e+01  }
0xe0: {  	v22 =	vadd.f32 $3.200000000e+01, v22;
	v20 =	vadd.f32 $3.200000000e+01, v20;
	v25 =	vmax.f32 v25, $3.150000000e+01  }
0xe1: {  	v26 =	vmax.f32 v26, $3.150000000e+01;
	v18 =	vmax.f32 v18, $3.150000000e+01;
	v23 =	vmin.f32 v23, $6.400000000e+01  }
0xe2: {  	v24 =	vmin.f32 v24, $6.400000000e+01;
	v25 =	vmin.f32 v25, $6.400000000e+01;
	v26 =	vmin.f32 v26, $6.400000000e+01  }
0xe3: {  	v18 =	vmin.f32 v18, $6.400000000e+01;
	v19 =	vmax.f32 v19, $3.150000000e+01;
	v21 =	vmax.f32 v21, $3.150000000e+01  }
0xe4: {  	v22 =	vmax.f32 v22, $3.150000000e+01;
	v23 =	vtrunc.f32 v23;
	v24 =	vtrunc.f32 v24  }
0xe5: {  	v20 =	vmax.f32 v20, $3.150000000e+01;
	v25 =	vtrunc.f32 v25;
	v26 =	vtrunc.f32 v26  }
0xe6: {  	v18 =	vtrunc.f32 v18;
	v19 =	vmin.f32 v19, $6.400000000e+01;
	v23 =	vcvt.f32.s32 v23  }
0xe7: {  	v21 =	vmin.f32 v21, $6.400000000e+01;
	v24 =	vcvt.f32.s32 v24;
	v25 =	vcvt.f32.s32 v25  }
0xe8: {  	v22 =	vmin.f32 v22, $6.400000000e+01;
	v26 =	vcvt.f32.s32 v26;
	v18 =	vcvt.f32.s32 v18  }
0xe9: {  	v20 =	vmin.f32 v20, $6.400000000e+01;
	v19 =	vtrunc.f32 v19;
	v21 =	vtrunc.f32 v21  }
0xea: {  	s28 =	simm.s32 $0x40;
	v27 =	vld [tilespmem:s26+$0xFFFFFBE0];
	v22 =	vtrunc.f32 v22;
	v20 =	vtrunc.f32 v20;
	v23 =	vmul.u32 $0x22, v23  }
0xeb: {  	s20 =	sand.u32 $0x380, s28;
	s19 =	sand.u32 $0x40, s28;
	v28 =	vld [tilespmem:s26+$0xFFFFFBF0];
	v24 =	vmul.u32 $0x22, v24;
	v25 =	vmul.u32 $0x22, v25;
	v19 =	vcvt.f32.s32 v19  }
0xec: {  	s17 =	sor.u32 s19, s20;
	v29 =	vld [tilespmem:s26+$0xFFFFFFF0];
	v26 =	vmul.u32 $0x484, v26;
	v21 =	vcvt.f32.s32 v21;
	v22 =	vcvt.f32.s32 v22  }
0xed: {  	v31 =	vld [tilespmem:s17+$0x13A00];
	v18 =	vadd.s32 v18, v59;
	v30 =	vcvt.f32.s32 v20;
	v19 =	vmul.u32 $0x484, v19  }
0xee: {  	v18 =	vadd.s32 v23, v18;
	v21 =	vadd.s32 v21, v59;
	v22 =	vmul.u32 $0x484, v22;
	v23 =	vld [tilespmem:s17+$0x13E00]  }
0xef: {  	v20 =	vadd.s32 v26, v18;
	v18 =	vadd.s32 v24, v21;
	v21 =	vadd.f32 v27, v61;
	v24 =	vld [tilespmem:s26+$0xFFFFFC00]  }
0xf0: {  	v26 =	vadd.s32 v30, v59;
	v27 =	vadd.f32 v28, v61;
	v28 =	vld [tilespmem:s26+$0x0];
	v18 =	vadd.s32 v19, v18  }
0xf1: {  	v30 =	vld [tilespmem:s26+$0x10];
	v19 =	vadd.s32 v25, v26;
	v25 =	vadd.f32 v29, v62;
	v21 =	vsub.f32 v21, v11  }
0xf2: {  	v26 =	vld [tilespmem:s26+$0xFFFFFC10];
	v19 =	vadd.s32 v22, v19;
	v22 =	vadd.f32 v31, v62;
	v27 =	vsub.f32 v27, v11  }
0xf3: {  	v33 =	vsub.f32 v33, v56;
	v25 =	vsub.f32 v25, v12;
	v29 =	vshrl.u32 v21, $0x10  }
0xf4: {  	v23 =	vadd.f32 v23, v63;
	v22 =	vsub.f32 v22, v12;
	v32 =	vshrl.u32 v27, $0x10  }
0xf5: {  	v29 =	vand.u32 $0x1, v29;
	v24 =	vadd.f32 v24, v61;
	v28 =	vadd.f32 v28, v62  }
0xf6: {  	v30 =	vadd.f32 v30, v62;
	v21 =	vadd.s32 v29, v21;
	v23 =	vsub.f32 v23, v56  }
0xf7: {  	v29 =	vshrl.u32 v22, $0x10;
	v26 =	vadd.f32 v26, v61;
	v21 =	vadd.s32 $0x7FFF, v21  }
0xf8: {  	v29 =	vand.u32 $0x1, v29;
	v24 =	vsub.f32 v24, v11;
	v28 =	vsub.f32 v28, v12  }
0xf9: {  	v30 =	vsub.f32 v30, v12;
	v21 =	vand.u32 $0xFFFF0000, v21;
	v31 =	vshrl.u32 v23, $0x10  }
0xfa: {  	v22 =	vadd.s32 v29, v22;
	v26 =	vsub.f32 v26, v11;
	v29 =	vand.u32 $0x1, v31  }
0xfb: {  	v31 =	vmul.f32 v21, v2;
	v22 =	vadd.s32 $0x7FFF, v22;
	v23 =	vadd.s32 v29, v23  }
0xfc: {  	v29 =	vmul.f32 v21, v4;
	v22 =	vand.u32 $0xFFFF0000, v22;
	v21 =	vmul.f32 v21, v3  }
0xfd: {  	v23 =	vadd.s32 $0x7FFF, v23;
	v40 =	vmul.f32 v22, v5;
	v41 =	vmul.f32 v22, v6  }
0xfe: {  	v47 =	vshrl.u32 v24, $0x10;
	v22 =	vmul.f32 v22, v7;
	v23 =	vand.u32 $0xFFFF0000, v23  }
0xff: {  	v42 =	vmul.f32 v23, v8;
	v31 =	vadd.f32 v40, v31;
	v21 =	vadd.f32 v41, v21  }
0x100: {  	v44 =	vmul.f32 v23, v9;
	v22 =	vadd.f32 v22, v29;
	v23 =	vmul.f32 v23, v10  }
0x101: {  	v48 =	vshrl.u32 v28, $0x10;
	v49 =	vshrl.u32 v26, $0x10;
	v29 =	vld [tilespmem:s26+$0x400];
	v31 =	vadd.f32 v42, v31  }
0x102: {  	v21 =	vadd.f32 v44, v21;
	v22 =	vadd.f32 v23, v22;
	v23 =	vshrl.u32 v25, $0x10  }
0x103: {  	v45 =	vand.u32 $0x1, v48;
	v44 =	vshrl.u32 v30, $0x10;
	v23 =	vand.u32 $0x1, v23  }
0x104: {  	v46 =	vand.u32 $0x1, v44;
	v31 =	vmul.f32 v31, v57;
	v21 =	vmul.f32 v21, v57  }
0x105: {  	v22 =	vmul.f32 v22, v57;
	v23 =	vadd.s32 v23, v25;
	v25 =	vadd.s32 v45, v28  }
0x106: {  	v28 =	vshrl.u32 v34, $0x10;
	v29 =	vadd.f32 v29, v63;
	v23 =	vadd.s32 $0x7FFF, v23  }
0x107: {  	v25 =	vadd.s32 $0x7FFF, v25;
	v31 =	vadd.f32 $3.200000000e+01, v31;
	v21 =	vadd.f32 $3.200000000e+01, v21  }
0x108: {  	v28 =	vand.u32 $0x1, v28;
	v22 =	vadd.f32 $3.200000000e+01, v22;
	v23 =	vand.u32 $0xFFFF0000, v23  }
0x109: {  	v25 =	vand.u32 $0xFFFF0000, v25;
	v31 =	vmax.f32 v31, $3.150000000e+01;
	v21 =	vmax.f32 v21, $3.150000000e+01  }
0x10a: {  	v22 =	vmax.f32 v22, $3.150000000e+01;
	v31 =	vmin.f32 v31, $6.400000000e+01;
	v21 =	vmin.f32 v21, $6.400000000e+01  }
0x10b: {  	v22 =	vmin.f32 v22, $6.400000000e+01;
	v31 =	vtrunc.f32 v31;
	v21 =	vtrunc.f32 v21  }
0x10c: {  	v28 =	vadd.s32 v28, v34;
	v22 =	vtrunc.f32 v22;
	v21 =	vcvt.f32.s32 v21  }
0x10d: {  	v29 =	vsub.f32 v29, v56;
	v31 =	vcvt.f32.s32 v31;
	v22 =	vcvt.f32.s32 v22  }
0x10e: {  	v48 =	vmul.f32 v25, v6;
	v28 =	vadd.s32 $0x7FFF, v28;
	v21 =	vmul.u32 $0x22, v21  }
0x10f: {  	v42 =	vmul.f32 v25, v5;
	v31 =	vmul.u32 $0x484, v31;
	v22 =	vadd.s32 v22, v59  }
0x110: {  	v25 =	vmul.f32 v25, v7;
	v28 =	vand.u32 $0xFFFF0000, v28;
	v21 =	vadd.s32 v21, v22  }
0x111: {  	v22 =	vand.u32 $0x1, v32;
	v21 =	vadd.s32 v31, v21;
	v31 =	vand.u32 $0x1, v47  }
0x112: {  	v22 =	vadd.s32 v22, v27;
	v27 =	vand.u32 $0x1, v49;
	v24 =	vadd.s32 v31, v24  }
0x113: {  	v26 =	vadd.s32 v27, v26;
	v27 =	vadd.s32 v46, v30;
	v22 =	vadd.s32 $0x7FFF, v22  }
0x114: {  	v30 =	vshrl.u32 v29, $0x10;
	v31 =	vshrl.u32 v33, $0x10;
	v46 =	vmul.f32 v23, v5  }
0x115: {  	v24 =	vadd.s32 $0x7FFF, v24;
	v26 =	vadd.s32 $0x7FFF, v26;
	v27 =	vadd.s32 $0x7FFF, v27  }
0x116: {  	v22 =	vand.u32 $0xFFFF0000, v22;
	v30 =	vand.u32 $0x1, v30;
	v31 =	vand.u32 $0x1, v31  }
0x117: {  	v24 =	vand.u32 $0xFFFF0000, v24;
	v47 =	vmul.f32 v22, v3;
	v29 =	vadd.s32 v30, v29  }
0x118: {  	v30 =	vadd.s32 v31, v33;
	v31 =	vmul.f32 v23, v6;
	v45 =	vmul.f32 v22, v2  }
0x119: {  	v26 =	vand.u32 $0xFFFF0000, v26;
	v22 =	vmul.f32 v22, v4;
	v23 =	vmul.f32 v23, v7  }
0x11a: {  	v27 =	vand.u32 $0xFFFF0000, v27;
	v33 =	vmul.f32 v24, v3;
	v35 =	vmul.f32 v26, v3  }
0x11b: {  	v49 =	vmul.f32 v27, v6;
	v29 =	vadd.s32 $0x7FFF, v29;
	v30 =	vadd.s32 $0x7FFF, v30  }
0x11c: {  	v41 =	vmul.f32 v24, v2;
	v24 =	vmul.f32 v24, v4;
	v29 =	vand.u32 $0xFFFF0000, v29  }
0x11d: {  	v30 =	vand.u32 $0xFFFF0000, v30;
	v31 =	vadd.f32 v31, v47;
	v47 =	vmul.f32 v26, v2  }
0x11e: {  	v26 =	vmul.f32 v26, v4;
	v39 =	vadd.f32 v46, v45;
	v22 =	vadd.f32 v23, v22  }
0x11f: {  	v46 =	vmul.f32 v28, v8;
	v33 =	vadd.f32 v48, v33;
	v48 =	vmul.f32 v27, v5  }
0x120: {  	v20 =	vld.idx.msk [tilespmem:v20+s1+$0x0], $0xffff;
	v35 =	vadd.f32 v49, v35;
	v49 =	vmul.f32 v28, v9;
	v27 =	vmul.f32 v27, v7  }
0x121: {  	v21 =	vld.idx.msk [tilespmem:v21+s1+$0x0], $0xffff;
	v45 =	vmul.f32 v29, v9;
	v23 =	vmul.f32 v30, v9;
	v41 =	vadd.f32 v42, v41  }
0x122: {  	v28 =	vmul.f32 v28, v10;
	v24 =	vadd.f32 v25, v24;
	v25 =	vadd.f32 v48, v47  }
0x123: {  	v47 =	vmul.f32 v29, v8;
	v29 =	vmul.f32 v29, v10;
	v26 =	vadd.f32 v27, v26  }
0x124: {  	v27 =	vadd.f32 v49, v31;
	v31 =	vmul.f32 v30, v8;
	v30 =	vmul.f32 v30, v10  }
0x125: {  	v33 =	vadd.f32 v45, v33;
	v23 =	vadd.f32 v23, v35;
	v48 =	vshrl.u32 v20, v60  }
0x126: {  	v20 =	vadd.f32 v46, v39;
	v22 =	vadd.f32 v28, v22;
	v21 =	vshrl.u32 v21, v60  }
0x127: {  	v27 =	vmul.f32 v27, v57;
	v28 =	vadd.f32 v47, v41;
	v24 =	vadd.f32 v29, v24  }
0x128: {  	v29 =	vmul.f32 v33, v57;
	v25 =	vadd.f32 v31, v25;
	v26 =	vadd.f32 v30, v26  }
0x129: {  	v23 =	vmul.f32 v23, v57;
	v20 =	vmul.f32 v20, v57;
	v21 =	vshll.u32 v21, $0x10  }
0x12a: {  	v22 =	vmul.f32 v22, v57;
	v21 =	vmul.f32 v21, v58;
	v27 =	vadd.f32 $3.200000000e+01, v27  }
0x12b: {  	v28 =	vmul.f32 v28, v57;
	v29 =	vadd.f32 $3.200000000e+01, v29;
	v24 =	vmul.f32 v24, v57  }
0x12c: {  	v25 =	vmul.f32 v25, v57;
	v23 =	vadd.f32 $3.200000000e+01, v23;
	v26 =	vmul.f32 v26, v57  }
0x12d: {  	v20 =	vadd.f32 $3.200000000e+01, v20;
	v22 =	vadd.f32 $3.200000000e+01, v22;
	v27 =	vmax.f32 v27, $3.150000000e+01  }
0x12e: {  	v28 =	vadd.f32 $3.200000000e+01, v28;
	v24 =	vadd.f32 $3.200000000e+01, v24;
	v29 =	vmax.f32 v29, $3.150000000e+01  }
0x12f: {  	v25 =	vadd.f32 $3.200000000e+01, v25;
	v26 =	vadd.f32 $3.200000000e+01, v26;
	v23 =	vmax.f32 v23, $3.150000000e+01  }
0x130: {  	v20 =	vmax.f32 v20, $3.150000000e+01;
	v22 =	vmax.f32 v22, $3.150000000e+01;
	v27 =	vmin.f32 v27, $6.400000000e+01  }
0x131: {  	v18 =	vld.idx.msk [tilespmem:v18+s1+$0x0], $0xffff;
	v29 =	vmin.f32 v29, $6.400000000e+01;
	v23 =	vmin.f32 v23, $6.400000000e+01;
	v20 =	vmin.f32 v20, $6.400000000e+01  }
0x132: {  	s29 =	sshll.u32 s13, $0xA;
	v30 =	vld.idx.msk [tilespmem:v19+s1+$0x0], $0xffff;
	v22 =	vmin.f32 v22, $6.400000000e+01;
	v28 =	vmax.f32 v28, $3.150000000e+01;
	v19 =	vmax.f32 v24, $3.150000000e+01  }
0x133: {  	s30 =	simm.s32 $0x10;
	s18 =	simm.s32 $0x30;
	s21 =	simm.s32 $0x20;
	v24 =	vmax.f32 v25, $3.150000000e+01;
	v25 =	vmax.f32 v26, $3.150000000e+01;
	v26 =	vtrunc.f32 v27  }
0x134: {  	s31 =	simm.s32 $0x70;
	s23 =	simm.s32 $0x50;
	s16 =	sand.u32 $0x3FFFFC00, s29;
	v27 =	vtrunc.f32 v29;
	v23 =	vtrunc.f32 v23;
	v28 =	vmin.f32 v28, $6.400000000e+01  }
0x135: {  	s21 =	sand.u32 $0x60, s21;
	s18 =	sand.u32 $0x70, s18;
	s17 =	sadd.s32 $0x14200, s16;
	v29 =	vmin.f32 v19, $6.400000000e+01;
	v31 =	vmin.f32 v24, $6.400000000e+01;
	v24 =	vcvt.f32.s32 v26  }
0x136: {  	s23 =	sand.u32 $0x50, s23;
	s24 =	simm.s32 $0x60;
	s15 =	sadd.s32 s15, s17;
	v26 =	vcvt.f32.s32 v27;
	v19 =	vshrl.u32 v18, v60;
	v27 =	vtrunc.f32 v20  }
0x137: {  	s25 =	sand.u32 $0x70, s31;
	s20 =	sadd.s32 s20, s17;
	s22 =	sadd.s32 s14, s15;
	v23 =	vcvt.f32.s32 v23;
	v18 =	vshrl.u32 v30, v60;
	v30 =	vtrunc.f32 v22  }
0x138: {  	s24 =	sand.u32 $0x60, s24;
	s16 =	sand.u32 $0x50, s30;
	s19 =	sadd.s32 s19, s20;
	[tilespmem:s22+$0x0] =	vst v13;
	v25 =	vmin.f32 v25, $6.400000000e+01;
	v49 =	vtrunc.f32 v28;
	v28 =	vcvt.f32.s32 v27  }
0x139: {  	s16 =	sadd.s32 s16, s15;
	s14 =	sadd.s32 s21, s15;
	s15 =	sadd.s32 s18, s15;
	v13 =	vshll.u32 v48, $0x10;
	[tilespmem:s19+$0x0] =	vst v21;
	v25 =	vtrunc.f32 v25;
	v21 =	vcvt.f32.s32 v30  }
0x13a: {  	s18 =	simm.s32 $0x4;
	s23 =	sadd.s32 s23, s20;
	s21 =	sadd.s32 s24, s20;
	v22 =	vmul.u32 $0x22, v24;
	v24 =	vtrunc.f32 v29;
	v20 =	vmul.u32 $0x22, v26  }
0x13b: {  	s22 =	sadd.s32 s25, s20;
	s20 =	simm.s32 $0x13AA0;
	s19 =	simm.s32 $0xB0;
	v26 =	vtrunc.f32 v31;
	v23 =	vmul.u32 $0x22, v23;
	v27 =	vcvt.f32.s32 v49  }
.LBB2_3:
0x13c: {  	s24 =	sadd.s32 $0xFFFFFFD0, s19;
	v29 =	vld [tilespmem:s20+$0xFFFFFBE0];
	s26 =	sadd.s32 $0xFFFFFFE0, s19;
	s18 =	sadd.s32 $0x4, s18;
	v28 =	vmul.u32 $0x484, v28;
	v24 =	vcvt.f32.s32 v24;
	v26 =	vcvt.f32.s32 v26  }
0x13d: {  	v25 =	vcvt.f32.s32 v25;
	s25 =	sand.u32 $0x380, s24;
	s24 =	sand.u32 $0x40, s24;
	v30 =	vld [tilespmem:s20+$0xFFFFFBF0];
	p0 =	slt.u32 s18, $0x3C;
	v21 =	vadd.s32 v21, v59;
	v27 =	vmul.u32 $0x484, v27  }
0x13e: {  	s28 =	sand.u32 $0x50, s26;
	s26 =	sadd.s32 $0xFFFFFFF0, s19;
	s30 =	sor.u32 s24, s25;
	v31 =	vld [tilespmem:s20+$0xFFFFFFF0];
	v21 =	vadd.s32 v22, v21;
	v22 =	vadd.s32 v24, v59;
	v24 =	vmul.u32 $0x484, v26  }
0x13f: {  	s29 =	sand.u32 $0x60, s26;
	s26 =	sand.u32 $0x70, s19;
	v26 =	vld [tilespmem:s30+$0x13A00];
	v21 =	vadd.s32 v28, v21;
	v20 =	vadd.s32 v20, v22;
	v22 =	vadd.s32 v25, v59  }
0x140: {  	v19 =	vshll.u32 v19, $0x10;
	v25 =	vld [tilespmem:s30+$0x13E00];
	v20 =	vadd.s32 v27, v20;
	v22 =	vadd.s32 v23, v22  }
0x141: {  	v18 =	vshll.u32 v18, $0x10;
	v23 =	vadd.f32 v29, v61;
	v27 =	vld [tilespmem:s20+$0xFFFFFC00];
	v22 =	vadd.s32 v24, v22  }
0x142: {  	v13 =	vmul.f32 v13, v58;
	v19 =	vmul.f32 v19, v58;
	v24 =	vadd.f32 v30, v61;
	v28 =	vld [tilespmem:s20+$0x0]  }
0x143: {  	v18 =	vmul.f32 v18, v58;
	v23 =	vsub.f32 v23, v11;
	v29 =	vadd.f32 v31, v62;
	v30 =	vld [tilespmem:s20+$0xFFFFFC10]  }
0x144: {  	v26 =	vadd.f32 v26, v62;
	v24 =	vsub.f32 v24, v11;
	v31 =	vld [tilespmem:s20+$0x10];
	[tilespmem:s16+$0x0] =	vst v13;
	s16 =	smov.u32 s23  }
0x145: {  	v13 =	vshrl.u32 v23, $0x10;
	v25 =	vadd.f32 v25, v63;
	v29 =	vsub.f32 v29, v12;
	v32 =	vld [tilespmem:s20+$0x3F0];
	[tilespmem:s14+$0x0] =	vst v19;
	s14 =	smov.u32 s21  }
0x146: {  	v13 =	vand.u32 $0x1, v13;
	v26 =	vsub.f32 v26, v12;
	v27 =	vadd.f32 v27, v61;
	v33 =	vld [tilespmem:s20+$0x400];
	[tilespmem:s15+$0x0] =	vst v18;
	s15 =	smov.u32 s22  }
0x147: {  	v13 =	vadd.s32 v13, v23;
	v23 =	vsub.f32 v25, v56;
	v25 =	vadd.f32 v28, v62;
	v28 =	vld [tilespmem:s20+$0x410]  }
0x148: {  	v13 =	vadd.s32 $0x7FFF, v13;
	v18 =	vshrl.u32 v26, $0x10;
	v30 =	vadd.f32 v30, v61;
	v19 =	vld.idx.msk [tilespmem:v21+s1+$0x0], $0xffff  }
0x149: {  	v21 =	vand.u32 $0xFFFF0000, v13;
	v18 =	vand.u32 $0x1, v18;
	v34 =	vshrl.u32 v23, $0x10;
	v13 =	vld.idx.msk [tilespmem:v20+s1+$0x0], $0xffff  }
0x14a: {  	v20 =	vadd.s32 v18, v26;
	v26 =	vand.u32 $0x1, v34;
	v34 =	vmul.f32 v21, v2;
	v18 =	vld.idx.msk [tilespmem:v22+s1+$0x0], $0xffff  }
0x14b: {  	v20 =	vadd.s32 $0x7FFF, v20;
	v22 =	vadd.s32 v26, v23;
	v23 =	vmul.f32 v21, v4  }
0x14c: {  	v21 =	vmul.f32 v21, v3;
	v20 =	vand.u32 $0xFFFF0000, v20;
	v22 =	vadd.s32 $0x7FFF, v22  }
0x14d: {  	v22 =	vand.u32 $0xFFFF0000, v22;
	v26 =	vmul.f32 v20, v5;
	v35 =	vmul.f32 v20, v6  }
0x14e: {  	v31 =	vadd.f32 v31, v62;
	v20 =	vmul.f32 v20, v7;
	v38 =	vmul.f32 v22, v8  }
0x14f: {  	v26 =	vadd.f32 v26, v34;
	v21 =	vadd.f32 v35, v21;
	v34 =	vmul.f32 v22, v9  }
0x150: {  	v20 =	vadd.f32 v20, v23;
	v22 =	vmul.f32 v22, v10;
	v23 =	vsub.f32 v27, v11  }
0x151: {  	v27 =	vshrl.u32 v24, $0x10;
	v26 =	vadd.f32 v38, v26;
	v21 =	vadd.f32 v34, v21  }
0x152: {  	v25 =	vsub.f32 v25, v12;
	v20 =	vadd.f32 v22, v20;
	v22 =	vshrl.u32 v29, $0x10  }
0x153: {  	v30 =	vsub.f32 v30, v11;
	v26 =	vmul.f32 v26, v57;
	v21 =	vmul.f32 v21, v57  }
0x154: {  	v32 =	vadd.f32 v32, v63;
	v31 =	vsub.f32 v31, v12;
	v20 =	vmul.f32 v20, v57  }
0x155: {  	v34 =	vshrl.u32 v23, $0x10;
	v26 =	vadd.f32 $3.200000000e+01, v26;
	v21 =	vadd.f32 $3.200000000e+01, v21  }
0x156: {  	v33 =	vadd.f32 v33, v63;
	v35 =	vshrl.u32 v25, $0x10;
	v20 =	vadd.f32 $3.200000000e+01, v20  }
0x157: {  	v28 =	vadd.f32 v28, v63;
	v26 =	vmax.f32 v26, $3.150000000e+01;
	v21 =	vmax.f32 v21, $3.150000000e+01  }
0x158: {  	v20 =	vmax.f32 v20, $3.150000000e+01;
	v26 =	vmin.f32 v26, $6.400000000e+01;
	v21 =	vmin.f32 v21, $6.400000000e+01  }
0x159: {  	v20 =	vmin.f32 v20, $6.400000000e+01;
	v26 =	vtrunc.f32 v26;
	v21 =	vtrunc.f32 v21  }
0x15a: {  	v38 =	vshrl.u32 v30, $0x10;
	v20 =	vtrunc.f32 v20;
	v21 =	vcvt.f32.s32 v21  }
0x15b: {  	v39 =	vshrl.u32 v31, $0x10;
	v26 =	vcvt.f32.s32 v26;
	v20 =	vcvt.f32.s32 v20  }
0x15c: {  	v32 =	vsub.f32 v32, v56;
	v33 =	vsub.f32 v33, v56;
	v21 =	vmul.u32 $0x22, v21  }
0x15d: {  	v28 =	vsub.f32 v28, v56;
	v26 =	vmul.u32 $0x484, v26;
	v20 =	vadd.s32 v20, v59  }
0x15e: {  	v22 =	vand.u32 $0x1, v22;
	v20 =	vadd.s32 v21, v20;
	v21 =	vand.u32 $0x1, v27  }
0x15f: {  	v27 =	vand.u32 $0x1, v35;
	v20 =	vadd.s32 v26, v20;
	v26 =	vand.u32 $0x1, v34  }
0x160: {  	v21 =	vadd.s32 v21, v24;
	v24 =	vand.u32 $0x1, v38;
	v34 =	vand.u32 $0x1, v39  }
0x161: {  	v22 =	vadd.s32 v22, v29;
	v25 =	vadd.s32 v27, v25;
	v23 =	vadd.s32 v26, v23  }
0x162: {  	v26 =	vshrl.u32 v32, $0x10;
	v24 =	vadd.s32 v24, v30;
	v27 =	vadd.s32 v34, v31  }
0x163: {  	v29 =	vshrl.u32 v33, $0x10;
	v21 =	vadd.s32 $0x7FFF, v21;
	v30 =	vshrl.u32 v28, $0x10  }
0x164: {  	v22 =	vadd.s32 $0x7FFF, v22;
	v25 =	vadd.s32 $0x7FFF, v25;
	v23 =	vadd.s32 $0x7FFF, v23;
	v20 =	vld.idx.msk [tilespmem:v20+s1+$0x0], $0xffff  }
0x165: {  	v26 =	vand.u32 $0x1, v26;
	v24 =	vadd.s32 $0x7FFF, v24;
	v27 =	vadd.s32 $0x7FFF, v27  }
0x166: {  	v29 =	vand.u32 $0x1, v29;
	v21 =	vand.u32 $0xFFFF0000, v21;
	v30 =	vand.u32 $0x1, v30  }
0x167: {  	v22 =	vand.u32 $0xFFFF0000, v22;
	v25 =	vand.u32 $0xFFFF0000, v25;
	v23 =	vand.u32 $0xFFFF0000, v23  }
0x168: {  	v26 =	vadd.s32 v26, v32;
	v24 =	vand.u32 $0xFFFF0000, v24;
	v27 =	vand.u32 $0xFFFF0000, v27  }
0x169: {  	v29 =	vadd.s32 v29, v33;
	v31 =	vmul.f32 v21, v3;
	v28 =	vadd.s32 v30, v28  }
0x16a: {  	v30 =	vmul.f32 v22, v6;
	v32 =	vmul.f32 v23, v3;
	v20 =	vshrl.u32 v20, v60  }
0x16b: {  	v33 =	vmul.f32 v25, v6;
	v34 =	vmul.f32 v24, v3;
	v20 =	vshll.u32 v20, $0x10  }
0x16c: {  	s22 =	sadd.s32 s25, s17;
	v26 =	vadd.s32 $0x7FFF, v26;
	v35 =	vmul.f32 v27, v6;
	v20 =	vmul.f32 v20, v58  }
0x16d: {  	s24 =	sadd.s32 s24, s22;
	s23 =	sadd.s32 s28, s22;
	s21 =	sadd.s32 s29, s22;
	v29 =	vadd.s32 $0x7FFF, v29;
	v38 =	vmul.f32 v21, v2;
	v28 =	vadd.s32 $0x7FFF, v28  }
0x16e: {  	s22 =	sadd.s32 s26, s22;
	v21 =	vmul.f32 v21, v4;
	[tilespmem:s24+$0x0] =	vst v20;
	v20 =	vand.u32 $0xFFFF0000, v26;
	v26 =	vmul.f32 v22, v5  }
0x16f: {  	v29 =	vand.u32 $0xFFFF0000, v29;
	v39 =	vmul.f32 v23, v2;
	v22 =	vmul.f32 v22, v7  }
0x170: {  	v40 =	vmul.f32 v25, v5;
	v23 =	vmul.f32 v23, v4;
	v28 =	vand.u32 $0xFFFF0000, v28  }
0x171: {  	v25 =	vmul.f32 v25, v7;
	v30 =	vadd.f32 v30, v31;
	v31 =	vmul.f32 v24, v2  }
0x172: {  	v24 =	vmul.f32 v24, v4;
	v32 =	vadd.f32 v33, v32;
	v33 =	vmul.f32 v27, v5  }
0x173: {  	v34 =	vadd.f32 v35, v34;
	v27 =	vmul.f32 v27, v7;
	v41 =	vmul.f32 v20, v9  }
0x174: {  	v35 =	vmul.f32 v29, v9;
	v26 =	vadd.f32 v26, v38;
	v38 =	vmul.f32 v28, v9  }
0x175: {  	v42 =	vmul.f32 v20, v8;
	v21 =	vadd.f32 v22, v21;
	v22 =	vadd.f32 v40, v39  }
0x176: {  	v23 =	vadd.f32 v25, v23;
	v25 =	vadd.f32 v33, v31;
	v20 =	vmul.f32 v20, v10  }
0x177: {  	v31 =	vmul.f32 v29, v8;
	v29 =	vmul.f32 v29, v10;
	v24 =	vadd.f32 v27, v24  }
0x178: {  	v27 =	vadd.f32 v41, v30;
	v30 =	vmul.f32 v28, v8;
	v28 =	vmul.f32 v28, v10  }
0x179: {  	v32 =	vadd.f32 v35, v32;
	v33 =	vadd.f32 v38, v34;
	v34 =	vshrl.u32 v19, v60  }
0x17a: {  	v19 =	vadd.f32 v42, v26;
	v20 =	vadd.f32 v20, v21;
	v21 =	vmul.f32 v27, v57  }
0x17b: {  	v23 =	vadd.f32 v29, v23;
	v22 =	vadd.f32 v31, v22;
	v26 =	vmul.f32 v32, v57  }
0x17c: {  	v25 =	vadd.f32 v30, v25;
	v24 =	vadd.f32 v28, v24;
	v27 =	vmul.f32 v33, v57  }
0x17d: {  	v19 =	vmul.f32 v19, v57;
	v20 =	vmul.f32 v20, v57;
	v21 =	vadd.f32 $3.200000000e+01, v21  }
0x17e: {  	v23 =	vmul.f32 v23, v57;
	v22 =	vmul.f32 v22, v57;
	v26 =	vadd.f32 $3.200000000e+01, v26  }
0x17f: {  	v25 =	vmul.f32 v25, v57;
	v24 =	vmul.f32 v24, v57;
	v27 =	vadd.f32 $3.200000000e+01, v27  }
0x180: {  	v19 =	vadd.f32 $3.200000000e+01, v19;
	v20 =	vadd.f32 $3.200000000e+01, v20;
	v21 =	vmax.f32 v21, $3.150000000e+01  }
0x181: {  	v23 =	vadd.f32 $3.200000000e+01, v23;
	v22 =	vadd.f32 $3.200000000e+01, v22;
	v26 =	vmax.f32 v26, $3.150000000e+01  }
0x182: {  	v25 =	vadd.f32 $3.200000000e+01, v25;
	v24 =	vadd.f32 $3.200000000e+01, v24;
	v27 =	vmax.f32 v27, $3.150000000e+01  }
0x183: {  	v26 =	vmin.f32 v26, $6.400000000e+01;
	v21 =	vmin.f32 v21, $6.400000000e+01;
	v27 =	vmin.f32 v27, $6.400000000e+01  }
0x184: {  	v19 =	vmax.f32 v19, $3.150000000e+01;
	v20 =	vmax.f32 v20, $3.150000000e+01;
	v22 =	vmax.f32 v22, $3.150000000e+01  }
0x185: {  	v23 =	vmax.f32 v23, $3.150000000e+01;
	v25 =	vmax.f32 v25, $3.150000000e+01;
	v24 =	vmax.f32 v24, $3.150000000e+01  }
0x186: {  	v28 =	vmin.f32 v19, $6.400000000e+01;
	v19 =	vtrunc.f32 v21;
	v21 =	vtrunc.f32 v26  }
0x187: {  	v20 =	vmin.f32 v20, $6.400000000e+01;
	v26 =	vmin.f32 v22, $6.400000000e+01;
	v22 =	vtrunc.f32 v27  }
0x188: {  	v23 =	vmin.f32 v23, $6.400000000e+01;
	v25 =	vmin.f32 v25, $6.400000000e+01;
	v27 =	vmin.f32 v24, $6.400000000e+01  }
0x189: {  	v24 =	vcvt.f32.s32 v19;
	v21 =	vcvt.f32.s32 v21;
	v19 =	vshrl.u32 v13, v60  }
.Ltmp0:
0x18a: {  	v18 =	vshrl.u32 v18, v60;
	v13 =	vtrunc.f32 v28;
	v29 =	vcvt.f32.s32 v22;
	(pc) =	sbr.rel @p0 .LBB2_3-.Ltmp0, $4  }
0x18b: {  	v30 =	vtrunc.f32 v20;
	v31 =	vtrunc.f32 v26;
	v22 =	vmul.u32 $0x22, v24  }
0x18c: {  	v26 =	vtrunc.f32 v25;
	v24 =	vtrunc.f32 v23;
	v20 =	vmul.u32 $0x22, v21  }
0x18d: {  	v28 =	vcvt.f32.s32 v13;
	v25 =	vtrunc.f32 v27;
	v23 =	vmul.u32 $0x22, v29  }
0x18e: {  	s19 =	sadd.s32 $0x40, s19;
	s20 =	sadd.s32 $0x40, s20;
	v27 =	vcvt.f32.s32 v31;
	v13 =	vshll.u32 v34, $0x10;
	v21 =	vcvt.f32.s32 v30  }
0x18f: {  	v28 =	vmul.u32 $0x484, v28;
	v24 =	vcvt.f32.s32 v24;
	v26 =	vcvt.f32.s32 v26  }
0x190: {  	v25 =	vcvt.f32.s32 v25;
	v21 =	vadd.s32 v21, v59;
	v27 =	vmul.u32 $0x484, v27  }
0x191: {  	v21 =	vadd.s32 v22, v21;
	v49 =	vadd.s32 v24, v59;
	v61 =	vmul.u32 $0x484, v26  }
0x192: {  	v62 =	vadd.s32 v25, v59;
	v21 =	vadd.s32 v28, v21;
	v20 =	vadd.s32 v20, v49  }
0x193: {  	v22 =	vadd.s32 v23, v62;
	v20 =	vadd.s32 v27, v20  }
0x194: {  	v22 =	vadd.s32 v61, v22;
	_ =	sdelay $0x2  }
0x195: {  	v21 =	vld.idx.msk [tilespmem:v21+s1+$0x0], $0xffff  }
0x196: {  	v20 =	vld.idx.msk [tilespmem:v20+s1+$0x0], $0xffff  }
0x197: {  	v22 =	vld.idx.msk [tilespmem:v22+s1+$0x0], $0xffff;
	_ =	sdelay $0x1  }
0x198: {  	v19 =	vshll.u32 v19, $0x10;
	v13 =	vmul.f32 v13, v58  }
0x199: {  	v18 =	vshll.u32 v18, $0x10;
	s13 =	sadd.s32 $0x1, s13;
	v19 =	vmul.f32 v19, v58;
	v21 =	vshrl.u32 v21, v60  }
0x19a: {  	v18 =	vmul.f32 v18, v58;
	p0 =	sne.s32 s13, $0x1B;
	[tilespmem:s16+$0x0] =	vst v13;
	v13 =	vshrl.u32 v20, v60;
	v63 =	vshll.u32 v21, $0x10  }
.Ltmp1:
0x19b: {  	[tilespmem:s14+$0x0] =	vst v19;
	v19 =	vshrl.u32 v22, v60;
	v13 =	vshll.u32 v13, $0x10;
	v20 =	vmul.f32 v63, v58;
	(pc) =	sbr.rel @p0 .LBB2_2-.Ltmp1, $4  }
0x19c: {  	[tilespmem:s15+$0x0] =	vst v18;
	v18 =	vshll.u32 v19, $0x10;
	v13 =	vmul.f32 v13, v58  }
0x19d: {  	v18 =	vmul.f32 v18, v58;
	[tilespmem:s23+$0x0] =	vst v20  }
0x19e: {  	[tilespmem:s21+$0x0] =	vst v13  }
0x19f: {  	[tilespmem:s22+$0x0] =	vst v18  }
0x1a0: {  	v2 =	vld [tilespmem:$0x1FE20];
	_ =	sdelay $0x7  }
0x1a1: {  	v58 =	vld.idx.msk [tilespmem:v2+s7+$0x0], $0xffff  }
0x1a2: {  	v2 =	vld [tilespmem:$0x1FE30];
	_ =	sdelay $0x7  }
0x1a3: {  	v59 =	vld.idx.msk [tilespmem:v2+s7+$0x0], $0xffff  }
0x1a4: {  	v2 =	vld [tilespmem:$0x1FE50];
	_ =	sdelay $0x7  }
0x1a5: {  	v60 =	vld.idx.msk [tilespmem:v2+s7+$0x0], $0xffff  }
0x1a6: {  	v2 =	vld [tilespmem:$0x1FE60];
	_ =	sdelay $0x7  }
0x1a7: {  	v61 =	vld.idx.msk [tilespmem:v2+s7+$0x0], $0xffff  }
0x1a8: {  	v2 =	vld [tilespmem:$0x1FE80];
	_ =	sdelay $0x7  }
0x1a9: {  	v62 =	vld.idx.msk [tilespmem:v2+s7+$0x0], $0xffff  }
0x1aa: {  	v2 =	vld [tilespmem:$0x1FE90]  }
0x1ab: {  	v56 =	vld.idx.msk [tilespmem:v15+s7+$0x0], $0xffff  }
0x1ac: {  	v57 =	vld.idx.msk [tilespmem:v16+s7+$0x0], $0xffff  }
0x1ad: {  	v3 =	vld [tilespmem:$0x1FEC0]  }
0x1ae: {  	v4 =	vld [tilespmem:$0x1FEE0]  }
0x1af: {  	v5 =	vld [tilespmem:$0x1FEF0]  }
0x1b0: {  	v6 =	vld [tilespmem:$0x1FF10]  }
0x1b1: {  	v7 =	vld [tilespmem:$0x1FF20]  }
0x1b2: {  	v63 =	vld.idx.msk [tilespmem:v2+s7+$0x0], $0xffff  }
0x1b3: {  	v2 =	vld [tilespmem:$0x1FEB0]  }
0x1b4: {  	v8 =	vld.idx.msk [tilespmem:v15+s9+$0x0], $0xffff  }
0x1b5: {  	v9 =	vld.idx.msk [tilespmem:v16+s9+$0x0], $0xffff  }
0x1b6: {  	v3 =	vld.idx.msk [tilespmem:v3+s7+$0x0], $0xffff  }
0x1b7: {  	v4 =	vld.idx.msk [tilespmem:v4+s7+$0x0], $0xffff  }
0x1b8: {  	v5 =	vld.idx.msk [tilespmem:v5+s7+$0x0], $0xffff  }
0x1b9: {  	v6 =	vld.idx.msk [tilespmem:v6+s7+$0x0], $0xffff  }
0x1ba: {  	v7 =	vld.idx.msk [tilespmem:v7+s7+$0x0], $0xffff  }
0x1bb: {  	s13 =	simm.s32 $0x0;
	v2 =	vld.idx.msk [tilespmem:v2+s7+$0x0], $0xffff  }
.LBB2_6:
0x1bc: {  	s23 =	simm.s32 $0x13A20  }
0x1bd: {  	v13 =	vld [tilespmem:s23+$0xFFFFFBE0]  }
0x1be: {  	v10 =	vmov s13;
	v18 =	vld [tilespmem:s23+$0xFFFFFBF0]  }
0x1bf: {  	v19 =	vld [tilespmem:s23+$0xFFFFFFF0]  }
0x1c0: {  	s14 =	sadd.s32 $0x1B, s13;
	v22 =	vld [tilespmem:s23+$0xFFFFFC00]  }
0x1c1: {  	s22 =	sadd.s32 $0x36, s13;
	s15 =	simm.s32 $0x0;
	v11 =	vmov s14;
	v23 =	vld [tilespmem:s23+$0x0]  }
0x1c2: {  	v12 =	vmov s22;
	s16 =	sand.u32 $0x380, s15;
	s15 =	sand.u32 $0x40, s15;
	v24 =	vld [tilespmem:s23+$0xFFFFFC10]  }
0x1c3: {  	s17 =	sor.u32 s15, s16;
	v10 =	vld.idx.msk [tilespmem:v10+s10+$0x0], $0xffff  }
0x1c4: {  	v20 =	vld [tilespmem:s17+$0x13A00]  }
0x1c5: {  	v21 =	vld [tilespmem:s17+$0x13E00]  }
0x1c6: {  	v11 =	vld.idx.msk [tilespmem:v11+s10+$0x0], $0xffff  }
0x1c7: {  	v12 =	vld.idx.msk [tilespmem:v12+s10+$0x0], $0xffff  }
0x1c8: {  	v26 =	vld [tilespmem:s23+$0x10];
	v13 =	vadd.f32 v13, v10  }
0x1c9: {  	v18 =	vadd.f32 v18, v10;
	v22 =	vadd.f32 v22, v10  }
0x1ca: {  	v24 =	vadd.f32 v24, v10;
	v13 =	vsub.f32 v13, v3  }
0x1cb: {  	v19 =	vadd.f32 v19, v11;
	v20 =	vadd.f32 v20, v11  }
0x1cc: {  	v21 =	vadd.f32 v21, v12;
	v23 =	vadd.f32 v23, v11;
	v25 =	vshrl.u32 v13, $0x10  }
0x1cd: {  	v26 =	vadd.f32 v26, v11;
	v20 =	vsub.f32 v20, v4;
	v25 =	vand.u32 $0x1, v25  }
0x1ce: {  	v18 =	vsub.f32 v18, v3;
	v21 =	vsub.f32 v21, v5;
	v13 =	vadd.s32 v25, v13  }
0x1cf: {  	v22 =	vsub.f32 v22, v3;
	v25 =	vshrl.u32 v20, $0x10;
	v13 =	vadd.s32 $0x7FFF, v13  }
0x1d0: {  	v27 =	vshrl.u32 v21, $0x10;
	v25 =	vand.u32 $0x1, v25;
	v13 =	vand.u32 $0xFFFF0000, v13  }
0x1d1: {  	v20 =	vadd.s32 v25, v20;
	v25 =	vand.u32 $0x1, v27;
	v27 =	vmul.f32 v13, v56  }
0x1d2: {  	v20 =	vadd.s32 $0x7FFF, v20;
	v21 =	vadd.s32 v25, v21;
	v25 =	vmul.f32 v13, v58  }
0x1d3: {  	v13 =	vmul.f32 v13, v57;
	v20 =	vand.u32 $0xFFFF0000, v20;
	v21 =	vadd.s32 $0x7FFF, v21  }
0x1d4: {  	v21 =	vand.u32 $0xFFFF0000, v21;
	v28 =	vmul.f32 v20, v59;
	v29 =	vmul.f32 v20, v60  }
0x1d5: {  	v24 =	vsub.f32 v24, v3;
	v20 =	vmul.f32 v20, v61;
	v30 =	vmul.f32 v21, v62  }
0x1d6: {  	v27 =	vadd.f32 v28, v27;
	v13 =	vadd.f32 v29, v13;
	v28 =	vmul.f32 v21, v63  }
0x1d7: {  	v19 =	vsub.f32 v19, v4;
	v20 =	vadd.f32 v20, v25;
	v21 =	vmul.f32 v21, v2  }
0x1d8: {  	v31 =	vld [tilespmem:s23+$0x3F0];
	v25 =	vadd.f32 v30, v27;
	v13 =	vadd.f32 v28, v13  }
0x1d9: {  	v26 =	vsub.f32 v26, v4;
	v20 =	vadd.f32 v21, v20  }
0x1da: {  	v21 =	vsub.f32 v23, v4;
	v23 =	vmul.f32 v25, v6;
	v13 =	vmul.f32 v13, v6  }
0x1db: {  	v33 =	vshrl.u32 v24, $0x10;
	v34 =	vshrl.u32 v26, $0x10;
	v20 =	vmul.f32 v20, v6  }
0x1dc: {  	v28 =	vshrl.u32 v18, $0x10;
	v23 =	vadd.f32 $3.200000000e+01, v23;
	v13 =	vadd.f32 $3.200000000e+01, v13  }
0x1dd: {  	v29 =	vld [tilespmem:s23+$0x410];
	v30 =	vshrl.u32 v19, $0x10;
	v25 =	vadd.f32 v31, v12;
	v20 =	vadd.f32 $3.200000000e+01, v20  }
0x1de: {  	v27 =	vld [tilespmem:s23+$0x400];
	v31 =	vshrl.u32 v22, $0x10;
	v23 =	vmax.f32 v23, $3.150000000e+01;
	v13 =	vmax.f32 v13, $3.150000000e+01  }
0x1df: {  	v20 =	vmax.f32 v20, $3.150000000e+01;
	v23 =	vmin.f32 v23, $6.400000000e+01;
	v13 =	vmin.f32 v13, $6.400000000e+01  }
0x1e0: {  	v20 =	vmin.f32 v20, $6.400000000e+01;
	v23 =	vtrunc.f32 v23;
	v13 =	vtrunc.f32 v13  }
0x1e1: {  	v32 =	vshrl.u32 v21, $0x10;
	v20 =	vtrunc.f32 v20;
	v13 =	vcvt.f32.s32 v13  }
0x1e2: {  	v29 =	vadd.f32 v29, v12;
	v23 =	vcvt.f32.s32 v23;
	v20 =	vcvt.f32.s32 v20  }
0x1e3: {  	v25 =	vsub.f32 v25, v5;
	v27 =	vadd.f32 v27, v12;
	v13 =	vmul.u32 $0x22, v13  }
0x1e4: {  	v29 =	vsub.f32 v29, v5;
	v23 =	vmul.u32 $0x484, v23;
	v20 =	vadd.s32 v20, v8  }
0x1e5: {  	v27 =	vsub.f32 v27, v5;
	v13 =	vadd.s32 v13, v20;
	v20 =	vand.u32 $0x1, v28  }
0x1e6: {  	v28 =	vand.u32 $0x1, v30;
	v30 =	vand.u32 $0x1, v32;
	v13 =	vadd.s32 v23, v13  }
0x1e7: {  	v23 =	vand.u32 $0x1, v31;
	v18 =	vadd.s32 v20, v18;
	v20 =	vand.u32 $0x1, v33  }
0x1e8: {  	v31 =	vand.u32 $0x1, v34;
	v19 =	vadd.s32 v28, v19;
	v21 =	vadd.s32 v30, v21  }
0x1e9: {  	v28 =	vshrl.u32 v29, $0x10;
	v22 =	vadd.s32 v23, v22;
	v23 =	vshrl.u32 v25, $0x10  }
0x1ea: {  	v20 =	vadd.s32 v20, v24;
	v24 =	vadd.s32 v31, v26;
	v18 =	vadd.s32 $0x7FFF, v18  }
0x1eb: {  	v26 =	vshrl.u32 v27, $0x10;
	v19 =	vadd.s32 $0x7FFF, v19;
	v21 =	vadd.s32 $0x7FFF, v21  }
0x1ec: {  	v22 =	vadd.s32 $0x7FFF, v22;
	v23 =	vand.u32 $0x1, v23;
	v20 =	vadd.s32 $0x7FFF, v20  }
0x1ed: {  	v24 =	vadd.s32 $0x7FFF, v24;
	v30 =	vand.u32 $0xFFFF0000, v18;
	v18 =	vand.u32 $0x1, v26  }
0x1ee: {  	v26 =	vand.u32 $0x1, v28;
	v19 =	vand.u32 $0xFFFF0000, v19;
	v21 =	vand.u32 $0xFFFF0000, v21  }
0x1ef: {  	v22 =	vand.u32 $0xFFFF0000, v22;
	v23 =	vadd.s32 v23, v25;
	v20 =	vand.u32 $0xFFFF0000, v20  }
0x1f0: {  	v28 =	vmul.f32 v30, v57;
	v18 =	vadd.s32 v18, v27;
	v27 =	vmul.f32 v19, v60  }
0x1f1: {  	s24 =	sshll.u32 s13, $0xA;
	v24 =	vand.u32 $0xFFFF0000, v24;
	v31 =	vmul.f32 v21, v60;
	v42 =	vmul.f32 v30, v56  }
0x1f2: {  	s14 =	sand.u32 $0x3FFFFC00, s24;
	v26 =	vadd.s32 v26, v29;
	v38 =	vmul.f32 v21, v59;
	v21 =	vmul.f32 v21, v61;
	v13 =	vld.idx.msk [tilespmem:v13+s1+$0x0], $0xffff  }
0x1f3: {  	s14 =	sadd.s32 $0x14200, s14;
	v29 =	vmul.f32 v22, v57;
	v48 =	vmul.f32 v20, v57;
	v23 =	vadd.s32 $0x7FFF, v23  }
0x1f4: {  	s16 =	sadd.s32 s16, s14;
	v49 =	vmul.f32 v24, v60;
	v35 =	vadd.s32 $0x7FFF, v18;
	v26 =	vadd.s32 $0x7FFF, v26  }
0x1f5: {  	s15 =	sadd.s32 s15, s16;
	v39 =	vmul.f32 v20, v56;
	v20 =	vmul.f32 v20, v58;
	v23 =	vand.u32 $0xFFFF0000, v23  }
0x1f6: {  	v25 =	vld [tilespmem:s15+$0x0];
	v35 =	vand.u32 $0xFFFF0000, v35;
	v26 =	vand.u32 $0xFFFF0000, v26;
	v27 =	vadd.f32 v27, v28  }
0x1f7: {  	v28 =	vmul.f32 v24, v59;
	v24 =	vmul.f32 v24, v61;
	v13 =	vshrl.u32 v13, v9  }
0x1f8: {  	v43 =	vmul.f32 v23, v63;
	v44 =	vmul.f32 v35, v63;
	v13 =	vshll.u32 v13, $0x10  }
0x1f9: {  	v29 =	vadd.f32 v31, v29;
	v45 =	vmul.f32 v23, v62;
	v13 =	vmul.f32 v13, v7  }
0x1fa: {  	v31 =	vadd.f32 v49, v48;
	v23 =	vmul.f32 v23, v2;
	v46 =	vmul.f32 v26, v62  }
0x1fb: {  	v18 =	vmin.f32 v25, v13;
	v13 =	vmul.f32 v19, v59;
	v25 =	vmul.f32 v30, v58  }
0x1fc: {  	v20 =	vadd.f32 v24, v20;
	v19 =	vmul.f32 v19, v61;
	v30 =	vmul.f32 v22, v56  }
0x1fd: {  	v24 =	vadd.f32 v43, v27;
	v29 =	vadd.f32 v44, v29;
	v22 =	vmul.f32 v22, v58  }
0x1fe: {  	v19 =	vadd.f32 v19, v25;
	v25 =	vadd.f32 v38, v30;
	v30 =	vmul.f32 v26, v63  }
0x1ff: {  	v27 =	vmul.f32 v35, v2;
	v13 =	vadd.f32 v13, v42;
	v21 =	vadd.f32 v21, v22  }
0x200: {  	v22 =	vadd.f32 v28, v39;
	v28 =	vmul.f32 v35, v62;
	v30 =	vadd.f32 v30, v31  }
0x201: {  	v26 =	vmul.f32 v26, v2;
	v13 =	vadd.f32 v45, v13;
	v19 =	vadd.f32 v23, v19  }
0x202: {  	v23 =	vmul.f32 v24, v6;
	v24 =	vadd.f32 v28, v25;
	v21 =	vadd.f32 v27, v21  }
0x203: {  	v25 =	vmul.f32 v29, v6;
	v22 =	vadd.f32 v46, v22;
	v20 =	vadd.f32 v26, v20  }
0x204: {  	s19 =	simm.s32 $0x13A60;
	v26 =	vmul.f32 v30, v6;
	v13 =	vmul.f32 v13, v6;
	v23 =	vadd.f32 $3.200000000e+01, v23  }
0x205: {  	v45 =	vld [tilespmem:s19+$0x410];
	v19 =	vmul.f32 v19, v6;
	v24 =	vmul.f32 v24, v6;
	v25 =	vadd.f32 $3.200000000e+01, v25  }
0x206: {  	v21 =	vmul.f32 v21, v6;
	v22 =	vmul.f32 v22, v6;
	v26 =	vadd.f32 $3.200000000e+01, v26  }
0x207: {  	v20 =	vmul.f32 v20, v6;
	v13 =	vadd.f32 $3.200000000e+01, v13;
	v19 =	vadd.f32 $3.200000000e+01, v19  }
0x208: {  	v23 =	vmax.f32 v23, $3.150000000e+01;
	v24 =	vadd.f32 $3.200000000e+01, v24;
	v21 =	vadd.f32 $3.200000000e+01, v21  }
0x209: {  	v25 =	vmax.f32 v25, $3.150000000e+01;
	v22 =	vadd.f32 $3.200000000e+01, v22;
	v20 =	vadd.f32 $3.200000000e+01, v20  }
0x20a: {  	v23 =	vmin.f32 v23, $6.400000000e+01;
	v25 =	vmin.f32 v25, $6.400000000e+01;
	v33 =	vadd.f32 v45, v12  }
0x20b: {  	v26 =	vmax.f32 v26, $3.150000000e+01;
	v13 =	vmax.f32 v13, $3.150000000e+01;
	v19 =	vmax.f32 v19, $3.150000000e+01  }
0x20c: {  	v24 =	vmax.f32 v24, $3.150000000e+01;
	v21 =	vmax.f32 v21, $3.150000000e+01;
	v22 =	vmax.f32 v22, $3.150000000e+01  }
0x20d: {  	v20 =	vmax.f32 v20, $3.150000000e+01;
	v23 =	vtrunc.f32 v23;
	v25 =	vtrunc.f32 v25  }
0x20e: {  	v27 =	vld [tilespmem:s19+$0xFFFFFBE0];
	v26 =	vmin.f32 v26, $6.400000000e+01;
	v13 =	vmin.f32 v13, $6.400000000e+01;
	v19 =	vmin.f32 v19, $6.400000000e+01  }
0x20f: {  	v24 =	vmin.f32 v24, $6.400000000e+01;
	v23 =	vcvt.f32.s32 v23;
	v25 =	vcvt.f32.s32 v25  }
0x210: {  	v21 =	vmin.f32 v21, $6.400000000e+01;
	v26 =	vtrunc.f32 v26;
	v13 =	vtrunc.f32 v13  }
0x211: {  	v22 =	vmin.f32 v22, $6.400000000e+01;
	v19 =	vtrunc.f32 v19;
	v24 =	vtrunc.f32 v24  }
0x212: {  	v20 =	vmin.f32 v20, $6.400000000e+01;
	v21 =	vtrunc.f32 v21;
	v22 =	vtrunc.f32 v22  }
0x213: {  	s25 =	simm.s32 $0x40;
	v27 =	vadd.f32 v27, v10;
	v20 =	vtrunc.f32 v20;
	v26 =	vcvt.f32.s32 v26  }
0x214: {  	s18 =	sand.u32 $0x380, s25;
	s17 =	sand.u32 $0x40, s25;
	v28 =	vld [tilespmem:s19+$0xFFFFFBF0];
	v33 =	vsub.f32 v33, v5;
	v13 =	vcvt.f32.s32 v13;
	v19 =	vcvt.f32.s32 v19  }
0x215: {  	s20 =	sor.u32 s17, s18;
	v29 =	vld [tilespmem:s19+$0xFFFFFFF0];
	v23 =	vmul.u32 $0x22, v23;
	v24 =	vcvt.f32.s32 v24;
	v21 =	vcvt.f32.s32 v21  }
0x216: {  	v30 =	vld [tilespmem:s20+$0x13A00];
	v25 =	vmul.u32 $0x22, v25;
	v22 =	vcvt.f32.s32 v22;
	v20 =	vcvt.f32.s32 v20  }
0x217: {  	v31 =	vld [tilespmem:s19+$0xFFFFFC00];
	v26 =	vmul.u32 $0x22, v26;
	v13 =	vmul.u32 $0x484, v13;
	v19 =	vadd.s32 v19, v8  }
0x218: {  	v24 =	vmul.u32 $0x484, v24;
	v21 =	vadd.s32 v21, v8;
	v19 =	vadd.s32 v23, v19  }
0x219: {  	v22 =	vmul.u32 $0x484, v22;
	v20 =	vadd.s32 v20, v8;
	v23 =	vld [tilespmem:s20+$0x13E00];
	v13 =	vadd.s32 v13, v19  }
0x21a: {  	v19 =	vadd.s32 v25, v21;
	v21 =	vadd.f32 v28, v10;
	v25 =	vld [tilespmem:s19+$0x0];
	v20 =	vadd.s32 v26, v20  }
0x21b: {  	v28 =	vld [tilespmem:s19+$0xFFFFFC10];
	v26 =	vadd.f32 v30, v11;
	v19 =	vadd.s32 v24, v19;
	v24 =	vsub.f32 v27, v3  }
0x21c: {  	v30 =	vadd.f32 v31, v10;
	v31 =	vld [tilespmem:s19+$0x10];
	v27 =	vadd.f32 v29, v11  }
0x21d: {  	v20 =	vadd.s32 v22, v20;
	v21 =	vsub.f32 v21, v3;
	v29 =	vshrl.u32 v24, $0x10  }
0x21e: {  	v26 =	vsub.f32 v26, v4;
	v27 =	vsub.f32 v27, v4;
	v29 =	vand.u32 $0x1, v29  }
0x21f: {  	v23 =	vadd.f32 v23, v12;
	v44 =	vshrl.u32 v21, $0x10;
	v24 =	vadd.s32 v29, v24  }
0x220: {  	v25 =	vadd.f32 v25, v11;
	v29 =	vshrl.u32 v26, $0x10;
	v28 =	vadd.f32 v28, v10  }
0x221: {  	v31 =	vadd.f32 v31, v11;
	v23 =	vsub.f32 v23, v5;
	v24 =	vadd.s32 $0x7FFF, v24  }
0x222: {  	v46 =	vshrl.u32 v27, $0x10;
	v13 =	vld.idx.msk [tilespmem:v13+s1+$0x0], $0xffff;
	v29 =	vand.u32 $0x1, v29;
	v24 =	vand.u32 $0xFFFF0000, v24  }
0x223: {  	v26 =	vadd.s32 v29, v26;
	v25 =	vsub.f32 v25, v4;
	v47 =	vshrl.u32 v23, $0x10  }
0x224: {  	v48 =	vmul.f32 v24, v56;
	v26 =	vadd.s32 $0x7FFF, v26;
	v29 =	vand.u32 $0x1, v47  }
0x225: {  	v26 =	vand.u32 $0xFFFF0000, v26;
	v23 =	vadd.s32 v29, v23;
	v29 =	vmul.f32 v24, v58  }
0x226: {  	v31 =	vsub.f32 v31, v4;
	v24 =	vmul.f32 v24, v57;
	v49 =	vmul.f32 v26, v59  }
0x227: {  	v40 =	vmul.f32 v26, v60;
	v13 =	vshrl.u32 v13, v9;
	v23 =	vadd.s32 $0x7FFF, v23  }
0x228: {  	v42 =	vld [tilespmem:s19+$0x3F0];
	v26 =	vmul.f32 v26, v61;
	v13 =	vshll.u32 v13, $0x10;
	v23 =	vand.u32 $0xFFFF0000, v23  }
0x229: {  	v32 =	vadd.f32 v49, v48;
	v24 =	vadd.f32 v40, v24;
	v41 =	vmul.f32 v23, v62  }
0x22a: {  	v26 =	vadd.f32 v26, v29;
	v43 =	vmul.f32 v23, v63;
	v23 =	vmul.f32 v23, v2  }
0x22b: {  	v29 =	vsub.f32 v30, v3;
	v30 =	vld [tilespmem:s19+$0x400];
	v48 =	vshrl.u32 v25, $0x10;
	v22 =	vadd.f32 v41, v32  }
0x22c: {  	v40 =	vshrl.u32 v31, $0x10;
	v24 =	vadd.f32 v43, v24;
	v23 =	vadd.f32 v23, v26  }
0x22d: {  	v47 =	vshrl.u32 v29, $0x10;
	v26 =	vsub.f32 v28, v3;
	v28 =	vadd.f32 v42, v12  }
0x22e: {  	v41 =	vand.u32 $0x1, v46;
	v42 =	vand.u32 $0x1, v48;
	v43 =	vand.u32 $0x1, v40  }
0x22f: {  	v27 =	vadd.s32 v41, v27;
	v22 =	vmul.f32 v22, v6;
	v24 =	vmul.f32 v24, v6  }
0x230: {  	v25 =	vadd.s32 v42, v25;
	v23 =	vmul.f32 v23, v6;
	v30 =	vadd.f32 v30, v12  }
0x231: {  	v49 =	vshrl.u32 v26, $0x10;
	v22 =	vadd.f32 $3.200000000e+01, v22;
	v24 =	vadd.f32 $3.200000000e+01, v24  }
0x232: {  	v28 =	vsub.f32 v28, v5;
	v27 =	vadd.s32 $0x7FFF, v27;
	v23 =	vadd.f32 $3.200000000e+01, v23  }
0x233: {  	v25 =	vadd.s32 $0x7FFF, v25;
	v22 =	vmax.f32 v22, $3.150000000e+01;
	v24 =	vmax.f32 v24, $3.150000000e+01  }
0x234: {  	v23 =	vmax.f32 v23, $3.150000000e+01;
	v22 =	vmin.f32 v22, $6.400000000e+01;
	v24 =	vmin.f32 v24, $6.400000000e+01  }
0x235: {  	v23 =	vmin.f32 v23, $6.400000000e+01;
	v22 =	vtrunc.f32 v22;
	v24 =	vtrunc.f32 v24  }
0x236: {  	v27 =	vand.u32 $0xFFFF0000, v27;
	v23 =	vtrunc.f32 v23;
	v24 =	vcvt.f32.s32 v24  }
0x237: {  	v25 =	vand.u32 $0xFFFF0000, v25;
	v22 =	vcvt.f32.s32 v22;
	v23 =	vcvt.f32.s32 v23  }
0x238: {  	v30 =	vsub.f32 v30, v5;
	v46 =	vmul.f32 v25, v60;
	v24 =	vmul.u32 $0x22, v24  }
0x239: {  	v42 =	vmul.f32 v25, v59;
	v22 =	vmul.u32 $0x484, v22;
	v23 =	vadd.s32 v23, v8  }
0x23a: {  	v25 =	vmul.f32 v25, v61;
	v23 =	vadd.s32 v24, v23;
	v24 =	vand.u32 $0x1, v44  }
0x23b: {  	v44 =	vshrl.u32 v33, $0x10;
	v22 =	vadd.s32 v22, v23;
	v23 =	vand.u32 $0x1, v47  }
0x23c: {  	v21 =	vadd.s32 v24, v21;
	v24 =	vand.u32 $0x1, v49;
	v32 =	vand.u32 $0x1, v44  }
0x23d: {  	v23 =	vadd.s32 v23, v29;
	v29 =	vshrl.u32 v28, $0x10;
	v24 =	vadd.s32 v24, v26  }
0x23e: {  	v26 =	vadd.s32 v43, v31;
	v21 =	vadd.s32 $0x7FFF, v21;
	v31 =	vshrl.u32 v30, $0x10  }
0x23f: {  	v23 =	vadd.s32 $0x7FFF, v23;
	v29 =	vand.u32 $0x1, v29;
	v24 =	vadd.s32 $0x7FFF, v24  }
0x240: {  	v26 =	vadd.s32 $0x7FFF, v26;
	v21 =	vand.u32 $0xFFFF0000, v21;
	v31 =	vand.u32 $0x1, v31  }
0x241: {  	v23 =	vand.u32 $0xFFFF0000, v23;
	v24 =	vand.u32 $0xFFFF0000, v24;
	v34 =	vmul.f32 v21, v57  }
0x242: {  	v30 =	vadd.s32 v31, v30;
	v31 =	vadd.s32 v32, v33;
	v32 =	vmul.f32 v27, v60  }
0x243: {  	v26 =	vand.u32 $0xFFFF0000, v26;
	v49 =	vmul.f32 v21, v56;
	v45 =	vmul.f32 v23, v57  }
0x244: {  	v28 =	vadd.s32 v29, v28;
	v47 =	vmul.f32 v24, v57;
	v48 =	vmul.f32 v26, v60  }
0x245: {  	v28 =	vadd.s32 $0x7FFF, v28;
	v41 =	vmul.f32 v23, v56;
	v23 =	vmul.f32 v23, v58  }
0x246: {  	v30 =	vadd.s32 $0x7FFF, v30;
	v43 =	vmul.f32 v24, v56;
	v44 =	vmul.f32 v26, v59  }
0x247: {  	v31 =	vadd.s32 $0x7FFF, v31;
	v24 =	vmul.f32 v24, v58;
	v26 =	vmul.f32 v26, v61  }
0x248: {  	v28 =	vand.u32 $0xFFFF0000, v28;
	v30 =	vand.u32 $0xFFFF0000, v30;
	v31 =	vand.u32 $0xFFFF0000, v31  }
0x249: {  	v22 =	vld.idx.msk [tilespmem:v22+s1+$0x0], $0xffff;
	v32 =	vadd.f32 v32, v34;
	v33 =	vadd.f32 v46, v45;
	v46 =	vmul.f32 v28, v63  }
0x24a: {  	s23 =	simm.s32 $0x13AA0;
	v45 =	vadd.f32 v48, v47;
	v47 =	vmul.f32 v30, v63;
	v48 =	vmul.f32 v31, v63  }
0x24b: {  	s20 =	sadd.s32 s18, s14;
	v34 =	vld [tilespmem:s23+$0x10];
	v23 =	vadd.f32 v25, v23;
	v25 =	vadd.f32 v44, v43;
	v43 =	vmul.f32 v31, v62  }
0x24c: {  	v19 =	vld.idx.msk [tilespmem:v19+s1+$0x0], $0xffff;
	s19 =	sadd.s32 s17, s20;
	v24 =	vadd.f32 v26, v24;
	v31 =	vmul.f32 v31, v2;
	v26 =	vadd.f32 v46, v32  }
0x24d: {  	v29 =	vld [tilespmem:s19+$0x0];
	v21 =	vmul.f32 v21, v58;
	v33 =	vadd.f32 v47, v33;
	v25 =	vadd.f32 v43, v25  }
0x24e: {  	v35 =	vadd.f32 v48, v45;
	v24 =	vadd.f32 v31, v24;
	v22 =	vshrl.u32 v22, v9  }
0x24f: {  	v26 =	vmul.f32 v26, v6;
	v25 =	vmul.f32 v25, v6;
	v22 =	vshll.u32 v22, $0x10  }
0x250: {  	v24 =	vmul.f32 v24, v6;
	v34 =	vadd.f32 v34, v11;
	v22 =	vmul.f32 v22, v7  }
0x251: {  	v31 =	vshrl.u32 v19, v9;
	v26 =	vadd.f32 $3.200000000e+01, v26;
	v25 =	vadd.f32 $3.200000000e+01, v25  }
0x252: {  	v24 =	vadd.f32 $3.200000000e+01, v24;
	v22 =	vmin.f32 v29, v22;
	v29 =	vmul.f32 v27, v59  }
0x253: {  	v20 =	vld.idx.msk [tilespmem:v20+s1+$0x0], $0xffff;
	v27 =	vmul.f32 v27, v61;
	v26 =	vmax.f32 v26, $3.150000000e+01;
	v25 =	vmax.f32 v25, $3.150000000e+01  }
0x254: {  	v24 =	vmax.f32 v24, $3.150000000e+01;
	v26 =	vmin.f32 v26, $6.400000000e+01;
	v25 =	vmin.f32 v25, $6.400000000e+01  }
0x255: {  	v29 =	vadd.f32 v29, v49;
	v21 =	vadd.f32 v27, v21;
	v49 =	vmul.f32 v28, v62  }
0x256: {  	v27 =	vadd.f32 v42, v41;
	v28 =	vmul.f32 v28, v2;
	v42 =	vmul.f32 v30, v62  }
0x257: {  	v47 =	vld [tilespmem:s23+$0xFFFFFBF0];
	v24 =	vmin.f32 v24, $6.400000000e+01;
	v30 =	vmul.f32 v30, v2;
	v26 =	vtrunc.f32 v26  }
0x258: {  	v45 =	vshrl.u32 v20, v9;
	v25 =	vtrunc.f32 v25;
	v24 =	vtrunc.f32 v24  }
0x259: {  	v34 =	vsub.f32 v34, v4;
	v26 =	vcvt.f32.s32 v26;
	v25 =	vcvt.f32.s32 v25  }
0x25a: {  	v24 =	vcvt.f32.s32 v24;
	v29 =	vadd.f32 v49, v29;
	v21 =	vadd.f32 v28, v21  }
0x25b: {  	v27 =	vadd.f32 v42, v27;
	v23 =	vadd.f32 v30, v23;
	v28 =	vmul.f32 v33, v6  }
0x25c: {  	v30 =	vmul.f32 v35, v6;
	v49 =	vadd.f32 v47, v10;
	v29 =	vmul.f32 v29, v6  }
0x25d: {  	v21 =	vmul.f32 v21, v6;
	v27 =	vmul.f32 v27, v6;
	v28 =	vadd.f32 $3.200000000e+01, v28  }
0x25e: {  	v23 =	vmul.f32 v23, v6;
	v30 =	vadd.f32 $3.200000000e+01, v30;
	v29 =	vadd.f32 $3.200000000e+01, v29  }
0x25f: {  	v21 =	vadd.f32 $3.200000000e+01, v21;
	v27 =	vadd.f32 $3.200000000e+01, v27;
	v28 =	vmax.f32 v28, $3.150000000e+01  }
0x260: {  	v23 =	vadd.f32 $3.200000000e+01, v23;
	v30 =	vmax.f32 v30, $3.150000000e+01;
	v28 =	vmin.f32 v28, $6.400000000e+01  }
0x261: {  	v30 =	vmin.f32 v30, $6.400000000e+01;
	v29 =	vmax.f32 v29, $3.150000000e+01;
	v21 =	vmax.f32 v21, $3.150000000e+01  }
0x262: {  	v27 =	vmax.f32 v27, $3.150000000e+01;
	v23 =	vmax.f32 v23, $3.150000000e+01;
	v28 =	vtrunc.f32 v28  }
0x263: {  	v30 =	vtrunc.f32 v30;
	v29 =	vmin.f32 v29, $6.400000000e+01;
	v21 =	vmin.f32 v21, $6.400000000e+01  }
0x264: {  	s28 =	simm.s32 $0x20;
	v27 =	vmin.f32 v27, $6.400000000e+01;
	v28 =	vcvt.f32.s32 v28;
	v30 =	vcvt.f32.s32 v30  }
0x265: {  	s26 =	simm.s32 $0x10;
	s18 =	sand.u32 $0x60, s28;
	v23 =	vmin.f32 v23, $6.400000000e+01;
	v29 =	vtrunc.f32 v29;
	v19 =	vtrunc.f32 v21  }
0x266: {  	s21 =	sadd.s32 s18, s16;
	s17 =	sand.u32 $0x50, s26;
	v41 =	vld [tilespmem:s23+$0xFFFFFC10];
	v26 =	vmul.u32 $0x22, v26;
	v21 =	vtrunc.f32 v27;
	v23 =	vtrunc.f32 v23  }
0x267: {  	s22 =	sadd.s32 s17, s16;
	v44 =	vld [tilespmem:s21+$0x0];
	v27 =	vmul.u32 $0x22, v28;
	v28 =	vcvt.f32.s32 v29;
	v19 =	vcvt.f32.s32 v19  }
0x268: {  	s29 =	simm.s32 $0x80;
	v24 =	vadd.s32 v24, v8;
	v29 =	vld [tilespmem:s22+$0x0];
	v21 =	vcvt.f32.s32 v21;
	v23 =	vcvt.f32.s32 v23  }
0x269: {  	s30 =	sand.u32 $0x380, s29;
	s17 =	sand.u32 $0x40, s29;
	v30 =	vmul.u32 $0x22, v30;
	v20 =	vmul.u32 $0x484, v28;
	v28 =	vld [tilespmem:s23+$0xFFFFFBE0];
	v19 =	vadd.s32 v19, v8  }
0x26a: {  	s24 =	sor.u32 s17, s30;
	v46 =	vmul.u32 $0x484, v21;
	v21 =	vadd.s32 v23, v8;
	v23 =	vmul.u32 $0x484, v25;
	v25 =	vld [tilespmem:s23+$0xFFFFFFF0]  }
0x26b: {  	v33 =	vadd.f32 v41, v10;
	v19 =	vadd.s32 v26, v19;
	v26 =	vadd.s32 v27, v21;
	v27 =	vld [tilespmem:s24+$0x13A00]  }
0x26c: {  	v21 =	vadd.s32 v20, v19;
	v19 =	vadd.s32 v46, v26;
	v20 =	vadd.s32 v30, v24;
	v26 =	vld [tilespmem:s24+$0x13E00]  }
0x26d: {  	v30 =	vld [tilespmem:s23+$0xFFFFFC00];
	v20 =	vadd.s32 v23, v20;
	v23 =	vshll.u32 v31, $0x10;
	v31 =	vmul.f32 v13, v7  }
0x26e: {  	v33 =	vsub.f32 v33, v3;
	v48 =	vmul.f32 v23, v7;
	v28 =	vadd.f32 v28, v10  }
0x26f: {  	v25 =	vadd.f32 v25, v11;
	v23 =	vmin.f32 v29, v31;
	v29 =	vsub.f32 v49, v3  }
0x270: {  	v40 =	vld [tilespmem:s23+$0x0];
	v24 =	vshll.u32 v45, $0x10;
	v27 =	vadd.f32 v27, v11;
	v28 =	vsub.f32 v28, v3  }
0x271: {  	v13 =	vmul.f32 v24, v7;
	v26 =	vadd.f32 v26, v12;
	v25 =	vsub.f32 v25, v4  }
0x272: {  	v24 =	vmin.f32 v44, v48;
	v30 =	vadd.f32 v30, v10;
	v27 =	vsub.f32 v27, v4  }
0x273: {  	v38 =	vshrl.u32 v29, $0x10;
	v31 =	vshrl.u32 v28, $0x10;
	v26 =	vsub.f32 v26, v5  }
0x274: {  	v30 =	vsub.f32 v30, v3;
	v31 =	vand.u32 $0x1, v31;
	v42 =	vshrl.u32 v27, $0x10  }
0x275: {  	v28 =	vadd.s32 v31, v28;
	v31 =	vadd.f32 v40, v11;
	v32 =	vand.u32 $0x1, v42  }
0x276: {  	v43 =	vshrl.u32 v26, $0x10;
	v28 =	vadd.s32 $0x7FFF, v28;
	v27 =	vadd.s32 v32, v27  }
0x277: {  	v44 =	vand.u32 $0x1, v43;
	v43 =	vshrl.u32 v33, $0x10;
	v28 =	vand.u32 $0xFFFF0000, v28  }
0x278: {  	v27 =	vadd.s32 $0x7FFF, v27;
	v26 =	vadd.s32 v44, v26;
	v45 =	vmul.f32 v28, v56  }
0x279: {  	v44 =	vld [tilespmem:s23+$0x3F0];
	v46 =	vmul.f32 v28, v58;
	v27 =	vand.u32 $0xFFFF0000, v27;
	v28 =	vmul.f32 v28, v57  }
0x27a: {  	v26 =	vadd.s32 $0x7FFF, v26;
	v47 =	vmul.f32 v27, v59;
	v48 =	vmul.f32 v27, v60  }
0x27b: {  	v31 =	vsub.f32 v31, v4;
	v26 =	vand.u32 $0xFFFF0000, v26;
	v27 =	vmul.f32 v27, v61  }
0x27c: {  	v49 =	vmul.f32 v26, v62;
	v35 =	vadd.f32 v47, v45;
	v28 =	vadd.f32 v48, v28  }
0x27d: {  	v45 =	vmul.f32 v26, v63;
	v27 =	vadd.f32 v27, v46;
	v26 =	vmul.f32 v26, v2  }
0x27e: {  	v46 =	vld [tilespmem:s23+$0x400];
	v48 =	vshrl.u32 v30, $0x10;
	v40 =	vadd.f32 v44, v12;
	v44 =	vshrl.u32 v34, $0x10  }
0x27f: {  	v47 =	vld [tilespmem:s23+$0x410];
	v48 =	vand.u32 $0x1, v48;
	v35 =	vadd.f32 v49, v35;
	v28 =	vadd.f32 v45, v28  }
0x280: {  	v26 =	vadd.f32 v26, v27;
	v27 =	vshrl.u32 v25, $0x10;
	v49 =	vshrl.u32 v31, $0x10  }
0x281: {  	v45 =	vand.u32 $0x1, v44;
	v40 =	vsub.f32 v40, v5;
	v27 =	vand.u32 $0x1, v27  }
0x282: {  	v49 =	vand.u32 $0x1, v49;
	v35 =	vmul.f32 v35, v6;
	v28 =	vmul.f32 v28, v6  }
0x283: {  	v26 =	vmul.f32 v26, v6;
	v25 =	vadd.s32 v27, v25;
	v27 =	vadd.s32 v48, v30  }
0x284: {  	v30 =	vadd.s32 v49, v31;
	v32 =	vadd.f32 v46, v12;
	v39 =	vadd.f32 v47, v12  }
0x285: {  	v31 =	vshrl.u32 v40, $0x10;
	v46 =	vadd.s32 v45, v34;
	v25 =	vadd.s32 $0x7FFF, v25  }
0x286: {  	v27 =	vadd.s32 $0x7FFF, v27;
	v30 =	vadd.s32 $0x7FFF, v30;
	v35 =	vadd.f32 $3.200000000e+01, v35  }
0x287: {  	v28 =	vadd.f32 $3.200000000e+01, v28;
	v26 =	vadd.f32 $3.200000000e+01, v26;
	v31 =	vand.u32 $0x1, v31  }
0x288: {  	v25 =	vand.u32 $0xFFFF0000, v25;
	v27 =	vand.u32 $0xFFFF0000, v27;
	v30 =	vand.u32 $0xFFFF0000, v30  }
0x289: {  	v32 =	vsub.f32 v32, v5;
	v39 =	vsub.f32 v39, v5;
	v41 =	vmul.f32 v30, v60  }
0x28a: {  	v45 =	vmul.f32 v27, v56;
	v35 =	vmax.f32 v35, $3.150000000e+01;
	v28 =	vmax.f32 v28, $3.150000000e+01  }
0x28b: {  	v26 =	vmax.f32 v26, $3.150000000e+01;
	v35 =	vmin.f32 v35, $6.400000000e+01;
	v28 =	vmin.f32 v28, $6.400000000e+01  }
0x28c: {  	v26 =	vmin.f32 v26, $6.400000000e+01;
	v35 =	vtrunc.f32 v35;
	v28 =	vtrunc.f32 v28  }
0x28d: {  	v31 =	vadd.s32 v31, v40;
	v26 =	vtrunc.f32 v26;
	v28 =	vcvt.f32.s32 v28  }
0x28e: {  	v47 =	vshrl.u32 v32, $0x10;
	v35 =	vcvt.f32.s32 v35;
	v26 =	vcvt.f32.s32 v26  }
0x28f: {  	v31 =	vadd.s32 $0x7FFF, v31;
	v34 =	vand.u32 $0x1, v47;
	v28 =	vmul.u32 $0x22, v28  }
0x290: {  	v32 =	vadd.s32 v34, v32;
	v35 =	vmul.u32 $0x484, v35;
	v26 =	vadd.s32 v26, v8  }
0x291: {  	v48 =	vshrl.u32 v39, $0x10;
	v32 =	vadd.s32 $0x7FFF, v32;
	v26 =	vadd.s32 v28, v26  }
0x292: {  	v32 =	vand.u32 $0xFFFF0000, v32;
	v28 =	vand.u32 $0x1, v38;
	v26 =	vadd.s32 v35, v26  }
0x293: {  	v28 =	vadd.s32 v28, v29;
	v29 =	vand.u32 $0x1, v43;
	v35 =	vand.u32 $0x1, v48  }
0x294: {  	v48 =	vmul.f32 v25, v60;
	v29 =	vadd.s32 v29, v33;
	v33 =	vadd.s32 $0x7FFF, v46  }
0x295: {  	v49 =	vadd.s32 v35, v39;
	v39 =	vmul.f32 v27, v57;
	v46 =	vmul.f32 v30, v59  }
0x296: {  	v28 =	vadd.s32 $0x7FFF, v28;
	v27 =	vmul.f32 v27, v58;
	v30 =	vmul.f32 v30, v61  }
0x297: {  	v29 =	vadd.s32 $0x7FFF, v29;
	v28 =	vand.u32 $0xFFFF0000, v28;
	v33 =	vand.u32 $0xFFFF0000, v33  }
0x298: {  	v34 =	vadd.s32 $0x7FFF, v49;
	v49 =	vmul.f32 v25, v59;
	v25 =	vmul.f32 v25, v61  }
0x299: {  	v29 =	vand.u32 $0xFFFF0000, v29;
	v40 =	vmul.f32 v28, v57;
	v43 =	vmul.f32 v33, v60  }
0x29a: {  	v44 =	vmul.f32 v28, v56;
	v28 =	vmul.f32 v28, v58;
	v39 =	vadd.f32 v41, v39  }
0x29b: {  	v27 =	vadd.f32 v30, v27;
	v42 =	vmul.f32 v29, v57;
	v47 =	vmul.f32 v29, v56  }
0x29c: {  	v26 =	vld.idx.msk [tilespmem:v26+s1+$0x0], $0xffff;
	v35 =	vadd.f32 v48, v40;
	v48 =	vmul.f32 v33, v59;
	v25 =	vadd.f32 v25, v28  }
0x29d: {  	v28 =	vadd.f32 v46, v45;
	v41 =	vadd.f32 v43, v42;
	v43 =	vmul.f32 v32, v63  }
0x29e: {  	s24 =	sadd.s32 s30, s14;
	v30 =	vadd.f32 v48, v47;
	v47 =	vmul.f32 v32, v62;
	v32 =	vmul.f32 v32, v2  }
0x29f: {  	s25 =	sadd.s32 s17, s24;
	v31 =	vand.u32 $0xFFFF0000, v31  }
0x2a0: {  	v38 =	vld [tilespmem:s25+$0x0];
	v34 =	vand.u32 $0xFFFF0000, v34;
	v28 =	vadd.f32 v47, v28;
	v27 =	vadd.f32 v32, v27  }
0x2a1: {  	v29 =	vmul.f32 v29, v58;
	v33 =	vmul.f32 v33, v61;
	v26 =	vshrl.u32 v26, v9  }
0x2a2: {  	v26 =	vshll.u32 v26, $0x10;
	v28 =	vmul.f32 v28, v6;
	v27 =	vmul.f32 v27, v6  }
0x2a3: {  	v29 =	vadd.f32 v33, v29;
	v39 =	vadd.f32 v43, v39;
	v26 =	vmul.f32 v26, v7  }
0x2a4: {  	v45 =	vmul.f32 v31, v62;
	v28 =	vadd.f32 $3.200000000e+01, v28;
	v27 =	vadd.f32 $3.200000000e+01, v27  }
0x2a5: {  	v26 =	vmin.f32 v38, v26;
	v38 =	vadd.f32 v49, v44;
	v49 =	vmul.f32 v31, v63  }
0x2a6: {  	v44 =	vmul.f32 v34, v63;
	v31 =	vmul.f32 v31, v2;
	v28 =	vmax.f32 v28, $3.150000000e+01  }
0x2a7: {  	v27 =	vmax.f32 v27, $3.150000000e+01;
	v48 =	vadd.f32 v49, v35;
	v49 =	vmul.f32 v34, v62  }
0x2a8: {  	v21 =	vld.idx.msk [tilespmem:v21+s1+$0x0], $0xffff;
	v41 =	vadd.f32 v44, v41;
	v34 =	vmul.f32 v34, v2;
	v38 =	vadd.f32 v45, v38  }
0x2a9: {  	v25 =	vadd.f32 v31, v25;
	v45 =	vmul.f32 v39, v6;
	v39 =	vmin.f32 v27, $6.400000000e+01  }
0x2aa: {  	v39 =	vtrunc.f32 v39;
	v31 =	vmul.f32 v48, v6;
	v30 =	vadd.f32 v49, v30  }
0x2ab: {  	v29 =	vadd.f32 v34, v29;
	v46 =	vmul.f32 v41, v6;
	v47 =	vmul.f32 v38, v6  }
0x2ac: {  	v25 =	vmul.f32 v25, v6;
	v32 =	vadd.f32 $3.200000000e+01, v45;
	v48 =	vmin.f32 v28, $6.400000000e+01  }
0x2ad: {  	v28 =	vshrl.u32 v21, v9;
	v48 =	vtrunc.f32 v48;
	v31 =	vadd.f32 $3.200000000e+01, v31  }
0x2ae: {  	v30 =	vmul.f32 v30, v6;
	v33 =	vadd.f32 $3.200000000e+01, v46;
	v29 =	vmul.f32 v29, v6  }
0x2af: {  	v34 =	vadd.f32 $3.200000000e+01, v47;
	v25 =	vadd.f32 $3.200000000e+01, v25;
	v32 =	vmax.f32 v32, $3.150000000e+01  }
0x2b0: {  	s31 =	simm.s32 $0x30;
	v38 =	vcvt.f32.s32 v48;
	v32 =	vmin.f32 v32, $6.400000000e+01;
	v31 =	vmax.f32 v31, $3.150000000e+01  }
0x2b1: {  	s18 =	simm.s32 $0x50;
	s29 =	simm.s32 $0xA0;
	s17 =	sand.u32 $0x70, s31;
	v30 =	vadd.f32 $3.200000000e+01, v30;
	v29 =	vadd.f32 $3.200000000e+01, v29;
	v33 =	vmax.f32 v33, $3.150000000e+01  }
0x2b2: {  	s26 =	simm.s32 $0x70;
	s31 =	sand.u32 $0x60, s29;
	s16 =	sadd.s32 s17, s16;
	v34 =	vmax.f32 v34, $3.150000000e+01;
	v25 =	vmax.f32 v25, $3.150000000e+01;
	v32 =	vtrunc.f32 v32  }
0x2b3: {  	s17 =	sand.u32 $0x50, s18;
	[tilespmem:s22+$0x0] =	vst v23;
	s22 =	sadd.s32 s31, s24;
	s23 =	simm.s32 $0x60;
	v35 =	vld.idx.msk [tilespmem:v19+s1+$0x0], $0xffff;
	v31 =	vmin.f32 v31, $6.400000000e+01;
	v33 =	vmin.f32 v33, $6.400000000e+01;
	v34 =	vmin.f32 v34, $6.400000000e+01  }
0x2b4: {  	s18 =	sand.u32 $0x60, s23;
	s23 =	sand.u32 $0x70, s26;
	s26 =	simm.s32 $0x90;
	v46 =	vld.idx.msk [tilespmem:v20+s1+$0x0], $0xffff;
	v25 =	vmin.f32 v25, $6.400000000e+01;
	v30 =	vmax.f32 v30, $3.150000000e+01;
	v31 =	vtrunc.f32 v31  }
0x2b5: {  	[tilespmem:s21+$0x0] =	vst v24;
	v24 =	vld [tilespmem:s22+$0x0];
	s18 =	sadd.s32 s18, s20;
	s28 =	sand.u32 $0x50, s26;
	v29 =	vmax.f32 v29, $3.150000000e+01;
	v33 =	vtrunc.f32 v33;
	v47 =	vtrunc.f32 v34  }
0x2b6: {  	[tilespmem:s15+$0x0] =	vst v18;
	s15 =	sadd.s32 s23, s20;
	v18 =	vld [tilespmem:s18+$0x0];
	s23 =	sadd.s32 s28, s24;
	v25 =	vtrunc.f32 v25;
	v45 =	vmin.f32 v29, $6.400000000e+01;
	v29 =	vcvt.f32.s32 v31  }
0x2b7: {  	v23 =	vld [tilespmem:s23+$0x0];
	v49 =	vmin.f32 v30, $6.400000000e+01;
	v31 =	vcvt.f32.s32 v32;
	v33 =	vcvt.f32.s32 v33  }
0x2b8: {  	s30 =	simm.s32 $0xB0;
	v19 =	vld [tilespmem:s16+$0x0];
	v27 =	vshrl.u32 v35, v9;
	v35 =	vcvt.f32.s32 v25;
	v40 =	vtrunc.f32 v49  }
0x2b9: {  	[tilespmem:s19+$0x0] =	vst v22;
	s19 =	sand.u32 $0x70, s30;
	s17 =	sadd.s32 s17, s20;
	v21 =	vld [tilespmem:s15+$0x0];
	v22 =	vshrl.u32 v46, v9;
	v49 =	vcvt.f32.s32 v47;
	v32 =	vtrunc.f32 v45  }
0x2ba: {  	s24 =	sadd.s32 s19, s24;
	v20 =	vld [tilespmem:s17+$0x0];
	v30 =	vmul.u32 $0x22, v29;
	v29 =	vmul.u32 $0x22, v31;
	v31 =	vmul.u32 $0x22, v33  }
0x2bb: {  	s21 =	simm.s32 $0x13AE0;
	s20 =	simm.s32 $0xF0;
	s19 =	simm.s32 $0x8;
	[tilespmem:s25+$0x0] =	vst v26;
	v25 =	vld [tilespmem:s24+$0x0];
	v33 =	vcvt.f32.s32 v39;
	v34 =	vcvt.f32.s32 v40;
	v26 =	vmul.u32 $0x484, v49  }
.LBB2_7:
0x2bc: {  	s25 =	sadd.s32 $0xFFFFFFD0, s20;
	v39 =	vld [tilespmem:s21+$0xFFFFFBE0];
	s28 =	sadd.s32 $0xFFFFFFE0, s20;
	s19 =	sadd.s32 $0x4, s19;
	v35 =	vadd.s32 v35, v8;
	v38 =	vmul.u32 $0x484, v38;
	v32 =	vcvt.f32.s32 v32  }
0x2bd: {  	s26 =	sand.u32 $0x380, s25;
	s25 =	sand.u32 $0x40, s25;
	v40 =	vld [tilespmem:s21+$0xFFFFFBF0];
	p0 =	slt.u32 s19, $0x3C;
	v30 =	vadd.s32 v30, v35;
	v33 =	vadd.s32 v33, v8;
	v34 =	vmul.u32 $0x484, v34  }
0x2be: {  	s29 =	sand.u32 $0x50, s28;
	s28 =	sadd.s32 $0xFFFFFFF0, s20;
	s31 =	sor.u32 s25, s26;
	v35 =	vld [tilespmem:s21+$0xFFFFFFF0];
	v26 =	vadd.s32 v26, v30;
	v29 =	vadd.s32 v29, v33;
	v30 =	vadd.s32 v32, v8  }
0x2bf: {  	v28 =	vshll.u32 v28, $0x10;
	s30 =	sand.u32 $0x60, s28;
	s28 =	sand.u32 $0x70, s20;
	v32 =	vld [tilespmem:s31+$0x13A00];
	v29 =	vadd.s32 v38, v29;
	v30 =	vadd.s32 v31, v30  }
0x2c0: {  	v27 =	vshll.u32 v27, $0x10;
	v22 =	vshll.u32 v22, $0x10;
	v31 =	vld [tilespmem:s31+$0x13E00];
	v30 =	vadd.s32 v34, v30  }
0x2c1: {  	v28 =	vmul.f32 v28, v7;
	v27 =	vmul.f32 v27, v7;
	v33 =	vadd.f32 v39, v10;
	v34 =	vld [tilespmem:s21+$0xFFFFFC00]  }
0x2c2: {  	v38 =	vadd.f32 v40, v10;
	v39 =	vld [tilespmem:s21+$0x0];
	v40 =	vmin.f32 v19, v13;
	v13 =	vmul.f32 v22, v7;
	v19 =	vmovc v21  }
0x2c3: {  	v41 =	vmin.f32 v20, v28;
	v22 =	vsub.f32 v33, v3;
	v43 =	vadd.f32 v35, v11;
	v33 =	vld [tilespmem:s21+$0xFFFFFC10];
	[tilespmem:s16+$0x0] =	vst v40;
	s16 =	smov.u32 s15;
	s15 =	smov.u32 s24  }
0x2c4: {  	v42 =	vmin.f32 v18, v27;
	v28 =	vadd.f32 v32, v11;
	v32 =	vsub.f32 v38, v3;
	v35 =	vld [tilespmem:s21+$0x10];
	[tilespmem:s17+$0x0] =	vst v41;
	s17 =	smov.u32 s23  }
0x2c5: {  	v20 =	vmovc v23;
	v27 =	vshrl.u32 v22, $0x10;
	v31 =	vadd.f32 v31, v12;
	v38 =	vsub.f32 v43, v4;
	v40 =	vld [tilespmem:s21+$0x3F0];
	[tilespmem:s18+$0x0] =	vst v42;
	s18 =	smov.u32 s22  }
0x2c6: {  	v18 =	vmovc v24;
	v21 =	vmovc v25;
	v23 =	vand.u32 $0x1, v27;
	v28 =	vsub.f32 v28, v4;
	v34 =	vadd.f32 v34, v10;
	v41 =	vld [tilespmem:s21+$0x400]  }
0x2c7: {  	v22 =	vadd.s32 v23, v22;
	v23 =	vsub.f32 v31, v5;
	v24 =	vadd.f32 v39, v11;
	v25 =	vld [tilespmem:s21+$0x410]  }
0x2c8: {  	v22 =	vadd.s32 $0x7FFF, v22;
	v27 =	vshrl.u32 v28, $0x10;
	v31 =	vadd.f32 v33, v10;
	v26 =	vld.idx.msk [tilespmem:v26+s1+$0x0], $0xffff  }
0x2c9: {  	v33 =	vand.u32 $0xFFFF0000, v22;
	v22 =	vand.u32 $0x1, v27;
	v39 =	vshrl.u32 v23, $0x10;
	v27 =	vld.idx.msk [tilespmem:v29+s1+$0x0], $0xffff  }
0x2ca: {  	v28 =	vadd.s32 v22, v28;
	v29 =	vand.u32 $0x1, v39;
	v39 =	vmul.f32 v33, v56;
	v22 =	vld.idx.msk [tilespmem:v30+s1+$0x0], $0xffff  }
0x2cb: {  	v28 =	vadd.s32 $0x7FFF, v28;
	v23 =	vadd.s32 v29, v23;
	v29 =	vmul.f32 v33, v58  }
0x2cc: {  	v30 =	vmul.f32 v33, v57;
	v28 =	vand.u32 $0xFFFF0000, v28;
	v23 =	vadd.s32 $0x7FFF, v23  }
0x2cd: {  	v23 =	vand.u32 $0xFFFF0000, v23;
	v33 =	vmul.f32 v28, v59;
	v42 =	vmul.f32 v28, v60  }
0x2ce: {  	v35 =	vadd.f32 v35, v11;
	v28 =	vmul.f32 v28, v61;
	v43 =	vmul.f32 v23, v62  }
0x2cf: {  	v33 =	vadd.f32 v33, v39;
	v30 =	vadd.f32 v42, v30;
	v39 =	vmul.f32 v23, v63  }
0x2d0: {  	v28 =	vadd.f32 v28, v29;
	v23 =	vmul.f32 v23, v2;
	v29 =	vsub.f32 v34, v3  }
0x2d1: {  	v34 =	vshrl.u32 v32, $0x10;
	v33 =	vadd.f32 v43, v33;
	v30 =	vadd.f32 v39, v30  }
0x2d2: {  	v24 =	vsub.f32 v24, v4;
	v23 =	vadd.f32 v23, v28;
	v28 =	vshrl.u32 v38, $0x10  }
0x2d3: {  	v31 =	vsub.f32 v31, v3;
	v33 =	vmul.f32 v33, v6;
	v30 =	vmul.f32 v30, v6  }
0x2d4: {  	v35 =	vsub.f32 v35, v4;
	v39 =	vadd.f32 v40, v12;
	v23 =	vmul.f32 v23, v6  }
0x2d5: {  	v40 =	vshrl.u32 v29, $0x10;
	v33 =	vadd.f32 $3.200000000e+01, v33;
	v30 =	vadd.f32 $3.200000000e+01, v30  }
0x2d6: {  	v41 =	vadd.f32 v41, v12;
	v42 =	vshrl.u32 v24, $0x10;
	v23 =	vadd.f32 $3.200000000e+01, v23  }
0x2d7: {  	v25 =	vadd.f32 v25, v12;
	v33 =	vmax.f32 v33, $3.150000000e+01;
	v30 =	vmax.f32 v30, $3.150000000e+01  }
0x2d8: {  	v23 =	vmax.f32 v23, $3.150000000e+01;
	v33 =	vmin.f32 v33, $6.400000000e+01;
	v30 =	vmin.f32 v30, $6.400000000e+01  }
0x2d9: {  	v23 =	vmin.f32 v23, $6.400000000e+01;
	v33 =	vtrunc.f32 v33;
	v30 =	vtrunc.f32 v30  }
0x2da: {  	v43 =	vshrl.u32 v31, $0x10;
	v23 =	vtrunc.f32 v23;
	v30 =	vcvt.f32.s32 v30  }
0x2db: {  	v44 =	vshrl.u32 v35, $0x10;
	v33 =	vcvt.f32.s32 v33;
	v23 =	vcvt.f32.s32 v23  }
0x2dc: {  	v41 =	vsub.f32 v41, v5;
	v39 =	vsub.f32 v39, v5;
	v30 =	vmul.u32 $0x22, v30  }
0x2dd: {  	v25 =	vsub.f32 v25, v5;
	v33 =	vmul.u32 $0x484, v33;
	v23 =	vadd.s32 v23, v8  }
0x2de: {  	v28 =	vand.u32 $0x1, v28;
	v23 =	vadd.s32 v30, v23;
	v30 =	vand.u32 $0x1, v34  }
0x2df: {  	v34 =	vand.u32 $0x1, v42;
	v23 =	vadd.s32 v33, v23;
	v33 =	vand.u32 $0x1, v40  }
0x2e0: {  	v30 =	vadd.s32 v30, v32;
	v32 =	vand.u32 $0x1, v43;
	v40 =	vand.u32 $0x1, v44  }
0x2e1: {  	v28 =	vadd.s32 v28, v38;
	v24 =	vadd.s32 v34, v24;
	v29 =	vadd.s32 v33, v29  }
0x2e2: {  	v33 =	vshrl.u32 v39, $0x10;
	v31 =	vadd.s32 v32, v31;
	v32 =	vadd.s32 v40, v35  }
0x2e3: {  	v34 =	vshrl.u32 v41, $0x10;
	v30 =	vadd.s32 $0x7FFF, v30;
	v35 =	vshrl.u32 v25, $0x10  }
0x2e4: {  	v28 =	vadd.s32 $0x7FFF, v28;
	v24 =	vadd.s32 $0x7FFF, v24;
	v29 =	vadd.s32 $0x7FFF, v29;
	v23 =	vld.idx.msk [tilespmem:v23+s1+$0x0], $0xffff  }
0x2e5: {  	v33 =	vand.u32 $0x1, v33;
	v31 =	vadd.s32 $0x7FFF, v31;
	v32 =	vadd.s32 $0x7FFF, v32  }
0x2e6: {  	v34 =	vand.u32 $0x1, v34;
	v30 =	vand.u32 $0xFFFF0000, v30;
	v35 =	vand.u32 $0x1, v35  }
0x2e7: {  	s24 =	sadd.s32 s26, s14;
	v28 =	vand.u32 $0xFFFF0000, v28;
	v38 =	vand.u32 $0xFFFF0000, v24;
	v29 =	vand.u32 $0xFFFF0000, v29  }
0x2e8: {  	s25 =	sadd.s32 s25, s24;
	s23 =	sadd.s32 s29, s24;
	s22 =	sadd.s32 s30, s24;
	v33 =	vadd.s32 v33, v39;
	v31 =	vand.u32 $0xFFFF0000, v31;
	v32 =	vand.u32 $0xFFFF0000, v32  }
0x2e9: {  	s24 =	sadd.s32 s28, s24;
	v34 =	vadd.s32 v34, v41;
	v40 =	vmul.f32 v30, v57;
	v35 =	vadd.s32 v35, v25;
	v39 =	vld [tilespmem:s25+$0x0]  }
0x2ea: {  	v41 =	vmul.f32 v28, v60;
	v42 =	vmul.f32 v29, v57;
	v24 =	vshrl.u32 v23, v9;
	v23 =	vld [tilespmem:s23+$0x0]  }
0x2eb: {  	v43 =	vmul.f32 v38, v60;
	v44 =	vmul.f32 v31, v57;
	v25 =	vshll.u32 v24, $0x10;
	v24 =	vld [tilespmem:s22+$0x0]  }
0x2ec: {  	v33 =	vadd.s32 $0x7FFF, v33;
	v46 =	vmul.f32 v32, v60;
	v45 =	vmul.f32 v25, v7;
	v25 =	vld [tilespmem:s24+$0x0]  }
0x2ed: {  	v47 =	vmul.f32 v30, v56;
	v34 =	vadd.s32 $0x7FFF, v34;
	v35 =	vadd.s32 $0x7FFF, v35  }
0x2ee: {  	v30 =	vmul.f32 v30, v58;
	v39 =	vmin.f32 v39, v45;
	v45 =	vmul.f32 v28, v59  }
0x2ef: {  	v33 =	vand.u32 $0xFFFF0000, v33;
	v28 =	vmul.f32 v28, v61;
	[tilespmem:s25+$0x0] =	vst v39;
	v39 =	vmul.f32 v29, v56  }
0x2f0: {  	v48 =	vmul.f32 v38, v59;
	v34 =	vand.u32 $0xFFFF0000, v34;
	v29 =	vmul.f32 v29, v58  }
0x2f1: {  	v38 =	vmul.f32 v38, v61;
	v49 =	vmul.f32 v31, v56;
	v35 =	vand.u32 $0xFFFF0000, v35  }
0x2f2: {  	v31 =	vmul.f32 v31, v58;
	v40 =	vadd.f32 v41, v40;
	v41 =	vmul.f32 v32, v59  }
0x2f3: {  	v32 =	vmul.f32 v32, v61;
	v42 =	vadd.f32 v43, v42;
	v43 =	vadd.f32 v46, v44  }
0x2f4: {  	v46 =	vmul.f32 v34, v63;
	v44 =	vadd.f32 v45, v47;
	v45 =	vmul.f32 v33, v63  }
0x2f5: {  	v28 =	vadd.f32 v28, v30;
	v30 =	vadd.f32 v48, v39;
	v39 =	vmul.f32 v35, v63  }
0x2f6: {  	v47 =	vmul.f32 v33, v62;
	v29 =	vadd.f32 v38, v29;
	v38 =	vadd.f32 v41, v49  }
0x2f7: {  	v31 =	vadd.f32 v32, v31;
	v33 =	vmul.f32 v33, v2;
	v41 =	vmul.f32 v34, v62  }
0x2f8: {  	v34 =	vmul.f32 v34, v2;
	v32 =	vadd.f32 v45, v40;
	v40 =	vmul.f32 v35, v62  }
0x2f9: {  	v42 =	vadd.f32 v46, v42;
	v35 =	vmul.f32 v35, v2;
	v39 =	vadd.f32 v39, v43  }
0x2fa: {  	v28 =	vadd.f32 v33, v28;
	v43 =	vadd.f32 v47, v44;
	v32 =	vmul.f32 v32, v6  }
0x2fb: {  	v33 =	vmul.f32 v42, v6;
	v30 =	vadd.f32 v41, v30;
	v29 =	vadd.f32 v34, v29  }
0x2fc: {  	v34 =	vadd.f32 v40, v38;
	v31 =	vadd.f32 v35, v31;
	v35 =	vmul.f32 v39, v6  }
0x2fd: {  	v28 =	vmul.f32 v28, v6;
	v38 =	vmul.f32 v43, v6;
	v32 =	vadd.f32 $3.200000000e+01, v32  }
0x2fe: {  	v33 =	vadd.f32 $3.200000000e+01, v33;
	v30 =	vmul.f32 v30, v6;
	v29 =	vmul.f32 v29, v6  }
0x2ff: {  	v34 =	vmul.f32 v34, v6;
	v31 =	vmul.f32 v31, v6;
	v35 =	vadd.f32 $3.200000000e+01, v35  }
0x300: {  	v28 =	vadd.f32 $3.200000000e+01, v28;
	v38 =	vadd.f32 $3.200000000e+01, v38;
	v32 =	vmax.f32 v32, $3.150000000e+01  }
0x301: {  	v33 =	vmax.f32 v33, $3.150000000e+01;
	v30 =	vadd.f32 $3.200000000e+01, v30;
	v29 =	vadd.f32 $3.200000000e+01, v29  }
0x302: {  	v34 =	vadd.f32 $3.200000000e+01, v34;
	v31 =	vadd.f32 $3.200000000e+01, v31;
	v35 =	vmax.f32 v35, $3.150000000e+01  }
0x303: {  	v33 =	vmin.f32 v33, $6.400000000e+01;
	v32 =	vmin.f32 v32, $6.400000000e+01;
	v35 =	vmin.f32 v35, $6.400000000e+01  }
0x304: {  	v28 =	vmax.f32 v28, $3.150000000e+01;
	v38 =	vmax.f32 v38, $3.150000000e+01;
	v30 =	vmax.f32 v30, $3.150000000e+01  }
0x305: {  	v29 =	vmax.f32 v29, $3.150000000e+01;
	v34 =	vmax.f32 v34, $3.150000000e+01;
	v31 =	vmax.f32 v31, $3.150000000e+01  }
0x306: {  	v33 =	vtrunc.f32 v33;
	v38 =	vmin.f32 v38, $6.400000000e+01;
	v32 =	vtrunc.f32 v32  }
0x307: {  	v39 =	vmin.f32 v28, $6.400000000e+01;
	v40 =	vmin.f32 v30, $6.400000000e+01;
	v30 =	vtrunc.f32 v35  }
0x308: {  	v29 =	vmin.f32 v29, $6.400000000e+01;
	v34 =	vmin.f32 v34, $6.400000000e+01;
	v31 =	vmin.f32 v31, $6.400000000e+01  }
0x309: {  	v33 =	vcvt.f32.s32 v33;
	v28 =	vshrl.u32 v26, v9;
	v32 =	vcvt.f32.s32 v32  }
0x30a: {  	v27 =	vshrl.u32 v27, v9;
	v26 =	vtrunc.f32 v38;
	v35 =	vcvt.f32.s32 v30  }
.Ltmp2:
0x30b: {  	v38 =	vtrunc.f32 v39;
	v39 =	vtrunc.f32 v40;
	v30 =	vmul.u32 $0x22, v32;
	(pc) =	sbr.rel @p0 .LBB2_7-.Ltmp2, $4  }
0x30c: {  	v40 =	vtrunc.f32 v29;
	v29 =	vmul.u32 $0x22, v33;
	v34 =	vtrunc.f32 v34  }
0x30d: {  	v26 =	vcvt.f32.s32 v26;
	v32 =	vtrunc.f32 v31;
	v31 =	vmul.u32 $0x22, v35  }
0x30e: {  	v22 =	vshrl.u32 v22, v9;
	v35 =	vcvt.f32.s32 v38;
	v38 =	vcvt.f32.s32 v39  }
0x30f: {  	s20 =	sadd.s32 $0x40, s20;
	s21 =	sadd.s32 $0x40, s21;
	v33 =	vcvt.f32.s32 v40;
	v34 =	vcvt.f32.s32 v34;
	v26 =	vmul.u32 $0x484, v26  }
0x310: {  	v10 =	vadd.s32 v35, v8;
	v11 =	vmul.u32 $0x484, v38;
	v12 =	vcvt.f32.s32 v32  }
0x311: {  	v10 =	vadd.s32 v30, v10;
	v46 =	vadd.s32 v33, v8;
	v47 =	vmul.u32 $0x484, v34  }
0x312: {  	v10 =	vadd.s32 v26, v10;
	v48 =	vadd.s32 v29, v46;
	v12 =	vadd.s32 v12, v8  }
0x313: {  	v11 =	vadd.s32 v11, v48;
	v12 =	vadd.s32 v31, v12  }
0x314: {  	v12 =	vadd.s32 v47, v12;
	_ =	sdelay $0x2  }
0x315: {  	v10 =	vld.idx.msk [tilespmem:v10+s1+$0x0], $0xffff  }
0x316: {  	v11 =	vld.idx.msk [tilespmem:v11+s1+$0x0], $0xffff  }
0x317: {  	v27 =	vshll.u32 v27, $0x10;
	v12 =	vld.idx.msk [tilespmem:v12+s1+$0x0], $0xffff  }
0x318: {  	v49 =	vshll.u32 v28, $0x10;
	v27 =	vmul.f32 v27, v7  }
0x319: {  	v22 =	vshll.u32 v22, $0x10;
	v13 =	vmin.f32 v19, v13;
	v26 =	vmul.f32 v49, v7  }
0x31a: {  	v22 =	vmul.f32 v22, v7;
	[tilespmem:s16+$0x0] =	vst v13;
	v13 =	vmin.f32 v18, v27;
	v10 =	vshrl.u32 v10, v9  }
0x31b: {  	s13 =	sadd.s32 $0x1, s13;
	v19 =	vmin.f32 v20, v26;
	v11 =	vshrl.u32 v11, v9;
	v10 =	vshll.u32 v10, $0x10  }
0x31c: {  	p0 =	sne.s32 s13, $0x1B;
	[tilespmem:s18+$0x0] =	vst v13;
	v12 =	vshrl.u32 v12, v9;
	v11 =	vshll.u32 v11, $0x10;
	v10 =	vmul.f32 v10, v7  }
.Ltmp3:
0x31d: {  	v13 =	vmin.f32 v21, v22;
	[tilespmem:s17+$0x0] =	vst v19;
	v12 =	vshll.u32 v12, $0x10;
	v11 =	vmul.f32 v11, v7;
	(pc) =	sbr.rel @p0 .LBB2_6-.Ltmp3, $4  }
0x31e: {  	[tilespmem:s15+$0x0] =	vst v13;
	v12 =	vmul.f32 v12, v7;
	v10 =	vmin.f32 v23, v10  }
0x31f: {  	[tilespmem:s23+$0x0] =	vst v10;
	v10 =	vmin.f32 v24, v11  }
0x320: {  	[tilespmem:s22+$0x0] =	vst v10;
	v10 =	vmin.f32 v25, v12  }
0x321: {  	[tilespmem:s24+$0x0] =	vst v10  }
0x322: {  	v2 =	vld [tilespmem:$0x1FF50];
	_ =	sdelay $0x7  }
0x323: {  	v58 =	vld.idx.msk [tilespmem:v2+s7+$0x0], $0xffff  }
0x324: {  	v2 =	vld [tilespmem:$0x1FF60];
	_ =	sdelay $0x7  }
0x325: {  	v59 =	vld.idx.msk [tilespmem:v2+s7+$0x0], $0xffff  }
0x326: {  	v2 =	vld [tilespmem:$0x1FF80];
	_ =	sdelay $0x7  }
0x327: {  	v60 =	vld.idx.msk [tilespmem:v2+s7+$0x0], $0xffff  }
0x328: {  	v2 =	vld [tilespmem:$0x1FF90];
	_ =	sdelay $0x7  }
0x329: {  	v61 =	vld.idx.msk [tilespmem:v2+s7+$0x0], $0xffff  }
0x32a: {  	v2 =	vld [tilespmem:$0x1FFB0];
	_ =	sdelay $0x7  }
0x32b: {  	v62 =	vld.idx.msk [tilespmem:v2+s7+$0x0], $0xffff  }
0x32c: {  	v2 =	vld [tilespmem:$0x1FFC0];
	_ =	sdelay $0x4  }
0x32d: {  	v56 =	vld.idx.msk [tilespmem:v36+s7+$0x0], $0xffff  }
0x32e: {  	v57 =	vld.idx.msk [tilespmem:v37+s7+$0x0], $0xffff  }
0x32f: {  	v3 =	vld [tilespmem:$0x1FFF0]  }
0x330: {  	v63 =	vld.idx.msk [tilespmem:v2+s7+$0x0], $0xffff  }
0x331: {  	v2 =	vld [tilespmem:$0x1FFE0]  }
0x332: {  	v4 =	vld.idx.msk [tilespmem:v51+s7+$0x0], $0xffff  }
0x333: {  	v5 =	vld.idx.msk [tilespmem:v52+s7+$0x0], $0xffff  }
0x334: {  	v6 =	vld.idx.msk [tilespmem:v54+s7+$0x0], $0xffff  }
0x335: {  	v8 =	vld.idx.msk [tilespmem:v36+s9+$0x0], $0xffff  }
0x336: {  	v7 =	vld.idx.msk [tilespmem:v55+s7+$0x0], $0xffff  }
0x337: {  	v9 =	vld.idx.msk [tilespmem:v37+s9+$0x0], $0xffff  }
0x338: {  	v3 =	vld.idx.msk [tilespmem:v3+s7+$0x0], $0xffff  }
0x339: {  	s13 =	simm.s32 $0x0;
	v2 =	vld.idx.msk [tilespmem:v2+s7+$0x0], $0xffff  }
.LBB2_10:
0x33a: {  	s23 =	simm.s32 $0x13A20  }
0x33b: {  	v13 =	vld [tilespmem:s23+$0xFFFFFBE0]  }
0x33c: {  	v10 =	vmov s13;
	v18 =	vld [tilespmem:s23+$0xFFFFFBF0]  }
0x33d: {  	v19 =	vld [tilespmem:s23+$0xFFFFFFF0]  }
0x33e: {  	s14 =	sadd.s32 $0x1B, s13;
	v22 =	vld [tilespmem:s23+$0xFFFFFC00]  }
0x33f: {  	s22 =	sadd.s32 $0x36, s13;
	s15 =	simm.s32 $0x0;
	v11 =	vmov s14;
	v23 =	vld [tilespmem:s23+$0x0]  }
0x340: {  	v12 =	vmov s22;
	s16 =	sand.u32 $0x380, s15;
	s15 =	sand.u32 $0x40, s15;
	v24 =	vld [tilespmem:s23+$0xFFFFFC10]  }
0x341: {  	s17 =	sor.u32 s15, s16;
	v10 =	vld.idx.msk [tilespmem:v10+s10+$0x0], $0xffff  }
0x342: {  	v20 =	vld [tilespmem:s17+$0x13A00]  }
0x343: {  	v21 =	vld [tilespmem:s17+$0x13E00]  }
0x344: {  	v11 =	vld.idx.msk [tilespmem:v11+s10+$0x0], $0xffff  }
0x345: {  	v12 =	vld.idx.msk [tilespmem:v12+s10+$0x0], $0xffff  }
0x346: {  	v26 =	vld [tilespmem:s23+$0x10];
	v13 =	vadd.f32 v13, v10  }
0x347: {  	v18 =	vadd.f32 v18, v10;
	v22 =	vadd.f32 v22, v10  }
0x348: {  	v24 =	vadd.f32 v24, v10;
	v13 =	vsub.f32 v13, v3  }
0x349: {  	v19 =	vadd.f32 v19, v11;
	v20 =	vadd.f32 v20, v11  }
0x34a: {  	v21 =	vadd.f32 v21, v12;
	v23 =	vadd.f32 v23, v11;
	v25 =	vshrl.u32 v13, $0x10  }
0x34b: {  	v26 =	vadd.f32 v26, v11;
	v20 =	vsub.f32 v20, v4;
	v25 =	vand.u32 $0x1, v25  }
0x34c: {  	v18 =	vsub.f32 v18, v3;
	v21 =	vsub.f32 v21, v5;
	v13 =	vadd.s32 v25, v13  }
0x34d: {  	v22 =	vsub.f32 v22, v3;
	v25 =	vshrl.u32 v20, $0x10;
	v13 =	vadd.s32 $0x7FFF, v13  }
0x34e: {  	v27 =	vshrl.u32 v21, $0x10;
	v25 =	vand.u32 $0x1, v25;
	v13 =	vand.u32 $0xFFFF0000, v13  }
0x34f: {  	v20 =	vadd.s32 v25, v20;
	v25 =	vand.u32 $0x1, v27;
	v27 =	vmul.f32 v13, v56  }
0x350: {  	v20 =	vadd.s32 $0x7FFF, v20;
	v21 =	vadd.s32 v25, v21;
	v25 =	vmul.f32 v13, v58  }
0x351: {  	v13 =	vmul.f32 v13, v57;
	v20 =	vand.u32 $0xFFFF0000, v20;
	v21 =	vadd.s32 $0x7FFF, v21  }
0x352: {  	v21 =	vand.u32 $0xFFFF0000, v21;
	v28 =	vmul.f32 v20, v59;
	v29 =	vmul.f32 v20, v60  }
0x353: {  	v24 =	vsub.f32 v24, v3;
	v20 =	vmul.f32 v20, v61;
	v30 =	vmul.f32 v21, v62  }
0x354: {  	v27 =	vadd.f32 v28, v27;
	v13 =	vadd.f32 v29, v13;
	v28 =	vmul.f32 v21, v63  }
0x355: {  	v19 =	vsub.f32 v19, v4;
	v20 =	vadd.f32 v20, v25;
	v21 =	vmul.f32 v21, v2  }
0x356: {  	v31 =	vld [tilespmem:s23+$0x3F0];
	v25 =	vadd.f32 v30, v27;
	v13 =	vadd.f32 v28, v13  }
0x357: {  	v26 =	vsub.f32 v26, v4;
	v20 =	vadd.f32 v21, v20  }
0x358: {  	v21 =	vsub.f32 v23, v4;
	v23 =	vmul.f32 v25, v6;
	v13 =	vmul.f32 v13, v6  }
0x359: {  	v33 =	vshrl.u32 v24, $0x10;
	v34 =	vshrl.u32 v26, $0x10;
	v20 =	vmul.f32 v20, v6  }
0x35a: {  	v28 =	vshrl.u32 v18, $0x10;
	v23 =	vadd.f32 $3.200000000e+01, v23;
	v13 =	vadd.f32 $3.200000000e+01, v13  }
0x35b: {  	v29 =	vld [tilespmem:s23+$0x410];
	v30 =	vshrl.u32 v19, $0x10;
	v25 =	vadd.f32 v31, v12;
	v20 =	vadd.f32 $3.200000000e+01, v20  }
0x35c: {  	v27 =	vld [tilespmem:s23+$0x400];
	v31 =	vshrl.u32 v22, $0x10;
	v23 =	vmax.f32 v23, $3.150000000e+01;
	v13 =	vmax.f32 v13, $3.150000000e+01  }
0x35d: {  	v20 =	vmax.f32 v20, $3.150000000e+01;
	v23 =	vmin.f32 v23, $6.400000000e+01;
	v13 =	vmin.f32 v13, $6.400000000e+01  }
0x35e: {  	v20 =	vmin.f32 v20, $6.400000000e+01;
	v23 =	vtrunc.f32 v23;
	v13 =	vtrunc.f32 v13  }
0x35f: {  	v32 =	vshrl.u32 v21, $0x10;
	v20 =	vtrunc.f32 v20;
	v13 =	vcvt.f32.s32 v13  }
0x360: {  	v29 =	vadd.f32 v29, v12;
	v23 =	vcvt.f32.s32 v23;
	v20 =	vcvt.f32.s32 v20  }
0x361: {  	v25 =	vsub.f32 v25, v5;
	v27 =	vadd.f32 v27, v12;
	v13 =	vmul.u32 $0x22, v13  }
0x362: {  	v29 =	vsub.f32 v29, v5;
	v23 =	vmul.u32 $0x484, v23;
	v20 =	vadd.s32 v20, v8  }
0x363: {  	v27 =	vsub.f32 v27, v5;
	v13 =	vadd.s32 v13, v20;
	v20 =	vand.u32 $0x1, v28  }
0x364: {  	v28 =	vand.u32 $0x1, v30;
	v30 =	vand.u32 $0x1, v32;
	v13 =	vadd.s32 v23, v13  }
0x365: {  	v23 =	vand.u32 $0x1, v31;
	v18 =	vadd.s32 v20, v18;
	v20 =	vand.u32 $0x1, v33  }
0x366: {  	v31 =	vand.u32 $0x1, v34;
	v19 =	vadd.s32 v28, v19;
	v21 =	vadd.s32 v30, v21  }
0x367: {  	v28 =	vshrl.u32 v29, $0x10;
	v22 =	vadd.s32 v23, v22;
	v23 =	vshrl.u32 v25, $0x10  }
0x368: {  	v20 =	vadd.s32 v20, v24;
	v24 =	vadd.s32 v31, v26;
	v18 =	vadd.s32 $0x7FFF, v18  }
0x369: {  	v26 =	vshrl.u32 v27, $0x10;
	v19 =	vadd.s32 $0x7FFF, v19;
	v21 =	vadd.s32 $0x7FFF, v21  }
0x36a: {  	v22 =	vadd.s32 $0x7FFF, v22;
	v23 =	vand.u32 $0x1, v23;
	v20 =	vadd.s32 $0x7FFF, v20  }
0x36b: {  	v24 =	vadd.s32 $0x7FFF, v24;
	v30 =	vand.u32 $0xFFFF0000, v18;
	v18 =	vand.u32 $0x1, v26  }
0x36c: {  	v26 =	vand.u32 $0x1, v28;
	v19 =	vand.u32 $0xFFFF0000, v19;
	v21 =	vand.u32 $0xFFFF0000, v21  }
0x36d: {  	v22 =	vand.u32 $0xFFFF0000, v22;
	v23 =	vadd.s32 v23, v25;
	v20 =	vand.u32 $0xFFFF0000, v20  }
0x36e: {  	v28 =	vmul.f32 v30, v57;
	v18 =	vadd.s32 v18, v27;
	v27 =	vmul.f32 v19, v60  }
0x36f: {  	s24 =	sshll.u32 s13, $0xA;
	v24 =	vand.u32 $0xFFFF0000, v24;
	v31 =	vmul.f32 v21, v60;
	v42 =	vmul.f32 v30, v56  }
0x370: {  	s14 =	sand.u32 $0x3FFFFC00, s24;
	v26 =	vadd.s32 v26, v29;
	v38 =	vmul.f32 v21, v59;
	v21 =	vmul.f32 v21, v61;
	v13 =	vld.idx.msk [tilespmem:v13+s1+$0x0], $0xffff  }
0x371: {  	s14 =	sadd.s32 $0x14200, s14;
	v29 =	vmul.f32 v22, v57;
	v48 =	vmul.f32 v20, v57;
	v23 =	vadd.s32 $0x7FFF, v23  }
0x372: {  	s16 =	sadd.s32 s16, s14;
	v49 =	vmul.f32 v24, v60;
	v35 =	vadd.s32 $0x7FFF, v18;
	v26 =	vadd.s32 $0x7FFF, v26  }
0x373: {  	s15 =	sadd.s32 s15, s16;
	v39 =	vmul.f32 v20, v56;
	v20 =	vmul.f32 v20, v58;
	v23 =	vand.u32 $0xFFFF0000, v23  }
0x374: {  	v25 =	vld [tilespmem:s15+$0x0];
	v35 =	vand.u32 $0xFFFF0000, v35;
	v26 =	vand.u32 $0xFFFF0000, v26;
	v27 =	vadd.f32 v27, v28  }
0x375: {  	v28 =	vmul.f32 v24, v59;
	v24 =	vmul.f32 v24, v61;
	v13 =	vshrl.u32 v13, v9  }
0x376: {  	v43 =	vmul.f32 v23, v63;
	v44 =	vmul.f32 v35, v63;
	v13 =	vshll.u32 v13, $0x10  }
0x377: {  	v29 =	vadd.f32 v31, v29;
	v45 =	vmul.f32 v23, v62;
	v13 =	vmul.f32 v13, v7  }
0x378: {  	v31 =	vadd.f32 v49, v48;
	v23 =	vmul.f32 v23, v2;
	v46 =	vmul.f32 v26, v62  }
0x379: {  	v18 =	vmin.f32 v25, v13;
	v13 =	vmul.f32 v19, v59;
	v25 =	vmul.f32 v30, v58  }
0x37a: {  	v20 =	vadd.f32 v24, v20;
	v19 =	vmul.f32 v19, v61;
	v30 =	vmul.f32 v22, v56  }
0x37b: {  	v24 =	vadd.f32 v43, v27;
	v29 =	vadd.f32 v44, v29;
	v22 =	vmul.f32 v22, v58  }
0x37c: {  	v19 =	vadd.f32 v19, v25;
	v25 =	vadd.f32 v38, v30;
	v30 =	vmul.f32 v26, v63  }
0x37d: {  	v27 =	vmul.f32 v35, v2;
	v13 =	vadd.f32 v13, v42;
	v21 =	vadd.f32 v21, v22  }
0x37e: {  	v22 =	vadd.f32 v28, v39;
	v28 =	vmul.f32 v35, v62;
	v30 =	vadd.f32 v30, v31  }
0x37f: {  	v26 =	vmul.f32 v26, v2;
	v13 =	vadd.f32 v45, v13;
	v19 =	vadd.f32 v23, v19  }
0x380: {  	v23 =	vmul.f32 v24, v6;
	v24 =	vadd.f32 v28, v25;
	v21 =	vadd.f32 v27, v21  }
0x381: {  	v25 =	vmul.f32 v29, v6;
	v22 =	vadd.f32 v46, v22;
	v20 =	vadd.f32 v26, v20  }
0x382: {  	s19 =	simm.s32 $0x13A60;
	v26 =	vmul.f32 v30, v6;
	v13 =	vmul.f32 v13, v6;
	v23 =	vadd.f32 $3.200000000e+01, v23  }
0x383: {  	v45 =	vld [tilespmem:s19+$0x410];
	v19 =	vmul.f32 v19, v6;
	v24 =	vmul.f32 v24, v6;
	v25 =	vadd.f32 $3.200000000e+01, v25  }
0x384: {  	v21 =	vmul.f32 v21, v6;
	v22 =	vmul.f32 v22, v6;
	v26 =	vadd.f32 $3.200000000e+01, v26  }
0x385: {  	v20 =	vmul.f32 v20, v6;
	v13 =	vadd.f32 $3.200000000e+01, v13;
	v19 =	vadd.f32 $3.200000000e+01, v19  }
0x386: {  	v23 =	vmax.f32 v23, $3.150000000e+01;
	v24 =	vadd.f32 $3.200000000e+01, v24;
	v21 =	vadd.f32 $3.200000000e+01, v21  }
0x387: {  	v25 =	vmax.f32 v25, $3.150000000e+01;
	v22 =	vadd.f32 $3.200000000e+01, v22;
	v20 =	vadd.f32 $3.200000000e+01, v20  }
0x388: {  	v23 =	vmin.f32 v23, $6.400000000e+01;
	v25 =	vmin.f32 v25, $6.400000000e+01;
	v33 =	vadd.f32 v45, v12  }
0x389: {  	v26 =	vmax.f32 v26, $3.150000000e+01;
	v13 =	vmax.f32 v13, $3.150000000e+01;
	v19 =	vmax.f32 v19, $3.150000000e+01  }
0x38a: {  	v24 =	vmax.f32 v24, $3.150000000e+01;
	v21 =	vmax.f32 v21, $3.150000000e+01;
	v22 =	vmax.f32 v22, $3.150000000e+01  }
0x38b: {  	v20 =	vmax.f32 v20, $3.150000000e+01;
	v23 =	vtrunc.f32 v23;
	v25 =	vtrunc.f32 v25  }
0x38c: {  	v27 =	vld [tilespmem:s19+$0xFFFFFBE0];
	v26 =	vmin.f32 v26, $6.400000000e+01;
	v13 =	vmin.f32 v13, $6.400000000e+01;
	v19 =	vmin.f32 v19, $6.400000000e+01  }
0x38d: {  	v24 =	vmin.f32 v24, $6.400000000e+01;
	v23 =	vcvt.f32.s32 v23;
	v25 =	vcvt.f32.s32 v25  }
0x38e: {  	v21 =	vmin.f32 v21, $6.400000000e+01;
	v26 =	vtrunc.f32 v26;
	v13 =	vtrunc.f32 v13  }
0x38f: {  	v22 =	vmin.f32 v22, $6.400000000e+01;
	v19 =	vtrunc.f32 v19;
	v24 =	vtrunc.f32 v24  }
0x390: {  	v20 =	vmin.f32 v20, $6.400000000e+01;
	v21 =	vtrunc.f32 v21;
	v22 =	vtrunc.f32 v22  }
0x391: {  	s25 =	simm.s32 $0x40;
	v27 =	vadd.f32 v27, v10;
	v20 =	vtrunc.f32 v20;
	v26 =	vcvt.f32.s32 v26  }
0x392: {  	s18 =	sand.u32 $0x380, s25;
	s17 =	sand.u32 $0x40, s25;
	v28 =	vld [tilespmem:s19+$0xFFFFFBF0];
	v33 =	vsub.f32 v33, v5;
	v13 =	vcvt.f32.s32 v13;
	v19 =	vcvt.f32.s32 v19  }
0x393: {  	s20 =	sor.u32 s17, s18;
	v29 =	vld [tilespmem:s19+$0xFFFFFFF0];
	v23 =	vmul.u32 $0x22, v23;
	v24 =	vcvt.f32.s32 v24;
	v21 =	vcvt.f32.s32 v21  }
0x394: {  	v30 =	vld [tilespmem:s20+$0x13A00];
	v25 =	vmul.u32 $0x22, v25;
	v22 =	vcvt.f32.s32 v22;
	v20 =	vcvt.f32.s32 v20  }
0x395: {  	v31 =	vld [tilespmem:s19+$0xFFFFFC00];
	v26 =	vmul.u32 $0x22, v26;
	v13 =	vmul.u32 $0x484, v13;
	v19 =	vadd.s32 v19, v8  }
0x396: {  	v24 =	vmul.u32 $0x484, v24;
	v21 =	vadd.s32 v21, v8;
	v19 =	vadd.s32 v23, v19  }
0x397: {  	v22 =	vmul.u32 $0x484, v22;
	v20 =	vadd.s32 v20, v8;
	v23 =	vld [tilespmem:s20+$0x13E00];
	v13 =	vadd.s32 v13, v19  }
0x398: {  	v19 =	vadd.s32 v25, v21;
	v21 =	vadd.f32 v28, v10;
	v25 =	vld [tilespmem:s19+$0x0];
	v20 =	vadd.s32 v26, v20  }
0x399: {  	v28 =	vld [tilespmem:s19+$0xFFFFFC10];
	v26 =	vadd.f32 v30, v11;
	v19 =	vadd.s32 v24, v19;
	v24 =	vsub.f32 v27, v3  }
0x39a: {  	v30 =	vadd.f32 v31, v10;
	v31 =	vld [tilespmem:s19+$0x10];
	v27 =	vadd.f32 v29, v11  }
0x39b: {  	v20 =	vadd.s32 v22, v20;
	v21 =	vsub.f32 v21, v3;
	v29 =	vshrl.u32 v24, $0x10  }
0x39c: {  	v26 =	vsub.f32 v26, v4;
	v27 =	vsub.f32 v27, v4;
	v29 =	vand.u32 $0x1, v29  }
0x39d: {  	v23 =	vadd.f32 v23, v12;
	v44 =	vshrl.u32 v21, $0x10;
	v24 =	vadd.s32 v29, v24  }
0x39e: {  	v25 =	vadd.f32 v25, v11;
	v29 =	vshrl.u32 v26, $0x10;
	v28 =	vadd.f32 v28, v10  }
0x39f: {  	v31 =	vadd.f32 v31, v11;
	v23 =	vsub.f32 v23, v5;
	v24 =	vadd.s32 $0x7FFF, v24  }
0x3a0: {  	v46 =	vshrl.u32 v27, $0x10;
	v13 =	vld.idx.msk [tilespmem:v13+s1+$0x0], $0xffff;
	v29 =	vand.u32 $0x1, v29;
	v24 =	vand.u32 $0xFFFF0000, v24  }
0x3a1: {  	v26 =	vadd.s32 v29, v26;
	v25 =	vsub.f32 v25, v4;
	v47 =	vshrl.u32 v23, $0x10  }
0x3a2: {  	v48 =	vmul.f32 v24, v56;
	v26 =	vadd.s32 $0x7FFF, v26;
	v29 =	vand.u32 $0x1, v47  }
0x3a3: {  	v26 =	vand.u32 $0xFFFF0000, v26;
	v23 =	vadd.s32 v29, v23;
	v29 =	vmul.f32 v24, v58  }
0x3a4: {  	v31 =	vsub.f32 v31, v4;
	v24 =	vmul.f32 v24, v57;
	v49 =	vmul.f32 v26, v59  }
0x3a5: {  	v40 =	vmul.f32 v26, v60;
	v13 =	vshrl.u32 v13, v9;
	v23 =	vadd.s32 $0x7FFF, v23  }
0x3a6: {  	v42 =	vld [tilespmem:s19+$0x3F0];
	v26 =	vmul.f32 v26, v61;
	v13 =	vshll.u32 v13, $0x10;
	v23 =	vand.u32 $0xFFFF0000, v23  }
0x3a7: {  	v32 =	vadd.f32 v49, v48;
	v24 =	vadd.f32 v40, v24;
	v41 =	vmul.f32 v23, v62  }
0x3a8: {  	v26 =	vadd.f32 v26, v29;
	v43 =	vmul.f32 v23, v63;
	v23 =	vmul.f32 v23, v2  }
0x3a9: {  	v29 =	vsub.f32 v30, v3;
	v30 =	vld [tilespmem:s19+$0x400];
	v48 =	vshrl.u32 v25, $0x10;
	v22 =	vadd.f32 v41, v32  }
0x3aa: {  	v40 =	vshrl.u32 v31, $0x10;
	v24 =	vadd.f32 v43, v24;
	v23 =	vadd.f32 v23, v26  }
0x3ab: {  	v47 =	vshrl.u32 v29, $0x10;
	v26 =	vsub.f32 v28, v3;
	v28 =	vadd.f32 v42, v12  }
0x3ac: {  	v41 =	vand.u32 $0x1, v46;
	v42 =	vand.u32 $0x1, v48;
	v43 =	vand.u32 $0x1, v40  }
0x3ad: {  	v27 =	vadd.s32 v41, v27;
	v22 =	vmul.f32 v22, v6;
	v24 =	vmul.f32 v24, v6  }
0x3ae: {  	v25 =	vadd.s32 v42, v25;
	v23 =	vmul.f32 v23, v6;
	v30 =	vadd.f32 v30, v12  }
0x3af: {  	v49 =	vshrl.u32 v26, $0x10;
	v22 =	vadd.f32 $3.200000000e+01, v22;
	v24 =	vadd.f32 $3.200000000e+01, v24  }
0x3b0: {  	v28 =	vsub.f32 v28, v5;
	v27 =	vadd.s32 $0x7FFF, v27;
	v23 =	vadd.f32 $3.200000000e+01, v23  }
0x3b1: {  	v25 =	vadd.s32 $0x7FFF, v25;
	v22 =	vmax.f32 v22, $3.150000000e+01;
	v24 =	vmax.f32 v24, $3.150000000e+01  }
0x3b2: {  	v23 =	vmax.f32 v23, $3.150000000e+01;
	v22 =	vmin.f32 v22, $6.400000000e+01;
	v24 =	vmin.f32 v24, $6.400000000e+01  }
0x3b3: {  	v23 =	vmin.f32 v23, $6.400000000e+01;
	v22 =	vtrunc.f32 v22;
	v24 =	vtrunc.f32 v24  }
0x3b4: {  	v27 =	vand.u32 $0xFFFF0000, v27;
	v23 =	vtrunc.f32 v23;
	v24 =	vcvt.f32.s32 v24  }
0x3b5: {  	v25 =	vand.u32 $0xFFFF0000, v25;
	v22 =	vcvt.f32.s32 v22;
	v23 =	vcvt.f32.s32 v23  }
0x3b6: {  	v30 =	vsub.f32 v30, v5;
	v46 =	vmul.f32 v25, v60;
	v24 =	vmul.u32 $0x22, v24  }
0x3b7: {  	v42 =	vmul.f32 v25, v59;
	v22 =	vmul.u32 $0x484, v22;
	v23 =	vadd.s32 v23, v8  }
0x3b8: {  	v25 =	vmul.f32 v25, v61;
	v23 =	vadd.s32 v24, v23;
	v24 =	vand.u32 $0x1, v44  }
0x3b9: {  	v44 =	vshrl.u32 v33, $0x10;
	v22 =	vadd.s32 v22, v23;
	v23 =	vand.u32 $0x1, v47  }
0x3ba: {  	v21 =	vadd.s32 v24, v21;
	v24 =	vand.u32 $0x1, v49;
	v32 =	vand.u32 $0x1, v44  }
0x3bb: {  	v23 =	vadd.s32 v23, v29;
	v29 =	vshrl.u32 v28, $0x10;
	v24 =	vadd.s32 v24, v26  }
0x3bc: {  	v26 =	vadd.s32 v43, v31;
	v21 =	vadd.s32 $0x7FFF, v21;
	v31 =	vshrl.u32 v30, $0x10  }
0x3bd: {  	v23 =	vadd.s32 $0x7FFF, v23;
	v29 =	vand.u32 $0x1, v29;
	v24 =	vadd.s32 $0x7FFF, v24  }
0x3be: {  	v26 =	vadd.s32 $0x7FFF, v26;
	v21 =	vand.u32 $0xFFFF0000, v21;
	v31 =	vand.u32 $0x1, v31  }
0x3bf: {  	v23 =	vand.u32 $0xFFFF0000, v23;
	v24 =	vand.u32 $0xFFFF0000, v24;
	v34 =	vmul.f32 v21, v57  }
0x3c0: {  	v30 =	vadd.s32 v31, v30;
	v31 =	vadd.s32 v32, v33;
	v32 =	vmul.f32 v27, v60  }
0x3c1: {  	v26 =	vand.u32 $0xFFFF0000, v26;
	v49 =	vmul.f32 v21, v56;
	v45 =	vmul.f32 v23, v57  }
0x3c2: {  	v28 =	vadd.s32 v29, v28;
	v47 =	vmul.f32 v24, v57;
	v48 =	vmul.f32 v26, v60  }
0x3c3: {  	v28 =	vadd.s32 $0x7FFF, v28;
	v41 =	vmul.f32 v23, v56;
	v23 =	vmul.f32 v23, v58  }
0x3c4: {  	v30 =	vadd.s32 $0x7FFF, v30;
	v43 =	vmul.f32 v24, v56;
	v44 =	vmul.f32 v26, v59  }
0x3c5: {  	v31 =	vadd.s32 $0x7FFF, v31;
	v24 =	vmul.f32 v24, v58;
	v26 =	vmul.f32 v26, v61  }
0x3c6: {  	v28 =	vand.u32 $0xFFFF0000, v28;
	v30 =	vand.u32 $0xFFFF0000, v30;
	v31 =	vand.u32 $0xFFFF0000, v31  }
0x3c7: {  	v22 =	vld.idx.msk [tilespmem:v22+s1+$0x0], $0xffff;
	v32 =	vadd.f32 v32, v34;
	v33 =	vadd.f32 v46, v45;
	v46 =	vmul.f32 v28, v63  }
0x3c8: {  	s23 =	simm.s32 $0x13AA0;
	v45 =	vadd.f32 v48, v47;
	v47 =	vmul.f32 v30, v63;
	v48 =	vmul.f32 v31, v63  }
0x3c9: {  	s20 =	sadd.s32 s18, s14;
	v34 =	vld [tilespmem:s23+$0x10];
	v23 =	vadd.f32 v25, v23;
	v25 =	vadd.f32 v44, v43;
	v43 =	vmul.f32 v31, v62  }
0x3ca: {  	v19 =	vld.idx.msk [tilespmem:v19+s1+$0x0], $0xffff;
	s19 =	sadd.s32 s17, s20;
	v24 =	vadd.f32 v26, v24;
	v31 =	vmul.f32 v31, v2;
	v26 =	vadd.f32 v46, v32  }
0x3cb: {  	v29 =	vld [tilespmem:s19+$0x0];
	v21 =	vmul.f32 v21, v58;
	v33 =	vadd.f32 v47, v33;
	v25 =	vadd.f32 v43, v25  }
0x3cc: {  	v35 =	vadd.f32 v48, v45;
	v24 =	vadd.f32 v31, v24;
	v22 =	vshrl.u32 v22, v9  }
0x3cd: {  	v26 =	vmul.f32 v26, v6;
	v25 =	vmul.f32 v25, v6;
	v22 =	vshll.u32 v22, $0x10  }
0x3ce: {  	v24 =	vmul.f32 v24, v6;
	v34 =	vadd.f32 v34, v11;
	v22 =	vmul.f32 v22, v7  }
0x3cf: {  	v31 =	vshrl.u32 v19, v9;
	v26 =	vadd.f32 $3.200000000e+01, v26;
	v25 =	vadd.f32 $3.200000000e+01, v25  }
0x3d0: {  	v24 =	vadd.f32 $3.200000000e+01, v24;
	v22 =	vmin.f32 v29, v22;
	v29 =	vmul.f32 v27, v59  }
0x3d1: {  	v20 =	vld.idx.msk [tilespmem:v20+s1+$0x0], $0xffff;
	v27 =	vmul.f32 v27, v61;
	v26 =	vmax.f32 v26, $3.150000000e+01;
	v25 =	vmax.f32 v25, $3.150000000e+01  }
0x3d2: {  	v24 =	vmax.f32 v24, $3.150000000e+01;
	v26 =	vmin.f32 v26, $6.400000000e+01;
	v25 =	vmin.f32 v25, $6.400000000e+01  }
0x3d3: {  	v29 =	vadd.f32 v29, v49;
	v21 =	vadd.f32 v27, v21;
	v49 =	vmul.f32 v28, v62  }
0x3d4: {  	v27 =	vadd.f32 v42, v41;
	v28 =	vmul.f32 v28, v2;
	v42 =	vmul.f32 v30, v62  }
0x3d5: {  	v47 =	vld [tilespmem:s23+$0xFFFFFBF0];
	v24 =	vmin.f32 v24, $6.400000000e+01;
	v30 =	vmul.f32 v30, v2;
	v26 =	vtrunc.f32 v26  }
0x3d6: {  	v45 =	vshrl.u32 v20, v9;
	v25 =	vtrunc.f32 v25;
	v24 =	vtrunc.f32 v24  }
0x3d7: {  	v34 =	vsub.f32 v34, v4;
	v26 =	vcvt.f32.s32 v26;
	v25 =	vcvt.f32.s32 v25  }
0x3d8: {  	v24 =	vcvt.f32.s32 v24;
	v29 =	vadd.f32 v49, v29;
	v21 =	vadd.f32 v28, v21  }
0x3d9: {  	v27 =	vadd.f32 v42, v27;
	v23 =	vadd.f32 v30, v23;
	v28 =	vmul.f32 v33, v6  }
0x3da: {  	v30 =	vmul.f32 v35, v6;
	v49 =	vadd.f32 v47, v10;
	v29 =	vmul.f32 v29, v6  }
0x3db: {  	v21 =	vmul.f32 v21, v6;
	v27 =	vmul.f32 v27, v6;
	v28 =	vadd.f32 $3.200000000e+01, v28  }
0x3dc: {  	v23 =	vmul.f32 v23, v6;
	v30 =	vadd.f32 $3.200000000e+01, v30;
	v29 =	vadd.f32 $3.200000000e+01, v29  }
0x3dd: {  	v21 =	vadd.f32 $3.200000000e+01, v21;
	v27 =	vadd.f32 $3.200000000e+01, v27;
	v28 =	vmax.f32 v28, $3.150000000e+01  }
0x3de: {  	v23 =	vadd.f32 $3.200000000e+01, v23;
	v30 =	vmax.f32 v30, $3.150000000e+01;
	v28 =	vmin.f32 v28, $6.400000000e+01  }
0x3df: {  	v30 =	vmin.f32 v30, $6.400000000e+01;
	v29 =	vmax.f32 v29, $3.150000000e+01;
	v21 =	vmax.f32 v21, $3.150000000e+01  }
0x3e0: {  	v27 =	vmax.f32 v27, $3.150000000e+01;
	v23 =	vmax.f32 v23, $3.150000000e+01;
	v28 =	vtrunc.f32 v28  }
0x3e1: {  	v30 =	vtrunc.f32 v30;
	v29 =	vmin.f32 v29, $6.400000000e+01;
	v21 =	vmin.f32 v21, $6.400000000e+01  }
0x3e2: {  	s28 =	simm.s32 $0x20;
	v27 =	vmin.f32 v27, $6.400000000e+01;
	v28 =	vcvt.f32.s32 v28;
	v30 =	vcvt.f32.s32 v30  }
0x3e3: {  	s26 =	simm.s32 $0x10;
	s18 =	sand.u32 $0x60, s28;
	v23 =	vmin.f32 v23, $6.400000000e+01;
	v29 =	vtrunc.f32 v29;
	v19 =	vtrunc.f32 v21  }
0x3e4: {  	s21 =	sadd.s32 s18, s16;
	s17 =	sand.u32 $0x50, s26;
	v41 =	vld [tilespmem:s23+$0xFFFFFC10];
	v26 =	vmul.u32 $0x22, v26;
	v21 =	vtrunc.f32 v27;
	v23 =	vtrunc.f32 v23  }
0x3e5: {  	s22 =	sadd.s32 s17, s16;
	v44 =	vld [tilespmem:s21+$0x0];
	v27 =	vmul.u32 $0x22, v28;
	v28 =	vcvt.f32.s32 v29;
	v19 =	vcvt.f32.s32 v19  }
0x3e6: {  	s29 =	simm.s32 $0x80;
	v24 =	vadd.s32 v24, v8;
	v29 =	vld [tilespmem:s22+$0x0];
	v21 =	vcvt.f32.s32 v21;
	v23 =	vcvt.f32.s32 v23  }
0x3e7: {  	s30 =	sand.u32 $0x380, s29;
	s17 =	sand.u32 $0x40, s29;
	v30 =	vmul.u32 $0x22, v30;
	v20 =	vmul.u32 $0x484, v28;
	v28 =	vld [tilespmem:s23+$0xFFFFFBE0];
	v19 =	vadd.s32 v19, v8  }
0x3e8: {  	s24 =	sor.u32 s17, s30;
	v46 =	vmul.u32 $0x484, v21;
	v21 =	vadd.s32 v23, v8;
	v23 =	vmul.u32 $0x484, v25;
	v25 =	vld [tilespmem:s23+$0xFFFFFFF0]  }
0x3e9: {  	v33 =	vadd.f32 v41, v10;
	v19 =	vadd.s32 v26, v19;
	v26 =	vadd.s32 v27, v21;
	v27 =	vld [tilespmem:s24+$0x13A00]  }
0x3ea: {  	v21 =	vadd.s32 v20, v19;
	v19 =	vadd.s32 v46, v26;
	v20 =	vadd.s32 v30, v24;
	v26 =	vld [tilespmem:s24+$0x13E00]  }
0x3eb: {  	v30 =	vld [tilespmem:s23+$0xFFFFFC00];
	v20 =	vadd.s32 v23, v20;
	v23 =	vshll.u32 v31, $0x10;
	v31 =	vmul.f32 v13, v7  }
0x3ec: {  	v33 =	vsub.f32 v33, v3;
	v48 =	vmul.f32 v23, v7;
	v28 =	vadd.f32 v28, v10  }
0x3ed: {  	v25 =	vadd.f32 v25, v11;
	v23 =	vmin.f32 v29, v31;
	v29 =	vsub.f32 v49, v3  }
0x3ee: {  	v40 =	vld [tilespmem:s23+$0x0];
	v24 =	vshll.u32 v45, $0x10;
	v27 =	vadd.f32 v27, v11;
	v28 =	vsub.f32 v28, v3  }
0x3ef: {  	v13 =	vmul.f32 v24, v7;
	v26 =	vadd.f32 v26, v12;
	v25 =	vsub.f32 v25, v4  }
0x3f0: {  	v24 =	vmin.f32 v44, v48;
	v30 =	vadd.f32 v30, v10;
	v27 =	vsub.f32 v27, v4  }
0x3f1: {  	v38 =	vshrl.u32 v29, $0x10;
	v31 =	vshrl.u32 v28, $0x10;
	v26 =	vsub.f32 v26, v5  }
0x3f2: {  	v30 =	vsub.f32 v30, v3;
	v31 =	vand.u32 $0x1, v31;
	v42 =	vshrl.u32 v27, $0x10  }
0x3f3: {  	v28 =	vadd.s32 v31, v28;
	v31 =	vadd.f32 v40, v11;
	v32 =	vand.u32 $0x1, v42  }
0x3f4: {  	v43 =	vshrl.u32 v26, $0x10;
	v28 =	vadd.s32 $0x7FFF, v28;
	v27 =	vadd.s32 v32, v27  }
0x3f5: {  	v44 =	vand.u32 $0x1, v43;
	v43 =	vshrl.u32 v33, $0x10;
	v28 =	vand.u32 $0xFFFF0000, v28  }
0x3f6: {  	v27 =	vadd.s32 $0x7FFF, v27;
	v26 =	vadd.s32 v44, v26;
	v45 =	vmul.f32 v28, v56  }
0x3f7: {  	v44 =	vld [tilespmem:s23+$0x3F0];
	v46 =	vmul.f32 v28, v58;
	v27 =	vand.u32 $0xFFFF0000, v27;
	v28 =	vmul.f32 v28, v57  }
0x3f8: {  	v26 =	vadd.s32 $0x7FFF, v26;
	v47 =	vmul.f32 v27, v59;
	v48 =	vmul.f32 v27, v60  }
0x3f9: {  	v31 =	vsub.f32 v31, v4;
	v26 =	vand.u32 $0xFFFF0000, v26;
	v27 =	vmul.f32 v27, v61  }
0x3fa: {  	v49 =	vmul.f32 v26, v62;
	v35 =	vadd.f32 v47, v45;
	v28 =	vadd.f32 v48, v28  }
0x3fb: {  	v45 =	vmul.f32 v26, v63;
	v27 =	vadd.f32 v27, v46;
	v26 =	vmul.f32 v26, v2  }
0x3fc: {  	v46 =	vld [tilespmem:s23+$0x400];
	v48 =	vshrl.u32 v30, $0x10;
	v40 =	vadd.f32 v44, v12;
	v44 =	vshrl.u32 v34, $0x10  }
0x3fd: {  	v47 =	vld [tilespmem:s23+$0x410];
	v48 =	vand.u32 $0x1, v48;
	v35 =	vadd.f32 v49, v35;
	v28 =	vadd.f32 v45, v28  }
0x3fe: {  	v26 =	vadd.f32 v26, v27;
	v27 =	vshrl.u32 v25, $0x10;
	v49 =	vshrl.u32 v31, $0x10  }
0x3ff: {  	v45 =	vand.u32 $0x1, v44;
	v40 =	vsub.f32 v40, v5;
	v27 =	vand.u32 $0x1, v27  }
0x400: {  	v49 =	vand.u32 $0x1, v49;
	v35 =	vmul.f32 v35, v6;
	v28 =	vmul.f32 v28, v6  }
0x401: {  	v26 =	vmul.f32 v26, v6;
	v25 =	vadd.s32 v27, v25;
	v27 =	vadd.s32 v48, v30  }
0x402: {  	v30 =	vadd.s32 v49, v31;
	v32 =	vadd.f32 v46, v12;
	v39 =	vadd.f32 v47, v12  }
0x403: {  	v31 =	vshrl.u32 v40, $0x10;
	v46 =	vadd.s32 v45, v34;
	v25 =	vadd.s32 $0x7FFF, v25  }
0x404: {  	v27 =	vadd.s32 $0x7FFF, v27;
	v30 =	vadd.s32 $0x7FFF, v30;
	v35 =	vadd.f32 $3.200000000e+01, v35  }
0x405: {  	v28 =	vadd.f32 $3.200000000e+01, v28;
	v26 =	vadd.f32 $3.200000000e+01, v26;
	v31 =	vand.u32 $0x1, v31  }
0x406: {  	v25 =	vand.u32 $0xFFFF0000, v25;
	v27 =	vand.u32 $0xFFFF0000, v27;
	v30 =	vand.u32 $0xFFFF0000, v30  }
0x407: {  	v32 =	vsub.f32 v32, v5;
	v39 =	vsub.f32 v39, v5;
	v41 =	vmul.f32 v30, v60  }
0x408: {  	v45 =	vmul.f32 v27, v56;
	v35 =	vmax.f32 v35, $3.150000000e+01;
	v28 =	vmax.f32 v28, $3.150000000e+01  }
0x409: {  	v26 =	vmax.f32 v26, $3.150000000e+01;
	v35 =	vmin.f32 v35, $6.400000000e+01;
	v28 =	vmin.f32 v28, $6.400000000e+01  }
0x40a: {  	v26 =	vmin.f32 v26, $6.400000000e+01;
	v35 =	vtrunc.f32 v35;
	v28 =	vtrunc.f32 v28  }
0x40b: {  	v31 =	vadd.s32 v31, v40;
	v26 =	vtrunc.f32 v26;
	v28 =	vcvt.f32.s32 v28  }
0x40c: {  	v47 =	vshrl.u32 v32, $0x10;
	v35 =	vcvt.f32.s32 v35;
	v26 =	vcvt.f32.s32 v26  }
0x40d: {  	v31 =	vadd.s32 $0x7FFF, v31;
	v34 =	vand.u32 $0x1, v47;
	v28 =	vmul.u32 $0x22, v28  }
0x40e: {  	v32 =	vadd.s32 v34, v32;
	v35 =	vmul.u32 $0x484, v35;
	v26 =	vadd.s32 v26, v8  }
0x40f: {  	v48 =	vshrl.u32 v39, $0x10;
	v32 =	vadd.s32 $0x7FFF, v32;
	v26 =	vadd.s32 v28, v26  }
0x410: {  	v32 =	vand.u32 $0xFFFF0000, v32;
	v28 =	vand.u32 $0x1, v38;
	v26 =	vadd.s32 v35, v26  }
0x411: {  	v28 =	vadd.s32 v28, v29;
	v29 =	vand.u32 $0x1, v43;
	v35 =	vand.u32 $0x1, v48  }
0x412: {  	v48 =	vmul.f32 v25, v60;
	v29 =	vadd.s32 v29, v33;
	v33 =	vadd.s32 $0x7FFF, v46  }
0x413: {  	v49 =	vadd.s32 v35, v39;
	v39 =	vmul.f32 v27, v57;
	v46 =	vmul.f32 v30, v59  }
0x414: {  	v28 =	vadd.s32 $0x7FFF, v28;
	v27 =	vmul.f32 v27, v58;
	v30 =	vmul.f32 v30, v61  }
0x415: {  	v29 =	vadd.s32 $0x7FFF, v29;
	v28 =	vand.u32 $0xFFFF0000, v28;
	v33 =	vand.u32 $0xFFFF0000, v33  }
0x416: {  	v34 =	vadd.s32 $0x7FFF, v49;
	v49 =	vmul.f32 v25, v59;
	v25 =	vmul.f32 v25, v61  }
0x417: {  	v29 =	vand.u32 $0xFFFF0000, v29;
	v40 =	vmul.f32 v28, v57;
	v43 =	vmul.f32 v33, v60  }
0x418: {  	v44 =	vmul.f32 v28, v56;
	v28 =	vmul.f32 v28, v58;
	v39 =	vadd.f32 v41, v39  }
0x419: {  	v27 =	vadd.f32 v30, v27;
	v42 =	vmul.f32 v29, v57;
	v47 =	vmul.f32 v29, v56  }
0x41a: {  	v26 =	vld.idx.msk [tilespmem:v26+s1+$0x0], $0xffff;
	v35 =	vadd.f32 v48, v40;
	v48 =	vmul.f32 v33, v59;
	v25 =	vadd.f32 v25, v28  }
0x41b: {  	v28 =	vadd.f32 v46, v45;
	v41 =	vadd.f32 v43, v42;
	v43 =	vmul.f32 v32, v63  }
0x41c: {  	s24 =	sadd.s32 s30, s14;
	v30 =	vadd.f32 v48, v47;
	v47 =	vmul.f32 v32, v62;
	v32 =	vmul.f32 v32, v2  }
0x41d: {  	s25 =	sadd.s32 s17, s24;
	v31 =	vand.u32 $0xFFFF0000, v31  }
0x41e: {  	v38 =	vld [tilespmem:s25+$0x0];
	v34 =	vand.u32 $0xFFFF0000, v34;
	v28 =	vadd.f32 v47, v28;
	v27 =	vadd.f32 v32, v27  }
0x41f: {  	v29 =	vmul.f32 v29, v58;
	v33 =	vmul.f32 v33, v61;
	v26 =	vshrl.u32 v26, v9  }
0x420: {  	v26 =	vshll.u32 v26, $0x10;
	v28 =	vmul.f32 v28, v6;
	v27 =	vmul.f32 v27, v6  }
0x421: {  	v29 =	vadd.f32 v33, v29;
	v39 =	vadd.f32 v43, v39;
	v26 =	vmul.f32 v26, v7  }
0x422: {  	v45 =	vmul.f32 v31, v62;
	v28 =	vadd.f32 $3.200000000e+01, v28;
	v27 =	vadd.f32 $3.200000000e+01, v27  }
0x423: {  	v26 =	vmin.f32 v38, v26;
	v38 =	vadd.f32 v49, v44;
	v49 =	vmul.f32 v31, v63  }
0x424: {  	v44 =	vmul.f32 v34, v63;
	v31 =	vmul.f32 v31, v2;
	v28 =	vmax.f32 v28, $3.150000000e+01  }
0x425: {  	v27 =	vmax.f32 v27, $3.150000000e+01;
	v48 =	vadd.f32 v49, v35;
	v49 =	vmul.f32 v34, v62  }
0x426: {  	v21 =	vld.idx.msk [tilespmem:v21+s1+$0x0], $0xffff;
	v41 =	vadd.f32 v44, v41;
	v34 =	vmul.f32 v34, v2;
	v38 =	vadd.f32 v45, v38  }
0x427: {  	v25 =	vadd.f32 v31, v25;
	v45 =	vmul.f32 v39, v6;
	v39 =	vmin.f32 v27, $6.400000000e+01  }
0x428: {  	v39 =	vtrunc.f32 v39;
	v31 =	vmul.f32 v48, v6;
	v30 =	vadd.f32 v49, v30  }
0x429: {  	v29 =	vadd.f32 v34, v29;
	v46 =	vmul.f32 v41, v6;
	v47 =	vmul.f32 v38, v6  }
0x42a: {  	v25 =	vmul.f32 v25, v6;
	v32 =	vadd.f32 $3.200000000e+01, v45;
	v48 =	vmin.f32 v28, $6.400000000e+01  }
0x42b: {  	v28 =	vshrl.u32 v21, v9;
	v48 =	vtrunc.f32 v48;
	v31 =	vadd.f32 $3.200000000e+01, v31  }
0x42c: {  	v30 =	vmul.f32 v30, v6;
	v33 =	vadd.f32 $3.200000000e+01, v46;
	v29 =	vmul.f32 v29, v6  }
0x42d: {  	v34 =	vadd.f32 $3.200000000e+01, v47;
	v25 =	vadd.f32 $3.200000000e+01, v25;
	v32 =	vmax.f32 v32, $3.150000000e+01  }
0x42e: {  	s31 =	simm.s32 $0x30;
	v38 =	vcvt.f32.s32 v48;
	v32 =	vmin.f32 v32, $6.400000000e+01;
	v31 =	vmax.f32 v31, $3.150000000e+01  }
0x42f: {  	s18 =	simm.s32 $0x50;
	s29 =	simm.s32 $0xA0;
	s17 =	sand.u32 $0x70, s31;
	v30 =	vadd.f32 $3.200000000e+01, v30;
	v29 =	vadd.f32 $3.200000000e+01, v29;
	v33 =	vmax.f32 v33, $3.150000000e+01  }
0x430: {  	s26 =	simm.s32 $0x70;
	s31 =	sand.u32 $0x60, s29;
	s16 =	sadd.s32 s17, s16;
	v34 =	vmax.f32 v34, $3.150000000e+01;
	v25 =	vmax.f32 v25, $3.150000000e+01;
	v32 =	vtrunc.f32 v32  }
0x431: {  	s17 =	sand.u32 $0x50, s18;
	[tilespmem:s22+$0x0] =	vst v23;
	s22 =	sadd.s32 s31, s24;
	s23 =	simm.s32 $0x60;
	v35 =	vld.idx.msk [tilespmem:v19+s1+$0x0], $0xffff;
	v31 =	vmin.f32 v31, $6.400000000e+01;
	v33 =	vmin.f32 v33, $6.400000000e+01;
	v34 =	vmin.f32 v34, $6.400000000e+01  }
0x432: {  	s18 =	sand.u32 $0x60, s23;
	s23 =	sand.u32 $0x70, s26;
	s26 =	simm.s32 $0x90;
	v46 =	vld.idx.msk [tilespmem:v20+s1+$0x0], $0xffff;
	v25 =	vmin.f32 v25, $6.400000000e+01;
	v30 =	vmax.f32 v30, $3.150000000e+01;
	v31 =	vtrunc.f32 v31  }
0x433: {  	[tilespmem:s21+$0x0] =	vst v24;
	v24 =	vld [tilespmem:s22+$0x0];
	s18 =	sadd.s32 s18, s20;
	s28 =	sand.u32 $0x50, s26;
	v29 =	vmax.f32 v29, $3.150000000e+01;
	v33 =	vtrunc.f32 v33;
	v47 =	vtrunc.f32 v34  }
0x434: {  	[tilespmem:s15+$0x0] =	vst v18;
	s15 =	sadd.s32 s23, s20;
	v18 =	vld [tilespmem:s18+$0x0];
	s23 =	sadd.s32 s28, s24;
	v25 =	vtrunc.f32 v25;
	v45 =	vmin.f32 v29, $6.400000000e+01;
	v29 =	vcvt.f32.s32 v31  }
0x435: {  	v23 =	vld [tilespmem:s23+$0x0];
	v49 =	vmin.f32 v30, $6.400000000e+01;
	v31 =	vcvt.f32.s32 v32;
	v33 =	vcvt.f32.s32 v33  }
0x436: {  	s30 =	simm.s32 $0xB0;
	v19 =	vld [tilespmem:s16+$0x0];
	v27 =	vshrl.u32 v35, v9;
	v35 =	vcvt.f32.s32 v25;
	v40 =	vtrunc.f32 v49  }
0x437: {  	[tilespmem:s19+$0x0] =	vst v22;
	s19 =	sand.u32 $0x70, s30;
	s17 =	sadd.s32 s17, s20;
	v21 =	vld [tilespmem:s15+$0x0];
	v22 =	vshrl.u32 v46, v9;
	v49 =	vcvt.f32.s32 v47;
	v32 =	vtrunc.f32 v45  }
0x438: {  	s24 =	sadd.s32 s19, s24;
	v20 =	vld [tilespmem:s17+$0x0];
	v30 =	vmul.u32 $0x22, v29;
	v29 =	vmul.u32 $0x22, v31;
	v31 =	vmul.u32 $0x22, v33  }
0x439: {  	s21 =	simm.s32 $0x13AE0;
	s20 =	simm.s32 $0xF0;
	s19 =	simm.s32 $0x8;
	[tilespmem:s25+$0x0] =	vst v26;
	v25 =	vld [tilespmem:s24+$0x0];
	v33 =	vcvt.f32.s32 v39;
	v34 =	vcvt.f32.s32 v40;
	v26 =	vmul.u32 $0x484, v49  }
.LBB2_11:
0x43a: {  	s25 =	sadd.s32 $0xFFFFFFD0, s20;
	v39 =	vld [tilespmem:s21+$0xFFFFFBE0];
	s28 =	sadd.s32 $0xFFFFFFE0, s20;
	s19 =	sadd.s32 $0x4, s19;
	v35 =	vadd.s32 v35, v8;
	v38 =	vmul.u32 $0x484, v38;
	v32 =	vcvt.f32.s32 v32  }
0x43b: {  	s26 =	sand.u32 $0x380, s25;
	s25 =	sand.u32 $0x40, s25;
	v40 =	vld [tilespmem:s21+$0xFFFFFBF0];
	p0 =	slt.u32 s19, $0x3C;
	v30 =	vadd.s32 v30, v35;
	v33 =	vadd.s32 v33, v8;
	v34 =	vmul.u32 $0x484, v34  }
0x43c: {  	s29 =	sand.u32 $0x50, s28;
	s28 =	sadd.s32 $0xFFFFFFF0, s20;
	s31 =	sor.u32 s25, s26;
	v35 =	vld [tilespmem:s21+$0xFFFFFFF0];
	v26 =	vadd.s32 v26, v30;
	v29 =	vadd.s32 v29, v33;
	v30 =	vadd.s32 v32, v8  }
0x43d: {  	v28 =	vshll.u32 v28, $0x10;
	s30 =	sand.u32 $0x60, s28;
	s28 =	sand.u32 $0x70, s20;
	v32 =	vld [tilespmem:s31+$0x13A00];
	v29 =	vadd.s32 v38, v29;
	v30 =	vadd.s32 v31, v30  }
0x43e: {  	v27 =	vshll.u32 v27, $0x10;
	v22 =	vshll.u32 v22, $0x10;
	v31 =	vld [tilespmem:s31+$0x13E00];
	v30 =	vadd.s32 v34, v30  }
0x43f: {  	v28 =	vmul.f32 v28, v7;
	v27 =	vmul.f32 v27, v7;
	v33 =	vadd.f32 v39, v10;
	v34 =	vld [tilespmem:s21+$0xFFFFFC00]  }
0x440: {  	v38 =	vadd.f32 v40, v10;
	v39 =	vld [tilespmem:s21+$0x0];
	v40 =	vmin.f32 v19, v13;
	v13 =	vmul.f32 v22, v7;
	v19 =	vmovc v21  }
0x441: {  	v41 =	vmin.f32 v20, v28;
	v22 =	vsub.f32 v33, v3;
	v43 =	vadd.f32 v35, v11;
	v33 =	vld [tilespmem:s21+$0xFFFFFC10];
	[tilespmem:s16+$0x0] =	vst v40;
	s16 =	smov.u32 s15;
	s15 =	smov.u32 s24  }
0x442: {  	v42 =	vmin.f32 v18, v27;
	v28 =	vadd.f32 v32, v11;
	v32 =	vsub.f32 v38, v3;
	v35 =	vld [tilespmem:s21+$0x10];
	[tilespmem:s17+$0x0] =	vst v41;
	s17 =	smov.u32 s23  }
0x443: {  	v20 =	vmovc v23;
	v27 =	vshrl.u32 v22, $0x10;
	v31 =	vadd.f32 v31, v12;
	v38 =	vsub.f32 v43, v4;
	v40 =	vld [tilespmem:s21+$0x3F0];
	[tilespmem:s18+$0x0] =	vst v42;
	s18 =	smov.u32 s22  }
0x444: {  	v18 =	vmovc v24;
	v21 =	vmovc v25;
	v23 =	vand.u32 $0x1, v27;
	v28 =	vsub.f32 v28, v4;
	v34 =	vadd.f32 v34, v10;
	v41 =	vld [tilespmem:s21+$0x400]  }
0x445: {  	v22 =	vadd.s32 v23, v22;
	v23 =	vsub.f32 v31, v5;
	v24 =	vadd.f32 v39, v11;
	v25 =	vld [tilespmem:s21+$0x410]  }
0x446: {  	v22 =	vadd.s32 $0x7FFF, v22;
	v27 =	vshrl.u32 v28, $0x10;
	v31 =	vadd.f32 v33, v10;
	v26 =	vld.idx.msk [tilespmem:v26+s1+$0x0], $0xffff  }
0x447: {  	v33 =	vand.u32 $0xFFFF0000, v22;
	v22 =	vand.u32 $0x1, v27;
	v39 =	vshrl.u32 v23, $0x10;
	v27 =	vld.idx.msk [tilespmem:v29+s1+$0x0], $0xffff  }
0x448: {  	v28 =	vadd.s32 v22, v28;
	v29 =	vand.u32 $0x1, v39;
	v39 =	vmul.f32 v33, v56;
	v22 =	vld.idx.msk [tilespmem:v30+s1+$0x0], $0xffff  }
0x449: {  	v28 =	vadd.s32 $0x7FFF, v28;
	v23 =	vadd.s32 v29, v23;
	v29 =	vmul.f32 v33, v58  }
0x44a: {  	v30 =	vmul.f32 v33, v57;
	v28 =	vand.u32 $0xFFFF0000, v28;
	v23 =	vadd.s32 $0x7FFF, v23  }
0x44b: {  	v23 =	vand.u32 $0xFFFF0000, v23;
	v33 =	vmul.f32 v28, v59;
	v42 =	vmul.f32 v28, v60  }
0x44c: {  	v35 =	vadd.f32 v35, v11;
	v28 =	vmul.f32 v28, v61;
	v43 =	vmul.f32 v23, v62  }
0x44d: {  	v33 =	vadd.f32 v33, v39;
	v30 =	vadd.f32 v42, v30;
	v39 =	vmul.f32 v23, v63  }
0x44e: {  	v28 =	vadd.f32 v28, v29;
	v23 =	vmul.f32 v23, v2;
	v29 =	vsub.f32 v34, v3  }
0x44f: {  	v34 =	vshrl.u32 v32, $0x10;
	v33 =	vadd.f32 v43, v33;
	v30 =	vadd.f32 v39, v30  }
0x450: {  	v24 =	vsub.f32 v24, v4;
	v23 =	vadd.f32 v23, v28;
	v28 =	vshrl.u32 v38, $0x10  }
0x451: {  	v31 =	vsub.f32 v31, v3;
	v33 =	vmul.f32 v33, v6;
	v30 =	vmul.f32 v30, v6  }
0x452: {  	v35 =	vsub.f32 v35, v4;
	v39 =	vadd.f32 v40, v12;
	v23 =	vmul.f32 v23, v6  }
0x453: {  	v40 =	vshrl.u32 v29, $0x10;
	v33 =	vadd.f32 $3.200000000e+01, v33;
	v30 =	vadd.f32 $3.200000000e+01, v30  }
0x454: {  	v41 =	vadd.f32 v41, v12;
	v42 =	vshrl.u32 v24, $0x10;
	v23 =	vadd.f32 $3.200000000e+01, v23  }
0x455: {  	v25 =	vadd.f32 v25, v12;
	v33 =	vmax.f32 v33, $3.150000000e+01;
	v30 =	vmax.f32 v30, $3.150000000e+01  }
0x456: {  	v23 =	vmax.f32 v23, $3.150000000e+01;
	v33 =	vmin.f32 v33, $6.400000000e+01;
	v30 =	vmin.f32 v30, $6.400000000e+01  }
0x457: {  	v23 =	vmin.f32 v23, $6.400000000e+01;
	v33 =	vtrunc.f32 v33;
	v30 =	vtrunc.f32 v30  }
0x458: {  	v43 =	vshrl.u32 v31, $0x10;
	v23 =	vtrunc.f32 v23;
	v30 =	vcvt.f32.s32 v30  }
0x459: {  	v44 =	vshrl.u32 v35, $0x10;
	v33 =	vcvt.f32.s32 v33;
	v23 =	vcvt.f32.s32 v23  }
0x45a: {  	v41 =	vsub.f32 v41, v5;
	v39 =	vsub.f32 v39, v5;
	v30 =	vmul.u32 $0x22, v30  }
0x45b: {  	v25 =	vsub.f32 v25, v5;
	v33 =	vmul.u32 $0x484, v33;
	v23 =	vadd.s32 v23, v8  }
0x45c: {  	v28 =	vand.u32 $0x1, v28;
	v23 =	vadd.s32 v30, v23;
	v30 =	vand.u32 $0x1, v34  }
0x45d: {  	v34 =	vand.u32 $0x1, v42;
	v23 =	vadd.s32 v33, v23;
	v33 =	vand.u32 $0x1, v40  }
0x45e: {  	v30 =	vadd.s32 v30, v32;
	v32 =	vand.u32 $0x1, v43;
	v40 =	vand.u32 $0x1, v44  }
0x45f: {  	v28 =	vadd.s32 v28, v38;
	v24 =	vadd.s32 v34, v24;
	v29 =	vadd.s32 v33, v29  }
0x460: {  	v33 =	vshrl.u32 v39, $0x10;
	v31 =	vadd.s32 v32, v31;
	v32 =	vadd.s32 v40, v35  }
0x461: {  	v34 =	vshrl.u32 v41, $0x10;
	v30 =	vadd.s32 $0x7FFF, v30;
	v35 =	vshrl.u32 v25, $0x10  }
0x462: {  	v28 =	vadd.s32 $0x7FFF, v28;
	v24 =	vadd.s32 $0x7FFF, v24;
	v29 =	vadd.s32 $0x7FFF, v29;
	v23 =	vld.idx.msk [tilespmem:v23+s1+$0x0], $0xffff  }
0x463: {  	v33 =	vand.u32 $0x1, v33;
	v31 =	vadd.s32 $0x7FFF, v31;
	v32 =	vadd.s32 $0x7FFF, v32  }
0x464: {  	v34 =	vand.u32 $0x1, v34;
	v30 =	vand.u32 $0xFFFF0000, v30;
	v35 =	vand.u32 $0x1, v35  }
0x465: {  	s24 =	sadd.s32 s26, s14;
	v28 =	vand.u32 $0xFFFF0000, v28;
	v38 =	vand.u32 $0xFFFF0000, v24;
	v29 =	vand.u32 $0xFFFF0000, v29  }
0x466: {  	s25 =	sadd.s32 s25, s24;
	s23 =	sadd.s32 s29, s24;
	s22 =	sadd.s32 s30, s24;
	v33 =	vadd.s32 v33, v39;
	v31 =	vand.u32 $0xFFFF0000, v31;
	v32 =	vand.u32 $0xFFFF0000, v32  }
0x467: {  	s24 =	sadd.s32 s28, s24;
	v34 =	vadd.s32 v34, v41;
	v40 =	vmul.f32 v30, v57;
	v35 =	vadd.s32 v35, v25;
	v39 =	vld [tilespmem:s25+$0x0]  }
0x468: {  	v41 =	vmul.f32 v28, v60;
	v42 =	vmul.f32 v29, v57;
	v24 =	vshrl.u32 v23, v9;
	v23 =	vld [tilespmem:s23+$0x0]  }
0x469: {  	v43 =	vmul.f32 v38, v60;
	v44 =	vmul.f32 v31, v57;
	v25 =	vshll.u32 v24, $0x10;
	v24 =	vld [tilespmem:s22+$0x0]  }
0x46a: {  	v33 =	vadd.s32 $0x7FFF, v33;
	v46 =	vmul.f32 v32, v60;
	v45 =	vmul.f32 v25, v7;
	v25 =	vld [tilespmem:s24+$0x0]  }
0x46b: {  	v47 =	vmul.f32 v30, v56;
	v34 =	vadd.s32 $0x7FFF, v34;
	v35 =	vadd.s32 $0x7FFF, v35  }
0x46c: {  	v30 =	vmul.f32 v30, v58;
	v39 =	vmin.f32 v39, v45;
	v45 =	vmul.f32 v28, v59  }
0x46d: {  	v33 =	vand.u32 $0xFFFF0000, v33;
	v28 =	vmul.f32 v28, v61;
	[tilespmem:s25+$0x0] =	vst v39;
	v39 =	vmul.f32 v29, v56  }
0x46e: {  	v48 =	vmul.f32 v38, v59;
	v34 =	vand.u32 $0xFFFF0000, v34;
	v29 =	vmul.f32 v29, v58  }
0x46f: {  	v38 =	vmul.f32 v38, v61;
	v49 =	vmul.f32 v31, v56;
	v35 =	vand.u32 $0xFFFF0000, v35  }
0x470: {  	v31 =	vmul.f32 v31, v58;
	v40 =	vadd.f32 v41, v40;
	v41 =	vmul.f32 v32, v59  }
0x471: {  	v32 =	vmul.f32 v32, v61;
	v42 =	vadd.f32 v43, v42;
	v43 =	vadd.f32 v46, v44  }
0x472: {  	v46 =	vmul.f32 v34, v63;
	v44 =	vadd.f32 v45, v47;
	v45 =	vmul.f32 v33, v63  }
0x473: {  	v28 =	vadd.f32 v28, v30;
	v30 =	vadd.f32 v48, v39;
	v39 =	vmul.f32 v35, v63  }
0x474: {  	v47 =	vmul.f32 v33, v62;
	v29 =	vadd.f32 v38, v29;
	v38 =	vadd.f32 v41, v49  }
0x475: {  	v31 =	vadd.f32 v32, v31;
	v33 =	vmul.f32 v33, v2;
	v41 =	vmul.f32 v34, v62  }
0x476: {  	v34 =	vmul.f32 v34, v2;
	v32 =	vadd.f32 v45, v40;
	v40 =	vmul.f32 v35, v62  }
0x477: {  	v42 =	vadd.f32 v46, v42;
	v35 =	vmul.f32 v35, v2;
	v39 =	vadd.f32 v39, v43  }
0x478: {  	v28 =	vadd.f32 v33, v28;
	v43 =	vadd.f32 v47, v44;
	v32 =	vmul.f32 v32, v6  }
0x479: {  	v33 =	vmul.f32 v42, v6;
	v30 =	vadd.f32 v41, v30;
	v29 =	vadd.f32 v34, v29  }
0x47a: {  	v34 =	vadd.f32 v40, v38;
	v31 =	vadd.f32 v35, v31;
	v35 =	vmul.f32 v39, v6  }
0x47b: {  	v28 =	vmul.f32 v28, v6;
	v38 =	vmul.f32 v43, v6;
	v32 =	vadd.f32 $3.200000000e+01, v32  }
0x47c: {  	v33 =	vadd.f32 $3.200000000e+01, v33;
	v30 =	vmul.f32 v30, v6;
	v29 =	vmul.f32 v29, v6  }
0x47d: {  	v34 =	vmul.f32 v34, v6;
	v31 =	vmul.f32 v31, v6;
	v35 =	vadd.f32 $3.200000000e+01, v35  }
0x47e: {  	v28 =	vadd.f32 $3.200000000e+01, v28;
	v38 =	vadd.f32 $3.200000000e+01, v38;
	v32 =	vmax.f32 v32, $3.150000000e+01  }
0x47f: {  	v33 =	vmax.f32 v33, $3.150000000e+01;
	v30 =	vadd.f32 $3.200000000e+01, v30;
	v29 =	vadd.f32 $3.200000000e+01, v29  }
0x480: {  	v34 =	vadd.f32 $3.200000000e+01, v34;
	v31 =	vadd.f32 $3.200000000e+01, v31;
	v35 =	vmax.f32 v35, $3.150000000e+01  }
0x481: {  	v33 =	vmin.f32 v33, $6.400000000e+01;
	v32 =	vmin.f32 v32, $6.400000000e+01;
	v35 =	vmin.f32 v35, $6.400000000e+01  }
0x482: {  	v28 =	vmax.f32 v28, $3.150000000e+01;
	v38 =	vmax.f32 v38, $3.150000000e+01;
	v30 =	vmax.f32 v30, $3.150000000e+01  }
0x483: {  	v29 =	vmax.f32 v29, $3.150000000e+01;
	v34 =	vmax.f32 v34, $3.150000000e+01;
	v31 =	vmax.f32 v31, $3.150000000e+01  }
0x484: {  	v33 =	vtrunc.f32 v33;
	v38 =	vmin.f32 v38, $6.400000000e+01;
	v32 =	vtrunc.f32 v32  }
0x485: {  	v39 =	vmin.f32 v28, $6.400000000e+01;
	v40 =	vmin.f32 v30, $6.400000000e+01;
	v30 =	vtrunc.f32 v35  }
0x486: {  	v29 =	vmin.f32 v29, $6.400000000e+01;
	v34 =	vmin.f32 v34, $6.400000000e+01;
	v31 =	vmin.f32 v31, $6.400000000e+01  }
0x487: {  	v33 =	vcvt.f32.s32 v33;
	v28 =	vshrl.u32 v26, v9;
	v32 =	vcvt.f32.s32 v32  }
0x488: {  	v27 =	vshrl.u32 v27, v9;
	v26 =	vtrunc.f32 v38;
	v35 =	vcvt.f32.s32 v30  }
.Ltmp4:
0x489: {  	v38 =	vtrunc.f32 v39;
	v39 =	vtrunc.f32 v40;
	v30 =	vmul.u32 $0x22, v32;
	(pc) =	sbr.rel @p0 .LBB2_11-.Ltmp4, $4  }
0x48a: {  	v40 =	vtrunc.f32 v29;
	v29 =	vmul.u32 $0x22, v33;
	v34 =	vtrunc.f32 v34  }
0x48b: {  	v26 =	vcvt.f32.s32 v26;
	v32 =	vtrunc.f32 v31;
	v31 =	vmul.u32 $0x22, v35  }
0x48c: {  	v22 =	vshrl.u32 v22, v9;
	v35 =	vcvt.f32.s32 v38;
	v38 =	vcvt.f32.s32 v39  }
0x48d: {  	s20 =	sadd.s32 $0x40, s20;
	s21 =	sadd.s32 $0x40, s21;
	v33 =	vcvt.f32.s32 v40;
	v34 =	vcvt.f32.s32 v34;
	v26 =	vmul.u32 $0x484, v26  }
0x48e: {  	v10 =	vadd.s32 v35, v8;
	v11 =	vmul.u32 $0x484, v38;
	v12 =	vcvt.f32.s32 v32  }
0x48f: {  	v10 =	vadd.s32 v30, v10;
	v46 =	vadd.s32 v33, v8;
	v47 =	vmul.u32 $0x484, v34  }
0x490: {  	v10 =	vadd.s32 v26, v10;
	v48 =	vadd.s32 v29, v46;
	v12 =	vadd.s32 v12, v8  }
0x491: {  	v11 =	vadd.s32 v11, v48;
	v12 =	vadd.s32 v31, v12  }
0x492: {  	v12 =	vadd.s32 v47, v12;
	_ =	sdelay $0x2  }
0x493: {  	v10 =	vld.idx.msk [tilespmem:v10+s1+$0x0], $0xffff  }
0x494: {  	v11 =	vld.idx.msk [tilespmem:v11+s1+$0x0], $0xffff  }
0x495: {  	v27 =	vshll.u32 v27, $0x10;
	v12 =	vld.idx.msk [tilespmem:v12+s1+$0x0], $0xffff  }
0x496: {  	v49 =	vshll.u32 v28, $0x10;
	v27 =	vmul.f32 v27, v7  }
0x497: {  	v22 =	vshll.u32 v22, $0x10;
	v13 =	vmin.f32 v19, v13;
	v26 =	vmul.f32 v49, v7  }
0x498: {  	v22 =	vmul.f32 v22, v7;
	[tilespmem:s16+$0x0] =	vst v13;
	v13 =	vmin.f32 v18, v27;
	v10 =	vshrl.u32 v10, v9  }
0x499: {  	s13 =	sadd.s32 $0x1, s13;
	v19 =	vmin.f32 v20, v26;
	v11 =	vshrl.u32 v11, v9;
	v10 =	vshll.u32 v10, $0x10  }
0x49a: {  	p0 =	sne.s32 s13, $0x1B;
	[tilespmem:s18+$0x0] =	vst v13;
	v12 =	vshrl.u32 v12, v9;
	v11 =	vshll.u32 v11, $0x10;
	v10 =	vmul.f32 v10, v7  }
.Ltmp5:
0x49b: {  	v13 =	vmin.f32 v21, v22;
	[tilespmem:s17+$0x0] =	vst v19;
	v12 =	vshll.u32 v12, $0x10;
	v11 =	vmul.f32 v11, v7;
	(pc) =	sbr.rel @p0 .LBB2_10-.Ltmp5, $4  }
0x49c: {  	[tilespmem:s15+$0x0] =	vst v13;
	v12 =	vmul.f32 v12, v7;
	v10 =	vmin.f32 v23, v10  }
0x49d: {  	[tilespmem:s23+$0x0] =	vst v10;
	v10 =	vmin.f32 v24, v11  }
0x49e: {  	[tilespmem:s22+$0x0] =	vst v10;
	v10 =	vmin.f32 v25, v12  }
0x49f: {  	[tilespmem:s24+$0x0] =	vst v10  }
0x4a0: {  	_ =	sdelay $0x3  }
0x4a1: {  	v2 =	vld.idx.msk [tilespmem:v14+s7+$0x0], $0xffff  }
0x4a2: {  	v3 =	vld.idx.msk [tilespmem:v17+s7+$0x0], $0xffff  }
0x4a3: {  	v4 =	vld [tilespmem:$0x1FE40]  }
0x4a4: {  	v5 =	vld [tilespmem:$0x1FE70]  }
0x4a5: {  	v6 =	vld [tilespmem:$0x1FEA0]  }
0x4a6: {  	v7 =	vld [tilespmem:$0x1FED0]  }
0x4a7: {  	v8 =	vld [tilespmem:$0x1FF00]  }
0x4a8: {  	v9 =	vld [tilespmem:$0x1FF30]  }
0x4a9: {  	v10 =	vld [tilespmem:$0x1FF40]  }
0x4aa: {  	v11 =	vld [tilespmem:$0x1FF70]  }
0x4ab: {  	v12 =	vld [tilespmem:$0x1FFA0]  }
0x4ac: {  	v13 =	vld [tilespmem:$0x1FFD0]  }
0x4ad: {  	v57 =	vld.idx.msk [tilespmem:v50+s7+$0x0], $0xffff  }
0x4ae: {  	v58 =	vld.idx.msk [tilespmem:v53+s7+$0x0], $0xffff  }
0x4af: {  	v59 =	vld.idx.msk [tilespmem:v14+s9+$0x0], $0xffff  }
0x4b0: {  	v60 =	vld.idx.msk [tilespmem:v17+s9+$0x0], $0xffff  }
0x4b1: {  	v4 =	vld.idx.msk [tilespmem:v4+s7+$0x0], $0xffff  }
0x4b2: {  	v5 =	vld.idx.msk [tilespmem:v5+s7+$0x0], $0xffff  }
0x4b3: {  	v6 =	vld.idx.msk [tilespmem:v6+s7+$0x0], $0xffff  }
0x4b4: {  	v7 =	vld.idx.msk [tilespmem:v7+s7+$0x0], $0xffff  }
0x4b5: {  	v8 =	vld.idx.msk [tilespmem:v8+s7+$0x0], $0xffff  }
0x4b6: {  	v9 =	vld.idx.msk [tilespmem:v9+s7+$0x0], $0xffff  }
0x4b7: {  	v10 =	vld.idx.msk [tilespmem:v10+s7+$0x0], $0xffff  }
0x4b8: {  	v11 =	vld.idx.msk [tilespmem:v11+s7+$0x0], $0xffff  }
0x4b9: {  	v12 =	vld.idx.msk [tilespmem:v12+s7+$0x0], $0xffff  }
0x4ba: {  	s13 =	simm.s32 $0x0;
	v56 =	vld.idx.msk [tilespmem:v13+s7+$0x0], $0xffff  }
.LBB2_14:
0x4bb: {  	v13 =	vmov s13;
	s21 =	simm.s32 $0x13A20;
	s15 =	simm.s32 $0x0  }
0x4bc: {  	s14 =	sadd.s32 $0x1B, s13;
	s16 =	sand.u32 $0x380, s15;
	s15 =	sand.u32 $0x40, s15;
	v22 =	vld [tilespmem:s21+$0xFFFFFC00]  }
0x4bd: {  	s20 =	sadd.s32 $0x36, s13;
	v18 =	vmov s14;
	v25 =	vld [tilespmem:s21+$0xFFFFFC10];
	s17 =	sor.u32 s15, s16  }
0x4be: {  	v19 =	vmov s20;
	v20 =	vld [tilespmem:s17+$0x13A00]  }
0x4bf: {  	v21 =	vld [tilespmem:s17+$0x13E00]  }
0x4c0: {  	v61 =	vld.idx.msk [tilespmem:v13+s10+$0x0], $0xffff  }
0x4c1: {  	v13 =	vld [tilespmem:s21+$0xFFFFFBE0]  }
0x4c2: {  	v62 =	vld.idx.msk [tilespmem:v18+s10+$0x0], $0xffff  }
0x4c3: {  	v63 =	vld.idx.msk [tilespmem:v19+s10+$0x0], $0xffff  }
0x4c4: {  	v18 =	vld [tilespmem:s21+$0xFFFFFBF0]  }
0x4c5: {  	v19 =	vld [tilespmem:s21+$0xFFFFFFF0]  }
0x4c6: {  	v23 =	vld [tilespmem:s21+$0x0];
	v13 =	vadd.f32 v13, v61  }
0x4c7: {  	v27 =	vld [tilespmem:s21+$0x10];
	v22 =	vadd.f32 v22, v61  }
0x4c8: {  	v25 =	vadd.f32 v25, v61;
	v13 =	vsub.f32 v13, v11  }
0x4c9: {  	v18 =	vadd.f32 v18, v61;
	v20 =	vadd.f32 v20, v62  }
0x4ca: {  	v19 =	vadd.f32 v19, v62;
	v21 =	vadd.f32 v21, v63;
	v24 =	vshrl.u32 v13, $0x10  }
0x4cb: {  	v23 =	vadd.f32 v23, v62;
	v20 =	vsub.f32 v20, v12;
	v24 =	vand.u32 $0x1, v24  }
0x4cc: {  	v27 =	vadd.f32 v27, v62;
	v21 =	vsub.f32 v21, v56;
	v13 =	vadd.s32 v24, v13  }
0x4cd: {  	v22 =	vsub.f32 v22, v11;
	v24 =	vshrl.u32 v20, $0x10;
	v13 =	vadd.s32 $0x7FFF, v13  }
0x4ce: {  	v26 =	vshrl.u32 v21, $0x10;
	v24 =	vand.u32 $0x1, v24;
	v13 =	vand.u32 $0xFFFF0000, v13  }
0x4cf: {  	v20 =	vadd.s32 v24, v20;
	v24 =	vand.u32 $0x1, v26;
	v26 =	vmul.f32 v13, v2  }
0x4d0: {  	v20 =	vadd.s32 $0x7FFF, v20;
	v21 =	vadd.s32 v24, v21;
	v24 =	vmul.f32 v13, v4  }
0x4d1: {  	v13 =	vmul.f32 v13, v3;
	v20 =	vand.u32 $0xFFFF0000, v20;
	v21 =	vadd.s32 $0x7FFF, v21  }
0x4d2: {  	v21 =	vand.u32 $0xFFFF0000, v21;
	v28 =	vmul.f32 v20, v5;
	v29 =	vmul.f32 v20, v6  }
0x4d3: {  	v18 =	vsub.f32 v18, v11;
	v20 =	vmul.f32 v20, v7;
	v30 =	vmul.f32 v21, v8  }
0x4d4: {  	v26 =	vadd.f32 v28, v26;
	v13 =	vadd.f32 v29, v13;
	v28 =	vmul.f32 v21, v9  }
0x4d5: {  	v27 =	vsub.f32 v27, v12;
	v20 =	vadd.f32 v20, v24;
	v21 =	vmul.f32 v21, v10  }
0x4d6: {  	v31 =	vld [tilespmem:s21+$0x3F0];
	v24 =	vadd.f32 v30, v26;
	v13 =	vadd.f32 v28, v13  }
0x4d7: {  	v19 =	vsub.f32 v19, v12;
	v34 =	vshrl.u32 v27, $0x10;
	v20 =	vadd.f32 v21, v20  }
0x4d8: {  	v21 =	vsub.f32 v23, v12;
	v23 =	vmul.f32 v24, v57;
	v13 =	vmul.f32 v13, v57  }
0x4d9: {  	v29 =	vshrl.u32 v19, $0x10;
	v24 =	vsub.f32 v25, v11;
	v20 =	vmul.f32 v20, v57  }
0x4da: {  	v26 =	vshrl.u32 v18, $0x10;
	v23 =	vadd.f32 $3.200000000e+01, v23;
	v13 =	vadd.f32 $3.200000000e+01, v13  }
0x4db: {  	v28 =	vld [tilespmem:s21+$0x400];
	v25 =	vadd.f32 v31, v63;
	v31 =	vshrl.u32 v22, $0x10;
	v20 =	vadd.f32 $3.200000000e+01, v20  }
0x4dc: {  	v30 =	vld [tilespmem:s21+$0x410];
	v32 =	vshrl.u32 v21, $0x10;
	v23 =	vmax.f32 v23, $3.150000000e+01;
	v13 =	vmax.f32 v13, $3.150000000e+01  }
0x4dd: {  	v20 =	vmax.f32 v20, $3.150000000e+01;
	v23 =	vmin.f32 v23, $6.400000000e+01;
	v13 =	vmin.f32 v13, $6.400000000e+01  }
0x4de: {  	v20 =	vmin.f32 v20, $6.400000000e+01;
	v23 =	vtrunc.f32 v23;
	v13 =	vtrunc.f32 v13  }
0x4df: {  	v33 =	vshrl.u32 v24, $0x10;
	v20 =	vtrunc.f32 v20;
	v13 =	vcvt.f32.s32 v13  }
0x4e0: {  	v28 =	vadd.f32 v28, v63;
	v23 =	vcvt.f32.s32 v23;
	v20 =	vcvt.f32.s32 v20  }
0x4e1: {  	v25 =	vsub.f32 v25, v56;
	v30 =	vadd.f32 v30, v63;
	v13 =	vmul.u32 $0x22, v13  }
0x4e2: {  	v28 =	vsub.f32 v28, v56;
	v23 =	vmul.u32 $0x484, v23;
	v20 =	vadd.s32 v20, v59  }
0x4e3: {  	v30 =	vsub.f32 v30, v56;
	v13 =	vadd.s32 v13, v20;
	v20 =	vand.u32 $0x1, v26  }
0x4e4: {  	v26 =	vand.u32 $0x1, v29;
	v29 =	vand.u32 $0x1, v32;
	v13 =	vadd.s32 v23, v13  }
0x4e5: {  	v23 =	vand.u32 $0x1, v31;
	v18 =	vadd.s32 v20, v18;
	v20 =	vand.u32 $0x1, v33  }
0x4e6: {  	v31 =	vand.u32 $0x1, v34;
	v19 =	vadd.s32 v26, v19;
	v21 =	vadd.s32 v29, v21  }
0x4e7: {  	v26 =	vshrl.u32 v28, $0x10;
	v22 =	vadd.s32 v23, v22;
	v23 =	vshrl.u32 v25, $0x10  }
0x4e8: {  	v20 =	vadd.s32 v20, v24;
	v24 =	vadd.s32 v31, v27;
	v18 =	vadd.s32 $0x7FFF, v18  }
0x4e9: {  	v27 =	vshrl.u32 v30, $0x10;
	v19 =	vadd.s32 $0x7FFF, v19;
	v21 =	vadd.s32 $0x7FFF, v21  }
0x4ea: {  	v26 =	vand.u32 $0x1, v26;
	v22 =	vadd.s32 $0x7FFF, v22;
	v23 =	vand.u32 $0x1, v23  }
0x4eb: {  	v20 =	vadd.s32 $0x7FFF, v20;
	v24 =	vadd.s32 $0x7FFF, v24;
	v18 =	vand.u32 $0xFFFF0000, v18  }
0x4ec: {  	v27 =	vand.u32 $0x1, v27;
	v19 =	vand.u32 $0xFFFF0000, v19;
	v21 =	vand.u32 $0xFFFF0000, v21  }
0x4ed: {  	v26 =	vadd.s32 v26, v28;
	v22 =	vand.u32 $0xFFFF0000, v22;
	v23 =	vadd.s32 v23, v25  }
0x4ee: {  	v25 =	vand.u32 $0xFFFF0000, v20;
	v29 =	vmul.f32 v18, v3;
	v28 =	vmul.f32 v19, v6  }
0x4ef: {  	v24 =	vand.u32 $0xFFFF0000, v24;
	v45 =	vmul.f32 v21, v6;
	v47 =	vmul.f32 v18, v2  }
0x4f0: {  	v27 =	vadd.s32 v27, v30;
	v35 =	vmul.f32 v19, v5;
	v18 =	vmul.f32 v18, v4  }
0x4f1: {  	s22 =	sshll.u32 s13, $0xA;
	v26 =	vadd.s32 $0x7FFF, v26;
	v38 =	vmul.f32 v21, v5;
	v31 =	vmul.f32 v22, v3  }
0x4f2: {  	s14 =	sand.u32 $0x3FFFFC00, s22;
	v30 =	vmul.f32 v25, v3;
	v23 =	vadd.s32 $0x7FFF, v23;
	v46 =	vmul.f32 v24, v6  }
0x4f3: {  	s14 =	sadd.s32 $0x14200, s14;
	v27 =	vadd.s32 $0x7FFF, v27;
	v39 =	vmul.f32 v25, v2;
	v40 =	vmul.f32 v24, v5;
	v13 =	vld.idx.msk [tilespmem:v13+s1+$0x0], $0xffff  }
0x4f4: {  	s19 =	simm.s32 $0x13A60;
	s23 =	sadd.s32 s16, s14;
	v25 =	vmul.f32 v25, v4;
	v24 =	vmul.f32 v24, v7;
	v23 =	vand.u32 $0xFFFF0000, v23  }
0x4f5: {  	v43 =	vld [tilespmem:s19+$0x3F0];
	s18 =	sadd.s32 s15, s23;
	v28 =	vadd.f32 v28, v29;
	v29 =	vadd.f32 v45, v31;
	v31 =	vmul.f32 v23, v9  }
0x4f6: {  	v20 =	vld [tilespmem:s18+$0x0];
	v21 =	vmul.f32 v21, v7;
	v26 =	vand.u32 $0xFFFF0000, v26;
	v27 =	vand.u32 $0xFFFF0000, v27  }
0x4f7: {  	v48 =	vmul.f32 v26, v9;
	v24 =	vadd.f32 v24, v25;
	v45 =	vld [tilespmem:s19+$0x410];
	v25 =	vadd.f32 v31, v28  }
0x4f8: {  	v49 =	vadd.f32 v35, v47;
	v30 =	vadd.f32 v46, v30;
	v13 =	vshrl.u32 v13, v60  }
0x4f9: {  	v28 =	vmul.f32 v26, v8;
	v25 =	vmul.f32 v25, v57;
	v13 =	vshll.u32 v13, $0x10  }
0x4fa: {  	v46 =	vadd.f32 v43, v63;
	v26 =	vmul.f32 v26, v10;
	v13 =	vmul.f32 v13, v58  }
0x4fb: {  	v29 =	vadd.f32 v48, v29;
	v31 =	vmul.f32 v27, v8;
	v25 =	vadd.f32 $3.200000000e+01, v25  }
0x4fc: {  	v34 =	vsub.f32 v46, v56;
	v33 =	vadd.f32 v45, v63;
	v13 =	vmin.f32 v20, v13  }
0x4fd: {  	v25 =	vmax.f32 v25, $3.150000000e+01;
	v20 =	vmin.f32 v13, $1.000000000e+00;
	v13 =	vmul.f32 v19, v7  }
0x4fe: {  	v19 =	vmul.f32 v22, v2;
	v22 =	vmul.f32 v22, v4;
	v25 =	vmin.f32 v25, $6.400000000e+01  }
0x4ff: {  	v25 =	vtrunc.f32 v25;
	v13 =	vadd.f32 v13, v18;
	v18 =	vmul.f32 v27, v9  }
0x500: {  	v19 =	vadd.f32 v38, v19;
	v38 =	vmul.f32 v23, v8;
	v21 =	vadd.f32 v21, v22  }
0x501: {  	v22 =	vadd.f32 v40, v39;
	v23 =	vmul.f32 v23, v10;
	v27 =	vmul.f32 v27, v10  }
0x502: {  	v25 =	vcvt.f32.s32 v25;
	v39 =	vadd.f32 v38, v49;
	v18 =	vadd.f32 v18, v30  }
0x503: {  	v13 =	vadd.f32 v23, v13;
	v19 =	vadd.f32 v28, v19;
	v23 =	vmul.f32 v29, v57  }
0x504: {  	v21 =	vadd.f32 v26, v21;
	v22 =	vadd.f32 v31, v22;
	v18 =	vmul.f32 v18, v57  }
0x505: {  	v24 =	vadd.f32 v27, v24;
	v26 =	vmul.f32 v39, v57;
	v13 =	vmul.f32 v13, v57  }
0x506: {  	v19 =	vmul.f32 v19, v57;
	v21 =	vmul.f32 v21, v57;
	v23 =	vadd.f32 $3.200000000e+01, v23  }
0x507: {  	v22 =	vmul.f32 v22, v57;
	v26 =	vadd.f32 $3.200000000e+01, v26;
	v18 =	vadd.f32 $3.200000000e+01, v18  }
0x508: {  	v24 =	vmul.f32 v24, v57;
	v13 =	vadd.f32 $3.200000000e+01, v13;
	v19 =	vadd.f32 $3.200000000e+01, v19  }
0x509: {  	v23 =	vmax.f32 v23, $3.150000000e+01;
	v21 =	vadd.f32 $3.200000000e+01, v21;
	v22 =	vadd.f32 $3.200000000e+01, v22  }
0x50a: {  	v24 =	vadd.f32 $3.200000000e+01, v24;
	v23 =	vmin.f32 v23, $6.400000000e+01;
	v18 =	vmax.f32 v18, $3.150000000e+01  }
0x50b: {  	v26 =	vmax.f32 v26, $3.150000000e+01;
	v13 =	vmax.f32 v13, $3.150000000e+01;
	v19 =	vmax.f32 v19, $3.150000000e+01  }
0x50c: {  	v21 =	vmax.f32 v21, $3.150000000e+01;
	v22 =	vmax.f32 v22, $3.150000000e+01;
	v23 =	vtrunc.f32 v23  }
0x50d: {  	v24 =	vmax.f32 v24, $3.150000000e+01;
	v18 =	vmin.f32 v18, $6.400000000e+01;
	v26 =	vmin.f32 v26, $6.400000000e+01  }
0x50e: {  	v13 =	vmin.f32 v13, $6.400000000e+01;
	v19 =	vmin.f32 v19, $6.400000000e+01;
	v23 =	vcvt.f32.s32 v23  }
0x50f: {  	v21 =	vmin.f32 v21, $6.400000000e+01;
	v18 =	vtrunc.f32 v18;
	v26 =	vtrunc.f32 v26  }
0x510: {  	v22 =	vmin.f32 v22, $6.400000000e+01;
	v13 =	vtrunc.f32 v13;
	v19 =	vtrunc.f32 v19  }
0x511: {  	s24 =	simm.s32 $0x40;
	v24 =	vmin.f32 v24, $6.400000000e+01;
	v21 =	vtrunc.f32 v21;
	v22 =	vtrunc.f32 v22  }
0x512: {  	s25 =	sand.u32 $0x380, s24;
	s15 =	sand.u32 $0x40, s24;
	v25 =	vmul.u32 $0x22, v25;
	v27 =	vld [tilespmem:s19+$0xFFFFFBE0];
	v24 =	vtrunc.f32 v24;
	v18 =	vcvt.f32.s32 v18  }
0x513: {  	s20 =	sor.u32 s15, s25;
	v29 =	vld [tilespmem:s19+$0xFFFFFFF0];
	v23 =	vmul.u32 $0x22, v23;
	v26 =	vcvt.f32.s32 v26;
	v13 =	vcvt.f32.s32 v13  }
0x514: {  	v31 =	vld [tilespmem:s20+$0x13A00];
	v21 =	vcvt.f32.s32 v21;
	v22 =	vcvt.f32.s32 v22;
	v28 =	vmul.u32 $0x22, v18  }
0x515: {  	v18 =	vcvt.f32.s32 v19;
	v19 =	vld [tilespmem:s19+$0xFFFFFBF0];
	v26 =	vmul.u32 $0x484, v26;
	v13 =	vadd.s32 v13, v59  }
0x516: {  	v24 =	vcvt.f32.s32 v24;
	v21 =	vadd.s32 v21, v59;
	v13 =	vadd.s32 v25, v13;
	v25 =	vld [tilespmem:s20+$0x13E00]  }
0x517: {  	v30 =	vmul.u32 $0x484, v18;
	v18 =	vadd.s32 v26, v13;
	v13 =	vadd.s32 v23, v21;
	v23 =	vld [tilespmem:s19+$0xFFFFFC00]  }
0x518: {  	v22 =	vmul.u32 $0x484, v22;
	v24 =	vadd.s32 v24, v59;
	v21 =	vadd.f32 v27, v61;
	v26 =	vld [tilespmem:s19+$0x0]  }
0x519: {  	v33 =	vsub.f32 v33, v56;
	v24 =	vadd.s32 v28, v24;
	v28 =	vadd.f32 v29, v62;
	v29 =	vld [tilespmem:s19+$0xFFFFFC10]  }
0x51a: {  	v27 =	vsub.f32 v21, v11;
	v21 =	vadd.s32 v22, v24;
	v22 =	vadd.f32 v31, v62  }
0x51b: {  	v13 =	vadd.s32 v30, v13;
	v28 =	vsub.f32 v28, v12;
	v30 =	vld [tilespmem:s19+$0x10];
	v19 =	vadd.f32 v19, v61  }
0x51c: {  	v24 =	vshrl.u32 v27, $0x10;
	v25 =	vadd.f32 v25, v63;
	v22 =	vsub.f32 v22, v12  }
0x51d: {  	v19 =	vsub.f32 v19, v11;
	v24 =	vand.u32 $0x1, v24;
	v23 =	vadd.f32 v23, v61  }
0x51e: {  	v26 =	vadd.f32 v26, v62;
	v29 =	vadd.f32 v29, v61;
	v24 =	vadd.s32 v24, v27  }
0x51f: {  	v25 =	vsub.f32 v25, v56;
	v27 =	vshrl.u32 v22, $0x10;
	v24 =	vadd.s32 $0x7FFF, v24  }
0x520: {  	v27 =	vand.u32 $0x1, v27;
	v30 =	vadd.f32 v30, v62;
	v23 =	vsub.f32 v23, v11  }
0x521: {  	v32 =	vshrl.u32 v19, $0x10;
	v26 =	vsub.f32 v26, v12;
	v29 =	vsub.f32 v29, v11  }
0x522: {  	v24 =	vand.u32 $0xFFFF0000, v24;
	v31 =	vshrl.u32 v25, $0x10;
	v22 =	vadd.s32 v27, v22  }
0x523: {  	v27 =	vand.u32 $0x1, v31;
	v31 =	vmul.f32 v24, v2;
	v22 =	vadd.s32 $0x7FFF, v22  }
0x524: {  	v30 =	vsub.f32 v30, v12;
	v47 =	vshrl.u32 v23, $0x10;
	v48 =	vshrl.u32 v26, $0x10  }
0x525: {  	v25 =	vadd.s32 v27, v25;
	v27 =	vmul.f32 v24, v4;
	v22 =	vand.u32 $0xFFFF0000, v22  }
0x526: {  	v24 =	vmul.f32 v24, v3;
	v45 =	vand.u32 $0x1, v48;
	v25 =	vadd.s32 $0x7FFF, v25  }
0x527: {  	v40 =	vmul.f32 v22, v5;
	v41 =	vmul.f32 v22, v6;
	v26 =	vadd.s32 v45, v26  }
0x528: {  	v22 =	vmul.f32 v22, v7;
	v25 =	vand.u32 $0xFFFF0000, v25;
	v26 =	vadd.s32 $0x7FFF, v26  }
0x529: {  	v42 =	vmul.f32 v25, v8;
	v31 =	vadd.f32 v40, v31;
	v24 =	vadd.f32 v41, v24  }
0x52a: {  	v44 =	vmul.f32 v25, v9;
	v22 =	vadd.f32 v22, v27;
	v25 =	vmul.f32 v25, v10;
	v27 =	vld [tilespmem:s19+$0x400]  }
0x52b: {  	v49 =	vshrl.u32 v29, $0x10;
	v26 =	vand.u32 $0xFFFF0000, v26;
	v31 =	vadd.f32 v42, v31  }
0x52c: {  	v24 =	vadd.f32 v44, v24;
	v22 =	vadd.f32 v25, v22;
	v25 =	vshrl.u32 v28, $0x10  }
0x52d: {  	v44 =	vshrl.u32 v30, $0x10;
	v42 =	vmul.f32 v26, v5;
	v25 =	vand.u32 $0x1, v25  }
0x52e: {  	v46 =	vand.u32 $0x1, v44;
	v31 =	vmul.f32 v31, v57;
	v24 =	vmul.f32 v24, v57  }
0x52f: {  	v22 =	vmul.f32 v22, v57;
	v25 =	vadd.s32 v25, v28;
	v27 =	vadd.f32 v27, v63  }
0x530: {  	v28 =	vshrl.u32 v34, $0x10;
	v31 =	vadd.f32 $3.200000000e+01, v31;
	v24 =	vadd.f32 $3.200000000e+01, v24  }
0x531: {  	v25 =	vadd.s32 $0x7FFF, v25;
	v28 =	vand.u32 $0x1, v28;
	v22 =	vadd.f32 $3.200000000e+01, v22  }
0x532: {  	v25 =	vand.u32 $0xFFFF0000, v25;
	v31 =	vmax.f32 v31, $3.150000000e+01;
	v24 =	vmax.f32 v24, $3.150000000e+01  }
0x533: {  	v22 =	vmax.f32 v22, $3.150000000e+01;
	v31 =	vmin.f32 v31, $6.400000000e+01;
	v24 =	vmin.f32 v24, $6.400000000e+01  }
0x534: {  	v22 =	vmin.f32 v22, $6.400000000e+01;
	v31 =	vtrunc.f32 v31;
	v24 =	vtrunc.f32 v24  }
0x535: {  	v28 =	vadd.s32 v28, v34;
	v22 =	vtrunc.f32 v22;
	v24 =	vcvt.f32.s32 v24  }
0x536: {  	v28 =	vadd.s32 $0x7FFF, v28;
	v31 =	vcvt.f32.s32 v31;
	v22 =	vcvt.f32.s32 v22  }
0x537: {  	v27 =	vsub.f32 v27, v56;
	v28 =	vand.u32 $0xFFFF0000, v28;
	v24 =	vmul.u32 $0x22, v24  }
0x538: {  	v45 =	vmul.f32 v28, v8;
	v31 =	vmul.u32 $0x484, v31;
	v22 =	vadd.s32 v22, v59  }
0x539: {  	v22 =	vadd.s32 v24, v22;
	v24 =	vand.u32 $0x1, v32;
	v32 =	vmul.f32 v25, v5  }
0x53a: {  	v22 =	vadd.s32 v31, v22;
	v31 =	vand.u32 $0x1, v47;
	v19 =	vadd.s32 v24, v19  }
0x53b: {  	v24 =	vand.u32 $0x1, v49;
	v49 =	vmul.f32 v26, v6;
	v26 =	vmul.f32 v26, v7  }
0x53c: {  	v23 =	vadd.s32 v31, v23;
	v24 =	vadd.s32 v24, v29;
	v29 =	vadd.s32 v46, v30  }
0x53d: {  	v19 =	vadd.s32 $0x7FFF, v19;
	v30 =	vshrl.u32 v27, $0x10;
	v31 =	vshrl.u32 v33, $0x10  }
0x53e: {  	v23 =	vadd.s32 $0x7FFF, v23;
	v24 =	vadd.s32 $0x7FFF, v24;
	v29 =	vadd.s32 $0x7FFF, v29  }
0x53f: {  	v19 =	vand.u32 $0xFFFF0000, v19;
	v30 =	vand.u32 $0x1, v30;
	v31 =	vand.u32 $0x1, v31  }
0x540: {  	v23 =	vand.u32 $0xFFFF0000, v23;
	v34 =	vmul.f32 v19, v3;
	v27 =	vadd.s32 v30, v27  }
0x541: {  	v30 =	vadd.s32 v31, v33;
	v31 =	vmul.f32 v25, v6;
	v40 =	vmul.f32 v19, v2  }
0x542: {  	v24 =	vand.u32 $0xFFFF0000, v24;
	v19 =	vmul.f32 v19, v4;
	v25 =	vmul.f32 v25, v7  }
0x543: {  	v29 =	vand.u32 $0xFFFF0000, v29;
	v48 =	vmul.f32 v23, v3;
	v38 =	vmul.f32 v24, v3  }
0x544: {  	v39 =	vmul.f32 v29, v6;
	v41 =	vmul.f32 v23, v2  }
0x545: {  	v27 =	vadd.s32 $0x7FFF, v27;
	v23 =	vmul.f32 v23, v4;
	v43 =	vmul.f32 v24, v2  }
0x546: {  	v30 =	vadd.s32 $0x7FFF, v30;
	v44 =	vmul.f32 v29, v5;
	v24 =	vmul.f32 v24, v4  }
0x547: {  	v29 =	vmul.f32 v29, v7;
	v27 =	vand.u32 $0xFFFF0000, v27;
	v31 =	vadd.f32 v31, v34  }
0x548: {  	v30 =	vand.u32 $0xFFFF0000, v30;
	v32 =	vadd.f32 v32, v40;
	v19 =	vadd.f32 v25, v19  }
0x549: {  	v22 =	vld.idx.msk [tilespmem:v22+s1+$0x0], $0xffff;
	v33 =	vadd.f32 v49, v48;
	v48 =	vmul.f32 v28, v9;
	v38 =	vadd.f32 v39, v38  }
0x54a: {  	v49 =	vmul.f32 v27, v9;
	v46 =	vadd.f32 v42, v41;
	v23 =	vadd.f32 v26, v23  }
0x54b: {  	v26 =	vmul.f32 v28, v10;
	v28 =	vadd.f32 v44, v43;
	v24 =	vadd.f32 v29, v24  }
0x54c: {  	s26 =	sadd.s32 s25, s14;
	v25 =	vmul.f32 v30, v9;
	v32 =	vadd.f32 v45, v32;
	v29 =	vadd.f32 v48, v31  }
0x54d: {  	s28 =	sadd.s32 s15, s26;
	v31 =	vmul.f32 v27, v8;
	v27 =	vmul.f32 v27, v10;
	v33 =	vadd.f32 v49, v33  }
0x54e: {  	v47 =	vld [tilespmem:s28+$0x0];
	v25 =	vadd.f32 v25, v38;
	v19 =	vadd.f32 v26, v19;
	v22 =	vshrl.u32 v22, v60  }
0x54f: {  	v29 =	vmul.f32 v29, v57;
	v26 =	vadd.f32 v31, v46;
	v31 =	vmul.f32 v33, v57  }
0x550: {  	v23 =	vadd.f32 v27, v23;
	v25 =	vmul.f32 v25, v57;
	v22 =	vshll.u32 v22, $0x10  }
0x551: {  	v19 =	vmul.f32 v19, v57;
	v22 =	vmul.f32 v22, v58;
	v29 =	vadd.f32 $3.200000000e+01, v29  }
0x552: {  	v26 =	vmul.f32 v26, v57;
	v23 =	vmul.f32 v23, v57;
	v25 =	vadd.f32 $3.200000000e+01, v25  }
0x553: {  	v19 =	vadd.f32 $3.200000000e+01, v19;
	v22 =	vmin.f32 v47, v22;
	v47 =	vmul.f32 v30, v8  }
0x554: {  	v30 =	vmul.f32 v30, v10;
	v29 =	vmax.f32 v29, $3.150000000e+01;
	v26 =	vadd.f32 $3.200000000e+01, v26  }
0x555: {  	v23 =	vadd.f32 $3.200000000e+01, v23;
	v25 =	vmax.f32 v25, $3.150000000e+01;
	v19 =	vmax.f32 v19, $3.150000000e+01  }
0x556: {  	v18 =	vld.idx.msk [tilespmem:v18+s1+$0x0], $0xffff;
	v22 =	vmin.f32 v22, $1.000000000e+00;
	v29 =	vmin.f32 v29, $6.400000000e+01;
	v25 =	vmin.f32 v25, $6.400000000e+01  }
0x557: {  	v19 =	vmin.f32 v19, $6.400000000e+01;
	v27 =	vadd.f32 v47, v28;
	v28 =	vmul.f32 v32, v57  }
0x558: {  	v24 =	vadd.f32 v30, v24;
	v30 =	vadd.f32 $3.200000000e+01, v31;
	v26 =	vmax.f32 v26, $3.150000000e+01  }
0x559: {  	v23 =	vmax.f32 v23, $3.150000000e+01;
	v29 =	vtrunc.f32 v29;
	v25 =	vtrunc.f32 v25  }
0x55a: {  	v42 =	vtrunc.f32 v19;
	v31 =	vmin.f32 v26, $6.400000000e+01;
	v23 =	vmin.f32 v23, $6.400000000e+01  }
0x55b: {  	v29 =	vcvt.f32.s32 v29;
	v25 =	vcvt.f32.s32 v25;
	v26 =	vshrl.u32 v18, v60  }
0x55c: {  	v27 =	vmul.f32 v27, v57;
	v24 =	vmul.f32 v24, v57;
	v28 =	vadd.f32 $3.200000000e+01, v28  }
0x55d: {  	v30 =	vmax.f32 v30, $3.150000000e+01;
	v31 =	vtrunc.f32 v31;
	v44 =	vtrunc.f32 v23  }
0x55e: {  	v30 =	vmin.f32 v30, $6.400000000e+01;
	v43 =	vmul.u32 $0x22, v29;
	v29 =	vmul.u32 $0x22, v25  }
0x55f: {  	s29 =	simm.s32 $0x10;
	v25 =	vcvt.f32.s32 v42;
	v31 =	vcvt.f32.s32 v31;
	v27 =	vadd.f32 $3.200000000e+01, v27  }
0x560: {  	s30 =	simm.s32 $0x20;
	s31 =	simm.s32 $0x50;
	s15 =	sand.u32 $0x50, s29;
	v48 =	vld.idx.msk [tilespmem:v13+s1+$0x0], $0xffff;
	v24 =	vadd.f32 $3.200000000e+01, v24;
	v28 =	vmax.f32 v28, $3.150000000e+01;
	v30 =	vtrunc.f32 v30  }
0x561: {  	s16 =	sand.u32 $0x60, s30;
	s15 =	sadd.s32 s15, s23;
	s21 =	simm.s32 $0x30;
	v21 =	vld.idx.msk [tilespmem:v21+s1+$0x0], $0xffff;
	v47 =	vcvt.f32.s32 v44;
	v28 =	vmin.f32 v28, $6.400000000e+01;
	v30 =	vcvt.f32.s32 v30  }
0x562: {  	s22 =	simm.s32 $0x60;
	s16 =	sadd.s32 s16, s23;
	s21 =	sand.u32 $0x70, s21;
	[tilespmem:s18+$0x0] =	vst v20;
	v13 =	vld [tilespmem:s15+$0x0];
	v20 =	vmul.u32 $0x484, v31;
	v27 =	vmax.f32 v27, $3.150000000e+01;
	v24 =	vmax.f32 v24, $3.150000000e+01  }
0x563: {  	s17 =	sadd.s32 s21, s23;
	s21 =	sand.u32 $0x50, s31;
	s23 =	simm.s32 $0x70;
	v19 =	vld [tilespmem:s16+$0x0];
	v49 =	vtrunc.f32 v28;
	v27 =	vmin.f32 v27, $6.400000000e+01;
	v24 =	vmin.f32 v24, $6.400000000e+01  }
0x564: {  	s24 =	sand.u32 $0x60, s22;
	s22 =	sadd.s32 s21, s26;
	s23 =	sand.u32 $0x70, s23;
	v18 =	vld [tilespmem:s17+$0x0];
	v28 =	vmul.u32 $0x22, v30;
	v30 =	vcvt.f32.s32 v49;
	v45 =	vtrunc.f32 v27  }
0x565: {  	s23 =	sadd.s32 s23, s26;
	v23 =	vld [tilespmem:s22+$0x0];
	v46 =	vtrunc.f32 v24;
	v27 =	vshrl.u32 v48, v60;
	v48 =	vcvt.f32.s32 v45  }
0x566: {  	s21 =	sadd.s32 s24, s26;
	v49 =	vadd.s32 v25, v59;
	v25 =	vld [tilespmem:s23+$0x0];
	v30 =	vmul.u32 $0x484, v30;
	v31 =	vcvt.f32.s32 v46  }
0x567: {  	s18 =	simm.s32 $0x4;
	s20 =	simm.s32 $0x13AA0;
	s19 =	simm.s32 $0xB0;
	[tilespmem:s28+$0x0] =	vst v22;
	v33 =	vadd.s32 v47, v59;
	v24 =	vld [tilespmem:s21+$0x0];
	v32 =	vadd.s32 v43, v49;
	v22 =	vmul.u32 $0x484, v48  }
.LBB2_15:
0x568: {  	s24 =	sadd.s32 $0xFFFFFFD0, s19;
	v34 =	vld [tilespmem:s20+$0xFFFFFBE0];
	s26 =	sadd.s32 $0xFFFFFFE0, s19;
	s18 =	sadd.s32 $0x4, s18;
	v30 =	vadd.s32 v30, v32;
	v28 =	vadd.s32 v28, v33;
	v31 =	vadd.s32 v31, v59  }
0x569: {  	v21 =	vshrl.u32 v21, v60;
	s25 =	sand.u32 $0x380, s24;
	s24 =	sand.u32 $0x40, s24;
	v32 =	vld [tilespmem:s20+$0xFFFFFBF0];
	p0 =	slt.u32 s18, $0x3C;
	v20 =	vadd.s32 v20, v28;
	v28 =	vadd.s32 v29, v31  }
0x56a: {  	s28 =	sand.u32 $0x50, s26;
	s26 =	sadd.s32 $0xFFFFFFF0, s19;
	s30 =	sor.u32 s24, s25;
	v29 =	vld [tilespmem:s20+$0xFFFFFFF0];
	v28 =	vadd.s32 v22, v28;
	v22 =	vshll.u32 v26, $0x10;
	v26 =	vshll.u32 v27, $0x10  }
0x56b: {  	v21 =	vshll.u32 v21, $0x10;
	s29 =	sand.u32 $0x60, s26;
	s26 =	sand.u32 $0x70, s19;
	v27 =	vld [tilespmem:s30+$0x13A00];
	v22 =	vmul.f32 v22, v58;
	v26 =	vmul.f32 v26, v58  }
0x56c: {  	v21 =	vmul.f32 v21, v58;
	v31 =	vld [tilespmem:s30+$0x13E00]  }
0x56d: {  	v33 =	vadd.f32 v34, v61;
	v34 =	vld [tilespmem:s20+$0xFFFFFC00];
	v22 =	vmin.f32 v13, v22;
	v26 =	vmin.f32 v19, v26;
	v13 =	vmovc v23  }
0x56e: {  	v21 =	vmin.f32 v18, v21;
	v18 =	vmovc v25;
	v19 =	vmovc v24;
	v23 =	vadd.f32 v32, v61;
	v32 =	vld [tilespmem:s20+$0x0];
	v22 =	vmin.f32 v22, $1.000000000e+00  }
0x56f: {  	v24 =	vsub.f32 v33, v11;
	v25 =	vadd.f32 v29, v62;
	v29 =	vld [tilespmem:s20+$0xFFFFFC10];
	[tilespmem:s15+$0x0] =	vst v22;
	v22 =	vmin.f32 v26, $1.000000000e+00;
	s15 =	smov.u32 s22  }
0x570: {  	v21 =	vmin.f32 v21, $1.000000000e+00;
	v26 =	vadd.f32 v27, v62;
	v23 =	vsub.f32 v23, v11;
	v27 =	vld [tilespmem:s20+$0x10];
	[tilespmem:s16+$0x0] =	vst v22;
	s16 =	smov.u32 s21  }
0x571: {  	v22 =	vshrl.u32 v24, $0x10;
	v31 =	vadd.f32 v31, v63;
	v25 =	vsub.f32 v25, v12;
	v33 =	vld [tilespmem:s20+$0x3F0];
	[tilespmem:s17+$0x0] =	vst v21;
	s17 =	smov.u32 s23  }
0x572: {  	v21 =	vand.u32 $0x1, v22;
	v26 =	vsub.f32 v26, v12;
	v34 =	vadd.f32 v34, v61;
	v35 =	vld [tilespmem:s20+$0x400]  }
0x573: {  	v21 =	vadd.s32 v21, v24;
	v24 =	vsub.f32 v31, v56;
	v31 =	vadd.f32 v32, v62;
	v32 =	vld [tilespmem:s20+$0x410]  }
0x574: {  	v21 =	vadd.s32 $0x7FFF, v21;
	v38 =	vshrl.u32 v26, $0x10;
	v29 =	vadd.f32 v29, v61;
	v22 =	vld.idx.msk [tilespmem:v30+s1+$0x0], $0xffff  }
0x575: {  	v30 =	vand.u32 $0xFFFF0000, v21;
	v21 =	vand.u32 $0x1, v38;
	v38 =	vshrl.u32 v24, $0x10;
	v20 =	vld.idx.msk [tilespmem:v20+s1+$0x0], $0xffff  }
0x576: {  	v26 =	vadd.s32 v21, v26;
	v38 =	vand.u32 $0x1, v38;
	v39 =	vmul.f32 v30, v2;
	v21 =	vld.idx.msk [tilespmem:v28+s1+$0x0], $0xffff  }
0x577: {  	v28 =	vmul.f32 v30, v4;
	v26 =	vadd.s32 $0x7FFF, v26;
	v24 =	vadd.s32 v38, v24  }
0x578: {  	v30 =	vmul.f32 v30, v3;
	v26 =	vand.u32 $0xFFFF0000, v26;
	v24 =	vadd.s32 $0x7FFF, v24  }
0x579: {  	v24 =	vand.u32 $0xFFFF0000, v24;
	v38 =	vmul.f32 v26, v5;
	v40 =	vmul.f32 v26, v6  }
0x57a: {  	v27 =	vadd.f32 v27, v62;
	v26 =	vmul.f32 v26, v7;
	v41 =	vmul.f32 v24, v8  }
0x57b: {  	v38 =	vadd.f32 v38, v39;
	v30 =	vadd.f32 v40, v30;
	v39 =	vmul.f32 v24, v9  }
0x57c: {  	v26 =	vadd.f32 v26, v28;
	v24 =	vmul.f32 v24, v10;
	v28 =	vsub.f32 v34, v11  }
0x57d: {  	v34 =	vadd.f32 v41, v38;
	v30 =	vadd.f32 v39, v30;
	v38 =	vshrl.u32 v23, $0x10  }
0x57e: {  	v31 =	vsub.f32 v31, v12;
	v24 =	vadd.f32 v24, v26;
	v26 =	vshrl.u32 v25, $0x10  }
0x57f: {  	v29 =	vsub.f32 v29, v11;
	v34 =	vmul.f32 v34, v57;
	v30 =	vmul.f32 v30, v57  }
0x580: {  	v33 =	vadd.f32 v33, v63;
	v27 =	vsub.f32 v27, v12;
	v24 =	vmul.f32 v24, v57  }
0x581: {  	v39 =	vshrl.u32 v28, $0x10;
	v34 =	vadd.f32 $3.200000000e+01, v34;
	v30 =	vadd.f32 $3.200000000e+01, v30  }
0x582: {  	v35 =	vadd.f32 v35, v63;
	v40 =	vshrl.u32 v31, $0x10;
	v24 =	vadd.f32 $3.200000000e+01, v24  }
0x583: {  	v32 =	vadd.f32 v32, v63;
	v34 =	vmax.f32 v34, $3.150000000e+01;
	v30 =	vmax.f32 v30, $3.150000000e+01  }
0x584: {  	v24 =	vmax.f32 v24, $3.150000000e+01;
	v34 =	vmin.f32 v34, $6.400000000e+01;
	v30 =	vmin.f32 v30, $6.400000000e+01  }
0x585: {  	v24 =	vmin.f32 v24, $6.400000000e+01;
	v34 =	vtrunc.f32 v34;
	v30 =	vtrunc.f32 v30  }
0x586: {  	v41 =	vshrl.u32 v29, $0x10;
	v24 =	vtrunc.f32 v24;
	v30 =	vcvt.f32.s32 v30  }
0x587: {  	v42 =	vshrl.u32 v27, $0x10;
	v34 =	vcvt.f32.s32 v34;
	v24 =	vcvt.f32.s32 v24  }
0x588: {  	v33 =	vsub.f32 v33, v56;
	v35 =	vsub.f32 v35, v56;
	v30 =	vmul.u32 $0x22, v30  }
0x589: {  	v32 =	vsub.f32 v32, v56;
	v34 =	vmul.u32 $0x484, v34;
	v24 =	vadd.s32 v24, v59  }
0x58a: {  	v26 =	vand.u32 $0x1, v26;
	v24 =	vadd.s32 v30, v24;
	v30 =	vand.u32 $0x1, v38  }
0x58b: {  	v38 =	vand.u32 $0x1, v40;
	v24 =	vadd.s32 v34, v24;
	v34 =	vand.u32 $0x1, v39  }
0x58c: {  	v23 =	vadd.s32 v30, v23;
	v30 =	vand.u32 $0x1, v41;
	v39 =	vand.u32 $0x1, v42  }
0x58d: {  	v25 =	vadd.s32 v26, v25;
	v26 =	vadd.s32 v34, v28;
	v28 =	vadd.s32 v38, v31  }
0x58e: {  	v31 =	vshrl.u32 v33, $0x10;
	v29 =	vadd.s32 v30, v29;
	v27 =	vadd.s32 v39, v27  }
0x58f: {  	v23 =	vadd.s32 $0x7FFF, v23;
	v30 =	vshrl.u32 v35, $0x10;
	v34 =	vshrl.u32 v32, $0x10  }
0x590: {  	v25 =	vadd.s32 $0x7FFF, v25;
	v26 =	vadd.s32 $0x7FFF, v26;
	v28 =	vadd.s32 $0x7FFF, v28;
	v24 =	vld.idx.msk [tilespmem:v24+s1+$0x0], $0xffff  }
0x591: {  	v31 =	vand.u32 $0x1, v31;
	v29 =	vadd.s32 $0x7FFF, v29;
	v27 =	vadd.s32 $0x7FFF, v27  }
0x592: {  	v38 =	vand.u32 $0xFFFF0000, v23;
	v23 =	vand.u32 $0x1, v30;
	v30 =	vand.u32 $0x1, v34  }
0x593: {  	s23 =	sadd.s32 s25, s14;
	v34 =	vand.u32 $0xFFFF0000, v25;
	v26 =	vand.u32 $0xFFFF0000, v26;
	v28 =	vand.u32 $0xFFFF0000, v28  }
0x594: {  	s24 =	sadd.s32 s24, s23;
	s22 =	sadd.s32 s28, s23;
	s21 =	sadd.s32 s29, s23;
	v25 =	vadd.s32 v31, v33;
	v29 =	vand.u32 $0xFFFF0000, v29;
	v27 =	vand.u32 $0xFFFF0000, v27  }
0x595: {  	s23 =	sadd.s32 s26, s23;
	v33 =	vmul.f32 v38, v3;
	v35 =	vadd.s32 v23, v35;
	v30 =	vadd.s32 v30, v32;
	v31 =	vld [tilespmem:s24+$0x0]  }
0x596: {  	v32 =	vmul.f32 v34, v6;
	v39 =	vmul.f32 v26, v3;
	v24 =	vshrl.u32 v24, v60;
	v23 =	vld [tilespmem:s22+$0x0]  }
0x597: {  	v41 =	vmul.f32 v28, v6;
	v42 =	vmul.f32 v29, v3;
	v40 =	vshll.u32 v24, $0x10;
	v24 =	vld [tilespmem:s21+$0x0]  }
0x598: {  	v43 =	vadd.s32 $0x7FFF, v25;
	v44 =	vmul.f32 v27, v6;
	v40 =	vmul.f32 v40, v58;
	v25 =	vld [tilespmem:s23+$0x0]  }
0x599: {  	v45 =	vmul.f32 v38, v2;
	v35 =	vadd.s32 $0x7FFF, v35;
	v30 =	vadd.s32 $0x7FFF, v30  }
0x59a: {  	v38 =	vmul.f32 v38, v4;
	v31 =	vmin.f32 v31, v40;
	v40 =	vmul.f32 v34, v5  }
0x59b: {  	v46 =	vmul.f32 v26, v2;
	v34 =	vmul.f32 v34, v7;
	v31 =	vmin.f32 v31, $1.000000000e+00  }
0x59c: {  	v26 =	vmul.f32 v26, v4;
	[tilespmem:s24+$0x0] =	vst v31;
	v31 =	vand.u32 $0xFFFF0000, v43;
	v43 =	vmul.f32 v28, v5  }
0x59d: {  	v47 =	vmul.f32 v29, v2;
	v35 =	vand.u32 $0xFFFF0000, v35;
	v28 =	vmul.f32 v28, v7  }
0x59e: {  	v48 =	vmul.f32 v27, v5;
	v29 =	vmul.f32 v29, v4;
	v30 =	vand.u32 $0xFFFF0000, v30  }
0x59f: {  	v27 =	vmul.f32 v27, v7;
	v32 =	vadd.f32 v32, v33;
	v33 =	vadd.f32 v41, v39  }
0x5a0: {  	v41 =	vmul.f32 v35, v9;
	v42 =	vadd.f32 v44, v42;
	v39 =	vmul.f32 v31, v9  }
0x5a1: {  	v40 =	vadd.f32 v40, v45;
	v34 =	vadd.f32 v34, v38;
	v38 =	vmul.f32 v30, v9  }
0x5a2: {  	v44 =	vmul.f32 v31, v8;
	v43 =	vadd.f32 v43, v46;
	v26 =	vadd.f32 v28, v26  }
0x5a3: {  	v27 =	vadd.f32 v27, v29;
	v28 =	vmul.f32 v31, v10;
	v31 =	vadd.f32 v48, v47  }
0x5a4: {  	v29 =	vadd.f32 v39, v32;
	v32 =	vmul.f32 v35, v8;
	v35 =	vmul.f32 v35, v10  }
0x5a5: {  	v33 =	vadd.f32 v41, v33;
	v39 =	vmul.f32 v30, v8;
	v30 =	vmul.f32 v30, v10  }
0x5a6: {  	v38 =	vadd.f32 v38, v42;
	v40 =	vadd.f32 v44, v40;
	v29 =	vmul.f32 v29, v57  }
0x5a7: {  	v33 =	vmul.f32 v33, v57;
	v28 =	vadd.f32 v28, v34;
	v32 =	vadd.f32 v32, v43  }
0x5a8: {  	v34 =	vmul.f32 v38, v57;
	v26 =	vadd.f32 v35, v26;
	v31 =	vadd.f32 v39, v31  }
0x5a9: {  	v35 =	vmul.f32 v40, v57;
	v27 =	vadd.f32 v30, v27;
	v28 =	vmul.f32 v28, v57  }
0x5aa: {  	v29 =	vadd.f32 $3.200000000e+01, v29;
	v30 =	vmul.f32 v32, v57;
	v26 =	vmul.f32 v26, v57  }
0x5ab: {  	v32 =	vadd.f32 $3.200000000e+01, v33;
	v31 =	vmul.f32 v31, v57;
	v27 =	vmul.f32 v27, v57  }
0x5ac: {  	v34 =	vadd.f32 $3.200000000e+01, v34;
	v33 =	vadd.f32 $3.200000000e+01, v35;
	v29 =	vmax.f32 v29, $3.150000000e+01  }
0x5ad: {  	v28 =	vadd.f32 $3.200000000e+01, v28;
	v30 =	vadd.f32 $3.200000000e+01, v30;
	v32 =	vmax.f32 v32, $3.150000000e+01  }
0x5ae: {  	v34 =	vmax.f32 v34, $3.150000000e+01;
	v26 =	vadd.f32 $3.200000000e+01, v26;
	v31 =	vadd.f32 $3.200000000e+01, v31  }
0x5af: {  	v27 =	vadd.f32 $3.200000000e+01, v27;
	v29 =	vmin.f32 v29, $6.400000000e+01;
	v32 =	vmin.f32 v32, $6.400000000e+01  }
0x5b0: {  	v33 =	vmax.f32 v33, $3.150000000e+01;
	v34 =	vmin.f32 v34, $6.400000000e+01;
	v28 =	vmax.f32 v28, $3.150000000e+01  }
0x5b1: {  	v30 =	vmax.f32 v30, $3.150000000e+01;
	v26 =	vmax.f32 v26, $3.150000000e+01;
	v31 =	vmax.f32 v31, $3.150000000e+01  }
0x5b2: {  	v29 =	vtrunc.f32 v29;
	v32 =	vtrunc.f32 v32;
	v27 =	vmax.f32 v27, $3.150000000e+01  }
0x5b3: {  	v33 =	vmin.f32 v33, $6.400000000e+01;
	v34 =	vtrunc.f32 v34;
	v28 =	vmin.f32 v28, $6.400000000e+01  }
0x5b4: {  	v30 =	vmin.f32 v30, $6.400000000e+01;
	v35 =	vmin.f32 v26, $6.400000000e+01;
	v31 =	vmin.f32 v31, $6.400000000e+01  }
0x5b5: {  	v29 =	vcvt.f32.s32 v29;
	v32 =	vcvt.f32.s32 v32;
	v27 =	vmin.f32 v27, $6.400000000e+01  }
0x5b6: {  	v33 =	vtrunc.f32 v33;
	v34 =	vcvt.f32.s32 v34;
	v26 =	vshrl.u32 v22, v60  }
0x5b7: {  	v22 =	vtrunc.f32 v28;
	v30 =	vtrunc.f32 v30;
	v38 =	vmul.u32 $0x22, v29  }
0x5b8: {  	v35 =	vtrunc.f32 v35;
	v31 =	vtrunc.f32 v31;
	v28 =	vmul.u32 $0x22, v32  }
.Ltmp6:
0x5b9: {  	v32 =	vcvt.f32.s32 v33;
	v33 =	vtrunc.f32 v27;
	v29 =	vmul.u32 $0x22, v34;
	(pc) =	sbr.rel @p0 .LBB2_15-.Ltmp6, $4  }
0x5ba: {  	v22 =	vcvt.f32.s32 v22;
	v34 =	vcvt.f32.s32 v30;
	v27 =	vshrl.u32 v20, v60  }
0x5bb: {  	v35 =	vcvt.f32.s32 v35;
	v39 =	vcvt.f32.s32 v31;
	v30 =	vmul.u32 $0x484, v32  }
0x5bc: {  	v22 =	vadd.s32 v22, v59;
	v31 =	vcvt.f32.s32 v33;
	v20 =	vmul.u32 $0x484, v34  }
0x5bd: {  	s19 =	sadd.s32 $0x40, s19;
	s20 =	sadd.s32 $0x40, s20;
	v32 =	vadd.s32 v38, v22;
	v33 =	vadd.s32 v35, v59;
	v22 =	vmul.u32 $0x484, v39  }
0x5be: {  	v30 =	vadd.s32 v30, v32;
	v28 =	vadd.s32 v28, v33;
	v31 =	vadd.s32 v31, v59  }
0x5bf: {  	v20 =	vadd.s32 v20, v28;
	v47 =	vadd.s32 v29, v31  }
0x5c0: {  	v22 =	vadd.s32 v22, v47;
	_ =	sdelay $0x2  }
0x5c1: {  	v48 =	vld.idx.msk [tilespmem:v30+s1+$0x0], $0xffff  }
0x5c2: {  	v26 =	vshll.u32 v26, $0x10;
	v20 =	vld.idx.msk [tilespmem:v20+s1+$0x0], $0xffff  }
0x5c3: {  	v21 =	vshrl.u32 v21, v60;
	v27 =	vshll.u32 v27, $0x10;
	v26 =	vmul.f32 v26, v58;
	v22 =	vld.idx.msk [tilespmem:v22+s1+$0x0], $0xffff  }
0x5c4: {  	v27 =	vmul.f32 v27, v58;
	v21 =	vshll.u32 v21, $0x10  }
0x5c5: {  	v21 =	vmul.f32 v21, v58;
	v13 =	vmin.f32 v13, v26  }
0x5c6: {  	v19 =	vmin.f32 v19, v27;
	v13 =	vmin.f32 v13, $1.000000000e+00;
	v49 =	vshrl.u32 v48, v60  }
0x5c7: {  	v18 =	vmin.f32 v18, v21;
	v20 =	vshrl.u32 v20, v60;
	v61 =	vshll.u32 v49, $0x10  }
0x5c8: {  	s13 =	sadd.s32 $0x1, s13;
	v22 =	vshrl.u32 v22, v60;
	v20 =	vshll.u32 v20, $0x10;
	v21 =	vmul.f32 v61, v58  }
0x5c9: {  	p0 =	sne.s32 s13, $0x1B;
	[tilespmem:s15+$0x0] =	vst v13;
	v13 =	vmin.f32 v19, $1.000000000e+00;
	v19 =	vmul.f32 v20, v58;
	v62 =	vshll.u32 v22, $0x10  }
.Ltmp7:
0x5ca: {  	[tilespmem:s16+$0x0] =	vst v13;
	v13 =	vmin.f32 v18, $1.000000000e+00;
	v18 =	vmul.f32 v62, v58;
	v63 =	vmin.f32 v23, v21;
	(pc) =	sbr.rel @p0 .LBB2_14-.Ltmp7, $4  }
0x5cb: {  	[tilespmem:s17+$0x0] =	vst v13;
	v13 =	vmin.f32 v24, v19;
	v19 =	vmin.f32 v63, $1.000000000e+00  }
0x5cc: {  	v18 =	vmin.f32 v25, v18;
	[tilespmem:s22+$0x0] =	vst v19;
	v13 =	vmin.f32 v13, $1.000000000e+00  }
0x5cd: {  	[tilespmem:s21+$0x0] =	vst v13;
	v13 =	vmin.f32 v18, $1.000000000e+00  }
0x5ce: {  	[tilespmem:s23+$0x0] =	vst v13  }
0x5cf: {  	s13 =	rddreg [dreg:$0x6];
	s14 =	simm.s32 $0x14200  }
0x5d0: {  	[hbm4b:s13+s1] =	stream.linear.scatter [tilespmem:s14], [sflag:$0x2], $0x400, $0x38;
	[tilespmem:$0x1AE80] =	vst v63  }
0x5d1: {  	_ =	swait.ge [sflag:s8], $0x400  }
0x5d2: {  	[sflag:s8] =	ssyncset.done $0x0  }
0x5d3: {  	s31 =	simm.s32 $0x14600;
	s30 =	rddreg [dreg:$0x7];
	[sflag:s8] =	ssyncadd.s32 $0xFFFFFC00  }
0x5d4: {  	[hbm4b:s30+s1] =	stream.linear.scatter [tilespmem:s31], [sflag:$0x2], $0x400, $0x38;
	[tilespmem:$0x1AE80] =	vst v63  }
0x5d5: {  	_ =	swait.ge [sflag:s8], $0x400  }
0x5d6: {  	[sflag:s8] =	ssyncset.done $0x0  }
0x5d7: {  	s16 =	simm.s32 $0x14A00;
	s15 =	rddreg [dreg:$0x8];
	[sflag:s8] =	ssyncadd.s32 $0xFFFFFC00  }
0x5d8: {  	[hbm4b:s15+s1] =	stream.linear.scatter [tilespmem:s16], [sflag:$0x2], $0x400, $0x38;
	[tilespmem:$0x1AE80] =	vst v63  }
0x5d9: {  	_ =	swait.ge [sflag:s8], $0x400  }
0x5da: {  	[sflag:s8] =	ssyncset.done $0x0  }
0x5db: {  	s18 =	simm.s32 $0x14E00;
	s17 =	rddreg [dreg:$0x9];
	[sflag:s8] =	ssyncadd.s32 $0xFFFFFC00  }
0x5dc: {  	[hbm4b:s17+s1] =	stream.linear.scatter [tilespmem:s18], [sflag:$0x2], $0x400, $0x38;
	[tilespmem:$0x1AE80] =	vst v63  }
0x5dd: {  	_ =	swait.ge [sflag:s8], $0x400  }
0x5de: {  	[sflag:s8] =	ssyncset.done $0x0  }
0x5df: {  	s20 =	simm.s32 $0x15200;
	s19 =	rddreg [dreg:$0xa];
	[sflag:s8] =	ssyncadd.s32 $0xFFFFFC00  }
0x5e0: {  	[hbm4b:s19+s1] =	stream.linear.scatter [tilespmem:s20], [sflag:$0x2], $0x400, $0x38;
	[tilespmem:$0x1AE80] =	vst v63  }
0x5e1: {  	_ =	swait.ge [sflag:s8], $0x400  }
0x5e2: {  	[sflag:s8] =	ssyncset.done $0x0  }
0x5e3: {  	s22 =	simm.s32 $0x15600;
	s21 =	rddreg [dreg:$0xb];
	[sflag:s8] =	ssyncadd.s32 $0xFFFFFC00  }
0x5e4: {  	[hbm4b:s21+s1] =	stream.linear.scatter [tilespmem:s22], [sflag:$0x2], $0x400, $0x38;
	[tilespmem:$0x1AE80] =	vst v63  }
0x5e5: {  	_ =	swait.ge [sflag:s8], $0x400  }
0x5e6: {  	[sflag:s8] =	ssyncset.done $0x0  }
0x5e7: {  	s24 =	simm.s32 $0x15A00;
	s23 =	rddreg [dreg:$0xc];
	[sflag:s8] =	ssyncadd.s32 $0xFFFFFC00  }
0x5e8: {  	[hbm4b:s23+s1] =	stream.linear.scatter [tilespmem:s24], [sflag:$0x2], $0x400, $0x38;
	[tilespmem:$0x1AE80] =	vst v63  }
0x5e9: {  	_ =	swait.ge [sflag:s8], $0x400  }
0x5ea: {  	[sflag:s8] =	ssyncset.done $0x0  }
0x5eb: {  	s26 =	simm.s32 $0x15E00;
	s25 =	rddreg [dreg:$0xd];
	[sflag:s8] =	ssyncadd.s32 $0xFFFFFC00  }
0x5ec: {  	[hbm4b:s25+s1] =	stream.linear.scatter [tilespmem:s26], [sflag:$0x2], $0x400, $0x38;
	[tilespmem:$0x1AE80] =	vst v63  }
0x5ed: {  	_ =	swait.ge [sflag:s8], $0x400  }
0x5ee: {  	[sflag:s8] =	ssyncset.done $0x0  }
0x5ef: {  	s29 =	simm.s32 $0x16200;
	s28 =	rddreg [dreg:$0xe];
	[sflag:s8] =	ssyncadd.s32 $0xFFFFFC00  }
0x5f0: {  	[hbm4b:s28+s1] =	stream.linear.scatter [tilespmem:s29], [sflag:$0x2], $0x400, $0x38;
	[tilespmem:$0x1AE80] =	vst v63  }
0x5f1: {  	_ =	swait.ge [sflag:s8], $0x400  }
0x5f2: {  	[sflag:s8] =	ssyncset.done $0x0  }
0x5f3: {  	s31 =	simm.s32 $0x16600;
	s30 =	rddreg [dreg:$0xf];
	[sflag:s8] =	ssyncadd.s32 $0xFFFFFC00  }
0x5f4: {  	[hbm4b:s30+s1] =	stream.linear.scatter [tilespmem:s31], [sflag:$0x2], $0x400, $0x38;
	[tilespmem:$0x1AE80] =	vst v63  }
0x5f5: {  	_ =	swait.ge [sflag:s8], $0x400  }
0x5f6: {  	[sflag:s8] =	ssyncset.done $0x0  }
0x5f7: {  	s16 =	simm.s32 $0x16A00;
	s15 =	rddreg [dreg:$0x10];
	[sflag:s8] =	ssyncadd.s32 $0xFFFFFC00  }
0x5f8: {  	[hbm4b:s15+s1] =	stream.linear.scatter [tilespmem:s16], [sflag:$0x2], $0x400, $0x38;
	[tilespmem:$0x1AE80] =	vst v63  }
0x5f9: {  	_ =	swait.ge [sflag:s8], $0x400  }
0x5fa: {  	[sflag:s8] =	ssyncset.done $0x0  }
0x5fb: {  	s18 =	simm.s32 $0x16E00;
	s17 =	rddreg [dreg:$0x11];
	[sflag:s8] =	ssyncadd.s32 $0xFFFFFC00  }
0x5fc: {  	[hbm4b:s17+s1] =	stream.linear.scatter [tilespmem:s18], [sflag:$0x2], $0x400, $0x38;
	[tilespmem:$0x1AE80] =	vst v63  }
0x5fd: {  	_ =	swait.ge [sflag:s8], $0x400  }
0x5fe: {  	[sflag:s8] =	ssyncset.done $0x0  }
0x5ff: {  	s20 =	simm.s32 $0x17200;
	s19 =	rddreg [dreg:$0x12];
	[sflag:s8] =	ssyncadd.s32 $0xFFFFFC00  }
0x600: {  	[hbm4b:s19+s1] =	stream.linear.scatter [tilespmem:s20], [sflag:$0x2], $0x400, $0x38;
	[tilespmem:$0x1AE80] =	vst v63  }
0x601: {  	_ =	swait.ge [sflag:s8], $0x400  }
0x602: {  	[sflag:s8] =	ssyncset.done $0x0  }
0x603: {  	s22 =	simm.s32 $0x17600;
	s21 =	rddreg [dreg:$0x13];
	[sflag:s8] =	ssyncadd.s32 $0xFFFFFC00  }
0x604: {  	[hbm4b:s21+s1] =	stream.linear.scatter [tilespmem:s22], [sflag:$0x2], $0x400, $0x38;
	[tilespmem:$0x1AE80] =	vst v63  }
0x605: {  	_ =	swait.ge [sflag:s8], $0x400  }
0x606: {  	[sflag:s8] =	ssyncset.done $0x0  }
0x607: {  	s24 =	simm.s32 $0x17A00;
	s23 =	rddreg [dreg:$0x14];
	[sflag:s8] =	ssyncadd.s32 $0xFFFFFC00  }
0x608: {  	[hbm4b:s23+s1] =	stream.linear.scatter [tilespmem:s24], [sflag:$0x2], $0x400, $0x38;
	[tilespmem:$0x1AE80] =	vst v63  }
0x609: {  	_ =	swait.ge [sflag:s8], $0x400  }
0x60a: {  	[sflag:s8] =	ssyncset.done $0x0  }
0x60b: {  	s26 =	simm.s32 $0x17E00;
	s25 =	rddreg [dreg:$0x15];
	[sflag:s8] =	ssyncadd.s32 $0xFFFFFC00  }
0x60c: {  	[hbm4b:s25+s1] =	stream.linear.scatter [tilespmem:s26], [sflag:$0x2], $0x400, $0x38;
	[tilespmem:$0x1AE80] =	vst v63  }
0x60d: {  	_ =	swait.ge [sflag:s8], $0x400  }
0x60e: {  	[sflag:s8] =	ssyncset.done $0x0  }
0x60f: {  	s29 =	simm.s32 $0x18200;
	s28 =	rddreg [dreg:$0x16];
	[sflag:s8] =	ssyncadd.s32 $0xFFFFFC00  }
0x610: {  	[hbm4b:s28+s1] =	stream.linear.scatter [tilespmem:s29], [sflag:$0x2], $0x400, $0x38;
	[tilespmem:$0x1AE80] =	vst v63  }
0x611: {  	_ =	swait.ge [sflag:s8], $0x400  }
0x612: {  	[sflag:s8] =	ssyncset.done $0x0  }
0x613: {  	s31 =	simm.s32 $0x18600;
	s30 =	rddreg [dreg:$0x17];
	[sflag:s8] =	ssyncadd.s32 $0xFFFFFC00  }
0x614: {  	[hbm4b:s30+s1] =	stream.linear.scatter [tilespmem:s31], [sflag:$0x2], $0x400, $0x38;
	[tilespmem:$0x1AE80] =	vst v63  }
0x615: {  	_ =	swait.ge [sflag:s8], $0x400  }
0x616: {  	[sflag:s8] =	ssyncset.done $0x0  }
0x617: {  	s15 =	simm.s32 $0x18A00;
	s14 =	rddreg [dreg:$0x18];
	[sflag:s8] =	ssyncadd.s32 $0xFFFFFC00  }
0x618: {  	[hbm4b:s14+s1] =	stream.linear.scatter [tilespmem:s15], [sflag:$0x2], $0x400, $0x38;
	[tilespmem:$0x1AE80] =	vst v63  }
0x619: {  	_ =	swait.ge [sflag:s8], $0x400  }
0x61a: {  	[sflag:s8] =	ssyncset.done $0x0  }
0x61b: {  	s17 =	simm.s32 $0x18E00;
	s16 =	rddreg [dreg:$0x19];
	[sflag:s8] =	ssyncadd.s32 $0xFFFFFC00  }
0x61c: {  	[hbm4b:s16+s1] =	stream.linear.scatter [tilespmem:s17], [sflag:$0x2], $0x400, $0x38;
	[tilespmem:$0x1AE80] =	vst v63  }
0x61d: {  	_ =	swait.ge [sflag:s8], $0x400  }
0x61e: {  	[sflag:s8] =	ssyncset.done $0x0  }
0x61f: {  	s19 =	simm.s32 $0x19200;
	s18 =	rddreg [dreg:$0x1a];
	[sflag:s8] =	ssyncadd.s32 $0xFFFFFC00  }
0x620: {  	[hbm4b:s18+s1] =	stream.linear.scatter [tilespmem:s19], [sflag:$0x2], $0x400, $0x38;
	[tilespmem:$0x1AE80] =	vst v63  }
0x621: {  	_ =	swait.ge [sflag:s8], $0x400  }
0x622: {  	[sflag:s8] =	ssyncset.done $0x0  }
0x623: {  	s21 =	simm.s32 $0x19600;
	s20 =	rddreg [dreg:$0x1b];
	[sflag:s8] =	ssyncadd.s32 $0xFFFFFC00  }
0x624: {  	[hbm4b:s20+s1] =	stream.linear.scatter [tilespmem:s21], [sflag:$0x2], $0x400, $0x38;
	[tilespmem:$0x1AE80] =	vst v63  }
0x625: {  	_ =	swait.ge [sflag:s8], $0x400  }
0x626: {  	[sflag:s8] =	ssyncset.done $0x0  }
0x627: {  	s23 =	simm.s32 $0x19A00;
	s22 =	rddreg [dreg:$0x1c];
	[sflag:s8] =	ssyncadd.s32 $0xFFFFFC00  }
0x628: {  	[hbm4b:s22+s1] =	stream.linear.scatter [tilespmem:s23], [sflag:$0x2], $0x400, $0x38;
	[tilespmem:$0x1AE80] =	vst v63  }
0x629: {  	_ =	swait.ge [sflag:s8], $0x400  }
0x62a: {  	[sflag:s8] =	ssyncset.done $0x0  }
0x62b: {  	s25 =	simm.s32 $0x19E00;
	s24 =	rddreg [dreg:$0x1d];
	[sflag:s8] =	ssyncadd.s32 $0xFFFFFC00  }
0x62c: {  	[hbm4b:s24+s1] =	stream.linear.scatter [tilespmem:s25], [sflag:$0x2], $0x400, $0x38;
	[tilespmem:$0x1AE80] =	vst v63  }
0x62d: {  	_ =	swait.ge [sflag:s8], $0x400  }
0x62e: {  	[sflag:s8] =	ssyncset.done $0x0  }
0x62f: {  	s28 =	simm.s32 $0x1A200;
	s26 =	rddreg [dreg:$0x1e];
	[sflag:s8] =	ssyncadd.s32 $0xFFFFFC00  }
0x630: {  	[hbm4b:s26+s1] =	stream.linear.scatter [tilespmem:s28], [sflag:$0x2], $0x400, $0x38;
	[tilespmem:$0x1AE80] =	vst v63  }
0x631: {  	_ =	swait.ge [sflag:s8], $0x400  }
0x632: {  	[sflag:s8] =	ssyncset.done $0x0  }
0x633: {  	s30 =	simm.s32 $0x1A600;
	s29 =	rddreg [dreg:$0x1f];
	[sflag:s8] =	ssyncadd.s32 $0xFFFFFC00  }
0x634: {  	[hbm4b:s29+s1] =	stream.linear.scatter [tilespmem:s30], [sflag:$0x2], $0x400, $0x38;
	[tilespmem:$0x1AE80] =	vst v63  }
0x635: {  	s12 =	sadd.s32 $0x1, s12;
	_ =	swait.ge [sflag:s8], $0x400  }
0x636: {  	p0 =	sne.s32 s12, s6;
	[sflag:s8] =	ssyncset.done $0x0  }
.Ltmp8:
0x637: {  	s31 =	simm.s32 $0x1AA00;
	[sflag:s8] =	ssyncadd.s32 $0xFFFFFC00;
	(pc) =	sbr.rel @p0 .LBB2_1-.Ltmp8, $4  }
0x638: {  	[hbm4b:s0+s1] =	stream.linear.scatter [tilespmem:s31], [sflag:$0x2], $0x400, $0x38;
	[tilespmem:$0x1AE80] =	vst v63  }
0x639: {  	_ =	swait.ge [sflag:s8], $0x400  }
0x63a: {  	[sflag:s8] =	ssyncset.done $0x0  }
0x63b: {  	[sflag:s8] =	ssyncadd.s32 $0xFFFFFC00  }
0x63c: {  	_ =	sfence.sel $0x180000  }
0x63d: {  	[bflag:$0x0] =	sbarrier.arrive $0xFFFF  }
0x63e: {  	_ =	strace $0x90000047  }
0x63f: {  	s0 =	stileid.u32;
	[bflag:$0x2] =	sbarrier.arrive $0xFFFF  }
0x640: {  	p0 =	sne.s32 s0, $0x0;
	s0 =	rddreg [dreg:$0x2]  }
0x641: {  	s0 =	sadd.s32 @!p0 $0x100000, s0  }
0x642: {  	[sflag:s0] =	ssyncadd.tile.s32 @!p0 $0x1;
	_ =	shalt  }
.Lfunc_end2:
_tile_overlayer_lowered:
.L_overlay_start_2:
0x643: {  	(tag) =	ssettag $0x2  }
0x644: {  	s0 =	rddreg [dreg:$0x0];
	s2 =	stileid.u32  }
0x645: {  	s1 =	rddreg [dreg:$0x1];
	p0 =	sne.s32 s2, $0x0  }
0x646: {  	s3 =	rddreg [dreg:$0x2];
	[bflag:$0x3] =	sbarrier.arrive $0xFFFF;
	s2 =	simm.s32 @!p0 $0x1C02  }
0x647: {  	[timem:s3], [sflag:s2] =	dma.local @!p0 [hbm:s0], s1  }
0x648: {  	s0 =	simm.s32 @!p0 $0x2  }
0x649: {  	_ =	swait.ge @!p0 [sflag:s0], s1  }
0x64a: {  	s1 =	ssub.s32 @!p0 $0x0, s1;
	[sflag:s0] =	ssyncset.done @!p0 $0x0  }
0x64b: {  	[sflag:s0] =	ssyncadd.s32 @!p0 s1  }
0x64c: {  	[bflag:$0x3] =	sbarrier.arrive $0xFFFF  }
0x64d: {  	_ =	shalt  }

</sc_bundles>
